<compile_context>
chip_gen: v7x
topology: tpu7x:2x2x1
jax: 0.10.2.dev20260603
libtpu: 0.0.44.dev20260713+nightly
codegen_flags: <defaults>
</compile_context>

<pallas_src>
import functools

import jax
import jax.numpy as jnp
from jax import lax
from jax.experimental import pallas as pl
from jax.experimental.pallas import tpu as pltpu
from jax.experimental.pallas import tpu_sc as plsc

N = 10000
E = 320000
HID = 128

NC = 2
NS = 16
NW = NC * NS
NP = 10240
RPT = NP // NS
CHUNK = 128
CPW = 80
LAST_CPW = E // CHUNK - (NW - 1) * CPW

NBUF = 2
NIB = 4

_f32 = jnp.float32



def _sc_agg_body(with_cnt, h_hbm, src_hbm, dst_hbm, *refs):
    if with_cnt:
        (agg_out, cnt_out, sidx, didx, bufs, ones_v, zcnt_v,
         agg_sh, cnt_sh, *sems) = refs
    else:
        (agg_out, sidx, didx, bufs, agg_sh, *sems) = refs
    isems, gsems, ssems = sems[:NIB], sems[NIB:NIB + NBUF], sems[NIB + NBUF:]
    c = lax.axis_index("c")
    s = lax.axis_index("s")
    w = c * NS + s
    cpw = jnp.where(w == NW - 1, LAST_CPW, CPW)
    chunk0 = w * CPW

    def idx_start(ci, jj):
        e0 = (chunk0 + ci) * CHUNK
        pltpu.async_copy(src_hbm.at[pl.ds(e0, CHUNK)], sidx.at[jj], isems[jj])
        pltpu.async_copy(dst_hbm.at[pl.ds(e0, CHUNK)], didx.at[jj], isems[jj])

    def idx_wait(ci, jj):
        e0 = (chunk0 + ci) * CHUNK
        pltpu.make_async_copy(
            src_hbm.at[pl.ds(e0, CHUNK)], sidx.at[jj], isems[jj]).wait()
        pltpu.make_async_copy(
            dst_hbm.at[pl.ds(e0, CHUNK)], didx.at[jj], isems[jj]).wait()

    def gather_start(jj, j):
        pltpu.async_copy(h_hbm.at[sidx.at[jj]], bufs.at[j], gsems[j])

    def gather_wait(jj, j):
        pltpu.make_async_copy(h_hbm.at[sidx.at[jj]], bufs.at[j], gsems[j]).wait()

    for jj in range(NIB):
        idx_start(jj, jj)

    zeros16 = jnp.zeros((16,), _f32)

    def zero_rows(i, carry):
        for j in range(HID // 16):
            bufs[0, i, pl.ds(j * 16, 16)] = zeros16
        return carry
    lax.fori_loop(0, CHUNK, zero_rows, 0)
    zrow = bufs.at[0]
    for r in range(RPT // CHUNK):
        pltpu.sync_copy(zrow, agg_sh.at[pl.ds(s * RPT + r * CHUNK, CHUNK)])

    if with_cnt:
        def zero_cnt(i, carry):
            zcnt_v[pl.ds(i * 16, 16)] = zeros16
            return carry
        lax.fori_loop(0, RPT // 16, zero_cnt, 0)
        for j in range(CHUNK // 16):
            ones_v[pl.ds(j * 16, 16)] = jnp.ones((16,), _f32)
        pltpu.sync_copy(zcnt_v, cnt_sh.at[pl.ds(s * RPT, RPT)])

    for j in range(NBUF):
        idx_wait(j, j)
        gather_start(j, j)

    plsc.subcore_barrier()

    def do_chunk(ci, j, jj, jjn, start_gather, start_idx):
        gather_wait(jj, j)
        scat = pltpu.async_copy(
            bufs.at[j], agg_sh.at[didx.at[jj]], ssems[j], add=True)
        if with_cnt:
            pltpu.sync_copy(ones_v, cnt_sh.at[didx.at[jj]], add=True)
        if start_gather:
            idx_wait(ci + NBUF, jjn)
        scat.wait()
        if start_gather:
            gather_start(jjn, j)
        if start_idx:
            idx_start(ci + NIB, jj)

    gm = cpw // NIB - 1

    def group_body(g, carry):
        base = g * NIB
        for u in range(NIB):
            ci = base + u
            do_chunk(ci, u % NBUF, u, (u + NBUF) % NIB, True, True)
        return carry
    lax.fori_loop(0, gm, group_body, 0)

    base = cpw - NIB
    for u in range(NIB):
        ci = base + u
        do_chunk(ci, u % NBUF, u, (u + NBUF) % NIB, u < NIB - NBUF, False)

    plsc.subcore_barrier()

    pltpu.sync_copy(agg_sh.at[pl.ds(s * RPT, RPT)],
                    agg_out.at[c, pl.ds(s * RPT, RPT)])
    if with_cnt:
        pltpu.sync_copy(cnt_sh.at[pl.ds(s * RPT, RPT)],
                        cnt_out.at[c, pl.ds(s * RPT, RPT)])


def _sc_agg(h, src, dst, with_cnt):
    mesh = plsc.VectorSubcoreMesh(core_axis_name="c", subcore_axis_name="s")
    out_type = [jax.ShapeDtypeStruct((NC, NP, HID), _f32)]
    scratch = [
        pltpu.VMEM((NIB, CHUNK), jnp.int32),
        pltpu.VMEM((NIB, CHUNK), jnp.int32),
        pltpu.VMEM((NBUF, CHUNK, HID), _f32),
    ]
    if with_cnt:
        out_type.append(jax.ShapeDtypeStruct((NC, NP), _f32))
        scratch += [pltpu.VMEM((CHUNK,), _f32), pltpu.VMEM((RPT,), _f32)]
    scratch.append(pltpu.VMEM_SHARED((NP, HID), _f32))
    if with_cnt:
        scratch.append(pltpu.VMEM_SHARED((NP,), _f32))
    scratch += [pltpu.SemaphoreType.DMA] * (NIB + 2 * NBUF)
    kern = functools.partial(
        pl.kernel,
        out_type=out_type,
        mesh=mesh,
        scratch_types=scratch,
    )(functools.partial(_sc_agg_body, with_cnt))
    return kern(h, src, dst)



_ROWS = 1024
_GRID = NP // _ROWS


def _mm(a, w):
    return lax.dot_general(a, w, (((1,), (0,)), ((), ())),
                           precision=lax.Precision.DEFAULT,
                           preferred_element_type=_f32)


def _encode_body(x_ref, w_ref, b_ref, o_ref):
    i = pl.program_id(0)
    h = jnp.maximum(_mm(x_ref[...], w_ref[...]) + b_ref[...], 0.0)
    rows = i * _ROWS + lax.broadcasted_iota(jnp.int32, (_ROWS, 1), 0)
    o_ref[...] = jnp.where(rows < N, h, 0.0)


def _tc_encode(x_pad, w, b):
    return pl.pallas_call(
        _encode_body,
        grid=(_GRID,),
        in_specs=[
            pl.BlockSpec((_ROWS, 8), lambda i: (i, 0)),
            pl.BlockSpec((8, HID), lambda i: (0, 0)),
            pl.BlockSpec((1, HID), lambda i: (0, 0)),
        ],
        out_specs=pl.BlockSpec((_ROWS, HID), lambda i: (i, 0)),
        out_shape=jax.ShapeDtypeStruct((NP, HID), _f32),
    )(x_pad, w, b)


def _root_body(h_ref, wr_ref, o_ref):
    o_ref[...] = _mm(h_ref[...], wr_ref[...])


def _tc_root(h, wr):
    return pl.pallas_call(
        _root_body,
        grid=(_GRID,),
        in_specs=[
            pl.BlockSpec((_ROWS, HID), lambda i: (i, 0)),
            pl.BlockSpec((HID, HID), lambda i: (0, 0)),
        ],
        out_specs=pl.BlockSpec((_ROWS, HID), lambda i: (i, 0)),
        out_shape=jax.ShapeDtypeStruct((NP, HID), _f32),
    )(h, wr)


def _sage_body(agg_ref, cnt_ref, r_ref, wl_ref, b_ref, o_ref):
    i = pl.program_id(0)
    cnt = cnt_ref[0] + cnt_ref[1]
    recip = 1.0 / jnp.maximum(cnt, 1.0)
    mean = (agg_ref[0] + agg_ref[1]) * recip
    out = _mm(mean, wl_ref[...]) + b_ref[...] + r_ref[...]
    out = jnp.maximum(out, 0.0)
    rows = i * _ROWS + lax.broadcasted_iota(jnp.int32, (_ROWS, 1), 0)
    o_ref[...] = jnp.where(rows < N, out, 0.0)


def _tc_sage(agg, cnt3, r, wl, b):
    return pl.pallas_call(
        _sage_body,
        grid=(_GRID,),
        in_specs=[
            pl.BlockSpec((NC, _ROWS, HID), lambda i: (0, i, 0)),
            pl.BlockSpec((NC, _ROWS, 1), lambda i: (0, i, 0)),
            pl.BlockSpec((_ROWS, HID), lambda i: (i, 0)),
            pl.BlockSpec((HID, HID), lambda i: (0, 0)),
            pl.BlockSpec((1, HID), lambda i: (0, 0)),
        ],
        out_specs=pl.BlockSpec((_ROWS, HID), lambda i: (i, 0)),
        out_shape=jax.ShapeDtypeStruct((NP, HID), _f32),
    )(agg, cnt3, r, wl, b)


_OROWS = 1000
_OGRID = N // _OROWS


def _sage_out_body(agg_ref, cnt_ref, r_ref, wl_ref, b_ref, wo_ref, bo_ref,
                   mean_ref, ns_ref):
    i = pl.program_id(0)
    cnt = cnt_ref[0] + cnt_ref[1]
    recip = 1.0 / jnp.maximum(cnt, 1.0)
    mean = (agg_ref[0] + agg_ref[1]) * recip
    h2 = jnp.maximum(_mm(mean, wl_ref[...]) + b_ref[...] + r_ref[...], 0.0)
    ns = _mm(h2, wo_ref[...]) + bo_ref[...]
    ns_ref[...] = ns

    @pl.when(i == 0)
    def _():
        mean_ref[...] = jnp.zeros_like(mean_ref)

    mean_ref[...] += jnp.sum(ns, axis=0, keepdims=True)

    @pl.when(i == _OGRID - 1)
    def _():
        mean_ref[...] = mean_ref[...] * (1.0 / N)


def _tc_sage_out(agg, cnt3, r, wl, b, wo, bo):
    return pl.pallas_call(
        _sage_out_body,
        grid=(_OGRID,),
        in_specs=[
            pl.BlockSpec((NC, _OROWS, HID), lambda i: (0, i, 0)),
            pl.BlockSpec((NC, _OROWS, 1), lambda i: (0, i, 0)),
            pl.BlockSpec((_OROWS, HID), lambda i: (i, 0)),
            pl.BlockSpec((HID, HID), lambda i: (0, 0)),
            pl.BlockSpec((1, HID), lambda i: (0, 0)),
            pl.BlockSpec((HID, HID), lambda i: (0, 0)),
            pl.BlockSpec((1, HID), lambda i: (0, 0)),
        ],
        out_specs=[
            pl.BlockSpec((1, HID), lambda i: (0, 0)),
            pl.BlockSpec((_OROWS, HID), lambda i: (i, 0)),
        ],
        out_shape=[
            jax.ShapeDtypeStruct((1, HID), _f32),
            jax.ShapeDtypeStruct((N, HID), _f32),
        ],
    )(agg, cnt3, r, wl, b, wo, bo)



def kernel(pos, atomic_number, edge_index,
           W_in, b_in, W1_l, b1, W1_r, W2_l, b2, W2_r, W_out, b_out):
    z = atomic_number.astype(_f32)[:, None] / 10.0
    x = jnp.concatenate([z, pos], axis=1)
    x_pad = jnp.pad(x, ((0, NP - N), (0, 4)))
    w_in8 = jnp.pad(W_in, ((0, 0), (0, 4))).T

    src = edge_index[0]
    dst = edge_index[1]

    h0 = _tc_encode(x_pad, w_in8, b_in.reshape(1, HID))

    agg1, cnt = _sc_agg(h0, src, dst, True)
    r1 = _tc_root(h0, W1_r.T)
    cnt3 = cnt.reshape(NC, NP, 1)
    h1 = _tc_sage(agg1, cnt3, r1, W1_l.T, b1.reshape(1, HID))

    (agg2,) = _sc_agg(h1, src, dst, False)
    r2 = _tc_root(h1, W2_r.T)

    mean, node_states = _tc_sage_out(
        agg2, cnt3, r2, W2_l.T, b2.reshape(1, HID),
        W_out.T, b_out.reshape(1, HID))
    return mean.reshape(HID), node_states

# --- scband reference (transcript-rebuilt; emitter-appended) ---
"""Pipeline reference for scband-gnnnode-encoder-16965120819430 (READ-ONLY COPY).

The authoritative reference and input builder live on the scoring server;
editing this copy changes nothing except your own understanding.
"""

import jax, jax.numpy as jnp
import numpy as np

N = 10000
E = 320000
HID = 128
NODE_DIM = 128


def _init_linear(key, out_f, in_f):
    kw, kb = jax.random.split(key)
    bound = 1.0 / np.sqrt(in_f)
    W = jax.random.uniform(kw, (out_f, in_f), minval=-bound, maxval=bound, dtype=jnp.float32)
    b = jax.random.uniform(kb, (out_f,), minval=-bound, maxval=bound, dtype=jnp.float32)
    return W, b


def setup_inputs(seed: int = 0) -> dict:
    key = jax.random.key(seed)
    ks = jax.random.split(key, 10)
    pos = jax.random.normal(ks[0], (N, 3), dtype=jnp.float32)
    atomic_number = jax.random.randint(ks[1], (N,), 0, 100, dtype=jnp.int32)
    edge_index = jax.random.randint(ks[2], (2, E), 0, N, dtype=jnp.int32)
    W_in, b_in = _init_linear(ks[3], HID, 4)
    W1_l, b1 = _init_linear(ks[4], HID, HID)
    W1_r, _ = _init_linear(ks[5], HID, HID)
    W2_l, b2 = _init_linear(ks[6], HID, HID)
    W2_r, _ = _init_linear(ks[7], HID, HID)
    W_out, b_out = _init_linear(ks[8], NODE_DIM, HID)
    return {
        'pos': pos,
        'atomic_number': atomic_number,
        'edge_index': edge_index,
        'W_in': W_in, 'b_in': b_in,
        'W1_l': W1_l, 'b1': b1, 'W1_r': W1_r,
        'W2_l': W2_l, 'b2': b2, 'W2_r': W2_r,
        'W_out': W_out, 'b_out': b_out,
    }


def _sage_conv(h, edge_index, W_l, b, W_r):
    # PyG SAGEConv (aggr='mean', root_weight=True):
    #   out_i = lin_l(mean_{j->i} h_j) + lin_r(h_i)
    src = edge_index[0]
    dst = edge_index[1]
    msg = jnp.take(h, src, axis=0)                      # gather  [E, HID]
    agg = jax.ops.segment_sum(msg, dst, num_segments=h.shape[0])   # scatter-add
    cnt = jax.ops.segment_sum(jnp.ones((edge_index.shape[1],), dtype=h.dtype), dst,
                              num_segments=h.shape[0])
    mean = agg / jnp.clip(cnt, 1.0, None)[:, None]
    return mean @ W_l.T + b + h @ W_r.T


def reference(pos, atomic_number, edge_index,
              W_in, b_in, W1_l, b1, W1_r, W2_l, b2, W2_r, W_out, b_out):
    z_atom = atomic_number.astype(pos.dtype)[:, None] / 10.0
    x = jnp.concatenate([z_atom, pos], axis=-1)          # [N, 4]
    h = jax.nn.relu(x @ W_in.T + b_in)
    h = jax.nn.relu(_sage_conv(h, edge_index, W1_l, b1, W1_r))
    h = jax.nn.relu(_sage_conv(h, edge_index, W2_l, b2, W2_r))
    node_states = h @ W_out.T + b_out
    return node_states.mean(axis=0), node_states

if __name__ == "__main__":
    import jax
    _d = setup_inputs()
    print(jax.jit(kernel)(*tuple(_d.values())))

</pallas_src>

<mosaic_0001>
#map = affine_map<(d0, d1) -> (0, 0)>
#map1 = affine_map<(d0, d1) -> (0)>
#map2 = affine_map<(d0, d1) -> (0, 0, 0)>
module attributes {stable_mosaic.version = 14 : i64} {
  func.func @_sc_agg_body(%arg0: i32, %arg1: i32, %arg2: memref<10240x128xf32, #tpu.memory_space<hbm>>, %arg3: memref<320000xi32, #tpu.memory_space<hbm>>, %arg4: memref<320000xi32, #tpu.memory_space<hbm>>, %arg5: memref<2x10240x128xf32, #tpu.memory_space<hbm>>, %arg6: memref<2x10240xf32, #tpu.memory_space<hbm>>, %arg7: memref<4x128xi32, #tpu.memory_space<vmem>>, %arg8: memref<4x128xi32, #tpu.memory_space<vmem>>, %arg9: memref<2x128x128xf32, #tpu.memory_space<vmem>>, %arg10: memref<128xf32, #tpu.memory_space<vmem>>, %arg11: memref<640xf32, #tpu.memory_space<vmem>>, %arg12: memref<10240x128xf32, #tpu.memory_space<vmem_shared>>, %arg13: memref<10240xf32, #tpu.memory_space<vmem_shared>>, %arg14: memref<!tpu.dma_semaphore, #tpu.memory_space<semaphore_mem>>, %arg15: memref<!tpu.dma_semaphore, #tpu.memory_space<semaphore_mem>>, %arg16: memref<!tpu.dma_semaphore, #tpu.memory_space<semaphore_mem>>, %arg17: memref<!tpu.dma_semaphore, #tpu.memory_space<semaphore_mem>>, %arg18: memref<!tpu.dma_semaphore, #tpu.memory_space<semaphore_mem>>, %arg19: memref<!tpu.dma_semaphore, #tpu.memory_space<semaphore_mem>>, %arg20: memref<!tpu.dma_semaphore, #tpu.memory_space<semaphore_mem>>, %arg21: memref<!tpu.dma_semaphore, #tpu.memory_space<semaphore_mem>>) attributes {dimension_semantics = [#tpu.dimension_semantics<core_parallel>, #tpu.dimension_semantics<subcore_parallel>], iteration_bounds = array<i64: 2, 16>, scalar_prefetch = 0 : i64, scratch_operands = 15 : i64, tpu.core_type = #tpu.core_type<sc_vector_subcore>, window_params = [{transform_indices = #map}, {transform_indices = #map1}, {transform_indices = #map1}, {transform_indices = #map2}, {transform_indices = #map}]} {
    %mul3A = arith.constant 16 : i32
    %mul3A_0 = arith.muli %arg0, %mul3A : i32
    %add3A = arith.addi %mul3A_0, %arg1 : i32
    %eq3A = arith.constant 31 : i32
    %eq3A_1 = arith.cmpi eq, %add3A, %eq3A : i32
    %jit3A = arith.constant 20 : i32
    %jit3A_2 = arith.constant 80 : i32
    %select_n3A = arith.select %eq3A_1, %jit3A, %jit3A_2 : i32
    %mul3A_3 = arith.constant 80 : i32
    %mul3A_4 = arith.muli %add3A, %mul3A_3 : i32
    %add3A_5 = arith.constant 0 : i32
    %add3A_6 = arith.addi %mul3A_4, %add3A_5 : i32
    %mul3A_7 = arith.constant 128 : i32
    %mul3A_8 = arith.muli %add3A_6, %mul3A_7 : i32
    %dma_start3A = arith.constant 0 : i32
    %dma_start3A_9 = arith.constant 0 : i32
    %dma_start3A_10 = tpu.memref_slice %arg7[%dma_start3A, %dma_start3A_9] : memref<4x128xi32, #tpu.memory_space<vmem>> -> memref<1x128xi32, #tpu.memory_space<vmem>>
    %dma_start3A_11 = tpu.memref_squeeze %dma_start3A_10 : memref<1x128xi32, #tpu.memory_space<vmem>> -> memref<128xi32, #tpu.memory_space<vmem>>
    %dma_start3A_12 = tpu.memref_slice %arg3[%mul3A_8] : memref<320000xi32, #tpu.memory_space<hbm>> -> memref<128xi32, #tpu.memory_space<hbm>>
    %dma_start3A_13 = arith.constant 0 : i32
    %dma_start3A_14 = tpu.memref_slice %arg7[%dma_start3A, %dma_start3A_13] : memref<4x128xi32, #tpu.memory_space<vmem>> -> memref<1x128xi32, #tpu.memory_space<vmem>>
    %dma_start3A_15 = tpu.memref_squeeze %dma_start3A_14 : memref<1x128xi32, #tpu.memory_space<vmem>> -> memref<128xi32, #tpu.memory_space<vmem>>
    %dma_start3A_16 = tpu.memref_slice %arg3[%mul3A_8] : memref<320000xi32, #tpu.memory_space<hbm>> -> memref<128xi32, #tpu.memory_space<hbm>>
    tpu.enqueue_dma source(%dma_start3A_16 : memref<128xi32, #tpu.memory_space<hbm>>) target(%dma_start3A_15 : memref<128xi32, #tpu.memory_space<vmem>>) target_semaphore(%arg14 : memref<!tpu.dma_semaphore, #tpu.memory_space<semaphore_mem>>)
    %dma_start3A_17 = arith.constant 0 : i32
    %dma_start3A_18 = arith.constant 0 : i32
    %dma_start3A_19 = tpu.memref_slice %arg8[%dma_start3A_17, %dma_start3A_18] : memref<4x128xi32, #tpu.memory_space<vmem>> -> memref<1x128xi32, #tpu.memory_space<vmem>>
    %dma_start3A_20 = tpu.memref_squeeze %dma_start3A_19 : memref<1x128xi32, #tpu.memory_space<vmem>> -> memref<128xi32, #tpu.memory_space<vmem>>
    %dma_start3A_21 = tpu.memref_slice %arg4[%mul3A_8] : memref<320000xi32, #tpu.memory_space<hbm>> -> memref<128xi32, #tpu.memory_space<hbm>>
    %dma_start3A_22 = arith.constant 0 : i32
    %dma_start3A_23 = tpu.memref_slice %arg8[%dma_start3A_17, %dma_start3A_22] : memref<4x128xi32, #tpu.memory_space<vmem>> -> memref<1x128xi32, #tpu.memory_space<vmem>>
    %dma_start3A_24 = tpu.memref_squeeze %dma_start3A_23 : memref<1x128xi32, #tpu.memory_space<vmem>> -> memref<128xi32, #tpu.memory_space<vmem>>
    %dma_start3A_25 = tpu.memref_slice %arg4[%mul3A_8] : memref<320000xi32, #tpu.memory_space<hbm>> -> memref<128xi32, #tpu.memory_space<hbm>>
    tpu.enqueue_dma source(%dma_start3A_25 : memref<128xi32, #tpu.memory_space<hbm>>) target(%dma_start3A_24 : memref<128xi32, #tpu.memory_space<vmem>>) target_semaphore(%arg14 : memref<!tpu.dma_semaphore, #tpu.memory_space<semaphore_mem>>)
    %add3A_26 = arith.constant 1 : i32
    %add3A_27 = arith.addi %mul3A_4, %add3A_26 : i32
    %mul3A_28 = arith.constant 128 : i32
    %mul3A_29 = arith.muli %add3A_27, %mul3A_28 : i32
    %dma_start3A_30 = arith.constant 1 : i32
    %dma_start3A_31 = arith.constant 0 : i32
    %dma_start3A_32 = tpu.memref_slice %arg7[%dma_start3A_30, %dma_start3A_31] : memref<4x128xi32, #tpu.memory_space<vmem>> -> memref<1x128xi32, #tpu.memory_space<vmem>>
    %dma_start3A_33 = tpu.memref_squeeze %dma_start3A_32 : memref<1x128xi32, #tpu.memory_space<vmem>> -> memref<128xi32, #tpu.memory_space<vmem>>
    %dma_start3A_34 = tpu.memref_slice %arg3[%mul3A_29] : memref<320000xi32, #tpu.memory_space<hbm>> -> memref<128xi32, #tpu.memory_space<hbm>>
    %dma_start3A_35 = arith.constant 0 : i32
    %dma_start3A_36 = tpu.memref_slice %arg7[%dma_start3A_30, %dma_start3A_35] : memref<4x128xi32, #tpu.memory_space<vmem>> -> memref<1x128xi32, #tpu.memory_space<vmem>>
    %dma_start3A_37 = tpu.memref_squeeze %dma_start3A_36 : memref<1x128xi32, #tpu.memory_space<vmem>> -> memref<128xi32, #tpu.memory_space<vmem>>
    %dma_start3A_38 = tpu.memref_slice %arg3[%mul3A_29] : memref<320000xi32, #tpu.memory_space<hbm>> -> memref<128xi32, #tpu.memory_space<hbm>>
    tpu.enqueue_dma source(%dma_start3A_38 : memref<128xi32, #tpu.memory_space<hbm>>) target(%dma_start3A_37 : memref<128xi32, #tpu.memory_space<vmem>>) target_semaphore(%arg15 : memref<!tpu.dma_semaphore, #tpu.memory_space<semaphore_mem>>)
    %dma_start3A_39 = arith.constant 1 : i32
    %dma_start3A_40 = arith.constant 0 : i32
    %dma_start3A_41 = tpu.memref_slice %arg8[%dma_start3A_39, %dma_start3A_40] : memref<4x128xi32, #tpu.memory_space<vmem>> -> memref<1x128xi32, #tpu.memory_space<vmem>>
    %dma_start3A_42 = tpu.memref_squeeze %dma_start3A_41 : memref<1x128xi32, #tpu.memory_space<vmem>> -> memref<128xi32, #tpu.memory_space<vmem>>
    %dma_start3A_43 = tpu.memref_slice %arg4[%mul3A_29] : memref<320000xi32, #tpu.memory_space<hbm>> -> memref<128xi32, #tpu.memory_space<hbm>>
    %dma_start3A_44 = arith.constant 0 : i32
    %dma_start3A_45 = tpu.memref_slice %arg8[%dma_start3A_39, %dma_start3A_44] : memref<4x128xi32, #tpu.memory_space<vmem>> -> memref<1x128xi32, #tpu.memory_space<vmem>>
    %dma_start3A_46 = tpu.memref_squeeze %dma_start3A_45 : memref<1x128xi32, #tpu.memory_space<vmem>> -> memref<128xi32, #tpu.memory_space<vmem>>
    %dma_start3A_47 = tpu.memref_slice %arg4[%mul3A_29] : memref<320000xi32, #tpu.memory_space<hbm>> -> memref<128xi32, #tpu.memory_space<hbm>>
    tpu.enqueue_dma source(%dma_start3A_47 : memref<128xi32, #tpu.memory_space<hbm>>) target(%dma_start3A_46 : memref<128xi32, #tpu.memory_space<vmem>>) target_semaphore(%arg15 : memref<!tpu.dma_semaphore, #tpu.memory_space<semaphore_mem>>)
    %add3A_48 = arith.constant 2 : i32
    %add3A_49 = arith.addi %mul3A_4, %add3A_48 : i32
    %mul3A_50 = arith.constant 128 : i32
    %mul3A_51 = arith.muli %add3A_49, %mul3A_50 : i32
    %dma_start3A_52 = arith.constant 2 : i32
    %dma_start3A_53 = arith.constant 0 : i32
    %dma_start3A_54 = tpu.memref_slice %arg7[%dma_start3A_52, %dma_start3A_53] : memref<4x128xi32, #tpu.memory_space<vmem>> -> memref<1x128xi32, #tpu.memory_space<vmem>>
    %dma_start3A_55 = tpu.memref_squeeze %dma_start3A_54 : memref<1x128xi32, #tpu.memory_space<vmem>> -> memref<128xi32, #tpu.memory_space<vmem>>
    %dma_start3A_56 = tpu.memref_slice %arg3[%mul3A_51] : memref<320000xi32, #tpu.memory_space<hbm>> -> memref<128xi32, #tpu.memory_space<hbm>>
    %dma_start3A_57 = arith.constant 0 : i32
    %dma_start3A_58 = tpu.memref_slice %arg7[%dma_start3A_52, %dma_start3A_57] : memref<4x128xi32, #tpu.memory_space<vmem>> -> memref<1x128xi32, #tpu.memory_space<vmem>>
    %dma_start3A_59 = tpu.memref_squeeze %dma_start3A_58 : memref<1x128xi32, #tpu.memory_space<vmem>> -> memref<128xi32, #tpu.memory_space<vmem>>
    %dma_start3A_60 = tpu.memref_slice %arg3[%mul3A_51] : memref<320000xi32, #tpu.memory_space<hbm>> -> memref<128xi32, #tpu.memory_space<hbm>>
    tpu.enqueue_dma source(%dma_start3A_60 : memref<128xi32, #tpu.memory_space<hbm>>) target(%dma_start3A_59 : memref<128xi32, #tpu.memory_space<vmem>>) target_semaphore(%arg16 : memref<!tpu.dma_semaphore, #tpu.memory_space<semaphore_mem>>)
    %dma_start3A_61 = arith.constant 2 : i32
    %dma_start3A_62 = arith.constant 0 : i32
    %dma_start3A_63 = tpu.memref_slice %arg8[%dma_start3A_61, %dma_start3A_62] : memref<4x128xi32, #tpu.memory_space<vmem>> -> memref<1x128xi32, #tpu.memory_space<vmem>>
    %dma_start3A_64 = tpu.memref_squeeze %dma_start3A_63 : memref<1x128xi32, #tpu.memory_space<vmem>> -> memref<128xi32, #tpu.memory_space<vmem>>
    %dma_start3A_65 = tpu.memref_slice %arg4[%mul3A_51] : memref<320000xi32, #tpu.memory_space<hbm>> -> memref<128xi32, #tpu.memory_space<hbm>>
    %dma_start3A_66 = arith.constant 0 : i32
    %dma_start3A_67 = tpu.memref_slice %arg8[%dma_start3A_61, %dma_start3A_66] : memref<4x128xi32, #tpu.memory_space<vmem>> -> memref<1x128xi32, #tpu.memory_space<vmem>>
    %dma_start3A_68 = tpu.memref_squeeze %dma_start3A_67 : memref<1x128xi32, #tpu.memory_space<vmem>> -> memref<128xi32, #tpu.memory_space<vmem>>
    %dma_start3A_69 = tpu.memref_slice %arg4[%mul3A_51] : memref<320000xi32, #tpu.memory_space<hbm>> -> memref<128xi32, #tpu.memory_space<hbm>>
    tpu.enqueue_dma source(%dma_start3A_69 : memref<128xi32, #tpu.memory_space<hbm>>) target(%dma_start3A_68 : memref<128xi32, #tpu.memory_space<vmem>>) target_semaphore(%arg16 : memref<!tpu.dma_semaphore, #tpu.memory_space<semaphore_mem>>)
    %add3A_70 = arith.constant 3 : i32
    %add3A_71 = arith.addi %mul3A_4, %add3A_70 : i32
    %mul3A_72 = arith.constant 128 : i32
    %mul3A_73 = arith.muli %add3A_71, %mul3A_72 : i32
    %dma_start3A_74 = arith.constant 3 : i32
    %dma_start3A_75 = arith.constant 0 : i32
    %dma_start3A_76 = tpu.memref_slice %arg7[%dma_start3A_74, %dma_start3A_75] : memref<4x128xi32, #tpu.memory_space<vmem>> -> memref<1x128xi32, #tpu.memory_space<vmem>>
    %dma_start3A_77 = tpu.memref_squeeze %dma_start3A_76 : memref<1x128xi32, #tpu.memory_space<vmem>> -> memref<128xi32, #tpu.memory_space<vmem>>
    %dma_start3A_78 = tpu.memref_slice %arg3[%mul3A_73] : memref<320000xi32, #tpu.memory_space<hbm>> -> memref<128xi32, #tpu.memory_space<hbm>>
    %dma_start3A_79 = arith.constant 0 : i32
    %dma_start3A_80 = tpu.memref_slice %arg7[%dma_start3A_74, %dma_start3A_79] : memref<4x128xi32, #tpu.memory_space<vmem>> -> memref<1x128xi32, #tpu.memory_space<vmem>>
    %dma_start3A_81 = tpu.memref_squeeze %dma_start3A_80 : memref<1x128xi32, #tpu.memory_space<vmem>> -> memref<128xi32, #tpu.memory_space<vmem>>
    %dma_start3A_82 = tpu.memref_slice %arg3[%mul3A_73] : memref<320000xi32, #tpu.memory_space<hbm>> -> memref<128xi32, #tpu.memory_space<hbm>>
    tpu.enqueue_dma source(%dma_start3A_82 : memref<128xi32, #tpu.memory_space<hbm>>) target(%dma_start3A_81 : memref<128xi32, #tpu.memory_space<vmem>>) target_semaphore(%arg17 : memref<!tpu.dma_semaphore, #tpu.memory_space<semaphore_mem>>)
    %dma_start3A_83 = arith.constant 3 : i32
    %dma_start3A_84 = arith.constant 0 : i32
    %dma_start3A_85 = tpu.memref_slice %arg8[%dma_start3A_83, %dma_start3A_84] : memref<4x128xi32, #tpu.memory_space<vmem>> -> memref<1x128xi32, #tpu.memory_space<vmem>>
    %dma_start3A_86 = tpu.memref_squeeze %dma_start3A_85 : memref<1x128xi32, #tpu.memory_space<vmem>> -> memref<128xi32, #tpu.memory_space<vmem>>
    %dma_start3A_87 = tpu.memref_slice %arg4[%mul3A_73] : memref<320000xi32, #tpu.memory_space<hbm>> -> memref<128xi32, #tpu.memory_space<hbm>>
    %dma_start3A_88 = arith.constant 0 : i32
    %dma_start3A_89 = tpu.memref_slice %arg8[%dma_start3A_83, %dma_start3A_88] : memref<4x128xi32, #tpu.memory_space<vmem>> -> memref<1x128xi32, #tpu.memory_space<vmem>>
    %dma_start3A_90 = tpu.memref_squeeze %dma_start3A_89 : memref<1x128xi32, #tpu.memory_space<vmem>> -> memref<128xi32, #tpu.memory_space<vmem>>
    %dma_start3A_91 = tpu.memref_slice %arg4[%mul3A_73] : memref<320000xi32, #tpu.memory_space<hbm>> -> memref<128xi32, #tpu.memory_space<hbm>>
    tpu.enqueue_dma source(%dma_start3A_91 : memref<128xi32, #tpu.memory_space<hbm>>) target(%dma_start3A_90 : memref<128xi32, #tpu.memory_space<vmem>>) target_semaphore(%arg17 : memref<!tpu.dma_semaphore, #tpu.memory_space<semaphore_mem>>)
    %broadcast_in_dim3A = arith.constant 0.000000e+00 : f32
    %broadcast_in_dim3A_92 = vector.broadcast %broadcast_in_dim3A : f32 to vector<16xf32>
    %scan3A = arith.constant 0 : i32
    %scan3A_93 = arith.constant 0 : i32
    %scan3A_94 = arith.constant 128 : i32
    %scan3A_95 = arith.addi %scan3A_93, %scan3A_94 : i32
    %scan3A_96 = arith.constant 1 : i32
    scf.for %scan3A_510 = %scan3A_93 to %scan3A_95 step %scan3A_96  : i32 {
      %swap3A_511 = arith.constant 0 : i32
      %swap3A_512 = arith.index_cast %swap3A_511 : i32 to index
      %swap3A_513 = arith.index_cast %scan3A_510 : i32 to index
      %swap3A_514 = arith.constant 0 : index
      %swap3A_515 = tpu.vector_load %arg9[%swap3A_512, %swap3A_513, %swap3A_514] {strides = array<i32>} : memref<2x128x128xf32, #tpu.memory_space<vmem>>, vector<1x1x16xf32>,
      %swap3A_516 = vector.shape_cast %swap3A_515 : vector<1x1x16xf32> to vector<16xf32>
      %swap3A_517 = vector.shape_cast %broadcast_in_dim3A_92 : vector<16xf32> to vector<1x1x16xf32>
      tpu.vector_store %arg9[%swap3A_512, %swap3A_513, %swap3A_514], %swap3A_517 {strides = array<i32>} : memref<2x128x128xf32, #tpu.memory_space<vmem>>, vector<1x1x16xf32>,
      %swap3A_518 = arith.constant 0 : i32
      %swap3A_519 = arith.index_cast %swap3A_518 : i32 to index
      %swap3A_520 = arith.index_cast %scan3A_510 : i32 to index
      %swap3A_521 = arith.constant 16 : index
      %swap3A_522 = tpu.vector_load %arg9[%swap3A_519, %swap3A_520, %swap3A_521] {strides = array<i32>} : memref<2x128x128xf32, #tpu.memory_space<vmem>>, vector<1x1x16xf32>,
      %swap3A_523 = vector.shape_cast %swap3A_522 : vector<1x1x16xf32> to vector<16xf32>
      %swap3A_524 = vector.shape_cast %broadcast_in_dim3A_92 : vector<16xf32> to vector<1x1x16xf32>
      tpu.vector_store %arg9[%swap3A_519, %swap3A_520, %swap3A_521], %swap3A_524 {strides = array<i32>} : memref<2x128x128xf32, #tpu.memory_space<vmem>>, vector<1x1x16xf32>,
      %swap3A_525 = arith.constant 0 : i32
      %swap3A_526 = arith.index_cast %swap3A_525 : i32 to index
      %swap3A_527 = arith.index_cast %scan3A_510 : i32 to index
      %swap3A_528 = arith.constant 32 : index
      %swap3A_529 = tpu.vector_load %arg9[%swap3A_526, %swap3A_527, %swap3A_528] {strides = array<i32>} : memref<2x128x128xf32, #tpu.memory_space<vmem>>, vector<1x1x16xf32>,
      %swap3A_530 = vector.shape_cast %swap3A_529 : vector<1x1x16xf32> to vector<16xf32>
      %swap3A_531 = vector.shape_cast %broadcast_in_dim3A_92 : vector<16xf32> to vector<1x1x16xf32>
      tpu.vector_store %arg9[%swap3A_526, %swap3A_527, %swap3A_528], %swap3A_531 {strides = array<i32>} : memref<2x128x128xf32, #tpu.memory_space<vmem>>, vector<1x1x16xf32>,
      %swap3A_532 = arith.constant 0 : i32
      %swap3A_533 = arith.index_cast %swap3A_532 : i32 to index
      %swap3A_534 = arith.index_cast %scan3A_510 : i32 to index
      %swap3A_535 = arith.constant 48 : index
      %swap3A_536 = tpu.vector_load %arg9[%swap3A_533, %swap3A_534, %swap3A_535] {strides = array<i32>} : memref<2x128x128xf32, #tpu.memory_space<vmem>>, vector<1x1x16xf32>,
      %swap3A_537 = vector.shape_cast %swap3A_536 : vector<1x1x16xf32> to vector<16xf32>
      %swap3A_538 = vector.shape_cast %broadcast_in_dim3A_92 : vector<16xf32> to vector<1x1x16xf32>
      tpu.vector_store %arg9[%swap3A_533, %swap3A_534, %swap3A_535], %swap3A_538 {strides = array<i32>} : memref<2x128x128xf32, #tpu.memory_space<vmem>>, vector<1x1x16xf32>,
      %swap3A_539 = arith.constant 0 : i32
      %swap3A_540 = arith.index_cast %swap3A_539 : i32 to index
      %swap3A_541 = arith.index_cast %scan3A_510 : i32 to index
      %swap3A_542 = arith.constant 64 : index
      %swap3A_543 = tpu.vector_load %arg9[%swap3A_540, %swap3A_541, %swap3A_542] {strides = array<i32>} : memref<2x128x128xf32, #tpu.memory_space<vmem>>, vector<1x1x16xf32>,
      %swap3A_544 = vector.shape_cast %swap3A_543 : vector<1x1x16xf32> to vector<16xf32>
      %swap3A_545 = vector.shape_cast %broadcast_in_dim3A_92 : vector<16xf32> to vector<1x1x16xf32>
      tpu.vector_store %arg9[%swap3A_540, %swap3A_541, %swap3A_542], %swap3A_545 {strides = array<i32>} : memref<2x128x128xf32, #tpu.memory_space<vmem>>, vector<1x1x16xf32>,
      %swap3A_546 = arith.constant 0 : i32
      %swap3A_547 = arith.index_cast %swap3A_546 : i32 to index
      %swap3A_548 = arith.index_cast %scan3A_510 : i32 to index
      %swap3A_549 = arith.constant 80 : index
      %swap3A_550 = tpu.vector_load %arg9[%swap3A_547, %swap3A_548, %swap3A_549] {strides = array<i32>} : memref<2x128x128xf32, #tpu.memory_space<vmem>>, vector<1x1x16xf32>,
      %swap3A_551 = vector.shape_cast %swap3A_550 : vector<1x1x16xf32> to vector<16xf32>
      %swap3A_552 = vector.shape_cast %broadcast_in_dim3A_92 : vector<16xf32> to vector<1x1x16xf32>
      tpu.vector_store %arg9[%swap3A_547, %swap3A_548, %swap3A_549], %swap3A_552 {strides = array<i32>} : memref<2x128x128xf32, #tpu.memory_space<vmem>>, vector<1x1x16xf32>,
      %swap3A_553 = arith.constant 0 : i32
      %swap3A_554 = arith.index_cast %swap3A_553 : i32 to index
      %swap3A_555 = arith.index_cast %scan3A_510 : i32 to index
      %swap3A_556 = arith.constant 96 : index
      %swap3A_557 = tpu.vector_load %arg9[%swap3A_554, %swap3A_555, %swap3A_556] {strides = array<i32>} : memref<2x128x128xf32, #tpu.memory_space<vmem>>, vector<1x1x16xf32>,
      %swap3A_558 = vector.shape_cast %swap3A_557 : vector<1x1x16xf32> to vector<16xf32>
      %swap3A_559 = vector.shape_cast %broadcast_in_dim3A_92 : vector<16xf32> to vector<1x1x16xf32>
      tpu.vector_store %arg9[%swap3A_554, %swap3A_555, %swap3A_556], %swap3A_559 {strides = array<i32>} : memref<2x128x128xf32, #tpu.memory_space<vmem>>, vector<1x1x16xf32>,
      %swap3A_560 = arith.constant 0 : i32
      %swap3A_561 = arith.index_cast %swap3A_560 : i32 to index
      %swap3A_562 = arith.index_cast %scan3A_510 : i32 to index
      %swap3A_563 = arith.constant 112 : index
      %swap3A_564 = tpu.vector_load %arg9[%swap3A_561, %swap3A_562, %swap3A_563] {strides = array<i32>} : memref<2x128x128xf32, #tpu.memory_space<vmem>>, vector<1x1x16xf32>,
      %swap3A_565 = vector.shape_cast %swap3A_564 : vector<1x1x16xf32> to vector<16xf32>
      %swap3A_566 = vector.shape_cast %broadcast_in_dim3A_92 : vector<16xf32> to vector<1x1x16xf32>
      tpu.vector_store %arg9[%swap3A_561, %swap3A_562, %swap3A_563], %swap3A_566 {strides = array<i32>} : memref<2x128x128xf32, #tpu.memory_space<vmem>>, vector<1x1x16xf32>,
    }
    %scan3A_97 = arith.constant 128 : i32
    %mul3A_98 = arith.constant 640 : i32
    %mul3A_99 = arith.muli %arg1, %mul3A_98 : i32
    %add3A_100 = arith.constant 0 : i32
    %add3A_101 = arith.addi %mul3A_99, %add3A_100 : i32
    %run_scoped3A = arith.constant 0 : i32
    "tpu.region"() ({
      %run_scoped3A_510 = tpu.sem_alloc : memref<!tpu.dma_semaphore, #tpu.memory_space<semaphore_mem>>
      %dma_start3A_511 = arith.constant 0 : i32
      %dma_start3A_512 = arith.constant 0 : i32
      %dma_start3A_513 = tpu.memref_slice %arg9[%run_scoped3A, %dma_start3A_511, %dma_start3A_512] : memref<2x128x128xf32, #tpu.memory_space<vmem>> -> memref<1x128x128xf32, #tpu.memory_space<vmem>>
      %dma_start3A_514 = tpu.memref_squeeze %dma_start3A_513 : memref<1x128x128xf32, #tpu.memory_space<vmem>> -> memref<128x128xf32, #tpu.memory_space<vmem>>
      %dma_start3A_515 = arith.constant 0 : i32
      %dma_start3A_516 = tpu.memref_slice %arg12[%add3A_101, %dma_start3A_515] : memref<10240x128xf32, #tpu.memory_space<vmem_shared>> -> memref<128x128xf32, #tpu.memory_space<vmem_shared>>
      %dma_start3A_517 = arith.constant 0 : i32
      %dma_start3A_518 = tpu.memref_slice %arg12[%add3A_101, %dma_start3A_517] : memref<10240x128xf32, #tpu.memory_space<vmem_shared>> -> memref<128x128xf32, #tpu.memory_space<vmem_shared>>
      %dma_start3A_519 = arith.constant 0 : i32
      %dma_start3A_520 = arith.constant 0 : i32
      %dma_start3A_521 = tpu.memref_slice %arg9[%run_scoped3A, %dma_start3A_519, %dma_start3A_520] : memref<2x128x128xf32, #tpu.memory_space<vmem>> -> memref<1x128x128xf32, #tpu.memory_space<vmem>>
      %dma_start3A_522 = tpu.memref_squeeze %dma_start3A_521 : memref<1x128x128xf32, #tpu.memory_space<vmem>> -> memref<128x128xf32, #tpu.memory_space<vmem>>
      tpu.enqueue_dma source(%dma_start3A_522 : memref<128x128xf32, #tpu.memory_space<vmem>>) target(%dma_start3A_518 : memref<128x128xf32, #tpu.memory_space<vmem_shared>>) target_semaphore(%run_scoped3A_510 : memref<!tpu.dma_semaphore, #tpu.memory_space<semaphore_mem>>)
      %dma_wait3A_523 = arith.constant 0 : i32
      %dma_wait3A_524 = arith.constant 0 : i32
      %dma_wait3A_525 = tpu.memref_slice %arg9[%run_scoped3A, %dma_wait3A_523, %dma_wait3A_524] : memref<2x128x128xf32, #tpu.memory_space<vmem>> -> memref<1x128x128xf32, #tpu.memory_space<vmem>>
      %dma_wait3A_526 = tpu.memref_squeeze %dma_wait3A_525 : memref<1x128x128xf32, #tpu.memory_space<vmem>> -> memref<128x128xf32, #tpu.memory_space<vmem>>
      %dma_wait3A_527 = arith.constant 0 : i32
      %dma_wait3A_528 = tpu.memref_slice %arg12[%add3A_101, %dma_wait3A_527] : memref<10240x128xf32, #tpu.memory_space<vmem_shared>> -> memref<128x128xf32, #tpu.memory_space<vmem_shared>>
      %dma_wait3A_529 = arith.constant 0 : i32
      %dma_wait3A_530 = tpu.memref_slice %arg12[%add3A_101, %dma_wait3A_529] : memref<10240x128xf32, #tpu.memory_space<vmem_shared>> -> memref<128x128xf32, #tpu.memory_space<vmem_shared>>
      %dma_wait3A_531 = arith.constant 0 : i32
      %dma_wait3A_532 = arith.constant 0 : i32
      %dma_wait3A_533 = tpu.memref_slice %arg9[%run_scoped3A, %dma_wait3A_531, %dma_wait3A_532] : memref<2x128x128xf32, #tpu.memory_space<vmem>> -> memref<1x128x128xf32, #tpu.memory_space<vmem>>
      %dma_wait3A_534 = tpu.memref_squeeze %dma_wait3A_533 : memref<1x128x128xf32, #tpu.memory_space<vmem>> -> memref<128x128xf32, #tpu.memory_space<vmem>>
      tpu.wait_dma2 semaphore(%run_scoped3A_510 : memref<!tpu.dma_semaphore, #tpu.memory_space<semaphore_mem>>) src(%dma_wait3A_534 : memref<128x128xf32, #tpu.memory_space<vmem>>) dst(%dma_wait3A_530 : memref<128x128xf32, #tpu.memory_space<vmem_shared>>)
      tpu.yield
    }) : () -> ()
    %mul3A_102 = arith.constant 640 : i32
    %mul3A_103 = arith.muli %arg1, %mul3A_102 : i32
    %add3A_104 = arith.constant 128 : i32
    %add3A_105 = arith.addi %mul3A_103, %add3A_104 : i32
    %run_scoped3A_106 = arith.constant 0 : i32
    "tpu.region"() ({
      %run_scoped3A_510 = tpu.sem_alloc : memref<!tpu.dma_semaphore, #tpu.memory_space<semaphore_mem>>
      %dma_start3A_511 = arith.constant 0 : i32
      %dma_start3A_512 = arith.constant 0 : i32
      %dma_start3A_513 = tpu.memref_slice %arg9[%run_scoped3A_106, %dma_start3A_511, %dma_start3A_512] : memref<2x128x128xf32, #tpu.memory_space<vmem>> -> memref<1x128x128xf32, #tpu.memory_space<vmem>>
      %dma_start3A_514 = tpu.memref_squeeze %dma_start3A_513 : memref<1x128x128xf32, #tpu.memory_space<vmem>> -> memref<128x128xf32, #tpu.memory_space<vmem>>
      %dma_start3A_515 = arith.constant 0 : i32
      %dma_start3A_516 = tpu.memref_slice %arg12[%add3A_105, %dma_start3A_515] : memref<10240x128xf32, #tpu.memory_space<vmem_shared>> -> memref<128x128xf32, #tpu.memory_space<vmem_shared>>
      %dma_start3A_517 = arith.constant 0 : i32
      %dma_start3A_518 = tpu.memref_slice %arg12[%add3A_105, %dma_start3A_517] : memref<10240x128xf32, #tpu.memory_space<vmem_shared>> -> memref<128x128xf32, #tpu.memory_space<vmem_shared>>
      %dma_start3A_519 = arith.constant 0 : i32
      %dma_start3A_520 = arith.constant 0 : i32
      %dma_start3A_521 = tpu.memref_slice %arg9[%run_scoped3A_106, %dma_start3A_519, %dma_start3A_520] : memref<2x128x128xf32, #tpu.memory_space<vmem>> -> memref<1x128x128xf32, #tpu.memory_space<vmem>>
      %dma_start3A_522 = tpu.memref_squeeze %dma_start3A_521 : memref<1x128x128xf32, #tpu.memory_space<vmem>> -> memref<128x128xf32, #tpu.memory_space<vmem>>
      tpu.enqueue_dma source(%dma_start3A_522 : memref<128x128xf32, #tpu.memory_space<vmem>>) target(%dma_start3A_518 : memref<128x128xf32, #tpu.memory_space<vmem_shared>>) target_semaphore(%run_scoped3A_510 : memref<!tpu.dma_semaphore, #tpu.memory_space<semaphore_mem>>)
      %dma_wait3A_523 = arith.constant 0 : i32
      %dma_wait3A_524 = arith.constant 0 : i32
      %dma_wait3A_525 = tpu.memref_slice %arg9[%run_scoped3A_106, %dma_wait3A_523, %dma_wait3A_524] : memref<2x128x128xf32, #tpu.memory_space<vmem>> -> memref<1x128x128xf32, #tpu.memory_space<vmem>>
      %dma_wait3A_526 = tpu.memref_squeeze %dma_wait3A_525 : memref<1x128x128xf32, #tpu.memory_space<vmem>> -> memref<128x128xf32, #tpu.memory_space<vmem>>
      %dma_wait3A_527 = arith.constant 0 : i32
      %dma_wait3A_528 = tpu.memref_slice %arg12[%add3A_105, %dma_wait3A_527] : memref<10240x128xf32, #tpu.memory_space<vmem_shared>> -> memref<128x128xf32, #tpu.memory_space<vmem_shared>>
      %dma_wait3A_529 = arith.constant 0 : i32
      %dma_wait3A_530 = tpu.memref_slice %arg12[%add3A_105, %dma_wait3A_529] : memref<10240x128xf32, #tpu.memory_space<vmem_shared>> -> memref<128x128xf32, #tpu.memory_space<vmem_shared>>
      %dma_wait3A_531 = arith.constant 0 : i32
      %dma_wait3A_532 = arith.constant 0 : i32
      %dma_wait3A_533 = tpu.memref_slice %arg9[%run_scoped3A_106, %dma_wait3A_531, %dma_wait3A_532] : memref<2x128x128xf32, #tpu.memory_space<vmem>> -> memref<1x128x128xf32, #tpu.memory_space<vmem>>
      %dma_wait3A_534 = tpu.memref_squeeze %dma_wait3A_533 : memref<1x128x128xf32, #tpu.memory_space<vmem>> -> memref<128x128xf32, #tpu.memory_space<vmem>>
      tpu.wait_dma2 semaphore(%run_scoped3A_510 : memref<!tpu.dma_semaphore, #tpu.memory_space<semaphore_mem>>) src(%dma_wait3A_534 : memref<128x128xf32, #tpu.memory_space<vmem>>) dst(%dma_wait3A_530 : memref<128x128xf32, #tpu.memory_space<vmem_shared>>)
      tpu.yield
    }) : () -> ()
    %mul3A_107 = arith.constant 640 : i32
    %mul3A_108 = arith.muli %arg1, %mul3A_107 : i32
    %add3A_109 = arith.constant 256 : i32
    %add3A_110 = arith.addi %mul3A_108, %add3A_109 : i32
    %run_scoped3A_111 = arith.constant 0 : i32
    "tpu.region"() ({
      %run_scoped3A_510 = tpu.sem_alloc : memref<!tpu.dma_semaphore, #tpu.memory_space<semaphore_mem>>
      %dma_start3A_511 = arith.constant 0 : i32
      %dma_start3A_512 = arith.constant 0 : i32
      %dma_start3A_513 = tpu.memref_slice %arg9[%run_scoped3A_111, %dma_start3A_511, %dma_start3A_512] : memref<2x128x128xf32, #tpu.memory_space<vmem>> -> memref<1x128x128xf32, #tpu.memory_space<vmem>>
      %dma_start3A_514 = tpu.memref_squeeze %dma_start3A_513 : memref<1x128x128xf32, #tpu.memory_space<vmem>> -> memref<128x128xf32, #tpu.memory_space<vmem>>
      %dma_start3A_515 = arith.constant 0 : i32
      %dma_start3A_516 = tpu.memref_slice %arg12[%add3A_110, %dma_start3A_515] : memref<10240x128xf32, #tpu.memory_space<vmem_shared>> -> memref<128x128xf32, #tpu.memory_space<vmem_shared>>
      %dma_start3A_517 = arith.constant 0 : i32
      %dma_start3A_518 = tpu.memref_slice %arg12[%add3A_110, %dma_start3A_517] : memref<10240x128xf32, #tpu.memory_space<vmem_shared>> -> memref<128x128xf32, #tpu.memory_space<vmem_shared>>
      %dma_start3A_519 = arith.constant 0 : i32
      %dma_start3A_520 = arith.constant 0 : i32
      %dma_start3A_521 = tpu.memref_slice %arg9[%run_scoped3A_111, %dma_start3A_519, %dma_start3A_520] : memref<2x128x128xf32, #tpu.memory_space<vmem>> -> memref<1x128x128xf32, #tpu.memory_space<vmem>>
      %dma_start3A_522 = tpu.memref_squeeze %dma_start3A_521 : memref<1x128x128xf32, #tpu.memory_space<vmem>> -> memref<128x128xf32, #tpu.memory_space<vmem>>
      tpu.enqueue_dma source(%dma_start3A_522 : memref<128x128xf32, #tpu.memory_space<vmem>>) target(%dma_start3A_518 : memref<128x128xf32, #tpu.memory_space<vmem_shared>>) target_semaphore(%run_scoped3A_510 : memref<!tpu.dma_semaphore, #tpu.memory_space<semaphore_mem>>)
      %dma_wait3A_523 = arith.constant 0 : i32
      %dma_wait3A_524 = arith.constant 0 : i32
      %dma_wait3A_525 = tpu.memref_slice %arg9[%run_scoped3A_111, %dma_wait3A_523, %dma_wait3A_524] : memref<2x128x128xf32, #tpu.memory_space<vmem>> -> memref<1x128x128xf32, #tpu.memory_space<vmem>>
      %dma_wait3A_526 = tpu.memref_squeeze %dma_wait3A_525 : memref<1x128x128xf32, #tpu.memory_space<vmem>> -> memref<128x128xf32, #tpu.memory_space<vmem>>
      %dma_wait3A_527 = arith.constant 0 : i32
      %dma_wait3A_528 = tpu.memref_slice %arg12[%add3A_110, %dma_wait3A_527] : memref<10240x128xf32, #tpu.memory_space<vmem_shared>> -> memref<128x128xf32, #tpu.memory_space<vmem_shared>>
      %dma_wait3A_529 = arith.constant 0 : i32
      %dma_wait3A_530 = tpu.memref_slice %arg12[%add3A_110, %dma_wait3A_529] : memref<10240x128xf32, #tpu.memory_space<vmem_shared>> -> memref<128x128xf32, #tpu.memory_space<vmem_shared>>
      %dma_wait3A_531 = arith.constant 0 : i32
      %dma_wait3A_532 = arith.constant 0 : i32
      %dma_wait3A_533 = tpu.memref_slice %arg9[%run_scoped3A_111, %dma_wait3A_531, %dma_wait3A_532] : memref<2x128x128xf32, #tpu.memory_space<vmem>> -> memref<1x128x128xf32, #tpu.memory_space<vmem>>
      %dma_wait3A_534 = tpu.memref_squeeze %dma_wait3A_533 : memref<1x128x128xf32, #tpu.memory_space<vmem>> -> memref<128x128xf32, #tpu.memory_space<vmem>>
      tpu.wait_dma2 semaphore(%run_scoped3A_510 : memref<!tpu.dma_semaphore, #tpu.memory_space<semaphore_mem>>) src(%dma_wait3A_534 : memref<128x128xf32, #tpu.memory_space<vmem>>) dst(%dma_wait3A_530 : memref<128x128xf32, #tpu.memory_space<vmem_shared>>)
      tpu.yield
    }) : () -> ()
    %mul3A_112 = arith.constant 640 : i32
    %mul3A_113 = arith.muli %arg1, %mul3A_112 : i32
    %add3A_114 = arith.constant 384 : i32
    %add3A_115 = arith.addi %mul3A_113, %add3A_114 : i32
    %run_scoped3A_116 = arith.constant 0 : i32
    "tpu.region"() ({
      %run_scoped3A_510 = tpu.sem_alloc : memref<!tpu.dma_semaphore, #tpu.memory_space<semaphore_mem>>
      %dma_start3A_511 = arith.constant 0 : i32
      %dma_start3A_512 = arith.constant 0 : i32
      %dma_start3A_513 = tpu.memref_slice %arg9[%run_scoped3A_116, %dma_start3A_511, %dma_start3A_512] : memref<2x128x128xf32, #tpu.memory_space<vmem>> -> memref<1x128x128xf32, #tpu.memory_space<vmem>>
      %dma_start3A_514 = tpu.memref_squeeze %dma_start3A_513 : memref<1x128x128xf32, #tpu.memory_space<vmem>> -> memref<128x128xf32, #tpu.memory_space<vmem>>
      %dma_start3A_515 = arith.constant 0 : i32
      %dma_start3A_516 = tpu.memref_slice %arg12[%add3A_115, %dma_start3A_515] : memref<10240x128xf32, #tpu.memory_space<vmem_shared>> -> memref<128x128xf32, #tpu.memory_space<vmem_shared>>
      %dma_start3A_517 = arith.constant 0 : i32
      %dma_start3A_518 = tpu.memref_slice %arg12[%add3A_115, %dma_start3A_517] : memref<10240x128xf32, #tpu.memory_space<vmem_shared>> -> memref<128x128xf32, #tpu.memory_space<vmem_shared>>
      %dma_start3A_519 = arith.constant 0 : i32
      %dma_start3A_520 = arith.constant 0 : i32
      %dma_start3A_521 = tpu.memref_slice %arg9[%run_scoped3A_116, %dma_start3A_519, %dma_start3A_520] : memref<2x128x128xf32, #tpu.memory_space<vmem>> -> memref<1x128x128xf32, #tpu.memory_space<vmem>>
      %dma_start3A_522 = tpu.memref_squeeze %dma_start3A_521 : memref<1x128x128xf32, #tpu.memory_space<vmem>> -> memref<128x128xf32, #tpu.memory_space<vmem>>
      tpu.enqueue_dma source(%dma_start3A_522 : memref<128x128xf32, #tpu.memory_space<vmem>>) target(%dma_start3A_518 : memref<128x128xf32, #tpu.memory_space<vmem_shared>>) target_semaphore(%run_scoped3A_510 : memref<!tpu.dma_semaphore, #tpu.memory_space<semaphore_mem>>)
      %dma_wait3A_523 = arith.constant 0 : i32
      %dma_wait3A_524 = arith.constant 0 : i32
      %dma_wait3A_525 = tpu.memref_slice %arg9[%run_scoped3A_116, %dma_wait3A_523, %dma_wait3A_524] : memref<2x128x128xf32, #tpu.memory_space<vmem>> -> memref<1x128x128xf32, #tpu.memory_space<vmem>>
      %dma_wait3A_526 = tpu.memref_squeeze %dma_wait3A_525 : memref<1x128x128xf32, #tpu.memory_space<vmem>> -> memref<128x128xf32, #tpu.memory_space<vmem>>
      %dma_wait3A_527 = arith.constant 0 : i32
      %dma_wait3A_528 = tpu.memref_slice %arg12[%add3A_115, %dma_wait3A_527] : memref<10240x128xf32, #tpu.memory_space<vmem_shared>> -> memref<128x128xf32, #tpu.memory_space<vmem_shared>>
      %dma_wait3A_529 = arith.constant 0 : i32
      %dma_wait3A_530 = tpu.memref_slice %arg12[%add3A_115, %dma_wait3A_529] : memref<10240x128xf32, #tpu.memory_space<vmem_shared>> -> memref<128x128xf32, #tpu.memory_space<vmem_shared>>
      %dma_wait3A_531 = arith.constant 0 : i32
      %dma_wait3A_532 = arith.constant 0 : i32
      %dma_wait3A_533 = tpu.memref_slice %arg9[%run_scoped3A_116, %dma_wait3A_531, %dma_wait3A_532] : memref<2x128x128xf32, #tpu.memory_space<vmem>> -> memref<1x128x128xf32, #tpu.memory_space<vmem>>
      %dma_wait3A_534 = tpu.memref_squeeze %dma_wait3A_533 : memref<1x128x128xf32, #tpu.memory_space<vmem>> -> memref<128x128xf32, #tpu.memory_space<vmem>>
      tpu.wait_dma2 semaphore(%run_scoped3A_510 : memref<!tpu.dma_semaphore, #tpu.memory_space<semaphore_mem>>) src(%dma_wait3A_534 : memref<128x128xf32, #tpu.memory_space<vmem>>) dst(%dma_wait3A_530 : memref<128x128xf32, #tpu.memory_space<vmem_shared>>)
      tpu.yield
    }) : () -> ()
    %mul3A_117 = arith.constant 640 : i32
    %mul3A_118 = arith.muli %arg1, %mul3A_117 : i32
    %add3A_119 = arith.constant 512 : i32
    %add3A_120 = arith.addi %mul3A_118, %add3A_119 : i32
    %run_scoped3A_121 = arith.constant 0 : i32
    "tpu.region"() ({
      %run_scoped3A_510 = tpu.sem_alloc : memref<!tpu.dma_semaphore, #tpu.memory_space<semaphore_mem>>
      %dma_start3A_511 = arith.constant 0 : i32
      %dma_start3A_512 = arith.constant 0 : i32
      %dma_start3A_513 = tpu.memref_slice %arg9[%run_scoped3A_121, %dma_start3A_511, %dma_start3A_512] : memref<2x128x128xf32, #tpu.memory_space<vmem>> -> memref<1x128x128xf32, #tpu.memory_space<vmem>>
      %dma_start3A_514 = tpu.memref_squeeze %dma_start3A_513 : memref<1x128x128xf32, #tpu.memory_space<vmem>> -> memref<128x128xf32, #tpu.memory_space<vmem>>
      %dma_start3A_515 = arith.constant 0 : i32
      %dma_start3A_516 = tpu.memref_slice %arg12[%add3A_120, %dma_start3A_515] : memref<10240x128xf32, #tpu.memory_space<vmem_shared>> -> memref<128x128xf32, #tpu.memory_space<vmem_shared>>
      %dma_start3A_517 = arith.constant 0 : i32
      %dma_start3A_518 = tpu.memref_slice %arg12[%add3A_120, %dma_start3A_517] : memref<10240x128xf32, #tpu.memory_space<vmem_shared>> -> memref<128x128xf32, #tpu.memory_space<vmem_shared>>
      %dma_start3A_519 = arith.constant 0 : i32
      %dma_start3A_520 = arith.constant 0 : i32
      %dma_start3A_521 = tpu.memref_slice %arg9[%run_scoped3A_121, %dma_start3A_519, %dma_start3A_520] : memref<2x128x128xf32, #tpu.memory_space<vmem>> -> memref<1x128x128xf32, #tpu.memory_space<vmem>>
      %dma_start3A_522 = tpu.memref_squeeze %dma_start3A_521 : memref<1x128x128xf32, #tpu.memory_space<vmem>> -> memref<128x128xf32, #tpu.memory_space<vmem>>
      tpu.enqueue_dma source(%dma_start3A_522 : memref<128x128xf32, #tpu.memory_space<vmem>>) target(%dma_start3A_518 : memref<128x128xf32, #tpu.memory_space<vmem_shared>>) target_semaphore(%run_scoped3A_510 : memref<!tpu.dma_semaphore, #tpu.memory_space<semaphore_mem>>)
      %dma_wait3A_523 = arith.constant 0 : i32
      %dma_wait3A_524 = arith.constant 0 : i32
      %dma_wait3A_525 = tpu.memref_slice %arg9[%run_scoped3A_121, %dma_wait3A_523, %dma_wait3A_524] : memref<2x128x128xf32, #tpu.memory_space<vmem>> -> memref<1x128x128xf32, #tpu.memory_space<vmem>>
      %dma_wait3A_526 = tpu.memref_squeeze %dma_wait3A_525 : memref<1x128x128xf32, #tpu.memory_space<vmem>> -> memref<128x128xf32, #tpu.memory_space<vmem>>
      %dma_wait3A_527 = arith.constant 0 : i32
      %dma_wait3A_528 = tpu.memref_slice %arg12[%add3A_120, %dma_wait3A_527] : memref<10240x128xf32, #tpu.memory_space<vmem_shared>> -> memref<128x128xf32, #tpu.memory_space<vmem_shared>>
      %dma_wait3A_529 = arith.constant 0 : i32
      %dma_wait3A_530 = tpu.memref_slice %arg12[%add3A_120, %dma_wait3A_529] : memref<10240x128xf32, #tpu.memory_space<vmem_shared>> -> memref<128x128xf32, #tpu.memory_space<vmem_shared>>
      %dma_wait3A_531 = arith.constant 0 : i32
      %dma_wait3A_532 = arith.constant 0 : i32
      %dma_wait3A_533 = tpu.memref_slice %arg9[%run_scoped3A_121, %dma_wait3A_531, %dma_wait3A_532] : memref<2x128x128xf32, #tpu.memory_space<vmem>> -> memref<1x128x128xf32, #tpu.memory_space<vmem>>
      %dma_wait3A_534 = tpu.memref_squeeze %dma_wait3A_533 : memref<1x128x128xf32, #tpu.memory_space<vmem>> -> memref<128x128xf32, #tpu.memory_space<vmem>>
      tpu.wait_dma2 semaphore(%run_scoped3A_510 : memref<!tpu.dma_semaphore, #tpu.memory_space<semaphore_mem>>) src(%dma_wait3A_534 : memref<128x128xf32, #tpu.memory_space<vmem>>) dst(%dma_wait3A_530 : memref<128x128xf32, #tpu.memory_space<vmem_shared>>)
      tpu.yield
    }) : () -> ()
    %scan3A_122 = arith.constant 0 : i32
    %scan3A_123 = arith.constant 0 : i32
    %scan3A_124 = arith.constant 40 : i32
    %scan3A_125 = arith.addi %scan3A_123, %scan3A_124 : i32
    %scan3A_126 = arith.constant 1 : i32
    scf.for %scan3A_510 = %scan3A_123 to %scan3A_125 step %scan3A_126  : i32 {
      %mul3A_511 = arith.constant 16 : i32
      %mul3A_512 = arith.muli %scan3A_510, %mul3A_511 : i32
      %swap3A_513 = arith.index_cast %mul3A_512 : i32 to index
      %swap3A_514 = tpu.vector_load %arg11[%swap3A_513] {strides = array<i32>} : memref<640xf32, #tpu.memory_space<vmem>>, vector<16xf32>,
      %swap3A_515 = vector.shape_cast %swap3A_514 : vector<16xf32> to vector<16xf32>
      %swap3A_516 = vector.shape_cast %broadcast_in_dim3A_92 : vector<16xf32> to vector<16xf32>
      tpu.vector_store %arg11[%swap3A_513], %swap3A_516 {strides = array<i32>} : memref<640xf32, #tpu.memory_space<vmem>>, vector<16xf32>,
    }
    %scan3A_127 = arith.constant 40 : i32
    %broadcast_in_dim3A_128 = arith.constant 1.000000e+00 : f32
    %broadcast_in_dim3A_129 = vector.broadcast %broadcast_in_dim3A_128 : f32 to vector<16xf32>
    %swap3A = arith.constant 0 : index
    %swap3A_130 = tpu.vector_load %arg10[%swap3A] {strides = array<i32>} : memref<128xf32, #tpu.memory_space<vmem>>, vector<16xf32>,
    %swap3A_131 = vector.shape_cast %swap3A_130 : vector<16xf32> to vector<16xf32>
    %swap3A_132 = vector.shape_cast %broadcast_in_dim3A_129 : vector<16xf32> to vector<16xf32>
    tpu.vector_store %arg10[%swap3A], %swap3A_132 {strides = array<i32>} : memref<128xf32, #tpu.memory_space<vmem>>, vector<16xf32>,
    %broadcast_in_dim3A_133 = arith.constant 1.000000e+00 : f32
    %broadcast_in_dim3A_134 = vector.broadcast %broadcast_in_dim3A_133 : f32 to vector<16xf32>
    %swap3A_135 = arith.constant 16 : index
    %swap3A_136 = tpu.vector_load %arg10[%swap3A_135] {strides = array<i32>} : memref<128xf32, #tpu.memory_space<vmem>>, vector<16xf32>,
    %swap3A_137 = vector.shape_cast %swap3A_136 : vector<16xf32> to vector<16xf32>
    %swap3A_138 = vector.shape_cast %broadcast_in_dim3A_134 : vector<16xf32> to vector<16xf32>
    tpu.vector_store %arg10[%swap3A_135], %swap3A_138 {strides = array<i32>} : memref<128xf32, #tpu.memory_space<vmem>>, vector<16xf32>,
    %broadcast_in_dim3A_139 = arith.constant 1.000000e+00 : f32
    %broadcast_in_dim3A_140 = vector.broadcast %broadcast_in_dim3A_139 : f32 to vector<16xf32>
    %swap3A_141 = arith.constant 32 : index
    %swap3A_142 = tpu.vector_load %arg10[%swap3A_141] {strides = array<i32>} : memref<128xf32, #tpu.memory_space<vmem>>, vector<16xf32>,
    %swap3A_143 = vector.shape_cast %swap3A_142 : vector<16xf32> to vector<16xf32>
    %swap3A_144 = vector.shape_cast %broadcast_in_dim3A_140 : vector<16xf32> to vector<16xf32>
    tpu.vector_store %arg10[%swap3A_141], %swap3A_144 {strides = array<i32>} : memref<128xf32, #tpu.memory_space<vmem>>, vector<16xf32>,
    %broadcast_in_dim3A_145 = arith.constant 1.000000e+00 : f32
    %broadcast_in_dim3A_146 = vector.broadcast %broadcast_in_dim3A_145 : f32 to vector<16xf32>
    %swap3A_147 = arith.constant 48 : index
    %swap3A_148 = tpu.vector_load %arg10[%swap3A_147] {strides = array<i32>} : memref<128xf32, #tpu.memory_space<vmem>>, vector<16xf32>,
    %swap3A_149 = vector.shape_cast %swap3A_148 : vector<16xf32> to vector<16xf32>
    %swap3A_150 = vector.shape_cast %broadcast_in_dim3A_146 : vector<16xf32> to vector<16xf32>
    tpu.vector_store %arg10[%swap3A_147], %swap3A_150 {strides = array<i32>} : memref<128xf32, #tpu.memory_space<vmem>>, vector<16xf32>,
    %broadcast_in_dim3A_151 = arith.constant 1.000000e+00 : f32
    %broadcast_in_dim3A_152 = vector.broadcast %broadcast_in_dim3A_151 : f32 to vector<16xf32>
    %swap3A_153 = arith.constant 64 : index
    %swap3A_154 = tpu.vector_load %arg10[%swap3A_153] {strides = array<i32>} : memref<128xf32, #tpu.memory_space<vmem>>, vector<16xf32>,
    %swap3A_155 = vector.shape_cast %swap3A_154 : vector<16xf32> to vector<16xf32>
    %swap3A_156 = vector.shape_cast %broadcast_in_dim3A_152 : vector<16xf32> to vector<16xf32>
    tpu.vector_store %arg10[%swap3A_153], %swap3A_156 {strides = array<i32>} : memref<128xf32, #tpu.memory_space<vmem>>, vector<16xf32>,
    %broadcast_in_dim3A_157 = arith.constant 1.000000e+00 : f32
    %broadcast_in_dim3A_158 = vector.broadcast %broadcast_in_dim3A_157 : f32 to vector<16xf32>
    %swap3A_159 = arith.constant 80 : index
    %swap3A_160 = tpu.vector_load %arg10[%swap3A_159] {strides = array<i32>} : memref<128xf32, #tpu.memory_space<vmem>>, vector<16xf32>,
    %swap3A_161 = vector.shape_cast %swap3A_160 : vector<16xf32> to vector<16xf32>
    %swap3A_162 = vector.shape_cast %broadcast_in_dim3A_158 : vector<16xf32> to vector<16xf32>
    tpu.vector_store %arg10[%swap3A_159], %swap3A_162 {strides = array<i32>} : memref<128xf32, #tpu.memory_space<vmem>>, vector<16xf32>,
    %broadcast_in_dim3A_163 = arith.constant 1.000000e+00 : f32
    %broadcast_in_dim3A_164 = vector.broadcast %broadcast_in_dim3A_163 : f32 to vector<16xf32>
    %swap3A_165 = arith.constant 96 : index
    %swap3A_166 = tpu.vector_load %arg10[%swap3A_165] {strides = array<i32>} : memref<128xf32, #tpu.memory_space<vmem>>, vector<16xf32>,
    %swap3A_167 = vector.shape_cast %swap3A_166 : vector<16xf32> to vector<16xf32>
    %swap3A_168 = vector.shape_cast %broadcast_in_dim3A_164 : vector<16xf32> to vector<16xf32>
    tpu.vector_store %arg10[%swap3A_165], %swap3A_168 {strides = array<i32>} : memref<128xf32, #tpu.memory_space<vmem>>, vector<16xf32>,
    %broadcast_in_dim3A_169 = arith.constant 1.000000e+00 : f32
    %broadcast_in_dim3A_170 = vector.broadcast %broadcast_in_dim3A_169 : f32 to vector<16xf32>
    %swap3A_171 = arith.constant 112 : index
    %swap3A_172 = tpu.vector_load %arg10[%swap3A_171] {strides = array<i32>} : memref<128xf32, #tpu.memory_space<vmem>>, vector<16xf32>,
    %swap3A_173 = vector.shape_cast %swap3A_172 : vector<16xf32> to vector<16xf32>
    %swap3A_174 = vector.shape_cast %broadcast_in_dim3A_170 : vector<16xf32> to vector<16xf32>
    tpu.vector_store %arg10[%swap3A_171], %swap3A_174 {strides = array<i32>} : memref<128xf32, #tpu.memory_space<vmem>>, vector<16xf32>,
    %mul3A_175 = arith.constant 640 : i32
    %mul3A_176 = arith.muli %arg1, %mul3A_175 : i32
    "tpu.region"() ({
      %run_scoped3A_510 = tpu.sem_alloc : memref<!tpu.dma_semaphore, #tpu.memory_space<semaphore_mem>>
      %dma_start3A_511 = tpu.memref_slice %arg13[%mul3A_176] : memref<10240xf32, #tpu.memory_space<vmem_shared>> -> memref<640xf32, #tpu.memory_space<vmem_shared>>
      %dma_start3A_512 = tpu.memref_slice %arg13[%mul3A_176] : memref<10240xf32, #tpu.memory_space<vmem_shared>> -> memref<640xf32, #tpu.memory_space<vmem_shared>>
      tpu.enqueue_dma source(%arg11 : memref<640xf32, #tpu.memory_space<vmem>>) target(%dma_start3A_512 : memref<640xf32, #tpu.memory_space<vmem_shared>>) target_semaphore(%run_scoped3A_510 : memref<!tpu.dma_semaphore, #tpu.memory_space<semaphore_mem>>)
      %dma_wait3A_513 = tpu.memref_slice %arg13[%mul3A_176] : memref<10240xf32, #tpu.memory_space<vmem_shared>> -> memref<640xf32, #tpu.memory_space<vmem_shared>>
      %dma_wait3A_514 = tpu.memref_slice %arg13[%mul3A_176] : memref<10240xf32, #tpu.memory_space<vmem_shared>> -> memref<640xf32, #tpu.memory_space<vmem_shared>>
      tpu.wait_dma2 semaphore(%run_scoped3A_510 : memref<!tpu.dma_semaphore, #tpu.memory_space<semaphore_mem>>) src(%arg11 : memref<640xf32, #tpu.memory_space<vmem>>) dst(%dma_wait3A_514 : memref<640xf32, #tpu.memory_space<vmem_shared>>)
      tpu.yield
    }) : () -> ()
    %add3A_177 = arith.constant 0 : i32
    %add3A_178 = arith.addi %mul3A_4, %add3A_177 : i32
    %mul3A_179 = arith.constant 128 : i32
    %mul3A_180 = arith.muli %add3A_178, %mul3A_179 : i32
    %dma_wait3A = arith.constant 0 : i32
    %dma_wait3A_181 = arith.constant 0 : i32
    %dma_wait3A_182 = tpu.memref_slice %arg7[%dma_wait3A, %dma_wait3A_181] : memref<4x128xi32, #tpu.memory_space<vmem>> -> memref<1x128xi32, #tpu.memory_space<vmem>>
    %dma_wait3A_183 = tpu.memref_squeeze %dma_wait3A_182 : memref<1x128xi32, #tpu.memory_space<vmem>> -> memref<128xi32, #tpu.memory_space<vmem>>
    %dma_wait3A_184 = tpu.memref_slice %arg3[%mul3A_180] : memref<320000xi32, #tpu.memory_space<hbm>> -> memref<128xi32, #tpu.memory_space<hbm>>
    %dma_wait3A_185 = arith.constant 0 : i32
    %dma_wait3A_186 = tpu.memref_slice %arg7[%dma_wait3A, %dma_wait3A_185] : memref<4x128xi32, #tpu.memory_space<vmem>> -> memref<1x128xi32, #tpu.memory_space<vmem>>
    %dma_wait3A_187 = tpu.memref_squeeze %dma_wait3A_186 : memref<1x128xi32, #tpu.memory_space<vmem>> -> memref<128xi32, #tpu.memory_space<vmem>>
    %dma_wait3A_188 = tpu.memref_slice %arg3[%mul3A_180] : memref<320000xi32, #tpu.memory_space<hbm>> -> memref<128xi32, #tpu.memory_space<hbm>>
    tpu.wait_dma2 semaphore(%arg14 : memref<!tpu.dma_semaphore, #tpu.memory_space<semaphore_mem>>) src(%dma_wait3A_188 : memref<128xi32, #tpu.memory_space<hbm>>) dst(%dma_wait3A_187 : memref<128xi32, #tpu.memory_space<vmem>>)
    %dma_wait3A_189 = arith.constant 0 : i32
    %dma_wait3A_190 = arith.constant 0 : i32
    %dma_wait3A_191 = tpu.memref_slice %arg8[%dma_wait3A_189, %dma_wait3A_190] : memref<4x128xi32, #tpu.memory_space<vmem>> -> memref<1x128xi32, #tpu.memory_space<vmem>>
    %dma_wait3A_192 = tpu.memref_squeeze %dma_wait3A_191 : memref<1x128xi32, #tpu.memory_space<vmem>> -> memref<128xi32, #tpu.memory_space<vmem>>
    %dma_wait3A_193 = tpu.memref_slice %arg4[%mul3A_180] : memref<320000xi32, #tpu.memory_space<hbm>> -> memref<128xi32, #tpu.memory_space<hbm>>
    %dma_wait3A_194 = arith.constant 0 : i32
    %dma_wait3A_195 = tpu.memref_slice %arg8[%dma_wait3A_189, %dma_wait3A_194] : memref<4x128xi32, #tpu.memory_space<vmem>> -> memref<1x128xi32, #tpu.memory_space<vmem>>
    %dma_wait3A_196 = tpu.memref_squeeze %dma_wait3A_195 : memref<1x128xi32, #tpu.memory_space<vmem>> -> memref<128xi32, #tpu.memory_space<vmem>>
    %dma_wait3A_197 = tpu.memref_slice %arg4[%mul3A_180] : memref<320000xi32, #tpu.memory_space<hbm>> -> memref<128xi32, #tpu.memory_space<hbm>>
    tpu.wait_dma2 semaphore(%arg14 : memref<!tpu.dma_semaphore, #tpu.memory_space<semaphore_mem>>) src(%dma_wait3A_197 : memref<128xi32, #tpu.memory_space<hbm>>) dst(%dma_wait3A_196 : memref<128xi32, #tpu.memory_space<vmem>>)
    %dma_start3A_198 = arith.constant 0 : i32
    %dma_start3A_199 = arith.constant 0 : i32
    %dma_start3A_200 = arith.constant 0 : i32
    %dma_start3A_201 = arith.constant 0 : i32
    %dma_start3A_202 = tpu.memref_slice %arg9[%dma_start3A_199, %dma_start3A_200, %dma_start3A_201] : memref<2x128x128xf32, #tpu.memory_space<vmem>> -> memref<1x128x128xf32, #tpu.memory_space<vmem>>
    %dma_start3A_203 = tpu.memref_squeeze %dma_start3A_202 : memref<1x128x128xf32, #tpu.memory_space<vmem>> -> memref<128x128xf32, #tpu.memory_space<vmem>>
    %dma_start3A_204 = arith.constant 0 : i32
    %dma_start3A_205 = tpu.memref_slice %arg7[%dma_start3A_198, %dma_start3A_204] : memref<4x128xi32, #tpu.memory_space<vmem>> -> memref<1x128xi32, #tpu.memory_space<vmem>>
    %dma_start3A_206 = tpu.memref_squeeze %dma_start3A_205 : memref<1x128xi32, #tpu.memory_space<vmem>> -> memref<128xi32, #tpu.memory_space<vmem>>
    %dma_start3A_207 = arith.constant 0 : i32
    %dma_start3A_208 = arith.constant 0 : i32
    %dma_start3A_209 = tpu.memref_slice %arg2[%dma_start3A_207, %dma_start3A_208] : memref<10240x128xf32, #tpu.memory_space<hbm>> -> memref<10240x128xf32, #tpu.memory_space<hbm>>
    tpu.enqueue_indirect_dma source(%dma_start3A_209 : memref<10240x128xf32, #tpu.memory_space<hbm>>) target(%dma_start3A_203 : memref<128x128xf32, #tpu.memory_space<vmem>>) offsets(%dma_start3A_206 : memref<128xi32, #tpu.memory_space<vmem>>) semaphore(%arg18 : memref<!tpu.dma_semaphore, #tpu.memory_space<semaphore_mem>>)
    %add3A_210 = arith.constant 1 : i32
    %add3A_211 = arith.addi %mul3A_4, %add3A_210 : i32
    %mul3A_212 = arith.constant 128 : i32
    %mul3A_213 = arith.muli %add3A_211, %mul3A_212 : i32
    %dma_wait3A_214 = arith.constant 1 : i32
    %dma_wait3A_215 = arith.constant 0 : i32
    %dma_wait3A_216 = tpu.memref_slice %arg7[%dma_wait3A_214, %dma_wait3A_215] : memref<4x128xi32, #tpu.memory_space<vmem>> -> memref<1x128xi32, #tpu.memory_space<vmem>>
    %dma_wait3A_217 = tpu.memref_squeeze %dma_wait3A_216 : memref<1x128xi32, #tpu.memory_space<vmem>> -> memref<128xi32, #tpu.memory_space<vmem>>
    %dma_wait3A_218 = tpu.memref_slice %arg3[%mul3A_213] : memref<320000xi32, #tpu.memory_space<hbm>> -> memref<128xi32, #tpu.memory_space<hbm>>
    %dma_wait3A_219 = arith.constant 0 : i32
    %dma_wait3A_220 = tpu.memref_slice %arg7[%dma_wait3A_214, %dma_wait3A_219] : memref<4x128xi32, #tpu.memory_space<vmem>> -> memref<1x128xi32, #tpu.memory_space<vmem>>
    %dma_wait3A_221 = tpu.memref_squeeze %dma_wait3A_220 : memref<1x128xi32, #tpu.memory_space<vmem>> -> memref<128xi32, #tpu.memory_space<vmem>>
    %dma_wait3A_222 = tpu.memref_slice %arg3[%mul3A_213] : memref<320000xi32, #tpu.memory_space<hbm>> -> memref<128xi32, #tpu.memory_space<hbm>>
    tpu.wait_dma2 semaphore(%arg15 : memref<!tpu.dma_semaphore, #tpu.memory_space<semaphore_mem>>) src(%dma_wait3A_222 : memref<128xi32, #tpu.memory_space<hbm>>) dst(%dma_wait3A_221 : memref<128xi32, #tpu.memory_space<vmem>>)
    %dma_wait3A_223 = arith.constant 1 : i32
    %dma_wait3A_224 = arith.constant 0 : i32
    %dma_wait3A_225 = tpu.memref_slice %arg8[%dma_wait3A_223, %dma_wait3A_224] : memref<4x128xi32, #tpu.memory_space<vmem>> -> memref<1x128xi32, #tpu.memory_space<vmem>>
    %dma_wait3A_226 = tpu.memref_squeeze %dma_wait3A_225 : memref<1x128xi32, #tpu.memory_space<vmem>> -> memref<128xi32, #tpu.memory_space<vmem>>
    %dma_wait3A_227 = tpu.memref_slice %arg4[%mul3A_213] : memref<320000xi32, #tpu.memory_space<hbm>> -> memref<128xi32, #tpu.memory_space<hbm>>
    %dma_wait3A_228 = arith.constant 0 : i32
    %dma_wait3A_229 = tpu.memref_slice %arg8[%dma_wait3A_223, %dma_wait3A_228] : memref<4x128xi32, #tpu.memory_space<vmem>> -> memref<1x128xi32, #tpu.memory_space<vmem>>
    %dma_wait3A_230 = tpu.memref_squeeze %dma_wait3A_229 : memref<1x128xi32, #tpu.memory_space<vmem>> -> memref<128xi32, #tpu.memory_space<vmem>>
    %dma_wait3A_231 = tpu.memref_slice %arg4[%mul3A_213] : memref<320000xi32, #tpu.memory_space<hbm>> -> memref<128xi32, #tpu.memory_space<hbm>>
    tpu.wait_dma2 semaphore(%arg15 : memref<!tpu.dma_semaphore, #tpu.memory_space<semaphore_mem>>) src(%dma_wait3A_231 : memref<128xi32, #tpu.memory_space<hbm>>) dst(%dma_wait3A_230 : memref<128xi32, #tpu.memory_space<vmem>>)
    %dma_start3A_232 = arith.constant 1 : i32
    %dma_start3A_233 = arith.constant 1 : i32
    %dma_start3A_234 = arith.constant 0 : i32
    %dma_start3A_235 = arith.constant 0 : i32
    %dma_start3A_236 = tpu.memref_slice %arg9[%dma_start3A_233, %dma_start3A_234, %dma_start3A_235] : memref<2x128x128xf32, #tpu.memory_space<vmem>> -> memref<1x128x128xf32, #tpu.memory_space<vmem>>
    %dma_start3A_237 = tpu.memref_squeeze %dma_start3A_236 : memref<1x128x128xf32, #tpu.memory_space<vmem>> -> memref<128x128xf32, #tpu.memory_space<vmem>>
    %dma_start3A_238 = arith.constant 0 : i32
    %dma_start3A_239 = tpu.memref_slice %arg7[%dma_start3A_232, %dma_start3A_238] : memref<4x128xi32, #tpu.memory_space<vmem>> -> memref<1x128xi32, #tpu.memory_space<vmem>>
    %dma_start3A_240 = tpu.memref_squeeze %dma_start3A_239 : memref<1x128xi32, #tpu.memory_space<vmem>> -> memref<128xi32, #tpu.memory_space<vmem>>
    %dma_start3A_241 = arith.constant 0 : i32
    %dma_start3A_242 = arith.constant 0 : i32
    %dma_start3A_243 = tpu.memref_slice %arg2[%dma_start3A_241, %dma_start3A_242] : memref<10240x128xf32, #tpu.memory_space<hbm>> -> memref<10240x128xf32, #tpu.memory_space<hbm>>
    tpu.enqueue_indirect_dma source(%dma_start3A_243 : memref<10240x128xf32, #tpu.memory_space<hbm>>) target(%dma_start3A_237 : memref<128x128xf32, #tpu.memory_space<vmem>>) offsets(%dma_start3A_240 : memref<128xi32, #tpu.memory_space<vmem>>) semaphore(%arg19 : memref<!tpu.dma_semaphore, #tpu.memory_space<semaphore_mem>>)
    %barrier3A = arith.constant 0 : index
    tpu.barrier barrier_id(%barrier3A)
    %jit3A_244 = arith.constant 4 : i32
    %div3A = arith.divsi %select_n3A, %jit3A_244 : i32
    %sign3A = arith.constant 0 : i32
    %sign3A_245 = arith.cmpi sgt, %select_n3A, %sign3A : i32
    %sign3A_246 = arith.extui %sign3A_245 : i1 to i32
    %sign3A_247 = arith.constant 0 : i32
    %sign3A_248 = arith.cmpi slt, %select_n3A, %sign3A_247 : i32
    %sign3A_249 = arith.extui %sign3A_248 : i1 to i32
    %sign3A_250 = arith.subi %sign3A_246, %sign3A_249 : i32
    %sign3A_251 = arith.constant 0 : i32
    %sign3A_252 = arith.cmpi sgt, %jit3A_244, %sign3A_251 : i32
    %sign3A_253 = arith.extui %sign3A_252 : i1 to i32
    %sign3A_254 = arith.constant 0 : i32
    %sign3A_255 = arith.cmpi slt, %jit3A_244, %sign3A_254 : i32
    %sign3A_256 = arith.extui %sign3A_255 : i1 to i32
    %sign3A_257 = arith.subi %sign3A_253, %sign3A_256 : i32
    %ne3A = arith.cmpi ne, %sign3A_250, %sign3A_257 : i32
    %rem3A = arith.remsi %select_n3A, %jit3A_244 : i32
    %ne3A_258 = arith.constant 0 : i32
    %ne3A_259 = arith.cmpi ne, %rem3A, %ne3A_258 : i32
    %and3A = arith.andi %ne3A, %ne3A_259 : i1
    %sub3A = arith.constant 1 : i32
    %sub3A_260 = arith.subi %div3A, %sub3A : i32
    %select_n3A_261 = arith.select %and3A, %sub3A_260, %div3A : i32
    %sub3A_262 = arith.constant 1 : i32
    %sub3A_263 = arith.subi %select_n3A_261, %sub3A_262 : i32
    %while3A = arith.constant 0 : i32
    %while3A_264 = arith.constant 0 : i32
    %while3A_265 = arith.subi %sub3A_263, %while3A_264 : i32
    %while3A_266 = arith.addi %while3A_264, %while3A_265 : i32
    %while3A_267 = arith.constant 1 : i32
    %while3A_268 = arith.divsi %while3A_265, %while3A_267 : i32
    %while3A_269 = arith.muli %while3A_268, %while3A_267 : i32
    %while3A_270 = arith.addi %while3A_264, %while3A_269 : i32
    %while3A_271 = arith.constant 1 : i32
    scf.for %while3A_510 = %while3A_264 to %while3A_270 step %while3A_271  : i32 {
      %mul3A_511 = arith.constant 4 : i32
      %mul3A_512 = arith.muli %while3A_510, %mul3A_511 : i32
      %add3A_513 = arith.constant 0 : i32
      %add3A_514 = arith.addi %mul3A_512, %add3A_513 : i32
      %dma_wait3A_515 = arith.constant 0 : i32
      %dma_wait3A_516 = arith.constant 0 : i32
      %dma_wait3A_517 = arith.constant 0 : i32
      %dma_wait3A_518 = arith.constant 0 : i32
      %dma_wait3A_519 = tpu.memref_slice %arg9[%dma_wait3A_516, %dma_wait3A_517, %dma_wait3A_518] : memref<2x128x128xf32, #tpu.memory_space<vmem>> -> memref<1x128x128xf32, #tpu.memory_space<vmem>>
      %dma_wait3A_520 = tpu.memref_squeeze %dma_wait3A_519 : memref<1x128x128xf32, #tpu.memory_space<vmem>> -> memref<128x128xf32, #tpu.memory_space<vmem>>
      %dma_wait3A_521 = arith.constant 0 : i32
      %dma_wait3A_522 = tpu.memref_slice %arg7[%dma_wait3A_515, %dma_wait3A_521] : memref<4x128xi32, #tpu.memory_space<vmem>> -> memref<1x128xi32, #tpu.memory_space<vmem>>
      %dma_wait3A_523 = tpu.memref_squeeze %dma_wait3A_522 : memref<1x128xi32, #tpu.memory_space<vmem>> -> memref<128xi32, #tpu.memory_space<vmem>>
      %dma_wait3A_524 = arith.constant 0 : i32
      %dma_wait3A_525 = arith.constant 0 : i32
      %dma_wait3A_526 = tpu.memref_slice %arg2[%dma_wait3A_524, %dma_wait3A_525] : memref<10240x128xf32, #tpu.memory_space<hbm>> -> memref<10240x128xf32, #tpu.memory_space<hbm>>
      tpu.wait_indirect_dma semaphore(%arg18 : memref<!tpu.dma_semaphore, #tpu.memory_space<semaphore_mem>>) src(%dma_wait3A_526 : memref<10240x128xf32, #tpu.memory_space<hbm>>) dst(%dma_wait3A_520 : memref<128x128xf32, #tpu.memory_space<vmem>>)
      %dma_start3A_527 = arith.constant 0 : i32
      %dma_start3A_528 = arith.constant 0 : i32
      %dma_start3A_529 = arith.constant 0 : i32
      %dma_start3A_530 = arith.constant 0 : i32
      %dma_start3A_531 = tpu.memref_slice %arg9[%dma_start3A_527, %dma_start3A_529, %dma_start3A_530] : memref<2x128x128xf32, #tpu.memory_space<vmem>> -> memref<1x128x128xf32, #tpu.memory_space<vmem>>
      %dma_start3A_532 = tpu.memref_squeeze %dma_start3A_531 : memref<1x128x128xf32, #tpu.memory_space<vmem>> -> memref<128x128xf32, #tpu.memory_space<vmem>>
      %dma_start3A_533 = arith.constant 0 : i32
      %dma_start3A_534 = tpu.memref_slice %arg8[%dma_start3A_528, %dma_start3A_533] : memref<4x128xi32, #tpu.memory_space<vmem>> -> memref<1x128xi32, #tpu.memory_space<vmem>>
      %dma_start3A_535 = tpu.memref_squeeze %dma_start3A_534 : memref<1x128xi32, #tpu.memory_space<vmem>> -> memref<128xi32, #tpu.memory_space<vmem>>
      %dma_start3A_536 = arith.constant 0 : i32
      %dma_start3A_537 = arith.constant 0 : i32
      %dma_start3A_538 = tpu.memref_slice %arg12[%dma_start3A_536, %dma_start3A_537] : memref<10240x128xf32, #tpu.memory_space<vmem_shared>> -> memref<10240x128xf32, #tpu.memory_space<vmem_shared>>
      tpu.enqueue_indirect_dma source(%dma_start3A_532 : memref<128x128xf32, #tpu.memory_space<vmem>>) target(%dma_start3A_538 : memref<10240x128xf32, #tpu.memory_space<vmem_shared>>) offsets(%dma_start3A_535 : memref<128xi32, #tpu.memory_space<vmem>>) semaphore(%arg20 : memref<!tpu.dma_semaphore, #tpu.memory_space<semaphore_mem>>) {add = true}
      %run_scoped3A_539 = arith.constant 0 : i32
      "tpu.region"() ({
        %run_scoped3A_901 = tpu.sem_alloc : memref<!tpu.dma_semaphore, #tpu.memory_space<semaphore_mem>>
        %dma_start3A_902 = arith.constant 0 : i32
        %dma_start3A_903 = tpu.memref_slice %arg8[%run_scoped3A_539, %dma_start3A_902] : memref<4x128xi32, #tpu.memory_space<vmem>> -> memref<1x128xi32, #tpu.memory_space<vmem>>
        %dma_start3A_904 = tpu.memref_squeeze %dma_start3A_903 : memref<1x128xi32, #tpu.memory_space<vmem>> -> memref<128xi32, #tpu.memory_space<vmem>>
        %dma_start3A_905 = arith.constant 0 : i32
        %dma_start3A_906 = tpu.memref_slice %arg13[%dma_start3A_905] : memref<10240xf32, #tpu.memory_space<vmem_shared>> -> memref<10240xf32, #tpu.memory_space<vmem_shared>>
        tpu.enqueue_indirect_dma source(%arg10 : memref<128xf32, #tpu.memory_space<vmem>>) target(%dma_start3A_906 : memref<10240xf32, #tpu.memory_space<vmem_shared>>) offsets(%dma_start3A_904 : memref<128xi32, #tpu.memory_space<vmem>>) semaphore(%run_scoped3A_901 : memref<!tpu.dma_semaphore, #tpu.memory_space<semaphore_mem>>) {add = true}
        %dma_wait3A_907 = arith.constant 0 : i32
        %dma_wait3A_908 = tpu.memref_slice %arg8[%run_scoped3A_539, %dma_wait3A_907] : memref<4x128xi32, #tpu.memory_space<vmem>> -> memref<1x128xi32, #tpu.memory_space<vmem>>
        %dma_wait3A_909 = tpu.memref_squeeze %dma_wait3A_908 : memref<1x128xi32, #tpu.memory_space<vmem>> -> memref<128xi32, #tpu.memory_space<vmem>>
        %dma_wait3A_910 = arith.constant 0 : i32
        %dma_wait3A_911 = tpu.memref_slice %arg13[%dma_wait3A_910] : memref<10240xf32, #tpu.memory_space<vmem_shared>> -> memref<10240xf32, #tpu.memory_space<vmem_shared>>
        tpu.wait_indirect_dma semaphore(%run_scoped3A_901 : memref<!tpu.dma_semaphore, #tpu.memory_space<semaphore_mem>>) src(%arg10 : memref<128xf32, #tpu.memory_space<vmem>>) dst(%dma_wait3A_911 : memref<10240xf32, #tpu.memory_space<vmem_shared>>)
        tpu.yield
      }) : () -> ()
      %add3A_540 = arith.constant 2 : i32
      %add3A_541 = arith.addi %add3A_514, %add3A_540 : i32
      %add3A_542 = arith.addi %mul3A_4, %add3A_541 : i32
      %mul3A_543 = arith.constant 128 : i32
      %mul3A_544 = arith.muli %add3A_542, %mul3A_543 : i32
      %dma_wait3A_545 = arith.constant 2 : i32
      %dma_wait3A_546 = arith.constant 0 : i32
      %dma_wait3A_547 = tpu.memref_slice %arg7[%dma_wait3A_545, %dma_wait3A_546] : memref<4x128xi32, #tpu.memory_space<vmem>> -> memref<1x128xi32, #tpu.memory_space<vmem>>
      %dma_wait3A_548 = tpu.memref_squeeze %dma_wait3A_547 : memref<1x128xi32, #tpu.memory_space<vmem>> -> memref<128xi32, #tpu.memory_space<vmem>>
      %dma_wait3A_549 = tpu.memref_slice %arg3[%mul3A_544] : memref<320000xi32, #tpu.memory_space<hbm>> -> memref<128xi32, #tpu.memory_space<hbm>>
      %dma_wait3A_550 = arith.constant 0 : i32
      %dma_wait3A_551 = tpu.memref_slice %arg7[%dma_wait3A_545, %dma_wait3A_550] : memref<4x128xi32, #tpu.memory_space<vmem>> -> memref<1x128xi32, #tpu.memory_space<vmem>>
      %dma_wait3A_552 = tpu.memref_squeeze %dma_wait3A_551 : memref<1x128xi32, #tpu.memory_space<vmem>> -> memref<128xi32, #tpu.memory_space<vmem>>
      %dma_wait3A_553 = tpu.memref_slice %arg3[%mul3A_544] : memref<320000xi32, #tpu.memory_space<hbm>> -> memref<128xi32, #tpu.memory_space<hbm>>
      tpu.wait_dma2 semaphore(%arg16 : memref<!tpu.dma_semaphore, #tpu.memory_space<semaphore_mem>>) src(%dma_wait3A_553 : memref<128xi32, #tpu.memory_space<hbm>>) dst(%dma_wait3A_552 : memref<128xi32, #tpu.memory_space<vmem>>)
      %dma_wait3A_554 = arith.constant 2 : i32
      %dma_wait3A_555 = arith.constant 0 : i32
      %dma_wait3A_556 = tpu.memref_slice %arg8[%dma_wait3A_554, %dma_wait3A_555] : memref<4x128xi32, #tpu.memory_space<vmem>> -> memref<1x128xi32, #tpu.memory_space<vmem>>
      %dma_wait3A_557 = tpu.memref_squeeze %dma_wait3A_556 : memref<1x128xi32, #tpu.memory_space<vmem>> -> memref<128xi32, #tpu.memory_space<vmem>>
      %dma_wait3A_558 = tpu.memref_slice %arg4[%mul3A_544] : memref<320000xi32, #tpu.memory_space<hbm>> -> memref<128xi32, #tpu.memory_space<hbm>>
      %dma_wait3A_559 = arith.constant 0 : i32
      %dma_wait3A_560 = tpu.memref_slice %arg8[%dma_wait3A_554, %dma_wait3A_559] : memref<4x128xi32, #tpu.memory_space<vmem>> -> memref<1x128xi32, #tpu.memory_space<vmem>>
      %dma_wait3A_561 = tpu.memref_squeeze %dma_wait3A_560 : memref<1x128xi32, #tpu.memory_space<vmem>> -> memref<128xi32, #tpu.memory_space<vmem>>
      %dma_wait3A_562 = tpu.memref_slice %arg4[%mul3A_544] : memref<320000xi32, #tpu.memory_space<hbm>> -> memref<128xi32, #tpu.memory_space<hbm>>
      tpu.wait_dma2 semaphore(%arg16 : memref<!tpu.dma_semaphore, #tpu.memory_space<semaphore_mem>>) src(%dma_wait3A_562 : memref<128xi32, #tpu.memory_space<hbm>>) dst(%dma_wait3A_561 : memref<128xi32, #tpu.memory_space<vmem>>)
      %dma_wait3A_563 = arith.constant 0 : i32
      %dma_wait3A_564 = arith.constant 0 : i32
      %dma_wait3A_565 = arith.constant 0 : i32
      %dma_wait3A_566 = arith.constant 0 : i32
      %dma_wait3A_567 = tpu.memref_slice %arg9[%dma_wait3A_563, %dma_wait3A_565, %dma_wait3A_566] : memref<2x128x128xf32, #tpu.memory_space<vmem>> -> memref<1x128x128xf32, #tpu.memory_space<vmem>>
      %dma_wait3A_568 = tpu.memref_squeeze %dma_wait3A_567 : memref<1x128x128xf32, #tpu.memory_space<vmem>> -> memref<128x128xf32, #tpu.memory_space<vmem>>
      %dma_wait3A_569 = arith.constant 0 : i32
      %dma_wait3A_570 = tpu.memref_slice %arg8[%dma_wait3A_564, %dma_wait3A_569] : memref<4x128xi32, #tpu.memory_space<vmem>> -> memref<1x128xi32, #tpu.memory_space<vmem>>
      %dma_wait3A_571 = tpu.memref_squeeze %dma_wait3A_570 : memref<1x128xi32, #tpu.memory_space<vmem>> -> memref<128xi32, #tpu.memory_space<vmem>>
      %dma_wait3A_572 = arith.constant 0 : i32
      %dma_wait3A_573 = arith.constant 0 : i32
      %dma_wait3A_574 = tpu.memref_slice %arg12[%dma_wait3A_572, %dma_wait3A_573] : memref<10240x128xf32, #tpu.memory_space<vmem_shared>> -> memref<10240x128xf32, #tpu.memory_space<vmem_shared>>
      tpu.wait_indirect_dma semaphore(%arg20 : memref<!tpu.dma_semaphore, #tpu.memory_space<semaphore_mem>>) src(%dma_wait3A_568 : memref<128x128xf32, #tpu.memory_space<vmem>>) dst(%dma_wait3A_574 : memref<10240x128xf32, #tpu.memory_space<vmem_shared>>)
      %dma_start3A_575 = arith.constant 2 : i32
      %dma_start3A_576 = arith.constant 0 : i32
      %dma_start3A_577 = arith.constant 0 : i32
      %dma_start3A_578 = arith.constant 0 : i32
      %dma_start3A_579 = tpu.memref_slice %arg9[%dma_start3A_576, %dma_start3A_577, %dma_start3A_578] : memref<2x128x128xf32, #tpu.memory_space<vmem>> -> memref<1x128x128xf32, #tpu.memory_space<vmem>>
      %dma_start3A_580 = tpu.memref_squeeze %dma_start3A_579 : memref<1x128x128xf32, #tpu.memory_space<vmem>> -> memref<128x128xf32, #tpu.memory_space<vmem>>
      %dma_start3A_581 = arith.constant 0 : i32
      %dma_start3A_582 = tpu.memref_slice %arg7[%dma_start3A_575, %dma_start3A_581] : memref<4x128xi32, #tpu.memory_space<vmem>> -> memref<1x128xi32, #tpu.memory_space<vmem>>
      %dma_start3A_583 = tpu.memref_squeeze %dma_start3A_582 : memref<1x128xi32, #tpu.memory_space<vmem>> -> memref<128xi32, #tpu.memory_space<vmem>>
      %dma_start3A_584 = arith.constant 0 : i32
      %dma_start3A_585 = arith.constant 0 : i32
      %dma_start3A_586 = tpu.memref_slice %arg2[%dma_start3A_584, %dma_start3A_585] : memref<10240x128xf32, #tpu.memory_space<hbm>> -> memref<10240x128xf32, #tpu.memory_space<hbm>>
      tpu.enqueue_indirect_dma source(%dma_start3A_586 : memref<10240x128xf32, #tpu.memory_space<hbm>>) target(%dma_start3A_580 : memref<128x128xf32, #tpu.memory_space<vmem>>) offsets(%dma_start3A_583 : memref<128xi32, #tpu.memory_space<vmem>>) semaphore(%arg18 : memref<!tpu.dma_semaphore, #tpu.memory_space<semaphore_mem>>)
      %add3A_587 = arith.constant 4 : i32
      %add3A_588 = arith.addi %add3A_514, %add3A_587 : i32
      %add3A_589 = arith.addi %mul3A_4, %add3A_588 : i32
      %mul3A_590 = arith.constant 128 : i32
      %mul3A_591 = arith.muli %add3A_589, %mul3A_590 : i32
      %dma_start3A_592 = arith.constant 0 : i32
      %dma_start3A_593 = arith.constant 0 : i32
      %dma_start3A_594 = tpu.memref_slice %arg7[%dma_start3A_592, %dma_start3A_593] : memref<4x128xi32, #tpu.memory_space<vmem>> -> memref<1x128xi32, #tpu.memory_space<vmem>>
      %dma_start3A_595 = tpu.memref_squeeze %dma_start3A_594 : memref<1x128xi32, #tpu.memory_space<vmem>> -> memref<128xi32, #tpu.memory_space<vmem>>
      %dma_start3A_596 = tpu.memref_slice %arg3[%mul3A_591] : memref<320000xi32, #tpu.memory_space<hbm>> -> memref<128xi32, #tpu.memory_space<hbm>>
      %dma_start3A_597 = arith.constant 0 : i32
      %dma_start3A_598 = tpu.memref_slice %arg7[%dma_start3A_592, %dma_start3A_597] : memref<4x128xi32, #tpu.memory_space<vmem>> -> memref<1x128xi32, #tpu.memory_space<vmem>>
      %dma_start3A_599 = tpu.memref_squeeze %dma_start3A_598 : memref<1x128xi32, #tpu.memory_space<vmem>> -> memref<128xi32, #tpu.memory_space<vmem>>
      %dma_start3A_600 = tpu.memref_slice %arg3[%mul3A_591] : memref<320000xi32, #tpu.memory_space<hbm>> -> memref<128xi32, #tpu.memory_space<hbm>>
      tpu.enqueue_dma source(%dma_start3A_600 : memref<128xi32, #tpu.memory_space<hbm>>) target(%dma_start3A_599 : memref<128xi32, #tpu.memory_space<vmem>>) target_semaphore(%arg14 : memref<!tpu.dma_semaphore, #tpu.memory_space<semaphore_mem>>)
      %dma_start3A_601 = arith.constant 0 : i32
      %dma_start3A_602 = arith.constant 0 : i32
      %dma_start3A_603 = tpu.memref_slice %arg8[%dma_start3A_601, %dma_start3A_602] : memref<4x128xi32, #tpu.memory_space<vmem>> -> memref<1x128xi32, #tpu.memory_space<vmem>>
      %dma_start3A_604 = tpu.memref_squeeze %dma_start3A_603 : memref<1x128xi32, #tpu.memory_space<vmem>> -> memref<128xi32, #tpu.memory_space<vmem>>
      %dma_start3A_605 = tpu.memref_slice %arg4[%mul3A_591] : memref<320000xi32, #tpu.memory_space<hbm>> -> memref<128xi32, #tpu.memory_space<hbm>>
      %dma_start3A_606 = arith.constant 0 : i32
      %dma_start3A_607 = tpu.memref_slice %arg8[%dma_start3A_601, %dma_start3A_606] : memref<4x128xi32, #tpu.memory_space<vmem>> -> memref<1x128xi32, #tpu.memory_space<vmem>>
      %dma_start3A_608 = tpu.memref_squeeze %dma_start3A_607 : memref<1x128xi32, #tpu.memory_space<vmem>> -> memref<128xi32, #tpu.memory_space<vmem>>
      %dma_start3A_609 = tpu.memref_slice %arg4[%mul3A_591] : memref<320000xi32, #tpu.memory_space<hbm>> -> memref<128xi32, #tpu.memory_space<hbm>>
      tpu.enqueue_dma source(%dma_start3A_609 : memref<128xi32, #tpu.memory_space<hbm>>) target(%dma_start3A_608 : memref<128xi32, #tpu.memory_space<vmem>>) target_semaphore(%arg14 : memref<!tpu.dma_semaphore, #tpu.memory_space<semaphore_mem>>)
      %add3A_610 = arith.constant 1 : i32
      %add3A_611 = arith.addi %mul3A_512, %add3A_610 : i32
      %dma_wait3A_612 = arith.constant 1 : i32
      %dma_wait3A_613 = arith.constant 1 : i32
      %dma_wait3A_614 = arith.constant 0 : i32
      %dma_wait3A_615 = arith.constant 0 : i32
      %dma_wait3A_616 = tpu.memref_slice %arg9[%dma_wait3A_613, %dma_wait3A_614, %dma_wait3A_615] : memref<2x128x128xf32, #tpu.memory_space<vmem>> -> memref<1x128x128xf32, #tpu.memory_space<vmem>>
      %dma_wait3A_617 = tpu.memref_squeeze %dma_wait3A_616 : memref<1x128x128xf32, #tpu.memory_space<vmem>> -> memref<128x128xf32, #tpu.memory_space<vmem>>
      %dma_wait3A_618 = arith.constant 0 : i32
      %dma_wait3A_619 = tpu.memref_slice %arg7[%dma_wait3A_612, %dma_wait3A_618] : memref<4x128xi32, #tpu.memory_space<vmem>> -> memref<1x128xi32, #tpu.memory_space<vmem>>
      %dma_wait3A_620 = tpu.memref_squeeze %dma_wait3A_619 : memref<1x128xi32, #tpu.memory_space<vmem>> -> memref<128xi32, #tpu.memory_space<vmem>>
      %dma_wait3A_621 = arith.constant 0 : i32
      %dma_wait3A_622 = arith.constant 0 : i32
      %dma_wait3A_623 = tpu.memref_slice %arg2[%dma_wait3A_621, %dma_wait3A_622] : memref<10240x128xf32, #tpu.memory_space<hbm>> -> memref<10240x128xf32, #tpu.memory_space<hbm>>
      tpu.wait_indirect_dma semaphore(%arg19 : memref<!tpu.dma_semaphore, #tpu.memory_space<semaphore_mem>>) src(%dma_wait3A_623 : memref<10240x128xf32, #tpu.memory_space<hbm>>) dst(%dma_wait3A_617 : memref<128x128xf32, #tpu.memory_space<vmem>>)
      %dma_start3A_624 = arith.constant 1 : i32
      %dma_start3A_625 = arith.constant 1 : i32
      %dma_start3A_626 = arith.constant 0 : i32
      %dma_start3A_627 = arith.constant 0 : i32
      %dma_start3A_628 = tpu.memref_slice %arg9[%dma_start3A_624, %dma_start3A_626, %dma_start3A_627] : memref<2x128x128xf32, #tpu.memory_space<vmem>> -> memref<1x128x128xf32, #tpu.memory_space<vmem>>
      %dma_start3A_629 = tpu.memref_squeeze %dma_start3A_628 : memref<1x128x128xf32, #tpu.memory_space<vmem>> -> memref<128x128xf32, #tpu.memory_space<vmem>>
      %dma_start3A_630 = arith.constant 0 : i32
      %dma_start3A_631 = tpu.memref_slice %arg8[%dma_start3A_625, %dma_start3A_630] : memref<4x128xi32, #tpu.memory_space<vmem>> -> memref<1x128xi32, #tpu.memory_space<vmem>>
      %dma_start3A_632 = tpu.memref_squeeze %dma_start3A_631 : memref<1x128xi32, #tpu.memory_space<vmem>> -> memref<128xi32, #tpu.memory_space<vmem>>
      %dma_start3A_633 = arith.constant 0 : i32
      %dma_start3A_634 = arith.constant 0 : i32
      %dma_start3A_635 = tpu.memref_slice %arg12[%dma_start3A_633, %dma_start3A_634] : memref<10240x128xf32, #tpu.memory_space<vmem_shared>> -> memref<10240x128xf32, #tpu.memory_space<vmem_shared>>
      tpu.enqueue_indirect_dma source(%dma_start3A_629 : memref<128x128xf32, #tpu.memory_space<vmem>>) target(%dma_start3A_635 : memref<10240x128xf32, #tpu.memory_space<vmem_shared>>) offsets(%dma_start3A_632 : memref<128xi32, #tpu.memory_space<vmem>>) semaphore(%arg21 : memref<!tpu.dma_semaphore, #tpu.memory_space<semaphore_mem>>) {add = true}
      %run_scoped3A_636 = arith.constant 1 : i32
      "tpu.region"() ({
        %run_scoped3A_901 = tpu.sem_alloc : memref<!tpu.dma_semaphore, #tpu.memory_space<semaphore_mem>>
        %dma_start3A_902 = arith.constant 0 : i32
        %dma_start3A_903 = tpu.memref_slice %arg8[%run_scoped3A_636, %dma_start3A_902] : memref<4x128xi32, #tpu.memory_space<vmem>> -> memref<1x128xi32, #tpu.memory_space<vmem>>
        %dma_start3A_904 = tpu.memref_squeeze %dma_start3A_903 : memref<1x128xi32, #tpu.memory_space<vmem>> -> memref<128xi32, #tpu.memory_space<vmem>>
        %dma_start3A_905 = arith.constant 0 : i32
        %dma_start3A_906 = tpu.memref_slice %arg13[%dma_start3A_905] : memref<10240xf32, #tpu.memory_space<vmem_shared>> -> memref<10240xf32, #tpu.memory_space<vmem_shared>>
        tpu.enqueue_indirect_dma source(%arg10 : memref<128xf32, #tpu.memory_space<vmem>>) target(%dma_start3A_906 : memref<10240xf32, #tpu.memory_space<vmem_shared>>) offsets(%dma_start3A_904 : memref<128xi32, #tpu.memory_space<vmem>>) semaphore(%run_scoped3A_901 : memref<!tpu.dma_semaphore, #tpu.memory_space<semaphore_mem>>) {add = true}
        %dma_wait3A_907 = arith.constant 0 : i32
        %dma_wait3A_908 = tpu.memref_slice %arg8[%run_scoped3A_636, %dma_wait3A_907] : memref<4x128xi32, #tpu.memory_space<vmem>> -> memref<1x128xi32, #tpu.memory_space<vmem>>
        %dma_wait3A_909 = tpu.memref_squeeze %dma_wait3A_908 : memref<1x128xi32, #tpu.memory_space<vmem>> -> memref<128xi32, #tpu.memory_space<vmem>>
        %dma_wait3A_910 = arith.constant 0 : i32
        %dma_wait3A_911 = tpu.memref_slice %arg13[%dma_wait3A_910] : memref<10240xf32, #tpu.memory_space<vmem_shared>> -> memref<10240xf32, #tpu.memory_space<vmem_shared>>
        tpu.wait_indirect_dma semaphore(%run_scoped3A_901 : memref<!tpu.dma_semaphore, #tpu.memory_space<semaphore_mem>>) src(%arg10 : memref<128xf32, #tpu.memory_space<vmem>>) dst(%dma_wait3A_911 : memref<10240xf32, #tpu.memory_space<vmem_shared>>)
        tpu.yield
      }) : () -> ()
      %add3A_637 = arith.constant 2 : i32
      %add3A_638 = arith.addi %add3A_611, %add3A_637 : i32
      %add3A_639 = arith.addi %mul3A_4, %add3A_638 : i32
      %mul3A_640 = arith.constant 128 : i32
      %mul3A_641 = arith.muli %add3A_639, %mul3A_640 : i32
      %dma_wait3A_642 = arith.constant 3 : i32
      %dma_wait3A_643 = arith.constant 0 : i32
      %dma_wait3A_644 = tpu.memref_slice %arg7[%dma_wait3A_642, %dma_wait3A_643] : memref<4x128xi32, #tpu.memory_space<vmem>> -> memref<1x128xi32, #tpu.memory_space<vmem>>
      %dma_wait3A_645 = tpu.memref_squeeze %dma_wait3A_644 : memref<1x128xi32, #tpu.memory_space<vmem>> -> memref<128xi32, #tpu.memory_space<vmem>>
      %dma_wait3A_646 = tpu.memref_slice %arg3[%mul3A_641] : memref<320000xi32, #tpu.memory_space<hbm>> -> memref<128xi32, #tpu.memory_space<hbm>>
      %dma_wait3A_647 = arith.constant 0 : i32
      %dma_wait3A_648 = tpu.memref_slice %arg7[%dma_wait3A_642, %dma_wait3A_647] : memref<4x128xi32, #tpu.memory_space<vmem>> -> memref<1x128xi32, #tpu.memory_space<vmem>>
      %dma_wait3A_649 = tpu.memref_squeeze %dma_wait3A_648 : memref<1x128xi32, #tpu.memory_space<vmem>> -> memref<128xi32, #tpu.memory_space<vmem>>
      %dma_wait3A_650 = tpu.memref_slice %arg3[%mul3A_641] : memref<320000xi32, #tpu.memory_space<hbm>> -> memref<128xi32, #tpu.memory_space<hbm>>
      tpu.wait_dma2 semaphore(%arg17 : memref<!tpu.dma_semaphore, #tpu.memory_space<semaphore_mem>>) src(%dma_wait3A_650 : memref<128xi32, #tpu.memory_space<hbm>>) dst(%dma_wait3A_649 : memref<128xi32, #tpu.memory_space<vmem>>)
      %dma_wait3A_651 = arith.constant 3 : i32
      %dma_wait3A_652 = arith.constant 0 : i32
      %dma_wait3A_653 = tpu.memref_slice %arg8[%dma_wait3A_651, %dma_wait3A_652] : memref<4x128xi32, #tpu.memory_space<vmem>> -> memref<1x128xi32, #tpu.memory_space<vmem>>
      %dma_wait3A_654 = tpu.memref_squeeze %dma_wait3A_653 : memref<1x128xi32, #tpu.memory_space<vmem>> -> memref<128xi32, #tpu.memory_space<vmem>>
      %dma_wait3A_655 = tpu.memref_slice %arg4[%mul3A_641] : memref<320000xi32, #tpu.memory_space<hbm>> -> memref<128xi32, #tpu.memory_space<hbm>>
      %dma_wait3A_656 = arith.constant 0 : i32
      %dma_wait3A_657 = tpu.memref_slice %arg8[%dma_wait3A_651, %dma_wait3A_656] : memref<4x128xi32, #tpu.memory_space<vmem>> -> memref<1x128xi32, #tpu.memory_space<vmem>>
      %dma_wait3A_658 = tpu.memref_squeeze %dma_wait3A_657 : memref<1x128xi32, #tpu.memory_space<vmem>> -> memref<128xi32, #tpu.memory_space<vmem>>
      %dma_wait3A_659 = tpu.memref_slice %arg4[%mul3A_641] : memref<320000xi32, #tpu.memory_space<hbm>> -> memref<128xi32, #tpu.memory_space<hbm>>
      tpu.wait_dma2 semaphore(%arg17 : memref<!tpu.dma_semaphore, #tpu.memory_space<semaphore_mem>>) src(%dma_wait3A_659 : memref<128xi32, #tpu.memory_space<hbm>>) dst(%dma_wait3A_658 : memref<128xi32, #tpu.memory_space<vmem>>)
      %dma_wait3A_660 = arith.constant 1 : i32
      %dma_wait3A_661 = arith.constant 1 : i32
      %dma_wait3A_662 = arith.constant 0 : i32
      %dma_wait3A_663 = arith.constant 0 : i32
      %dma_wait3A_664 = tpu.memref_slice %arg9[%dma_wait3A_660, %dma_wait3A_662, %dma_wait3A_663] : memref<2x128x128xf32, #tpu.memory_space<vmem>> -> memref<1x128x128xf32, #tpu.memory_space<vmem>>
      %dma_wait3A_665 = tpu.memref_squeeze %dma_wait3A_664 : memref<1x128x128xf32, #tpu.memory_space<vmem>> -> memref<128x128xf32, #tpu.memory_space<vmem>>
      %dma_wait3A_666 = arith.constant 0 : i32
      %dma_wait3A_667 = tpu.memref_slice %arg8[%dma_wait3A_661, %dma_wait3A_666] : memref<4x128xi32, #tpu.memory_space<vmem>> -> memref<1x128xi32, #tpu.memory_space<vmem>>
      %dma_wait3A_668 = tpu.memref_squeeze %dma_wait3A_667 : memref<1x128xi32, #tpu.memory_space<vmem>> -> memref<128xi32, #tpu.memory_space<vmem>>
      %dma_wait3A_669 = arith.constant 0 : i32
      %dma_wait3A_670 = arith.constant 0 : i32
      %dma_wait3A_671 = tpu.memref_slice %arg12[%dma_wait3A_669, %dma_wait3A_670] : memref<10240x128xf32, #tpu.memory_space<vmem_shared>> -> memref<10240x128xf32, #tpu.memory_space<vmem_shared>>
      tpu.wait_indirect_dma semaphore(%arg21 : memref<!tpu.dma_semaphore, #tpu.memory_space<semaphore_mem>>) src(%dma_wait3A_665 : memref<128x128xf32, #tpu.memory_space<vmem>>) dst(%dma_wait3A_671 : memref<10240x128xf32, #tpu.memory_space<vmem_shared>>)
      %dma_start3A_672 = arith.constant 3 : i32
      %dma_start3A_673 = arith.constant 1 : i32
      %dma_start3A_674 = arith.constant 0 : i32
      %dma_start3A_675 = arith.constant 0 : i32
      %dma_start3A_676 = tpu.memref_slice %arg9[%dma_start3A_673, %dma_start3A_674, %dma_start3A_675] : memref<2x128x128xf32, #tpu.memory_space<vmem>> -> memref<1x128x128xf32, #tpu.memory_space<vmem>>
      %dma_start3A_677 = tpu.memref_squeeze %dma_start3A_676 : memref<1x128x128xf32, #tpu.memory_space<vmem>> -> memref<128x128xf32, #tpu.memory_space<vmem>>
      %dma_start3A_678 = arith.constant 0 : i32
      %dma_start3A_679 = tpu.memref_slice %arg7[%dma_start3A_672, %dma_start3A_678] : memref<4x128xi32, #tpu.memory_space<vmem>> -> memref<1x128xi32, #tpu.memory_space<vmem>>
      %dma_start3A_680 = tpu.memref_squeeze %dma_start3A_679 : memref<1x128xi32, #tpu.memory_space<vmem>> -> memref<128xi32, #tpu.memory_space<vmem>>
      %dma_start3A_681 = arith.constant 0 : i32
      %dma_start3A_682 = arith.constant 0 : i32
      %dma_start3A_683 = tpu.memref_slice %arg2[%dma_start3A_681, %dma_start3A_682] : memref<10240x128xf32, #tpu.memory_space<hbm>> -> memref<10240x128xf32, #tpu.memory_space<hbm>>
      tpu.enqueue_indirect_dma source(%dma_start3A_683 : memref<10240x128xf32, #tpu.memory_space<hbm>>) target(%dma_start3A_677 : memref<128x128xf32, #tpu.memory_space<vmem>>) offsets(%dma_start3A_680 : memref<128xi32, #tpu.memory_space<vmem>>) semaphore(%arg19 : memref<!tpu.dma_semaphore, #tpu.memory_space<semaphore_mem>>)
      %add3A_684 = arith.constant 4 : i32
      %add3A_685 = arith.addi %add3A_611, %add3A_684 : i32
      %add3A_686 = arith.addi %mul3A_4, %add3A_685 : i32
      %mul3A_687 = arith.constant 128 : i32
      %mul3A_688 = arith.muli %add3A_686, %mul3A_687 : i32
      %dma_start3A_689 = arith.constant 1 : i32
      %dma_start3A_690 = arith.constant 0 : i32
      %dma_start3A_691 = tpu.memref_slice %arg7[%dma_start3A_689, %dma_start3A_690] : memref<4x128xi32, #tpu.memory_space<vmem>> -> memref<1x128xi32, #tpu.memory_space<vmem>>
      %dma_start3A_692 = tpu.memref_squeeze %dma_start3A_691 : memref<1x128xi32, #tpu.memory_space<vmem>> -> memref<128xi32, #tpu.memory_space<vmem>>
      %dma_start3A_693 = tpu.memref_slice %arg3[%mul3A_688] : memref<320000xi32, #tpu.memory_space<hbm>> -> memref<128xi32, #tpu.memory_space<hbm>>
      %dma_start3A_694 = arith.constant 0 : i32
      %dma_start3A_695 = tpu.memref_slice %arg7[%dma_start3A_689, %dma_start3A_694] : memref<4x128xi32, #tpu.memory_space<vmem>> -> memref<1x128xi32, #tpu.memory_space<vmem>>
      %dma_start3A_696 = tpu.memref_squeeze %dma_start3A_695 : memref<1x128xi32, #tpu.memory_space<vmem>> -> memref<128xi32, #tpu.memory_space<vmem>>
      %dma_start3A_697 = tpu.memref_slice %arg3[%mul3A_688] : memref<320000xi32, #tpu.memory_space<hbm>> -> memref<128xi32, #tpu.memory_space<hbm>>
      tpu.enqueue_dma source(%dma_start3A_697 : memref<128xi32, #tpu.memory_space<hbm>>) target(%dma_start3A_696 : memref<128xi32, #tpu.memory_space<vmem>>) target_semaphore(%arg15 : memref<!tpu.dma_semaphore, #tpu.memory_space<semaphore_mem>>)
      %dma_start3A_698 = arith.constant 1 : i32
      %dma_start3A_699 = arith.constant 0 : i32
      %dma_start3A_700 = tpu.memref_slice %arg8[%dma_start3A_698, %dma_start3A_699] : memref<4x128xi32, #tpu.memory_space<vmem>> -> memref<1x128xi32, #tpu.memory_space<vmem>>
      %dma_start3A_701 = tpu.memref_squeeze %dma_start3A_700 : memref<1x128xi32, #tpu.memory_space<vmem>> -> memref<128xi32, #tpu.memory_space<vmem>>
      %dma_start3A_702 = tpu.memref_slice %arg4[%mul3A_688] : memref<320000xi32, #tpu.memory_space<hbm>> -> memref<128xi32, #tpu.memory_space<hbm>>
      %dma_start3A_703 = arith.constant 0 : i32
      %dma_start3A_704 = tpu.memref_slice %arg8[%dma_start3A_698, %dma_start3A_703] : memref<4x128xi32, #tpu.memory_space<vmem>> -> memref<1x128xi32, #tpu.memory_space<vmem>>
      %dma_start3A_705 = tpu.memref_squeeze %dma_start3A_704 : memref<1x128xi32, #tpu.memory_space<vmem>> -> memref<128xi32, #tpu.memory_space<vmem>>
      %dma_start3A_706 = tpu.memref_slice %arg4[%mul3A_688] : memref<320000xi32, #tpu.memory_space<hbm>> -> memref<128xi32, #tpu.memory_space<hbm>>
      tpu.enqueue_dma source(%dma_start3A_706 : memref<128xi32, #tpu.memory_space<hbm>>) target(%dma_start3A_705 : memref<128xi32, #tpu.memory_space<vmem>>) target_semaphore(%arg15 : memref<!tpu.dma_semaphore, #tpu.memory_space<semaphore_mem>>)
      %add3A_707 = arith.constant 2 : i32
      %add3A_708 = arith.addi %mul3A_512, %add3A_707 : i32
      %dma_wait3A_709 = arith.constant 2 : i32
      %dma_wait3A_710 = arith.constant 0 : i32
      %dma_wait3A_711 = arith.constant 0 : i32
      %dma_wait3A_712 = arith.constant 0 : i32
      %dma_wait3A_713 = tpu.memref_slice %arg9[%dma_wait3A_710, %dma_wait3A_711, %dma_wait3A_712] : memref<2x128x128xf32, #tpu.memory_space<vmem>> -> memref<1x128x128xf32, #tpu.memory_space<vmem>>
      %dma_wait3A_714 = tpu.memref_squeeze %dma_wait3A_713 : memref<1x128x128xf32, #tpu.memory_space<vmem>> -> memref<128x128xf32, #tpu.memory_space<vmem>>
      %dma_wait3A_715 = arith.constant 0 : i32
      %dma_wait3A_716 = tpu.memref_slice %arg7[%dma_wait3A_709, %dma_wait3A_715] : memref<4x128xi32, #tpu.memory_space<vmem>> -> memref<1x128xi32, #tpu.memory_space<vmem>>
      %dma_wait3A_717 = tpu.memref_squeeze %dma_wait3A_716 : memref<1x128xi32, #tpu.memory_space<vmem>> -> memref<128xi32, #tpu.memory_space<vmem>>
      %dma_wait3A_718 = arith.constant 0 : i32
      %dma_wait3A_719 = arith.constant 0 : i32
      %dma_wait3A_720 = tpu.memref_slice %arg2[%dma_wait3A_718, %dma_wait3A_719] : memref<10240x128xf32, #tpu.memory_space<hbm>> -> memref<10240x128xf32, #tpu.memory_space<hbm>>
      tpu.wait_indirect_dma semaphore(%arg18 : memref<!tpu.dma_semaphore, #tpu.memory_space<semaphore_mem>>) src(%dma_wait3A_720 : memref<10240x128xf32, #tpu.memory_space<hbm>>) dst(%dma_wait3A_714 : memref<128x128xf32, #tpu.memory_space<vmem>>)
      %dma_start3A_721 = arith.constant 0 : i32
      %dma_start3A_722 = arith.constant 2 : i32
      %dma_start3A_723 = arith.constant 0 : i32
      %dma_start3A_724 = arith.constant 0 : i32
      %dma_start3A_725 = tpu.memref_slice %arg9[%dma_start3A_721, %dma_start3A_723, %dma_start3A_724] : memref<2x128x128xf32, #tpu.memory_space<vmem>> -> memref<1x128x128xf32, #tpu.memory_space<vmem>>
      %dma_start3A_726 = tpu.memref_squeeze %dma_start3A_725 : memref<1x128x128xf32, #tpu.memory_space<vmem>> -> memref<128x128xf32, #tpu.memory_space<vmem>>
      %dma_start3A_727 = arith.constant 0 : i32
      %dma_start3A_728 = tpu.memref_slice %arg8[%dma_start3A_722, %dma_start3A_727] : memref<4x128xi32, #tpu.memory_space<vmem>> -> memref<1x128xi32, #tpu.memory_space<vmem>>
      %dma_start3A_729 = tpu.memref_squeeze %dma_start3A_728 : memref<1x128xi32, #tpu.memory_space<vmem>> -> memref<128xi32, #tpu.memory_space<vmem>>
      %dma_start3A_730 = arith.constant 0 : i32
      %dma_start3A_731 = arith.constant 0 : i32
      %dma_start3A_732 = tpu.memref_slice %arg12[%dma_start3A_730, %dma_start3A_731] : memref<10240x128xf32, #tpu.memory_space<vmem_shared>> -> memref<10240x128xf32, #tpu.memory_space<vmem_shared>>
      tpu.enqueue_indirect_dma source(%dma_start3A_726 : memref<128x128xf32, #tpu.memory_space<vmem>>) target(%dma_start3A_732 : memref<10240x128xf32, #tpu.memory_space<vmem_shared>>) offsets(%dma_start3A_729 : memref<128xi32, #tpu.memory_space<vmem>>) semaphore(%arg20 : memref<!tpu.dma_semaphore, #tpu.memory_space<semaphore_mem>>) {add = true}
      %run_scoped3A_733 = arith.constant 2 : i32
      "tpu.region"() ({
        %run_scoped3A_901 = tpu.sem_alloc : memref<!tpu.dma_semaphore, #tpu.memory_space<semaphore_mem>>
        %dma_start3A_902 = arith.constant 0 : i32
        %dma_start3A_903 = tpu.memref_slice %arg8[%run_scoped3A_733, %dma_start3A_902] : memref<4x128xi32, #tpu.memory_space<vmem>> -> memref<1x128xi32, #tpu.memory_space<vmem>>
        %dma_start3A_904 = tpu.memref_squeeze %dma_start3A_903 : memref<1x128xi32, #tpu.memory_space<vmem>> -> memref<128xi32, #tpu.memory_space<vmem>>
        %dma_start3A_905 = arith.constant 0 : i32
        %dma_start3A_906 = tpu.memref_slice %arg13[%dma_start3A_905] : memref<10240xf32, #tpu.memory_space<vmem_shared>> -> memref<10240xf32, #tpu.memory_space<vmem_shared>>
        tpu.enqueue_indirect_dma source(%arg10 : memref<128xf32, #tpu.memory_space<vmem>>) target(%dma_start3A_906 : memref<10240xf32, #tpu.memory_space<vmem_shared>>) offsets(%dma_start3A_904 : memref<128xi32, #tpu.memory_space<vmem>>) semaphore(%run_scoped3A_901 : memref<!tpu.dma_semaphore, #tpu.memory_space<semaphore_mem>>) {add = true}
        %dma_wait3A_907 = arith.constant 0 : i32
        %dma_wait3A_908 = tpu.memref_slice %arg8[%run_scoped3A_733, %dma_wait3A_907] : memref<4x128xi32, #tpu.memory_space<vmem>> -> memref<1x128xi32, #tpu.memory_space<vmem>>
        %dma_wait3A_909 = tpu.memref_squeeze %dma_wait3A_908 : memref<1x128xi32, #tpu.memory_space<vmem>> -> memref<128xi32, #tpu.memory_space<vmem>>
        %dma_wait3A_910 = arith.constant 0 : i32
        %dma_wait3A_911 = tpu.memref_slice %arg13[%dma_wait3A_910] : memref<10240xf32, #tpu.memory_space<vmem_shared>> -> memref<10240xf32, #tpu.memory_space<vmem_shared>>
        tpu.wait_indirect_dma semaphore(%run_scoped3A_901 : memref<!tpu.dma_semaphore, #tpu.memory_space<semaphore_mem>>) src(%arg10 : memref<128xf32, #tpu.memory_space<vmem>>) dst(%dma_wait3A_911 : memref<10240xf32, #tpu.memory_space<vmem_shared>>)
        tpu.yield
      }) : () -> ()
      %add3A_734 = arith.constant 2 : i32
      %add3A_735 = arith.addi %add3A_708, %add3A_734 : i32
      %add3A_736 = arith.addi %mul3A_4, %add3A_735 : i32
      %mul3A_737 = arith.constant 128 : i32
      %mul3A_738 = arith.muli %add3A_736, %mul3A_737 : i32
      %dma_wait3A_739 = arith.constant 0 : i32
      %dma_wait3A_740 = arith.constant 0 : i32
      %dma_wait3A_741 = tpu.memref_slice %arg7[%dma_wait3A_739, %dma_wait3A_740] : memref<4x128xi32, #tpu.memory_space<vmem>> -> memref<1x128xi32, #tpu.memory_space<vmem>>
      %dma_wait3A_742 = tpu.memref_squeeze %dma_wait3A_741 : memref<1x128xi32, #tpu.memory_space<vmem>> -> memref<128xi32, #tpu.memory_space<vmem>>
      %dma_wait3A_743 = tpu.memref_slice %arg3[%mul3A_738] : memref<320000xi32, #tpu.memory_space<hbm>> -> memref<128xi32, #tpu.memory_space<hbm>>
      %dma_wait3A_744 = arith.constant 0 : i32
      %dma_wait3A_745 = tpu.memref_slice %arg7[%dma_wait3A_739, %dma_wait3A_744] : memref<4x128xi32, #tpu.memory_space<vmem>> -> memref<1x128xi32, #tpu.memory_space<vmem>>
      %dma_wait3A_746 = tpu.memref_squeeze %dma_wait3A_745 : memref<1x128xi32, #tpu.memory_space<vmem>> -> memref<128xi32, #tpu.memory_space<vmem>>
      %dma_wait3A_747 = tpu.memref_slice %arg3[%mul3A_738] : memref<320000xi32, #tpu.memory_space<hbm>> -> memref<128xi32, #tpu.memory_space<hbm>>
      tpu.wait_dma2 semaphore(%arg14 : memref<!tpu.dma_semaphore, #tpu.memory_space<semaphore_mem>>) src(%dma_wait3A_747 : memref<128xi32, #tpu.memory_space<hbm>>) dst(%dma_wait3A_746 : memref<128xi32, #tpu.memory_space<vmem>>)
      %dma_wait3A_748 = arith.constant 0 : i32
      %dma_wait3A_749 = arith.constant 0 : i32
      %dma_wait3A_750 = tpu.memref_slice %arg8[%dma_wait3A_748, %dma_wait3A_749] : memref<4x128xi32, #tpu.memory_space<vmem>> -> memref<1x128xi32, #tpu.memory_space<vmem>>
      %dma_wait3A_751 = tpu.memref_squeeze %dma_wait3A_750 : memref<1x128xi32, #tpu.memory_space<vmem>> -> memref<128xi32, #tpu.memory_space<vmem>>
      %dma_wait3A_752 = tpu.memref_slice %arg4[%mul3A_738] : memref<320000xi32, #tpu.memory_space<hbm>> -> memref<128xi32, #tpu.memory_space<hbm>>
      %dma_wait3A_753 = arith.constant 0 : i32
      %dma_wait3A_754 = tpu.memref_slice %arg8[%dma_wait3A_748, %dma_wait3A_753] : memref<4x128xi32, #tpu.memory_space<vmem>> -> memref<1x128xi32, #tpu.memory_space<vmem>>
      %dma_wait3A_755 = tpu.memref_squeeze %dma_wait3A_754 : memref<1x128xi32, #tpu.memory_space<vmem>> -> memref<128xi32, #tpu.memory_space<vmem>>
      %dma_wait3A_756 = tpu.memref_slice %arg4[%mul3A_738] : memref<320000xi32, #tpu.memory_space<hbm>> -> memref<128xi32, #tpu.memory_space<hbm>>
      tpu.wait_dma2 semaphore(%arg14 : memref<!tpu.dma_semaphore, #tpu.memory_space<semaphore_mem>>) src(%dma_wait3A_756 : memref<128xi32, #tpu.memory_space<hbm>>) dst(%dma_wait3A_755 : memref<128xi32, #tpu.memory_space<vmem>>)
      %dma_wait3A_757 = arith.constant 0 : i32
      %dma_wait3A_758 = arith.constant 2 : i32
      %dma_wait3A_759 = arith.constant 0 : i32
      %dma_wait3A_760 = arith.constant 0 : i32
      %dma_wait3A_761 = tpu.memref_slice %arg9[%dma_wait3A_757, %dma_wait3A_759, %dma_wait3A_760] : memref<2x128x128xf32, #tpu.memory_space<vmem>> -> memref<1x128x128xf32, #tpu.memory_space<vmem>>
      %dma_wait3A_762 = tpu.memref_squeeze %dma_wait3A_761 : memref<1x128x128xf32, #tpu.memory_space<vmem>> -> memref<128x128xf32, #tpu.memory_space<vmem>>
      %dma_wait3A_763 = arith.constant 0 : i32
      %dma_wait3A_764 = tpu.memref_slice %arg8[%dma_wait3A_758, %dma_wait3A_763] : memref<4x128xi32, #tpu.memory_space<vmem>> -> memref<1x128xi32, #tpu.memory_space<vmem>>
      %dma_wait3A_765 = tpu.memref_squeeze %dma_wait3A_764 : memref<1x128xi32, #tpu.memory_space<vmem>> -> memref<128xi32, #tpu.memory_space<vmem>>
      %dma_wait3A_766 = arith.constant 0 : i32
      %dma_wait3A_767 = arith.constant 0 : i32
      %dma_wait3A_768 = tpu.memref_slice %arg12[%dma_wait3A_766, %dma_wait3A_767] : memref<10240x128xf32, #tpu.memory_space<vmem_shared>> -> memref<10240x128xf32, #tpu.memory_space<vmem_shared>>
      tpu.wait_indirect_dma semaphore(%arg20 : memref<!tpu.dma_semaphore, #tpu.memory_space<semaphore_mem>>) src(%dma_wait3A_762 : memref<128x128xf32, #tpu.memory_space<vmem>>) dst(%dma_wait3A_768 : memref<10240x128xf32, #tpu.memory_space<vmem_shared>>)
      %dma_start3A_769 = arith.constant 0 : i32
      %dma_start3A_770 = arith.constant 0 : i32
      %dma_start3A_771 = arith.constant 0 : i32
      %dma_start3A_772 = arith.constant 0 : i32
      %dma_start3A_773 = tpu.memref_slice %arg9[%dma_start3A_770, %dma_start3A_771, %dma_start3A_772] : memref<2x128x128xf32, #tpu.memory_space<vmem>> -> memref<1x128x128xf32, #tpu.memory_space<vmem>>
      %dma_start3A_774 = tpu.memref_squeeze %dma_start3A_773 : memref<1x128x128xf32, #tpu.memory_space<vmem>> -> memref<128x128xf32, #tpu.memory_space<vmem>>
      %dma_start3A_775 = arith.constant 0 : i32
      %dma_start3A_776 = tpu.memref_slice %arg7[%dma_start3A_769, %dma_start3A_775] : memref<4x128xi32, #tpu.memory_space<vmem>> -> memref<1x128xi32, #tpu.memory_space<vmem>>
      %dma_start3A_777 = tpu.memref_squeeze %dma_start3A_776 : memref<1x128xi32, #tpu.memory_space<vmem>> -> memref<128xi32, #tpu.memory_space<vmem>>
      %dma_start3A_778 = arith.constant 0 : i32
      %dma_start3A_779 = arith.constant 0 : i32
      %dma_start3A_780 = tpu.memref_slice %arg2[%dma_start3A_778, %dma_start3A_779] : memref<10240x128xf32, #tpu.memory_space<hbm>> -> memref<10240x128xf32, #tpu.memory_space<hbm>>
      tpu.enqueue_indirect_dma source(%dma_start3A_780 : memref<10240x128xf32, #tpu.memory_space<hbm>>) target(%dma_start3A_774 : memref<128x128xf32, #tpu.memory_space<vmem>>) offsets(%dma_start3A_777 : memref<128xi32, #tpu.memory_space<vmem>>) semaphore(%arg18 : memref<!tpu.dma_semaphore, #tpu.memory_space<semaphore_mem>>)
      %add3A_781 = arith.constant 4 : i32
      %add3A_782 = arith.addi %add3A_708, %add3A_781 : i32
      %add3A_783 = arith.addi %mul3A_4, %add3A_782 : i32
      %mul3A_784 = arith.constant 128 : i32
      %mul3A_785 = arith.muli %add3A_783, %mul3A_784 : i32
      %dma_start3A_786 = arith.constant 2 : i32
      %dma_start3A_787 = arith.constant 0 : i32
      %dma_start3A_788 = tpu.memref_slice %arg7[%dma_start3A_786, %dma_start3A_787] : memref<4x128xi32, #tpu.memory_space<vmem>> -> memref<1x128xi32, #tpu.memory_space<vmem>>
      %dma_start3A_789 = tpu.memref_squeeze %dma_start3A_788 : memref<1x128xi32, #tpu.memory_space<vmem>> -> memref<128xi32, #tpu.memory_space<vmem>>
      %dma_start3A_790 = tpu.memref_slice %arg3[%mul3A_785] : memref<320000xi32, #tpu.memory_space<hbm>> -> memref<128xi32, #tpu.memory_space<hbm>>
      %dma_start3A_791 = arith.constant 0 : i32
      %dma_start3A_792 = tpu.memref_slice %arg7[%dma_start3A_786, %dma_start3A_791] : memref<4x128xi32, #tpu.memory_space<vmem>> -> memref<1x128xi32, #tpu.memory_space<vmem>>
      %dma_start3A_793 = tpu.memref_squeeze %dma_start3A_792 : memref<1x128xi32, #tpu.memory_space<vmem>> -> memref<128xi32, #tpu.memory_space<vmem>>
      %dma_start3A_794 = tpu.memref_slice %arg3[%mul3A_785] : memref<320000xi32, #tpu.memory_space<hbm>> -> memref<128xi32, #tpu.memory_space<hbm>>
      tpu.enqueue_dma source(%dma_start3A_794 : memref<128xi32, #tpu.memory_space<hbm>>) target(%dma_start3A_793 : memref<128xi32, #tpu.memory_space<vmem>>) target_semaphore(%arg16 : memref<!tpu.dma_semaphore, #tpu.memory_space<semaphore_mem>>)
      %dma_start3A_795 = arith.constant 2 : i32
      %dma_start3A_796 = arith.constant 0 : i32
      %dma_start3A_797 = tpu.memref_slice %arg8[%dma_start3A_795, %dma_start3A_796] : memref<4x128xi32, #tpu.memory_space<vmem>> -> memref<1x128xi32, #tpu.memory_space<vmem>>
      %dma_start3A_798 = tpu.memref_squeeze %dma_start3A_797 : memref<1x128xi32, #tpu.memory_space<vmem>> -> memref<128xi32, #tpu.memory_space<vmem>>
      %dma_start3A_799 = tpu.memref_slice %arg4[%mul3A_785] : memref<320000xi32, #tpu.memory_space<hbm>> -> memref<128xi32, #tpu.memory_space<hbm>>
      %dma_start3A_800 = arith.constant 0 : i32
      %dma_start3A_801 = tpu.memref_slice %arg8[%dma_start3A_795, %dma_start3A_800] : memref<4x128xi32, #tpu.memory_space<vmem>> -> memref<1x128xi32, #tpu.memory_space<vmem>>
      %dma_start3A_802 = tpu.memref_squeeze %dma_start3A_801 : memref<1x128xi32, #tpu.memory_space<vmem>> -> memref<128xi32, #tpu.memory_space<vmem>>
      %dma_start3A_803 = tpu.memref_slice %arg4[%mul3A_785] : memref<320000xi32, #tpu.memory_space<hbm>> -> memref<128xi32, #tpu.memory_space<hbm>>
      tpu.enqueue_dma source(%dma_start3A_803 : memref<128xi32, #tpu.memory_space<hbm>>) target(%dma_start3A_802 : memref<128xi32, #tpu.memory_space<vmem>>) target_semaphore(%arg16 : memref<!tpu.dma_semaphore, #tpu.memory_space<semaphore_mem>>)
      %add3A_804 = arith.constant 3 : i32
      %add3A_805 = arith.addi %mul3A_512, %add3A_804 : i32
      %dma_wait3A_806 = arith.constant 3 : i32
      %dma_wait3A_807 = arith.constant 1 : i32
      %dma_wait3A_808 = arith.constant 0 : i32
      %dma_wait3A_809 = arith.constant 0 : i32
      %dma_wait3A_810 = tpu.memref_slice %arg9[%dma_wait3A_807, %dma_wait3A_808, %dma_wait3A_809] : memref<2x128x128xf32, #tpu.memory_space<vmem>> -> memref<1x128x128xf32, #tpu.memory_space<vmem>>
      %dma_wait3A_811 = tpu.memref_squeeze %dma_wait3A_810 : memref<1x128x128xf32, #tpu.memory_space<vmem>> -> memref<128x128xf32, #tpu.memory_space<vmem>>
      %dma_wait3A_812 = arith.constant 0 : i32
      %dma_wait3A_813 = tpu.memref_slice %arg7[%dma_wait3A_806, %dma_wait3A_812] : memref<4x128xi32, #tpu.memory_space<vmem>> -> memref<1x128xi32, #tpu.memory_space<vmem>>
      %dma_wait3A_814 = tpu.memref_squeeze %dma_wait3A_813 : memref<1x128xi32, #tpu.memory_space<vmem>> -> memref<128xi32, #tpu.memory_space<vmem>>
      %dma_wait3A_815 = arith.constant 0 : i32
      %dma_wait3A_816 = arith.constant 0 : i32
      %dma_wait3A_817 = tpu.memref_slice %arg2[%dma_wait3A_815, %dma_wait3A_816] : memref<10240x128xf32, #tpu.memory_space<hbm>> -> memref<10240x128xf32, #tpu.memory_space<hbm>>
      tpu.wait_indirect_dma semaphore(%arg19 : memref<!tpu.dma_semaphore, #tpu.memory_space<semaphore_mem>>) src(%dma_wait3A_817 : memref<10240x128xf32, #tpu.memory_space<hbm>>) dst(%dma_wait3A_811 : memref<128x128xf32, #tpu.memory_space<vmem>>)
      %dma_start3A_818 = arith.constant 1 : i32
      %dma_start3A_819 = arith.constant 3 : i32
      %dma_start3A_820 = arith.constant 0 : i32
      %dma_start3A_821 = arith.constant 0 : i32
      %dma_start3A_822 = tpu.memref_slice %arg9[%dma_start3A_818, %dma_start3A_820, %dma_start3A_821] : memref<2x128x128xf32, #tpu.memory_space<vmem>> -> memref<1x128x128xf32, #tpu.memory_space<vmem>>
      %dma_start3A_823 = tpu.memref_squeeze %dma_start3A_822 : memref<1x128x128xf32, #tpu.memory_space<vmem>> -> memref<128x128xf32, #tpu.memory_space<vmem>>
      %dma_start3A_824 = arith.constant 0 : i32
      %dma_start3A_825 = tpu.memref_slice %arg8[%dma_start3A_819, %dma_start3A_824] : memref<4x128xi32, #tpu.memory_space<vmem>> -> memref<1x128xi32, #tpu.memory_space<vmem>>
      %dma_start3A_826 = tpu.memref_squeeze %dma_start3A_825 : memref<1x128xi32, #tpu.memory_space<vmem>> -> memref<128xi32, #tpu.memory_space<vmem>>
      %dma_start3A_827 = arith.constant 0 : i32
      %dma_start3A_828 = arith.constant 0 : i32
      %dma_start3A_829 = tpu.memref_slice %arg12[%dma_start3A_827, %dma_start3A_828] : memref<10240x128xf32, #tpu.memory_space<vmem_shared>> -> memref<10240x128xf32, #tpu.memory_space<vmem_shared>>
      tpu.enqueue_indirect_dma source(%dma_start3A_823 : memref<128x128xf32, #tpu.memory_space<vmem>>) target(%dma_start3A_829 : memref<10240x128xf32, #tpu.memory_space<vmem_shared>>) offsets(%dma_start3A_826 : memref<128xi32, #tpu.memory_space<vmem>>) semaphore(%arg21 : memref<!tpu.dma_semaphore, #tpu.memory_space<semaphore_mem>>) {add = true}
      %run_scoped3A_830 = arith.constant 3 : i32
      "tpu.region"() ({
        %run_scoped3A_901 = tpu.sem_alloc : memref<!tpu.dma_semaphore, #tpu.memory_space<semaphore_mem>>
        %dma_start3A_902 = arith.constant 0 : i32
        %dma_start3A_903 = tpu.memref_slice %arg8[%run_scoped3A_830, %dma_start3A_902] : memref<4x128xi32, #tpu.memory_space<vmem>> -> memref<1x128xi32, #tpu.memory_space<vmem>>
        %dma_start3A_904 = tpu.memref_squeeze %dma_start3A_903 : memref<1x128xi32, #tpu.memory_space<vmem>> -> memref<128xi32, #tpu.memory_space<vmem>>
        %dma_start3A_905 = arith.constant 0 : i32
        %dma_start3A_906 = tpu.memref_slice %arg13[%dma_start3A_905] : memref<10240xf32, #tpu.memory_space<vmem_shared>> -> memref<10240xf32, #tpu.memory_space<vmem_shared>>
        tpu.enqueue_indirect_dma source(%arg10 : memref<128xf32, #tpu.memory_space<vmem>>) target(%dma_start3A_906 : memref<10240xf32, #tpu.memory_space<vmem_shared>>) offsets(%dma_start3A_904 : memref<128xi32, #tpu.memory_space<vmem>>) semaphore(%run_scoped3A_901 : memref<!tpu.dma_semaphore, #tpu.memory_space<semaphore_mem>>) {add = true}
        %dma_wait3A_907 = arith.constant 0 : i32
        %dma_wait3A_908 = tpu.memref_slice %arg8[%run_scoped3A_830, %dma_wait3A_907] : memref<4x128xi32, #tpu.memory_space<vmem>> -> memref<1x128xi32, #tpu.memory_space<vmem>>
        %dma_wait3A_909 = tpu.memref_squeeze %dma_wait3A_908 : memref<1x128xi32, #tpu.memory_space<vmem>> -> memref<128xi32, #tpu.memory_space<vmem>>
        %dma_wait3A_910 = arith.constant 0 : i32
        %dma_wait3A_911 = tpu.memref_slice %arg13[%dma_wait3A_910] : memref<10240xf32, #tpu.memory_space<vmem_shared>> -> memref<10240xf32, #tpu.memory_space<vmem_shared>>
        tpu.wait_indirect_dma semaphore(%run_scoped3A_901 : memref<!tpu.dma_semaphore, #tpu.memory_space<semaphore_mem>>) src(%arg10 : memref<128xf32, #tpu.memory_space<vmem>>) dst(%dma_wait3A_911 : memref<10240xf32, #tpu.memory_space<vmem_shared>>)
        tpu.yield
      }) : () -> ()
      %add3A_831 = arith.constant 2 : i32
      %add3A_832 = arith.addi %add3A_805, %add3A_831 : i32
      %add3A_833 = arith.addi %mul3A_4, %add3A_832 : i32
      %mul3A_834 = arith.constant 128 : i32
      %mul3A_835 = arith.muli %add3A_833, %mul3A_834 : i32
      %dma_wait3A_836 = arith.constant 1 : i32
      %dma_wait3A_837 = arith.constant 0 : i32
      %dma_wait3A_838 = tpu.memref_slice %arg7[%dma_wait3A_836, %dma_wait3A_837] : memref<4x128xi32, #tpu.memory_space<vmem>> -> memref<1x128xi32, #tpu.memory_space<vmem>>
      %dma_wait3A_839 = tpu.memref_squeeze %dma_wait3A_838 : memref<1x128xi32, #tpu.memory_space<vmem>> -> memref<128xi32, #tpu.memory_space<vmem>>
      %dma_wait3A_840 = tpu.memref_slice %arg3[%mul3A_835] : memref<320000xi32, #tpu.memory_space<hbm>> -> memref<128xi32, #tpu.memory_space<hbm>>
      %dma_wait3A_841 = arith.constant 0 : i32
      %dma_wait3A_842 = tpu.memref_slice %arg7[%dma_wait3A_836, %dma_wait3A_841] : memref<4x128xi32, #tpu.memory_space<vmem>> -> memref<1x128xi32, #tpu.memory_space<vmem>>
      %dma_wait3A_843 = tpu.memref_squeeze %dma_wait3A_842 : memref<1x128xi32, #tpu.memory_space<vmem>> -> memref<128xi32, #tpu.memory_space<vmem>>
      %dma_wait3A_844 = tpu.memref_slice %arg3[%mul3A_835] : memref<320000xi32, #tpu.memory_space<hbm>> -> memref<128xi32, #tpu.memory_space<hbm>>
      tpu.wait_dma2 semaphore(%arg15 : memref<!tpu.dma_semaphore, #tpu.memory_space<semaphore_mem>>) src(%dma_wait3A_844 : memref<128xi32, #tpu.memory_space<hbm>>) dst(%dma_wait3A_843 : memref<128xi32, #tpu.memory_space<vmem>>)
      %dma_wait3A_845 = arith.constant 1 : i32
      %dma_wait3A_846 = arith.constant 0 : i32
      %dma_wait3A_847 = tpu.memref_slice %arg8[%dma_wait3A_845, %dma_wait3A_846] : memref<4x128xi32, #tpu.memory_space<vmem>> -> memref<1x128xi32, #tpu.memory_space<vmem>>
      %dma_wait3A_848 = tpu.memref_squeeze %dma_wait3A_847 : memref<1x128xi32, #tpu.memory_space<vmem>> -> memref<128xi32, #tpu.memory_space<vmem>>
      %dma_wait3A_849 = tpu.memref_slice %arg4[%mul3A_835] : memref<320000xi32, #tpu.memory_space<hbm>> -> memref<128xi32, #tpu.memory_space<hbm>>
      %dma_wait3A_850 = arith.constant 0 : i32
      %dma_wait3A_851 = tpu.memref_slice %arg8[%dma_wait3A_845, %dma_wait3A_850] : memref<4x128xi32, #tpu.memory_space<vmem>> -> memref<1x128xi32, #tpu.memory_space<vmem>>
      %dma_wait3A_852 = tpu.memref_squeeze %dma_wait3A_851 : memref<1x128xi32, #tpu.memory_space<vmem>> -> memref<128xi32, #tpu.memory_space<vmem>>
      %dma_wait3A_853 = tpu.memref_slice %arg4[%mul3A_835] : memref<320000xi32, #tpu.memory_space<hbm>> -> memref<128xi32, #tpu.memory_space<hbm>>
      tpu.wait_dma2 semaphore(%arg15 : memref<!tpu.dma_semaphore, #tpu.memory_space<semaphore_mem>>) src(%dma_wait3A_853 : memref<128xi32, #tpu.memory_space<hbm>>) dst(%dma_wait3A_852 : memref<128xi32, #tpu.memory_space<vmem>>)
      %dma_wait3A_854 = arith.constant 1 : i32
      %dma_wait3A_855 = arith.constant 3 : i32
      %dma_wait3A_856 = arith.constant 0 : i32
      %dma_wait3A_857 = arith.constant 0 : i32
      %dma_wait3A_858 = tpu.memref_slice %arg9[%dma_wait3A_854, %dma_wait3A_856, %dma_wait3A_857] : memref<2x128x128xf32, #tpu.memory_space<vmem>> -> memref<1x128x128xf32, #tpu.memory_space<vmem>>
      %dma_wait3A_859 = tpu.memref_squeeze %dma_wait3A_858 : memref<1x128x128xf32, #tpu.memory_space<vmem>> -> memref<128x128xf32, #tpu.memory_space<vmem>>
      %dma_wait3A_860 = arith.constant 0 : i32
      %dma_wait3A_861 = tpu.memref_slice %arg8[%dma_wait3A_855, %dma_wait3A_860] : memref<4x128xi32, #tpu.memory_space<vmem>> -> memref<1x128xi32, #tpu.memory_space<vmem>>
      %dma_wait3A_862 = tpu.memref_squeeze %dma_wait3A_861 : memref<1x128xi32, #tpu.memory_space<vmem>> -> memref<128xi32, #tpu.memory_space<vmem>>
      %dma_wait3A_863 = arith.constant 0 : i32
      %dma_wait3A_864 = arith.constant 0 : i32
      %dma_wait3A_865 = tpu.memref_slice %arg12[%dma_wait3A_863, %dma_wait3A_864] : memref<10240x128xf32, #tpu.memory_space<vmem_shared>> -> memref<10240x128xf32, #tpu.memory_space<vmem_shared>>
      tpu.wait_indirect_dma semaphore(%arg21 : memref<!tpu.dma_semaphore, #tpu.memory_space<semaphore_mem>>) src(%dma_wait3A_859 : memref<128x128xf32, #tpu.memory_space<vmem>>) dst(%dma_wait3A_865 : memref<10240x128xf32, #tpu.memory_space<vmem_shared>>)
      %dma_start3A_866 = arith.constant 1 : i32
      %dma_start3A_867 = arith.constant 1 : i32
      %dma_start3A_868 = arith.constant 0 : i32
      %dma_start3A_869 = arith.constant 0 : i32
      %dma_start3A_870 = tpu.memref_slice %arg9[%dma_start3A_867, %dma_start3A_868, %dma_start3A_869] : memref<2x128x128xf32, #tpu.memory_space<vmem>> -> memref<1x128x128xf32, #tpu.memory_space<vmem>>
      %dma_start3A_871 = tpu.memref_squeeze %dma_start3A_870 : memref<1x128x128xf32, #tpu.memory_space<vmem>> -> memref<128x128xf32, #tpu.memory_space<vmem>>
      %dma_start3A_872 = arith.constant 0 : i32
      %dma_start3A_873 = tpu.memref_slice %arg7[%dma_start3A_866, %dma_start3A_872] : memref<4x128xi32, #tpu.memory_space<vmem>> -> memref<1x128xi32, #tpu.memory_space<vmem>>
      %dma_start3A_874 = tpu.memref_squeeze %dma_start3A_873 : memref<1x128xi32, #tpu.memory_space<vmem>> -> memref<128xi32, #tpu.memory_space<vmem>>
      %dma_start3A_875 = arith.constant 0 : i32
      %dma_start3A_876 = arith.constant 0 : i32
      %dma_start3A_877 = tpu.memref_slice %arg2[%dma_start3A_875, %dma_start3A_876] : memref<10240x128xf32, #tpu.memory_space<hbm>> -> memref<10240x128xf32, #tpu.memory_space<hbm>>
      tpu.enqueue_indirect_dma source(%dma_start3A_877 : memref<10240x128xf32, #tpu.memory_space<hbm>>) target(%dma_start3A_871 : memref<128x128xf32, #tpu.memory_space<vmem>>) offsets(%dma_start3A_874 : memref<128xi32, #tpu.memory_space<vmem>>) semaphore(%arg19 : memref<!tpu.dma_semaphore, #tpu.memory_space<semaphore_mem>>)
      %add3A_878 = arith.constant 4 : i32
      %add3A_879 = arith.addi %add3A_805, %add3A_878 : i32
      %add3A_880 = arith.addi %mul3A_4, %add3A_879 : i32
      %mul3A_881 = arith.constant 128 : i32
      %mul3A_882 = arith.muli %add3A_880, %mul3A_881 : i32
      %dma_start3A_883 = arith.constant 3 : i32
      %dma_start3A_884 = arith.constant 0 : i32
      %dma_start3A_885 = tpu.memref_slice %arg7[%dma_start3A_883, %dma_start3A_884] : memref<4x128xi32, #tpu.memory_space<vmem>> -> memref<1x128xi32, #tpu.memory_space<vmem>>
      %dma_start3A_886 = tpu.memref_squeeze %dma_start3A_885 : memref<1x128xi32, #tpu.memory_space<vmem>> -> memref<128xi32, #tpu.memory_space<vmem>>
      %dma_start3A_887 = tpu.memref_slice %arg3[%mul3A_882] : memref<320000xi32, #tpu.memory_space<hbm>> -> memref<128xi32, #tpu.memory_space<hbm>>
      %dma_start3A_888 = arith.constant 0 : i32
      %dma_start3A_889 = tpu.memref_slice %arg7[%dma_start3A_883, %dma_start3A_888] : memref<4x128xi32, #tpu.memory_space<vmem>> -> memref<1x128xi32, #tpu.memory_space<vmem>>
      %dma_start3A_890 = tpu.memref_squeeze %dma_start3A_889 : memref<1x128xi32, #tpu.memory_space<vmem>> -> memref<128xi32, #tpu.memory_space<vmem>>
      %dma_start3A_891 = tpu.memref_slice %arg3[%mul3A_882] : memref<320000xi32, #tpu.memory_space<hbm>> -> memref<128xi32, #tpu.memory_space<hbm>>
      tpu.enqueue_dma source(%dma_start3A_891 : memref<128xi32, #tpu.memory_space<hbm>>) target(%dma_start3A_890 : memref<128xi32, #tpu.memory_space<vmem>>) target_semaphore(%arg17 : memref<!tpu.dma_semaphore, #tpu.memory_space<semaphore_mem>>)
      %dma_start3A_892 = arith.constant 3 : i32
      %dma_start3A_893 = arith.constant 0 : i32
      %dma_start3A_894 = tpu.memref_slice %arg8[%dma_start3A_892, %dma_start3A_893] : memref<4x128xi32, #tpu.memory_space<vmem>> -> memref<1x128xi32, #tpu.memory_space<vmem>>
      %dma_start3A_895 = tpu.memref_squeeze %dma_start3A_894 : memref<1x128xi32, #tpu.memory_space<vmem>> -> memref<128xi32, #tpu.memory_space<vmem>>
      %dma_start3A_896 = tpu.memref_slice %arg4[%mul3A_882] : memref<320000xi32, #tpu.memory_space<hbm>> -> memref<128xi32, #tpu.memory_space<hbm>>
      %dma_start3A_897 = arith.constant 0 : i32
      %dma_start3A_898 = tpu.memref_slice %arg8[%dma_start3A_892, %dma_start3A_897] : memref<4x128xi32, #tpu.memory_space<vmem>> -> memref<1x128xi32, #tpu.memory_space<vmem>>
      %dma_start3A_899 = tpu.memref_squeeze %dma_start3A_898 : memref<1x128xi32, #tpu.memory_space<vmem>> -> memref<128xi32, #tpu.memory_space<vmem>>
      %dma_start3A_900 = tpu.memref_slice %arg4[%mul3A_882] : memref<320000xi32, #tpu.memory_space<hbm>> -> memref<128xi32, #tpu.memory_space<hbm>>
      tpu.enqueue_dma source(%dma_start3A_900 : memref<128xi32, #tpu.memory_space<hbm>>) target(%dma_start3A_899 : memref<128xi32, #tpu.memory_space<vmem>>) target_semaphore(%arg17 : memref<!tpu.dma_semaphore, #tpu.memory_space<semaphore_mem>>)
    }
    %while3A_272 = arith.constant 1 : i32
    scf.for %while3A_510 = %while3A_270 to %while3A_266 step %while3A_272  : i32 {
      %mul3A_511 = arith.constant 4 : i32
      %mul3A_512 = arith.muli %while3A_510, %mul3A_511 : i32
      %add3A_513 = arith.constant 0 : i32
      %add3A_514 = arith.addi %mul3A_512, %add3A_513 : i32
      %dma_wait3A_515 = arith.constant 0 : i32
      %dma_wait3A_516 = arith.constant 0 : i32
      %dma_wait3A_517 = arith.constant 0 : i32
      %dma_wait3A_518 = arith.constant 0 : i32
      %dma_wait3A_519 = tpu.memref_slice %arg9[%dma_wait3A_516, %dma_wait3A_517, %dma_wait3A_518] : memref<2x128x128xf32, #tpu.memory_space<vmem>> -> memref<1x128x128xf32, #tpu.memory_space<vmem>>
      %dma_wait3A_520 = tpu.memref_squeeze %dma_wait3A_519 : memref<1x128x128xf32, #tpu.memory_space<vmem>> -> memref<128x128xf32, #tpu.memory_space<vmem>>
      %dma_wait3A_521 = arith.constant 0 : i32
      %dma_wait3A_522 = tpu.memref_slice %arg7[%dma_wait3A_515, %dma_wait3A_521] : memref<4x128xi32, #tpu.memory_space<vmem>> -> memref<1x128xi32, #tpu.memory_space<vmem>>
      %dma_wait3A_523 = tpu.memref_squeeze %dma_wait3A_522 : memref<1x128xi32, #tpu.memory_space<vmem>> -> memref<128xi32, #tpu.memory_space<vmem>>
      %dma_wait3A_524 = arith.constant 0 : i32
      %dma_wait3A_525 = arith.constant 0 : i32
      %dma_wait3A_526 = tpu.memref_slice %arg2[%dma_wait3A_524, %dma_wait3A_525] : memref<10240x128xf32, #tpu.memory_space<hbm>> -> memref<10240x128xf32, #tpu.memory_space<hbm>>
      tpu.wait_indirect_dma semaphore(%arg18 : memref<!tpu.dma_semaphore, #tpu.memory_space<semaphore_mem>>) src(%dma_wait3A_526 : memref<10240x128xf32, #tpu.memory_space<hbm>>) dst(%dma_wait3A_520 : memref<128x128xf32, #tpu.memory_space<vmem>>)
      %dma_start3A_527 = arith.constant 0 : i32
      %dma_start3A_528 = arith.constant 0 : i32
      %dma_start3A_529 = arith.constant 0 : i32
      %dma_start3A_530 = arith.constant 0 : i32
      %dma_start3A_531 = tpu.memref_slice %arg9[%dma_start3A_527, %dma_start3A_529, %dma_start3A_530] : memref<2x128x128xf32, #tpu.memory_space<vmem>> -> memref<1x128x128xf32, #tpu.memory_space<vmem>>
      %dma_start3A_532 = tpu.memref_squeeze %dma_start3A_531 : memref<1x128x128xf32, #tpu.memory_space<vmem>> -> memref<128x128xf32, #tpu.memory_space<vmem>>
      %dma_start3A_533 = arith.constant 0 : i32
      %dma_start3A_534 = tpu.memref_slice %arg8[%dma_start3A_528, %dma_start3A_533] : memref<4x128xi32, #tpu.memory_space<vmem>> -> memref<1x128xi32, #tpu.memory_space<vmem>>
      %dma_start3A_535 = tpu.memref_squeeze %dma_start3A_534 : memref<1x128xi32, #tpu.memory_space<vmem>> -> memref<128xi32, #tpu.memory_space<vmem>>
      %dma_start3A_536 = arith.constant 0 : i32
      %dma_start3A_537 = arith.constant 0 : i32
      %dma_start3A_538 = tpu.memref_slice %arg12[%dma_start3A_536, %dma_start3A_537] : memref<10240x128xf32, #tpu.memory_space<vmem_shared>> -> memref<10240x128xf32, #tpu.memory_space<vmem_shared>>
      tpu.enqueue_indirect_dma source(%dma_start3A_532 : memref<128x128xf32, #tpu.memory_space<vmem>>) target(%dma_start3A_538 : memref<10240x128xf32, #tpu.memory_space<vmem_shared>>) offsets(%dma_start3A_535 : memref<128xi32, #tpu.memory_space<vmem>>) semaphore(%arg20 : memref<!tpu.dma_semaphore, #tpu.memory_space<semaphore_mem>>) {add = true}
      %run_scoped3A_539 = arith.constant 0 : i32
      "tpu.region"() ({
        %run_scoped3A_901 = tpu.sem_alloc : memref<!tpu.dma_semaphore, #tpu.memory_space<semaphore_mem>>
        %dma_start3A_902 = arith.constant 0 : i32
        %dma_start3A_903 = tpu.memref_slice %arg8[%run_scoped3A_539, %dma_start3A_902] : memref<4x128xi32, #tpu.memory_space<vmem>> -> memref<1x128xi32, #tpu.memory_space<vmem>>
        %dma_start3A_904 = tpu.memref_squeeze %dma_start3A_903 : memref<1x128xi32, #tpu.memory_space<vmem>> -> memref<128xi32, #tpu.memory_space<vmem>>
        %dma_start3A_905 = arith.constant 0 : i32
        %dma_start3A_906 = tpu.memref_slice %arg13[%dma_start3A_905] : memref<10240xf32, #tpu.memory_space<vmem_shared>> -> memref<10240xf32, #tpu.memory_space<vmem_shared>>
        tpu.enqueue_indirect_dma source(%arg10 : memref<128xf32, #tpu.memory_space<vmem>>) target(%dma_start3A_906 : memref<10240xf32, #tpu.memory_space<vmem_shared>>) offsets(%dma_start3A_904 : memref<128xi32, #tpu.memory_space<vmem>>) semaphore(%run_scoped3A_901 : memref<!tpu.dma_semaphore, #tpu.memory_space<semaphore_mem>>) {add = true}
        %dma_wait3A_907 = arith.constant 0 : i32
        %dma_wait3A_908 = tpu.memref_slice %arg8[%run_scoped3A_539, %dma_wait3A_907] : memref<4x128xi32, #tpu.memory_space<vmem>> -> memref<1x128xi32, #tpu.memory_space<vmem>>
        %dma_wait3A_909 = tpu.memref_squeeze %dma_wait3A_908 : memref<1x128xi32, #tpu.memory_space<vmem>> -> memref<128xi32, #tpu.memory_space<vmem>>
        %dma_wait3A_910 = arith.constant 0 : i32
        %dma_wait3A_911 = tpu.memref_slice %arg13[%dma_wait3A_910] : memref<10240xf32, #tpu.memory_space<vmem_shared>> -> memref<10240xf32, #tpu.memory_space<vmem_shared>>
        tpu.wait_indirect_dma semaphore(%run_scoped3A_901 : memref<!tpu.dma_semaphore, #tpu.memory_space<semaphore_mem>>) src(%arg10 : memref<128xf32, #tpu.memory_space<vmem>>) dst(%dma_wait3A_911 : memref<10240xf32, #tpu.memory_space<vmem_shared>>)
        tpu.yield
      }) : () -> ()
      %add3A_540 = arith.constant 2 : i32
      %add3A_541 = arith.addi %add3A_514, %add3A_540 : i32
      %add3A_542 = arith.addi %mul3A_4, %add3A_541 : i32
      %mul3A_543 = arith.constant 128 : i32
      %mul3A_544 = arith.muli %add3A_542, %mul3A_543 : i32
      %dma_wait3A_545 = arith.constant 2 : i32
      %dma_wait3A_546 = arith.constant 0 : i32
      %dma_wait3A_547 = tpu.memref_slice %arg7[%dma_wait3A_545, %dma_wait3A_546] : memref<4x128xi32, #tpu.memory_space<vmem>> -> memref<1x128xi32, #tpu.memory_space<vmem>>
      %dma_wait3A_548 = tpu.memref_squeeze %dma_wait3A_547 : memref<1x128xi32, #tpu.memory_space<vmem>> -> memref<128xi32, #tpu.memory_space<vmem>>
      %dma_wait3A_549 = tpu.memref_slice %arg3[%mul3A_544] : memref<320000xi32, #tpu.memory_space<hbm>> -> memref<128xi32, #tpu.memory_space<hbm>>
      %dma_wait3A_550 = arith.constant 0 : i32
      %dma_wait3A_551 = tpu.memref_slice %arg7[%dma_wait3A_545, %dma_wait3A_550] : memref<4x128xi32, #tpu.memory_space<vmem>> -> memref<1x128xi32, #tpu.memory_space<vmem>>
      %dma_wait3A_552 = tpu.memref_squeeze %dma_wait3A_551 : memref<1x128xi32, #tpu.memory_space<vmem>> -> memref<128xi32, #tpu.memory_space<vmem>>
      %dma_wait3A_553 = tpu.memref_slice %arg3[%mul3A_544] : memref<320000xi32, #tpu.memory_space<hbm>> -> memref<128xi32, #tpu.memory_space<hbm>>
      tpu.wait_dma2 semaphore(%arg16 : memref<!tpu.dma_semaphore, #tpu.memory_space<semaphore_mem>>) src(%dma_wait3A_553 : memref<128xi32, #tpu.memory_space<hbm>>) dst(%dma_wait3A_552 : memref<128xi32, #tpu.memory_space<vmem>>)
      %dma_wait3A_554 = arith.constant 2 : i32
      %dma_wait3A_555 = arith.constant 0 : i32
      %dma_wait3A_556 = tpu.memref_slice %arg8[%dma_wait3A_554, %dma_wait3A_555] : memref<4x128xi32, #tpu.memory_space<vmem>> -> memref<1x128xi32, #tpu.memory_space<vmem>>
      %dma_wait3A_557 = tpu.memref_squeeze %dma_wait3A_556 : memref<1x128xi32, #tpu.memory_space<vmem>> -> memref<128xi32, #tpu.memory_space<vmem>>
      %dma_wait3A_558 = tpu.memref_slice %arg4[%mul3A_544] : memref<320000xi32, #tpu.memory_space<hbm>> -> memref<128xi32, #tpu.memory_space<hbm>>
      %dma_wait3A_559 = arith.constant 0 : i32
      %dma_wait3A_560 = tpu.memref_slice %arg8[%dma_wait3A_554, %dma_wait3A_559] : memref<4x128xi32, #tpu.memory_space<vmem>> -> memref<1x128xi32, #tpu.memory_space<vmem>>
      %dma_wait3A_561 = tpu.memref_squeeze %dma_wait3A_560 : memref<1x128xi32, #tpu.memory_space<vmem>> -> memref<128xi32, #tpu.memory_space<vmem>>
      %dma_wait3A_562 = tpu.memref_slice %arg4[%mul3A_544] : memref<320000xi32, #tpu.memory_space<hbm>> -> memref<128xi32, #tpu.memory_space<hbm>>
      tpu.wait_dma2 semaphore(%arg16 : memref<!tpu.dma_semaphore, #tpu.memory_space<semaphore_mem>>) src(%dma_wait3A_562 : memref<128xi32, #tpu.memory_space<hbm>>) dst(%dma_wait3A_561 : memref<128xi32, #tpu.memory_space<vmem>>)
      %dma_wait3A_563 = arith.constant 0 : i32
      %dma_wait3A_564 = arith.constant 0 : i32
      %dma_wait3A_565 = arith.constant 0 : i32
      %dma_wait3A_566 = arith.constant 0 : i32
      %dma_wait3A_567 = tpu.memref_slice %arg9[%dma_wait3A_563, %dma_wait3A_565, %dma_wait3A_566] : memref<2x128x128xf32, #tpu.memory_space<vmem>> -> memref<1x128x128xf32, #tpu.memory_space<vmem>>
      %dma_wait3A_568 = tpu.memref_squeeze %dma_wait3A_567 : memref<1x128x128xf32, #tpu.memory_space<vmem>> -> memref<128x128xf32, #tpu.memory_space<vmem>>
      %dma_wait3A_569 = arith.constant 0 : i32
      %dma_wait3A_570 = tpu.memref_slice %arg8[%dma_wait3A_564, %dma_wait3A_569] : memref<4x128xi32, #tpu.memory_space<vmem>> -> memref<1x128xi32, #tpu.memory_space<vmem>>
      %dma_wait3A_571 = tpu.memref_squeeze %dma_wait3A_570 : memref<1x128xi32, #tpu.memory_space<vmem>> -> memref<128xi32, #tpu.memory_space<vmem>>
      %dma_wait3A_572 = arith.constant 0 : i32
      %dma_wait3A_573 = arith.constant 0 : i32
      %dma_wait3A_574 = tpu.memref_slice %arg12[%dma_wait3A_572, %dma_wait3A_573] : memref<10240x128xf32, #tpu.memory_space<vmem_shared>> -> memref<10240x128xf32, #tpu.memory_space<vmem_shared>>
      tpu.wait_indirect_dma semaphore(%arg20 : memref<!tpu.dma_semaphore, #tpu.memory_space<semaphore_mem>>) src(%dma_wait3A_568 : memref<128x128xf32, #tpu.memory_space<vmem>>) dst(%dma_wait3A_574 : memref<10240x128xf32, #tpu.memory_space<vmem_shared>>)
      %dma_start3A_575 = arith.constant 2 : i32
      %dma_start3A_576 = arith.constant 0 : i32
      %dma_start3A_577 = arith.constant 0 : i32
      %dma_start3A_578 = arith.constant 0 : i32
      %dma_start3A_579 = tpu.memref_slice %arg9[%dma_start3A_576, %dma_start3A_577, %dma_start3A_578] : memref<2x128x128xf32, #tpu.memory_space<vmem>> -> memref<1x128x128xf32, #tpu.memory_space<vmem>>
      %dma_start3A_580 = tpu.memref_squeeze %dma_start3A_579 : memref<1x128x128xf32, #tpu.memory_space<vmem>> -> memref<128x128xf32, #tpu.memory_space<vmem>>
      %dma_start3A_581 = arith.constant 0 : i32
      %dma_start3A_582 = tpu.memref_slice %arg7[%dma_start3A_575, %dma_start3A_581] : memref<4x128xi32, #tpu.memory_space<vmem>> -> memref<1x128xi32, #tpu.memory_space<vmem>>
      %dma_start3A_583 = tpu.memref_squeeze %dma_start3A_582 : memref<1x128xi32, #tpu.memory_space<vmem>> -> memref<128xi32, #tpu.memory_space<vmem>>
      %dma_start3A_584 = arith.constant 0 : i32
      %dma_start3A_585 = arith.constant 0 : i32
      %dma_start3A_586 = tpu.memref_slice %arg2[%dma_start3A_584, %dma_start3A_585] : memref<10240x128xf32, #tpu.memory_space<hbm>> -> memref<10240x128xf32, #tpu.memory_space<hbm>>
      tpu.enqueue_indirect_dma source(%dma_start3A_586 : memref<10240x128xf32, #tpu.memory_space<hbm>>) target(%dma_start3A_580 : memref<128x128xf32, #tpu.memory_space<vmem>>) offsets(%dma_start3A_583 : memref<128xi32, #tpu.memory_space<vmem>>) semaphore(%arg18 : memref<!tpu.dma_semaphore, #tpu.memory_space<semaphore_mem>>)
      %add3A_587 = arith.constant 4 : i32
      %add3A_588 = arith.addi %add3A_514, %add3A_587 : i32
      %add3A_589 = arith.addi %mul3A_4, %add3A_588 : i32
      %mul3A_590 = arith.constant 128 : i32
      %mul3A_591 = arith.muli %add3A_589, %mul3A_590 : i32
      %dma_start3A_592 = arith.constant 0 : i32
      %dma_start3A_593 = arith.constant 0 : i32
      %dma_start3A_594 = tpu.memref_slice %arg7[%dma_start3A_592, %dma_start3A_593] : memref<4x128xi32, #tpu.memory_space<vmem>> -> memref<1x128xi32, #tpu.memory_space<vmem>>
      %dma_start3A_595 = tpu.memref_squeeze %dma_start3A_594 : memref<1x128xi32, #tpu.memory_space<vmem>> -> memref<128xi32, #tpu.memory_space<vmem>>
      %dma_start3A_596 = tpu.memref_slice %arg3[%mul3A_591] : memref<320000xi32, #tpu.memory_space<hbm>> -> memref<128xi32, #tpu.memory_space<hbm>>
      %dma_start3A_597 = arith.constant 0 : i32
      %dma_start3A_598 = tpu.memref_slice %arg7[%dma_start3A_592, %dma_start3A_597] : memref<4x128xi32, #tpu.memory_space<vmem>> -> memref<1x128xi32, #tpu.memory_space<vmem>>
      %dma_start3A_599 = tpu.memref_squeeze %dma_start3A_598 : memref<1x128xi32, #tpu.memory_space<vmem>> -> memref<128xi32, #tpu.memory_space<vmem>>
      %dma_start3A_600 = tpu.memref_slice %arg3[%mul3A_591] : memref<320000xi32, #tpu.memory_space<hbm>> -> memref<128xi32, #tpu.memory_space<hbm>>
      tpu.enqueue_dma source(%dma_start3A_600 : memref<128xi32, #tpu.memory_space<hbm>>) target(%dma_start3A_599 : memref<128xi32, #tpu.memory_space<vmem>>) target_semaphore(%arg14 : memref<!tpu.dma_semaphore, #tpu.memory_space<semaphore_mem>>)
      %dma_start3A_601 = arith.constant 0 : i32
      %dma_start3A_602 = arith.constant 0 : i32
      %dma_start3A_603 = tpu.memref_slice %arg8[%dma_start3A_601, %dma_start3A_602] : memref<4x128xi32, #tpu.memory_space<vmem>> -> memref<1x128xi32, #tpu.memory_space<vmem>>
      %dma_start3A_604 = tpu.memref_squeeze %dma_start3A_603 : memref<1x128xi32, #tpu.memory_space<vmem>> -> memref<128xi32, #tpu.memory_space<vmem>>
      %dma_start3A_605 = tpu.memref_slice %arg4[%mul3A_591] : memref<320000xi32, #tpu.memory_space<hbm>> -> memref<128xi32, #tpu.memory_space<hbm>>
      %dma_start3A_606 = arith.constant 0 : i32
      %dma_start3A_607 = tpu.memref_slice %arg8[%dma_start3A_601, %dma_start3A_606] : memref<4x128xi32, #tpu.memory_space<vmem>> -> memref<1x128xi32, #tpu.memory_space<vmem>>
      %dma_start3A_608 = tpu.memref_squeeze %dma_start3A_607 : memref<1x128xi32, #tpu.memory_space<vmem>> -> memref<128xi32, #tpu.memory_space<vmem>>
      %dma_start3A_609 = tpu.memref_slice %arg4[%mul3A_591] : memref<320000xi32, #tpu.memory_space<hbm>> -> memref<128xi32, #tpu.memory_space<hbm>>
      tpu.enqueue_dma source(%dma_start3A_609 : memref<128xi32, #tpu.memory_space<hbm>>) target(%dma_start3A_608 : memref<128xi32, #tpu.memory_space<vmem>>) target_semaphore(%arg14 : memref<!tpu.dma_semaphore, #tpu.memory_space<semaphore_mem>>)
      %add3A_610 = arith.constant 1 : i32
      %add3A_611 = arith.addi %mul3A_512, %add3A_610 : i32
      %dma_wait3A_612 = arith.constant 1 : i32
      %dma_wait3A_613 = arith.constant 1 : i32
      %dma_wait3A_614 = arith.constant 0 : i32
      %dma_wait3A_615 = arith.constant 0 : i32
      %dma_wait3A_616 = tpu.memref_slice %arg9[%dma_wait3A_613, %dma_wait3A_614, %dma_wait3A_615] : memref<2x128x128xf32, #tpu.memory_space<vmem>> -> memref<1x128x128xf32, #tpu.memory_space<vmem>>
      %dma_wait3A_617 = tpu.memref_squeeze %dma_wait3A_616 : memref<1x128x128xf32, #tpu.memory_space<vmem>> -> memref<128x128xf32, #tpu.memory_space<vmem>>
      %dma_wait3A_618 = arith.constant 0 : i32
      %dma_wait3A_619 = tpu.memref_slice %arg7[%dma_wait3A_612, %dma_wait3A_618] : memref<4x128xi32, #tpu.memory_space<vmem>> -> memref<1x128xi32, #tpu.memory_space<vmem>>
      %dma_wait3A_620 = tpu.memref_squeeze %dma_wait3A_619 : memref<1x128xi32, #tpu.memory_space<vmem>> -> memref<128xi32, #tpu.memory_space<vmem>>
      %dma_wait3A_621 = arith.constant 0 : i32
      %dma_wait3A_622 = arith.constant 0 : i32
      %dma_wait3A_623 = tpu.memref_slice %arg2[%dma_wait3A_621, %dma_wait3A_622] : memref<10240x128xf32, #tpu.memory_space<hbm>> -> memref<10240x128xf32, #tpu.memory_space<hbm>>
      tpu.wait_indirect_dma semaphore(%arg19 : memref<!tpu.dma_semaphore, #tpu.memory_space<semaphore_mem>>) src(%dma_wait3A_623 : memref<10240x128xf32, #tpu.memory_space<hbm>>) dst(%dma_wait3A_617 : memref<128x128xf32, #tpu.memory_space<vmem>>)
      %dma_start3A_624 = arith.constant 1 : i32
      %dma_start3A_625 = arith.constant 1 : i32
      %dma_start3A_626 = arith.constant 0 : i32
      %dma_start3A_627 = arith.constant 0 : i32
      %dma_start3A_628 = tpu.memref_slice %arg9[%dma_start3A_624, %dma_start3A_626, %dma_start3A_627] : memref<2x128x128xf32, #tpu.memory_space<vmem>> -> memref<1x128x128xf32, #tpu.memory_space<vmem>>
      %dma_start3A_629 = tpu.memref_squeeze %dma_start3A_628 : memref<1x128x128xf32, #tpu.memory_space<vmem>> -> memref<128x128xf32, #tpu.memory_space<vmem>>
      %dma_start3A_630 = arith.constant 0 : i32
      %dma_start3A_631 = tpu.memref_slice %arg8[%dma_start3A_625, %dma_start3A_630] : memref<4x128xi32, #tpu.memory_space<vmem>> -> memref<1x128xi32, #tpu.memory_space<vmem>>
      %dma_start3A_632 = tpu.memref_squeeze %dma_start3A_631 : memref<1x128xi32, #tpu.memory_space<vmem>> -> memref<128xi32, #tpu.memory_space<vmem>>
      %dma_start3A_633 = arith.constant 0 : i32
      %dma_start3A_634 = arith.constant 0 : i32
      %dma_start3A_635 = tpu.memref_slice %arg12[%dma_start3A_633, %dma_start3A_634] : memref<10240x128xf32, #tpu.memory_space<vmem_shared>> -> memref<10240x128xf32, #tpu.memory_space<vmem_shared>>
      tpu.enqueue_indirect_dma source(%dma_start3A_629 : memref<128x128xf32, #tpu.memory_space<vmem>>) target(%dma_start3A_635 : memref<10240x128xf32, #tpu.memory_space<vmem_shared>>) offsets(%dma_start3A_632 : memref<128xi32, #tpu.memory_space<vmem>>) semaphore(%arg21 : memref<!tpu.dma_semaphore, #tpu.memory_space<semaphore_mem>>) {add = true}
      %run_scoped3A_636 = arith.constant 1 : i32
      "tpu.region"() ({
        %run_scoped3A_901 = tpu.sem_alloc : memref<!tpu.dma_semaphore, #tpu.memory_space<semaphore_mem>>
        %dma_start3A_902 = arith.constant 0 : i32
        %dma_start3A_903 = tpu.memref_slice %arg8[%run_scoped3A_636, %dma_start3A_902] : memref<4x128xi32, #tpu.memory_space<vmem>> -> memref<1x128xi32, #tpu.memory_space<vmem>>
        %dma_start3A_904 = tpu.memref_squeeze %dma_start3A_903 : memref<1x128xi32, #tpu.memory_space<vmem>> -> memref<128xi32, #tpu.memory_space<vmem>>
        %dma_start3A_905 = arith.constant 0 : i32
        %dma_start3A_906 = tpu.memref_slice %arg13[%dma_start3A_905] : memref<10240xf32, #tpu.memory_space<vmem_shared>> -> memref<10240xf32, #tpu.memory_space<vmem_shared>>
        tpu.enqueue_indirect_dma source(%arg10 : memref<128xf32, #tpu.memory_space<vmem>>) target(%dma_start3A_906 : memref<10240xf32, #tpu.memory_space<vmem_shared>>) offsets(%dma_start3A_904 : memref<128xi32, #tpu.memory_space<vmem>>) semaphore(%run_scoped3A_901 : memref<!tpu.dma_semaphore, #tpu.memory_space<semaphore_mem>>) {add = true}
        %dma_wait3A_907 = arith.constant 0 : i32
        %dma_wait3A_908 = tpu.memref_slice %arg8[%run_scoped3A_636, %dma_wait3A_907] : memref<4x128xi32, #tpu.memory_space<vmem>> -> memref<1x128xi32, #tpu.memory_space<vmem>>
        %dma_wait3A_909 = tpu.memref_squeeze %dma_wait3A_908 : memref<1x128xi32, #tpu.memory_space<vmem>> -> memref<128xi32, #tpu.memory_space<vmem>>
        %dma_wait3A_910 = arith.constant 0 : i32
        %dma_wait3A_911 = tpu.memref_slice %arg13[%dma_wait3A_910] : memref<10240xf32, #tpu.memory_space<vmem_shared>> -> memref<10240xf32, #tpu.memory_space<vmem_shared>>
        tpu.wait_indirect_dma semaphore(%run_scoped3A_901 : memref<!tpu.dma_semaphore, #tpu.memory_space<semaphore_mem>>) src(%arg10 : memref<128xf32, #tpu.memory_space<vmem>>) dst(%dma_wait3A_911 : memref<10240xf32, #tpu.memory_space<vmem_shared>>)
        tpu.yield
      }) : () -> ()
      %add3A_637 = arith.constant 2 : i32
      %add3A_638 = arith.addi %add3A_611, %add3A_637 : i32
      %add3A_639 = arith.addi %mul3A_4, %add3A_638 : i32
      %mul3A_640 = arith.constant 128 : i32
      %mul3A_641 = arith.muli %add3A_639, %mul3A_640 : i32
      %dma_wait3A_642 = arith.constant 3 : i32
      %dma_wait3A_643 = arith.constant 0 : i32
      %dma_wait3A_644 = tpu.memref_slice %arg7[%dma_wait3A_642, %dma_wait3A_643] : memref<4x128xi32, #tpu.memory_space<vmem>> -> memref<1x128xi32, #tpu.memory_space<vmem>>
      %dma_wait3A_645 = tpu.memref_squeeze %dma_wait3A_644 : memref<1x128xi32, #tpu.memory_space<vmem>> -> memref<128xi32, #tpu.memory_space<vmem>>
      %dma_wait3A_646 = tpu.memref_slice %arg3[%mul3A_641] : memref<320000xi32, #tpu.memory_space<hbm>> -> memref<128xi32, #tpu.memory_space<hbm>>
      %dma_wait3A_647 = arith.constant 0 : i32
      %dma_wait3A_648 = tpu.memref_slice %arg7[%dma_wait3A_642, %dma_wait3A_647] : memref<4x128xi32, #tpu.memory_space<vmem>> -> memref<1x128xi32, #tpu.memory_space<vmem>>
      %dma_wait3A_649 = tpu.memref_squeeze %dma_wait3A_648 : memref<1x128xi32, #tpu.memory_space<vmem>> -> memref<128xi32, #tpu.memory_space<vmem>>
      %dma_wait3A_650 = tpu.memref_slice %arg3[%mul3A_641] : memref<320000xi32, #tpu.memory_space<hbm>> -> memref<128xi32, #tpu.memory_space<hbm>>
      tpu.wait_dma2 semaphore(%arg17 : memref<!tpu.dma_semaphore, #tpu.memory_space<semaphore_mem>>) src(%dma_wait3A_650 : memref<128xi32, #tpu.memory_space<hbm>>) dst(%dma_wait3A_649 : memref<128xi32, #tpu.memory_space<vmem>>)
      %dma_wait3A_651 = arith.constant 3 : i32
      %dma_wait3A_652 = arith.constant 0 : i32
      %dma_wait3A_653 = tpu.memref_slice %arg8[%dma_wait3A_651, %dma_wait3A_652] : memref<4x128xi32, #tpu.memory_space<vmem>> -> memref<1x128xi32, #tpu.memory_space<vmem>>
      %dma_wait3A_654 = tpu.memref_squeeze %dma_wait3A_653 : memref<1x128xi32, #tpu.memory_space<vmem>> -> memref<128xi32, #tpu.memory_space<vmem>>
      %dma_wait3A_655 = tpu.memref_slice %arg4[%mul3A_641] : memref<320000xi32, #tpu.memory_space<hbm>> -> memref<128xi32, #tpu.memory_space<hbm>>
      %dma_wait3A_656 = arith.constant 0 : i32
      %dma_wait3A_657 = tpu.memref_slice %arg8[%dma_wait3A_651, %dma_wait3A_656] : memref<4x128xi32, #tpu.memory_space<vmem>> -> memref<1x128xi32, #tpu.memory_space<vmem>>
      %dma_wait3A_658 = tpu.memref_squeeze %dma_wait3A_657 : memref<1x128xi32, #tpu.memory_space<vmem>> -> memref<128xi32, #tpu.memory_space<vmem>>
      %dma_wait3A_659 = tpu.memref_slice %arg4[%mul3A_641] : memref<320000xi32, #tpu.memory_space<hbm>> -> memref<128xi32, #tpu.memory_space<hbm>>
      tpu.wait_dma2 semaphore(%arg17 : memref<!tpu.dma_semaphore, #tpu.memory_space<semaphore_mem>>) src(%dma_wait3A_659 : memref<128xi32, #tpu.memory_space<hbm>>) dst(%dma_wait3A_658 : memref<128xi32, #tpu.memory_space<vmem>>)
      %dma_wait3A_660 = arith.constant 1 : i32
      %dma_wait3A_661 = arith.constant 1 : i32
      %dma_wait3A_662 = arith.constant 0 : i32
      %dma_wait3A_663 = arith.constant 0 : i32
      %dma_wait3A_664 = tpu.memref_slice %arg9[%dma_wait3A_660, %dma_wait3A_662, %dma_wait3A_663] : memref<2x128x128xf32, #tpu.memory_space<vmem>> -> memref<1x128x128xf32, #tpu.memory_space<vmem>>
      %dma_wait3A_665 = tpu.memref_squeeze %dma_wait3A_664 : memref<1x128x128xf32, #tpu.memory_space<vmem>> -> memref<128x128xf32, #tpu.memory_space<vmem>>
      %dma_wait3A_666 = arith.constant 0 : i32
      %dma_wait3A_667 = tpu.memref_slice %arg8[%dma_wait3A_661, %dma_wait3A_666] : memref<4x128xi32, #tpu.memory_space<vmem>> -> memref<1x128xi32, #tpu.memory_space<vmem>>
      %dma_wait3A_668 = tpu.memref_squeeze %dma_wait3A_667 : memref<1x128xi32, #tpu.memory_space<vmem>> -> memref<128xi32, #tpu.memory_space<vmem>>
      %dma_wait3A_669 = arith.constant 0 : i32
      %dma_wait3A_670 = arith.constant 0 : i32
      %dma_wait3A_671 = tpu.memref_slice %arg12[%dma_wait3A_669, %dma_wait3A_670] : memref<10240x128xf32, #tpu.memory_space<vmem_shared>> -> memref<10240x128xf32, #tpu.memory_space<vmem_shared>>
      tpu.wait_indirect_dma semaphore(%arg21 : memref<!tpu.dma_semaphore, #tpu.memory_space<semaphore_mem>>) src(%dma_wait3A_665 : memref<128x128xf32, #tpu.memory_space<vmem>>) dst(%dma_wait3A_671 : memref<10240x128xf32, #tpu.memory_space<vmem_shared>>)
      %dma_start3A_672 = arith.constant 3 : i32
      %dma_start3A_673 = arith.constant 1 : i32
      %dma_start3A_674 = arith.constant 0 : i32
      %dma_start3A_675 = arith.constant 0 : i32
      %dma_start3A_676 = tpu.memref_slice %arg9[%dma_start3A_673, %dma_start3A_674, %dma_start3A_675] : memref<2x128x128xf32, #tpu.memory_space<vmem>> -> memref<1x128x128xf32, #tpu.memory_space<vmem>>
      %dma_start3A_677 = tpu.memref_squeeze %dma_start3A_676 : memref<1x128x128xf32, #tpu.memory_space<vmem>> -> memref<128x128xf32, #tpu.memory_space<vmem>>
      %dma_start3A_678 = arith.constant 0 : i32
      %dma_start3A_679 = tpu.memref_slice %arg7[%dma_start3A_672, %dma_start3A_678] : memref<4x128xi32, #tpu.memory_space<vmem>> -> memref<1x128xi32, #tpu.memory_space<vmem>>
      %dma_start3A_680 = tpu.memref_squeeze %dma_start3A_679 : memref<1x128xi32, #tpu.memory_space<vmem>> -> memref<128xi32, #tpu.memory_space<vmem>>
      %dma_start3A_681 = arith.constant 0 : i32
      %dma_start3A_682 = arith.constant 0 : i32
      %dma_start3A_683 = tpu.memref_slice %arg2[%dma_start3A_681, %dma_start3A_682] : memref<10240x128xf32, #tpu.memory_space<hbm>> -> memref<10240x128xf32, #tpu.memory_space<hbm>>
      tpu.enqueue_indirect_dma source(%dma_start3A_683 : memref<10240x128xf32, #tpu.memory_space<hbm>>) target(%dma_start3A_677 : memref<128x128xf32, #tpu.memory_space<vmem>>) offsets(%dma_start3A_680 : memref<128xi32, #tpu.memory_space<vmem>>) semaphore(%arg19 : memref<!tpu.dma_semaphore, #tpu.memory_space<semaphore_mem>>)
      %add3A_684 = arith.constant 4 : i32
      %add3A_685 = arith.addi %add3A_611, %add3A_684 : i32
      %add3A_686 = arith.addi %mul3A_4, %add3A_685 : i32
      %mul3A_687 = arith.constant 128 : i32
      %mul3A_688 = arith.muli %add3A_686, %mul3A_687 : i32
      %dma_start3A_689 = arith.constant 1 : i32
      %dma_start3A_690 = arith.constant 0 : i32
      %dma_start3A_691 = tpu.memref_slice %arg7[%dma_start3A_689, %dma_start3A_690] : memref<4x128xi32, #tpu.memory_space<vmem>> -> memref<1x128xi32, #tpu.memory_space<vmem>>
      %dma_start3A_692 = tpu.memref_squeeze %dma_start3A_691 : memref<1x128xi32, #tpu.memory_space<vmem>> -> memref<128xi32, #tpu.memory_space<vmem>>
      %dma_start3A_693 = tpu.memref_slice %arg3[%mul3A_688] : memref<320000xi32, #tpu.memory_space<hbm>> -> memref<128xi32, #tpu.memory_space<hbm>>
      %dma_start3A_694 = arith.constant 0 : i32
      %dma_start3A_695 = tpu.memref_slice %arg7[%dma_start3A_689, %dma_start3A_694] : memref<4x128xi32, #tpu.memory_space<vmem>> -> memref<1x128xi32, #tpu.memory_space<vmem>>
      %dma_start3A_696 = tpu.memref_squeeze %dma_start3A_695 : memref<1x128xi32, #tpu.memory_space<vmem>> -> memref<128xi32, #tpu.memory_space<vmem>>
      %dma_start3A_697 = tpu.memref_slice %arg3[%mul3A_688] : memref<320000xi32, #tpu.memory_space<hbm>> -> memref<128xi32, #tpu.memory_space<hbm>>
      tpu.enqueue_dma source(%dma_start3A_697 : memref<128xi32, #tpu.memory_space<hbm>>) target(%dma_start3A_696 : memref<128xi32, #tpu.memory_space<vmem>>) target_semaphore(%arg15 : memref<!tpu.dma_semaphore, #tpu.memory_space<semaphore_mem>>)
      %dma_start3A_698 = arith.constant 1 : i32
      %dma_start3A_699 = arith.constant 0 : i32
      %dma_start3A_700 = tpu.memref_slice %arg8[%dma_start3A_698, %dma_start3A_699] : memref<4x128xi32, #tpu.memory_space<vmem>> -> memref<1x128xi32, #tpu.memory_space<vmem>>
      %dma_start3A_701 = tpu.memref_squeeze %dma_start3A_700 : memref<1x128xi32, #tpu.memory_space<vmem>> -> memref<128xi32, #tpu.memory_space<vmem>>
      %dma_start3A_702 = tpu.memref_slice %arg4[%mul3A_688] : memref<320000xi32, #tpu.memory_space<hbm>> -> memref<128xi32, #tpu.memory_space<hbm>>
      %dma_start3A_703 = arith.constant 0 : i32
      %dma_start3A_704 = tpu.memref_slice %arg8[%dma_start3A_698, %dma_start3A_703] : memref<4x128xi32, #tpu.memory_space<vmem>> -> memref<1x128xi32, #tpu.memory_space<vmem>>
      %dma_start3A_705 = tpu.memref_squeeze %dma_start3A_704 : memref<1x128xi32, #tpu.memory_space<vmem>> -> memref<128xi32, #tpu.memory_space<vmem>>
      %dma_start3A_706 = tpu.memref_slice %arg4[%mul3A_688] : memref<320000xi32, #tpu.memory_space<hbm>> -> memref<128xi32, #tpu.memory_space<hbm>>
      tpu.enqueue_dma source(%dma_start3A_706 : memref<128xi32, #tpu.memory_space<hbm>>) target(%dma_start3A_705 : memref<128xi32, #tpu.memory_space<vmem>>) target_semaphore(%arg15 : memref<!tpu.dma_semaphore, #tpu.memory_space<semaphore_mem>>)
      %add3A_707 = arith.constant 2 : i32
      %add3A_708 = arith.addi %mul3A_512, %add3A_707 : i32
      %dma_wait3A_709 = arith.constant 2 : i32
      %dma_wait3A_710 = arith.constant 0 : i32
      %dma_wait3A_711 = arith.constant 0 : i32
      %dma_wait3A_712 = arith.constant 0 : i32
      %dma_wait3A_713 = tpu.memref_slice %arg9[%dma_wait3A_710, %dma_wait3A_711, %dma_wait3A_712] : memref<2x128x128xf32, #tpu.memory_space<vmem>> -> memref<1x128x128xf32, #tpu.memory_space<vmem>>
      %dma_wait3A_714 = tpu.memref_squeeze %dma_wait3A_713 : memref<1x128x128xf32, #tpu.memory_space<vmem>> -> memref<128x128xf32, #tpu.memory_space<vmem>>
      %dma_wait3A_715 = arith.constant 0 : i32
      %dma_wait3A_716 = tpu.memref_slice %arg7[%dma_wait3A_709, %dma_wait3A_715] : memref<4x128xi32, #tpu.memory_space<vmem>> -> memref<1x128xi32, #tpu.memory_space<vmem>>
      %dma_wait3A_717 = tpu.memref_squeeze %dma_wait3A_716 : memref<1x128xi32, #tpu.memory_space<vmem>> -> memref<128xi32, #tpu.memory_space<vmem>>
      %dma_wait3A_718 = arith.constant 0 : i32
      %dma_wait3A_719 = arith.constant 0 : i32
      %dma_wait3A_720 = tpu.memref_slice %arg2[%dma_wait3A_718, %dma_wait3A_719] : memref<10240x128xf32, #tpu.memory_space<hbm>> -> memref<10240x128xf32, #tpu.memory_space<hbm>>
      tpu.wait_indirect_dma semaphore(%arg18 : memref<!tpu.dma_semaphore, #tpu.memory_space<semaphore_mem>>) src(%dma_wait3A_720 : memref<10240x128xf32, #tpu.memory_space<hbm>>) dst(%dma_wait3A_714 : memref<128x128xf32, #tpu.memory_space<vmem>>)
      %dma_start3A_721 = arith.constant 0 : i32
      %dma_start3A_722 = arith.constant 2 : i32
      %dma_start3A_723 = arith.constant 0 : i32
      %dma_start3A_724 = arith.constant 0 : i32
      %dma_start3A_725 = tpu.memref_slice %arg9[%dma_start3A_721, %dma_start3A_723, %dma_start3A_724] : memref<2x128x128xf32, #tpu.memory_space<vmem>> -> memref<1x128x128xf32, #tpu.memory_space<vmem>>
      %dma_start3A_726 = tpu.memref_squeeze %dma_start3A_725 : memref<1x128x128xf32, #tpu.memory_space<vmem>> -> memref<128x128xf32, #tpu.memory_space<vmem>>
      %dma_start3A_727 = arith.constant 0 : i32
      %dma_start3A_728 = tpu.memref_slice %arg8[%dma_start3A_722, %dma_start3A_727] : memref<4x128xi32, #tpu.memory_space<vmem>> -> memref<1x128xi32, #tpu.memory_space<vmem>>
      %dma_start3A_729 = tpu.memref_squeeze %dma_start3A_728 : memref<1x128xi32, #tpu.memory_space<vmem>> -> memref<128xi32, #tpu.memory_space<vmem>>
      %dma_start3A_730 = arith.constant 0 : i32
      %dma_start3A_731 = arith.constant 0 : i32
      %dma_start3A_732 = tpu.memref_slice %arg12[%dma_start3A_730, %dma_start3A_731] : memref<10240x128xf32, #tpu.memory_space<vmem_shared>> -> memref<10240x128xf32, #tpu.memory_space<vmem_shared>>
      tpu.enqueue_indirect_dma source(%dma_start3A_726 : memref<128x128xf32, #tpu.memory_space<vmem>>) target(%dma_start3A_732 : memref<10240x128xf32, #tpu.memory_space<vmem_shared>>) offsets(%dma_start3A_729 : memref<128xi32, #tpu.memory_space<vmem>>) semaphore(%arg20 : memref<!tpu.dma_semaphore, #tpu.memory_space<semaphore_mem>>) {add = true}
      %run_scoped3A_733 = arith.constant 2 : i32
      "tpu.region"() ({
        %run_scoped3A_901 = tpu.sem_alloc : memref<!tpu.dma_semaphore, #tpu.memory_space<semaphore_mem>>
        %dma_start3A_902 = arith.constant 0 : i32
        %dma_start3A_903 = tpu.memref_slice %arg8[%run_scoped3A_733, %dma_start3A_902] : memref<4x128xi32, #tpu.memory_space<vmem>> -> memref<1x128xi32, #tpu.memory_space<vmem>>
        %dma_start3A_904 = tpu.memref_squeeze %dma_start3A_903 : memref<1x128xi32, #tpu.memory_space<vmem>> -> memref<128xi32, #tpu.memory_space<vmem>>
        %dma_start3A_905 = arith.constant 0 : i32
        %dma_start3A_906 = tpu.memref_slice %arg13[%dma_start3A_905] : memref<10240xf32, #tpu.memory_space<vmem_shared>> -> memref<10240xf32, #tpu.memory_space<vmem_shared>>
        tpu.enqueue_indirect_dma source(%arg10 : memref<128xf32, #tpu.memory_space<vmem>>) target(%dma_start3A_906 : memref<10240xf32, #tpu.memory_space<vmem_shared>>) offsets(%dma_start3A_904 : memref<128xi32, #tpu.memory_space<vmem>>) semaphore(%run_scoped3A_901 : memref<!tpu.dma_semaphore, #tpu.memory_space<semaphore_mem>>) {add = true}
        %dma_wait3A_907 = arith.constant 0 : i32
        %dma_wait3A_908 = tpu.memref_slice %arg8[%run_scoped3A_733, %dma_wait3A_907] : memref<4x128xi32, #tpu.memory_space<vmem>> -> memref<1x128xi32, #tpu.memory_space<vmem>>
        %dma_wait3A_909 = tpu.memref_squeeze %dma_wait3A_908 : memref<1x128xi32, #tpu.memory_space<vmem>> -> memref<128xi32, #tpu.memory_space<vmem>>
        %dma_wait3A_910 = arith.constant 0 : i32
        %dma_wait3A_911 = tpu.memref_slice %arg13[%dma_wait3A_910] : memref<10240xf32, #tpu.memory_space<vmem_shared>> -> memref<10240xf32, #tpu.memory_space<vmem_shared>>
        tpu.wait_indirect_dma semaphore(%run_scoped3A_901 : memref<!tpu.dma_semaphore, #tpu.memory_space<semaphore_mem>>) src(%arg10 : memref<128xf32, #tpu.memory_space<vmem>>) dst(%dma_wait3A_911 : memref<10240xf32, #tpu.memory_space<vmem_shared>>)
        tpu.yield
      }) : () -> ()
      %add3A_734 = arith.constant 2 : i32
      %add3A_735 = arith.addi %add3A_708, %add3A_734 : i32
      %add3A_736 = arith.addi %mul3A_4, %add3A_735 : i32
      %mul3A_737 = arith.constant 128 : i32
      %mul3A_738 = arith.muli %add3A_736, %mul3A_737 : i32
      %dma_wait3A_739 = arith.constant 0 : i32
      %dma_wait3A_740 = arith.constant 0 : i32
      %dma_wait3A_741 = tpu.memref_slice %arg7[%dma_wait3A_739, %dma_wait3A_740] : memref<4x128xi32, #tpu.memory_space<vmem>> -> memref<1x128xi32, #tpu.memory_space<vmem>>
      %dma_wait3A_742 = tpu.memref_squeeze %dma_wait3A_741 : memref<1x128xi32, #tpu.memory_space<vmem>> -> memref<128xi32, #tpu.memory_space<vmem>>
      %dma_wait3A_743 = tpu.memref_slice %arg3[%mul3A_738] : memref<320000xi32, #tpu.memory_space<hbm>> -> memref<128xi32, #tpu.memory_space<hbm>>
      %dma_wait3A_744 = arith.constant 0 : i32
      %dma_wait3A_745 = tpu.memref_slice %arg7[%dma_wait3A_739, %dma_wait3A_744] : memref<4x128xi32, #tpu.memory_space<vmem>> -> memref<1x128xi32, #tpu.memory_space<vmem>>
      %dma_wait3A_746 = tpu.memref_squeeze %dma_wait3A_745 : memref<1x128xi32, #tpu.memory_space<vmem>> -> memref<128xi32, #tpu.memory_space<vmem>>
      %dma_wait3A_747 = tpu.memref_slice %arg3[%mul3A_738] : memref<320000xi32, #tpu.memory_space<hbm>> -> memref<128xi32, #tpu.memory_space<hbm>>
      tpu.wait_dma2 semaphore(%arg14 : memref<!tpu.dma_semaphore, #tpu.memory_space<semaphore_mem>>) src(%dma_wait3A_747 : memref<128xi32, #tpu.memory_space<hbm>>) dst(%dma_wait3A_746 : memref<128xi32, #tpu.memory_space<vmem>>)
      %dma_wait3A_748 = arith.constant 0 : i32
      %dma_wait3A_749 = arith.constant 0 : i32
      %dma_wait3A_750 = tpu.memref_slice %arg8[%dma_wait3A_748, %dma_wait3A_749] : memref<4x128xi32, #tpu.memory_space<vmem>> -> memref<1x128xi32, #tpu.memory_space<vmem>>
      %dma_wait3A_751 = tpu.memref_squeeze %dma_wait3A_750 : memref<1x128xi32, #tpu.memory_space<vmem>> -> memref<128xi32, #tpu.memory_space<vmem>>
      %dma_wait3A_752 = tpu.memref_slice %arg4[%mul3A_738] : memref<320000xi32, #tpu.memory_space<hbm>> -> memref<128xi32, #tpu.memory_space<hbm>>
      %dma_wait3A_753 = arith.constant 0 : i32
      %dma_wait3A_754 = tpu.memref_slice %arg8[%dma_wait3A_748, %dma_wait3A_753] : memref<4x128xi32, #tpu.memory_space<vmem>> -> memref<1x128xi32, #tpu.memory_space<vmem>>
      %dma_wait3A_755 = tpu.memref_squeeze %dma_wait3A_754 : memref<1x128xi32, #tpu.memory_space<vmem>> -> memref<128xi32, #tpu.memory_space<vmem>>
      %dma_wait3A_756 = tpu.memref_slice %arg4[%mul3A_738] : memref<320000xi32, #tpu.memory_space<hbm>> -> memref<128xi32, #tpu.memory_space<hbm>>
      tpu.wait_dma2 semaphore(%arg14 : memref<!tpu.dma_semaphore, #tpu.memory_space<semaphore_mem>>) src(%dma_wait3A_756 : memref<128xi32, #tpu.memory_space<hbm>>) dst(%dma_wait3A_755 : memref<128xi32, #tpu.memory_space<vmem>>)
      %dma_wait3A_757 = arith.constant 0 : i32
      %dma_wait3A_758 = arith.constant 2 : i32
      %dma_wait3A_759 = arith.constant 0 : i32
      %dma_wait3A_760 = arith.constant 0 : i32
      %dma_wait3A_761 = tpu.memref_slice %arg9[%dma_wait3A_757, %dma_wait3A_759, %dma_wait3A_760] : memref<2x128x128xf32, #tpu.memory_space<vmem>> -> memref<1x128x128xf32, #tpu.memory_space<vmem>>
      %dma_wait3A_762 = tpu.memref_squeeze %dma_wait3A_761 : memref<1x128x128xf32, #tpu.memory_space<vmem>> -> memref<128x128xf32, #tpu.memory_space<vmem>>
      %dma_wait3A_763 = arith.constant 0 : i32
      %dma_wait3A_764 = tpu.memref_slice %arg8[%dma_wait3A_758, %dma_wait3A_763] : memref<4x128xi32, #tpu.memory_space<vmem>> -> memref<1x128xi32, #tpu.memory_space<vmem>>
      %dma_wait3A_765 = tpu.memref_squeeze %dma_wait3A_764 : memref<1x128xi32, #tpu.memory_space<vmem>> -> memref<128xi32, #tpu.memory_space<vmem>>
      %dma_wait3A_766 = arith.constant 0 : i32
      %dma_wait3A_767 = arith.constant 0 : i32
      %dma_wait3A_768 = tpu.memref_slice %arg12[%dma_wait3A_766, %dma_wait3A_767] : memref<10240x128xf32, #tpu.memory_space<vmem_shared>> -> memref<10240x128xf32, #tpu.memory_space<vmem_shared>>
      tpu.wait_indirect_dma semaphore(%arg20 : memref<!tpu.dma_semaphore, #tpu.memory_space<semaphore_mem>>) src(%dma_wait3A_762 : memref<128x128xf32, #tpu.memory_space<vmem>>) dst(%dma_wait3A_768 : memref<10240x128xf32, #tpu.memory_space<vmem_shared>>)
      %dma_start3A_769 = arith.constant 0 : i32
      %dma_start3A_770 = arith.constant 0 : i32
      %dma_start3A_771 = arith.constant 0 : i32
      %dma_start3A_772 = arith.constant 0 : i32
      %dma_start3A_773 = tpu.memref_slice %arg9[%dma_start3A_770, %dma_start3A_771, %dma_start3A_772] : memref<2x128x128xf32, #tpu.memory_space<vmem>> -> memref<1x128x128xf32, #tpu.memory_space<vmem>>
      %dma_start3A_774 = tpu.memref_squeeze %dma_start3A_773 : memref<1x128x128xf32, #tpu.memory_space<vmem>> -> memref<128x128xf32, #tpu.memory_space<vmem>>
      %dma_start3A_775 = arith.constant 0 : i32
      %dma_start3A_776 = tpu.memref_slice %arg7[%dma_start3A_769, %dma_start3A_775] : memref<4x128xi32, #tpu.memory_space<vmem>> -> memref<1x128xi32, #tpu.memory_space<vmem>>
      %dma_start3A_777 = tpu.memref_squeeze %dma_start3A_776 : memref<1x128xi32, #tpu.memory_space<vmem>> -> memref<128xi32, #tpu.memory_space<vmem>>
      %dma_start3A_778 = arith.constant 0 : i32
      %dma_start3A_779 = arith.constant 0 : i32
      %dma_start3A_780 = tpu.memref_slice %arg2[%dma_start3A_778, %dma_start3A_779] : memref<10240x128xf32, #tpu.memory_space<hbm>> -> memref<10240x128xf32, #tpu.memory_space<hbm>>
      tpu.enqueue_indirect_dma source(%dma_start3A_780 : memref<10240x128xf32, #tpu.memory_space<hbm>>) target(%dma_start3A_774 : memref<128x128xf32, #tpu.memory_space<vmem>>) offsets(%dma_start3A_777 : memref<128xi32, #tpu.memory_space<vmem>>) semaphore(%arg18 : memref<!tpu.dma_semaphore, #tpu.memory_space<semaphore_mem>>)
      %add3A_781 = arith.constant 4 : i32
      %add3A_782 = arith.addi %add3A_708, %add3A_781 : i32
      %add3A_783 = arith.addi %mul3A_4, %add3A_782 : i32
      %mul3A_784 = arith.constant 128 : i32
      %mul3A_785 = arith.muli %add3A_783, %mul3A_784 : i32
      %dma_start3A_786 = arith.constant 2 : i32
      %dma_start3A_787 = arith.constant 0 : i32
      %dma_start3A_788 = tpu.memref_slice %arg7[%dma_start3A_786, %dma_start3A_787] : memref<4x128xi32, #tpu.memory_space<vmem>> -> memref<1x128xi32, #tpu.memory_space<vmem>>
      %dma_start3A_789 = tpu.memref_squeeze %dma_start3A_788 : memref<1x128xi32, #tpu.memory_space<vmem>> -> memref<128xi32, #tpu.memory_space<vmem>>
      %dma_start3A_790 = tpu.memref_slice %arg3[%mul3A_785] : memref<320000xi32, #tpu.memory_space<hbm>> -> memref<128xi32, #tpu.memory_space<hbm>>
      %dma_start3A_791 = arith.constant 0 : i32
      %dma_start3A_792 = tpu.memref_slice %arg7[%dma_start3A_786, %dma_start3A_791] : memref<4x128xi32, #tpu.memory_space<vmem>> -> memref<1x128xi32, #tpu.memory_space<vmem>>
      %dma_start3A_793 = tpu.memref_squeeze %dma_start3A_792 : memref<1x128xi32, #tpu.memory_space<vmem>> -> memref<128xi32, #tpu.memory_space<vmem>>
      %dma_start3A_794 = tpu.memref_slice %arg3[%mul3A_785] : memref<320000xi32, #tpu.memory_space<hbm>> -> memref<128xi32, #tpu.memory_space<hbm>>
      tpu.enqueue_dma source(%dma_start3A_794 : memref<128xi32, #tpu.memory_space<hbm>>) target(%dma_start3A_793 : memref<128xi32, #tpu.memory_space<vmem>>) target_semaphore(%arg16 : memref<!tpu.dma_semaphore, #tpu.memory_space<semaphore_mem>>)
      %dma_start3A_795 = arith.constant 2 : i32
      %dma_start3A_796 = arith.constant 0 : i32
      %dma_start3A_797 = tpu.memref_slice %arg8[%dma_start3A_795, %dma_start3A_796] : memref<4x128xi32, #tpu.memory_space<vmem>> -> memref<1x128xi32, #tpu.memory_space<vmem>>
      %dma_start3A_798 = tpu.memref_squeeze %dma_start3A_797 : memref<1x128xi32, #tpu.memory_space<vmem>> -> memref<128xi32, #tpu.memory_space<vmem>>
      %dma_start3A_799 = tpu.memref_slice %arg4[%mul3A_785] : memref<320000xi32, #tpu.memory_space<hbm>> -> memref<128xi32, #tpu.memory_space<hbm>>
      %dma_start3A_800 = arith.constant 0 : i32
      %dma_start3A_801 = tpu.memref_slice %arg8[%dma_start3A_795, %dma_start3A_800] : memref<4x128xi32, #tpu.memory_space<vmem>> -> memref<1x128xi32, #tpu.memory_space<vmem>>
      %dma_start3A_802 = tpu.memref_squeeze %dma_start3A_801 : memref<1x128xi32, #tpu.memory_space<vmem>> -> memref<128xi32, #tpu.memory_space<vmem>>
      %dma_start3A_803 = tpu.memref_slice %arg4[%mul3A_785] : memref<320000xi32, #tpu.memory_space<hbm>> -> memref<128xi32, #tpu.memory_space<hbm>>
      tpu.enqueue_dma source(%dma_start3A_803 : memref<128xi32, #tpu.memory_space<hbm>>) target(%dma_start3A_802 : memref<128xi32, #tpu.memory_space<vmem>>) target_semaphore(%arg16 : memref<!tpu.dma_semaphore, #tpu.memory_space<semaphore_mem>>)
      %add3A_804 = arith.constant 3 : i32
      %add3A_805 = arith.addi %mul3A_512, %add3A_804 : i32
      %dma_wait3A_806 = arith.constant 3 : i32
      %dma_wait3A_807 = arith.constant 1 : i32
      %dma_wait3A_808 = arith.constant 0 : i32
      %dma_wait3A_809 = arith.constant 0 : i32
      %dma_wait3A_810 = tpu.memref_slice %arg9[%dma_wait3A_807, %dma_wait3A_808, %dma_wait3A_809] : memref<2x128x128xf32, #tpu.memory_space<vmem>> -> memref<1x128x128xf32, #tpu.memory_space<vmem>>
      %dma_wait3A_811 = tpu.memref_squeeze %dma_wait3A_810 : memref<1x128x128xf32, #tpu.memory_space<vmem>> -> memref<128x128xf32, #tpu.memory_space<vmem>>
      %dma_wait3A_812 = arith.constant 0 : i32
      %dma_wait3A_813 = tpu.memref_slice %arg7[%dma_wait3A_806, %dma_wait3A_812] : memref<4x128xi32, #tpu.memory_space<vmem>> -> memref<1x128xi32, #tpu.memory_space<vmem>>
      %dma_wait3A_814 = tpu.memref_squeeze %dma_wait3A_813 : memref<1x128xi32, #tpu.memory_space<vmem>> -> memref<128xi32, #tpu.memory_space<vmem>>
      %dma_wait3A_815 = arith.constant 0 : i32
      %dma_wait3A_816 = arith.constant 0 : i32
      %dma_wait3A_817 = tpu.memref_slice %arg2[%dma_wait3A_815, %dma_wait3A_816] : memref<10240x128xf32, #tpu.memory_space<hbm>> -> memref<10240x128xf32, #tpu.memory_space<hbm>>
      tpu.wait_indirect_dma semaphore(%arg19 : memref<!tpu.dma_semaphore, #tpu.memory_space<semaphore_mem>>) src(%dma_wait3A_817 : memref<10240x128xf32, #tpu.memory_space<hbm>>) dst(%dma_wait3A_811 : memref<128x128xf32, #tpu.memory_space<vmem>>)
      %dma_start3A_818 = arith.constant 1 : i32
      %dma_start3A_819 = arith.constant 3 : i32
      %dma_start3A_820 = arith.constant 0 : i32
      %dma_start3A_821 = arith.constant 0 : i32
      %dma_start3A_822 = tpu.memref_slice %arg9[%dma_start3A_818, %dma_start3A_820, %dma_start3A_821] : memref<2x128x128xf32, #tpu.memory_space<vmem>> -> memref<1x128x128xf32, #tpu.memory_space<vmem>>
      %dma_start3A_823 = tpu.memref_squeeze %dma_start3A_822 : memref<1x128x128xf32, #tpu.memory_space<vmem>> -> memref<128x128xf32, #tpu.memory_space<vmem>>
      %dma_start3A_824 = arith.constant 0 : i32
      %dma_start3A_825 = tpu.memref_slice %arg8[%dma_start3A_819, %dma_start3A_824] : memref<4x128xi32, #tpu.memory_space<vmem>> -> memref<1x128xi32, #tpu.memory_space<vmem>>
      %dma_start3A_826 = tpu.memref_squeeze %dma_start3A_825 : memref<1x128xi32, #tpu.memory_space<vmem>> -> memref<128xi32, #tpu.memory_space<vmem>>
      %dma_start3A_827 = arith.constant 0 : i32
      %dma_start3A_828 = arith.constant 0 : i32
      %dma_start3A_829 = tpu.memref_slice %arg12[%dma_start3A_827, %dma_start3A_828] : memref<10240x128xf32, #tpu.memory_space<vmem_shared>> -> memref<10240x128xf32, #tpu.memory_space<vmem_shared>>
      tpu.enqueue_indirect_dma source(%dma_start3A_823 : memref<128x128xf32, #tpu.memory_space<vmem>>) target(%dma_start3A_829 : memref<10240x128xf32, #tpu.memory_space<vmem_shared>>) offsets(%dma_start3A_826 : memref<128xi32, #tpu.memory_space<vmem>>) semaphore(%arg21 : memref<!tpu.dma_semaphore, #tpu.memory_space<semaphore_mem>>) {add = true}
      %run_scoped3A_830 = arith.constant 3 : i32
      "tpu.region"() ({
        %run_scoped3A_901 = tpu.sem_alloc : memref<!tpu.dma_semaphore, #tpu.memory_space<semaphore_mem>>
        %dma_start3A_902 = arith.constant 0 : i32
        %dma_start3A_903 = tpu.memref_slice %arg8[%run_scoped3A_830, %dma_start3A_902] : memref<4x128xi32, #tpu.memory_space<vmem>> -> memref<1x128xi32, #tpu.memory_space<vmem>>
        %dma_start3A_904 = tpu.memref_squeeze %dma_start3A_903 : memref<1x128xi32, #tpu.memory_space<vmem>> -> memref<128xi32, #tpu.memory_space<vmem>>
        %dma_start3A_905 = arith.constant 0 : i32
        %dma_start3A_906 = tpu.memref_slice %arg13[%dma_start3A_905] : memref<10240xf32, #tpu.memory_space<vmem_shared>> -> memref<10240xf32, #tpu.memory_space<vmem_shared>>
        tpu.enqueue_indirect_dma source(%arg10 : memref<128xf32, #tpu.memory_space<vmem>>) target(%dma_start3A_906 : memref<10240xf32, #tpu.memory_space<vmem_shared>>) offsets(%dma_start3A_904 : memref<128xi32, #tpu.memory_space<vmem>>) semaphore(%run_scoped3A_901 : memref<!tpu.dma_semaphore, #tpu.memory_space<semaphore_mem>>) {add = true}
        %dma_wait3A_907 = arith.constant 0 : i32
        %dma_wait3A_908 = tpu.memref_slice %arg8[%run_scoped3A_830, %dma_wait3A_907] : memref<4x128xi32, #tpu.memory_space<vmem>> -> memref<1x128xi32, #tpu.memory_space<vmem>>
        %dma_wait3A_909 = tpu.memref_squeeze %dma_wait3A_908 : memref<1x128xi32, #tpu.memory_space<vmem>> -> memref<128xi32, #tpu.memory_space<vmem>>
        %dma_wait3A_910 = arith.constant 0 : i32
        %dma_wait3A_911 = tpu.memref_slice %arg13[%dma_wait3A_910] : memref<10240xf32, #tpu.memory_space<vmem_shared>> -> memref<10240xf32, #tpu.memory_space<vmem_shared>>
        tpu.wait_indirect_dma semaphore(%run_scoped3A_901 : memref<!tpu.dma_semaphore, #tpu.memory_space<semaphore_mem>>) src(%arg10 : memref<128xf32, #tpu.memory_space<vmem>>) dst(%dma_wait3A_911 : memref<10240xf32, #tpu.memory_space<vmem_shared>>)
        tpu.yield
      }) : () -> ()
      %add3A_831 = arith.constant 2 : i32
      %add3A_832 = arith.addi %add3A_805, %add3A_831 : i32
      %add3A_833 = arith.addi %mul3A_4, %add3A_832 : i32
      %mul3A_834 = arith.constant 128 : i32
      %mul3A_835 = arith.muli %add3A_833, %mul3A_834 : i32
      %dma_wait3A_836 = arith.constant 1 : i32
      %dma_wait3A_837 = arith.constant 0 : i32
      %dma_wait3A_838 = tpu.memref_slice %arg7[%dma_wait3A_836, %dma_wait3A_837] : memref<4x128xi32, #tpu.memory_space<vmem>> -> memref<1x128xi32, #tpu.memory_space<vmem>>
      %dma_wait3A_839 = tpu.memref_squeeze %dma_wait3A_838 : memref<1x128xi32, #tpu.memory_space<vmem>> -> memref<128xi32, #tpu.memory_space<vmem>>
      %dma_wait3A_840 = tpu.memref_slice %arg3[%mul3A_835] : memref<320000xi32, #tpu.memory_space<hbm>> -> memref<128xi32, #tpu.memory_space<hbm>>
      %dma_wait3A_841 = arith.constant 0 : i32
      %dma_wait3A_842 = tpu.memref_slice %arg7[%dma_wait3A_836, %dma_wait3A_841] : memref<4x128xi32, #tpu.memory_space<vmem>> -> memref<1x128xi32, #tpu.memory_space<vmem>>
      %dma_wait3A_843 = tpu.memref_squeeze %dma_wait3A_842 : memref<1x128xi32, #tpu.memory_space<vmem>> -> memref<128xi32, #tpu.memory_space<vmem>>
      %dma_wait3A_844 = tpu.memref_slice %arg3[%mul3A_835] : memref<320000xi32, #tpu.memory_space<hbm>> -> memref<128xi32, #tpu.memory_space<hbm>>
      tpu.wait_dma2 semaphore(%arg15 : memref<!tpu.dma_semaphore, #tpu.memory_space<semaphore_mem>>) src(%dma_wait3A_844 : memref<128xi32, #tpu.memory_space<hbm>>) dst(%dma_wait3A_843 : memref<128xi32, #tpu.memory_space<vmem>>)
      %dma_wait3A_845 = arith.constant 1 : i32
      %dma_wait3A_846 = arith.constant 0 : i32
      %dma_wait3A_847 = tpu.memref_slice %arg8[%dma_wait3A_845, %dma_wait3A_846] : memref<4x128xi32, #tpu.memory_space<vmem>> -> memref<1x128xi32, #tpu.memory_space<vmem>>
      %dma_wait3A_848 = tpu.memref_squeeze %dma_wait3A_847 : memref<1x128xi32, #tpu.memory_space<vmem>> -> memref<128xi32, #tpu.memory_space<vmem>>
      %dma_wait3A_849 = tpu.memref_slice %arg4[%mul3A_835] : memref<320000xi32, #tpu.memory_space<hbm>> -> memref<128xi32, #tpu.memory_space<hbm>>
      %dma_wait3A_850 = arith.constant 0 : i32
      %dma_wait3A_851 = tpu.memref_slice %arg8[%dma_wait3A_845, %dma_wait3A_850] : memref<4x128xi32, #tpu.memory_space<vmem>> -> memref<1x128xi32, #tpu.memory_space<vmem>>
      %dma_wait3A_852 = tpu.memref_squeeze %dma_wait3A_851 : memref<1x128xi32, #tpu.memory_space<vmem>> -> memref<128xi32, #tpu.memory_space<vmem>>
      %dma_wait3A_853 = tpu.memref_slice %arg4[%mul3A_835] : memref<320000xi32, #tpu.memory_space<hbm>> -> memref<128xi32, #tpu.memory_space<hbm>>
      tpu.wait_dma2 semaphore(%arg15 : memref<!tpu.dma_semaphore, #tpu.memory_space<semaphore_mem>>) src(%dma_wait3A_853 : memref<128xi32, #tpu.memory_space<hbm>>) dst(%dma_wait3A_852 : memref<128xi32, #tpu.memory_space<vmem>>)
      %dma_wait3A_854 = arith.constant 1 : i32
      %dma_wait3A_855 = arith.constant 3 : i32
      %dma_wait3A_856 = arith.constant 0 : i32
      %dma_wait3A_857 = arith.constant 0 : i32
      %dma_wait3A_858 = tpu.memref_slice %arg9[%dma_wait3A_854, %dma_wait3A_856, %dma_wait3A_857] : memref<2x128x128xf32, #tpu.memory_space<vmem>> -> memref<1x128x128xf32, #tpu.memory_space<vmem>>
      %dma_wait3A_859 = tpu.memref_squeeze %dma_wait3A_858 : memref<1x128x128xf32, #tpu.memory_space<vmem>> -> memref<128x128xf32, #tpu.memory_space<vmem>>
      %dma_wait3A_860 = arith.constant 0 : i32
      %dma_wait3A_861 = tpu.memref_slice %arg8[%dma_wait3A_855, %dma_wait3A_860] : memref<4x128xi32, #tpu.memory_space<vmem>> -> memref<1x128xi32, #tpu.memory_space<vmem>>
      %dma_wait3A_862 = tpu.memref_squeeze %dma_wait3A_861 : memref<1x128xi32, #tpu.memory_space<vmem>> -> memref<128xi32, #tpu.memory_space<vmem>>
      %dma_wait3A_863 = arith.constant 0 : i32
      %dma_wait3A_864 = arith.constant 0 : i32
      %dma_wait3A_865 = tpu.memref_slice %arg12[%dma_wait3A_863, %dma_wait3A_864] : memref<10240x128xf32, #tpu.memory_space<vmem_shared>> -> memref<10240x128xf32, #tpu.memory_space<vmem_shared>>
      tpu.wait_indirect_dma semaphore(%arg21 : memref<!tpu.dma_semaphore, #tpu.memory_space<semaphore_mem>>) src(%dma_wait3A_859 : memref<128x128xf32, #tpu.memory_space<vmem>>) dst(%dma_wait3A_865 : memref<10240x128xf32, #tpu.memory_space<vmem_shared>>)
      %dma_start3A_866 = arith.constant 1 : i32
      %dma_start3A_867 = arith.constant 1 : i32
      %dma_start3A_868 = arith.constant 0 : i32
      %dma_start3A_869 = arith.constant 0 : i32
      %dma_start3A_870 = tpu.memref_slice %arg9[%dma_start3A_867, %dma_start3A_868, %dma_start3A_869] : memref<2x128x128xf32, #tpu.memory_space<vmem>> -> memref<1x128x128xf32, #tpu.memory_space<vmem>>
      %dma_start3A_871 = tpu.memref_squeeze %dma_start3A_870 : memref<1x128x128xf32, #tpu.memory_space<vmem>> -> memref<128x128xf32, #tpu.memory_space<vmem>>
      %dma_start3A_872 = arith.constant 0 : i32
      %dma_start3A_873 = tpu.memref_slice %arg7[%dma_start3A_866, %dma_start3A_872] : memref<4x128xi32, #tpu.memory_space<vmem>> -> memref<1x128xi32, #tpu.memory_space<vmem>>
      %dma_start3A_874 = tpu.memref_squeeze %dma_start3A_873 : memref<1x128xi32, #tpu.memory_space<vmem>> -> memref<128xi32, #tpu.memory_space<vmem>>
      %dma_start3A_875 = arith.constant 0 : i32
      %dma_start3A_876 = arith.constant 0 : i32
      %dma_start3A_877 = tpu.memref_slice %arg2[%dma_start3A_875, %dma_start3A_876] : memref<10240x128xf32, #tpu.memory_space<hbm>> -> memref<10240x128xf32, #tpu.memory_space<hbm>>
      tpu.enqueue_indirect_dma source(%dma_start3A_877 : memref<10240x128xf32, #tpu.memory_space<hbm>>) target(%dma_start3A_871 : memref<128x128xf32, #tpu.memory_space<vmem>>) offsets(%dma_start3A_874 : memref<128xi32, #tpu.memory_space<vmem>>) semaphore(%arg19 : memref<!tpu.dma_semaphore, #tpu.memory_space<semaphore_mem>>)
      %add3A_878 = arith.constant 4 : i32
      %add3A_879 = arith.addi %add3A_805, %add3A_878 : i32
      %add3A_880 = arith.addi %mul3A_4, %add3A_879 : i32
      %mul3A_881 = arith.constant 128 : i32
      %mul3A_882 = arith.muli %add3A_880, %mul3A_881 : i32
      %dma_start3A_883 = arith.constant 3 : i32
      %dma_start3A_884 = arith.constant 0 : i32
      %dma_start3A_885 = tpu.memref_slice %arg7[%dma_start3A_883, %dma_start3A_884] : memref<4x128xi32, #tpu.memory_space<vmem>> -> memref<1x128xi32, #tpu.memory_space<vmem>>
      %dma_start3A_886 = tpu.memref_squeeze %dma_start3A_885 : memref<1x128xi32, #tpu.memory_space<vmem>> -> memref<128xi32, #tpu.memory_space<vmem>>
      %dma_start3A_887 = tpu.memref_slice %arg3[%mul3A_882] : memref<320000xi32, #tpu.memory_space<hbm>> -> memref<128xi32, #tpu.memory_space<hbm>>
      %dma_start3A_888 = arith.constant 0 : i32
      %dma_start3A_889 = tpu.memref_slice %arg7[%dma_start3A_883, %dma_start3A_888] : memref<4x128xi32, #tpu.memory_space<vmem>> -> memref<1x128xi32, #tpu.memory_space<vmem>>
      %dma_start3A_890 = tpu.memref_squeeze %dma_start3A_889 : memref<1x128xi32, #tpu.memory_space<vmem>> -> memref<128xi32, #tpu.memory_space<vmem>>
      %dma_start3A_891 = tpu.memref_slice %arg3[%mul3A_882] : memref<320000xi32, #tpu.memory_space<hbm>> -> memref<128xi32, #tpu.memory_space<hbm>>
      tpu.enqueue_dma source(%dma_start3A_891 : memref<128xi32, #tpu.memory_space<hbm>>) target(%dma_start3A_890 : memref<128xi32, #tpu.memory_space<vmem>>) target_semaphore(%arg17 : memref<!tpu.dma_semaphore, #tpu.memory_space<semaphore_mem>>)
      %dma_start3A_892 = arith.constant 3 : i32
      %dma_start3A_893 = arith.constant 0 : i32
      %dma_start3A_894 = tpu.memref_slice %arg8[%dma_start3A_892, %dma_start3A_893] : memref<4x128xi32, #tpu.memory_space<vmem>> -> memref<1x128xi32, #tpu.memory_space<vmem>>
      %dma_start3A_895 = tpu.memref_squeeze %dma_start3A_894 : memref<1x128xi32, #tpu.memory_space<vmem>> -> memref<128xi32, #tpu.memory_space<vmem>>
      %dma_start3A_896 = tpu.memref_slice %arg4[%mul3A_882] : memref<320000xi32, #tpu.memory_space<hbm>> -> memref<128xi32, #tpu.memory_space<hbm>>
      %dma_start3A_897 = arith.constant 0 : i32
      %dma_start3A_898 = tpu.memref_slice %arg8[%dma_start3A_892, %dma_start3A_897] : memref<4x128xi32, #tpu.memory_space<vmem>> -> memref<1x128xi32, #tpu.memory_space<vmem>>
      %dma_start3A_899 = tpu.memref_squeeze %dma_start3A_898 : memref<1x128xi32, #tpu.memory_space<vmem>> -> memref<128xi32, #tpu.memory_space<vmem>>
      %dma_start3A_900 = tpu.memref_slice %arg4[%mul3A_882] : memref<320000xi32, #tpu.memory_space<hbm>> -> memref<128xi32, #tpu.memory_space<hbm>>
      tpu.enqueue_dma source(%dma_start3A_900 : memref<128xi32, #tpu.memory_space<hbm>>) target(%dma_start3A_899 : memref<128xi32, #tpu.memory_space<vmem>>) target_semaphore(%arg17 : memref<!tpu.dma_semaphore, #tpu.memory_space<semaphore_mem>>)
    }
    %sub3A_273 = arith.constant 4 : i32
    %sub3A_274 = arith.subi %select_n3A, %sub3A_273 : i32
    %add3A_275 = arith.constant 0 : i32
    %add3A_276 = arith.addi %sub3A_274, %add3A_275 : i32
    %dma_wait3A_277 = arith.constant 0 : i32
    %dma_wait3A_278 = arith.constant 0 : i32
    %dma_wait3A_279 = arith.constant 0 : i32
    %dma_wait3A_280 = arith.constant 0 : i32
    %dma_wait3A_281 = tpu.memref_slice %arg9[%dma_wait3A_278, %dma_wait3A_279, %dma_wait3A_280] : memref<2x128x128xf32, #tpu.memory_space<vmem>> -> memref<1x128x128xf32, #tpu.memory_space<vmem>>
    %dma_wait3A_282 = tpu.memref_squeeze %dma_wait3A_281 : memref<1x128x128xf32, #tpu.memory_space<vmem>> -> memref<128x128xf32, #tpu.memory_space<vmem>>
    %dma_wait3A_283 = arith.constant 0 : i32
    %dma_wait3A_284 = tpu.memref_slice %arg7[%dma_wait3A_277, %dma_wait3A_283] : memref<4x128xi32, #tpu.memory_space<vmem>> -> memref<1x128xi32, #tpu.memory_space<vmem>>
    %dma_wait3A_285 = tpu.memref_squeeze %dma_wait3A_284 : memref<1x128xi32, #tpu.memory_space<vmem>> -> memref<128xi32, #tpu.memory_space<vmem>>
    %dma_wait3A_286 = arith.constant 0 : i32
    %dma_wait3A_287 = arith.constant 0 : i32
    %dma_wait3A_288 = tpu.memref_slice %arg2[%dma_wait3A_286, %dma_wait3A_287] : memref<10240x128xf32, #tpu.memory_space<hbm>> -> memref<10240x128xf32, #tpu.memory_space<hbm>>
    tpu.wait_indirect_dma semaphore(%arg18 : memref<!tpu.dma_semaphore, #tpu.memory_space<semaphore_mem>>) src(%dma_wait3A_288 : memref<10240x128xf32, #tpu.memory_space<hbm>>) dst(%dma_wait3A_282 : memref<128x128xf32, #tpu.memory_space<vmem>>)
    %dma_start3A_289 = arith.constant 0 : i32
    %dma_start3A_290 = arith.constant 0 : i32
    %dma_start3A_291 = arith.constant 0 : i32
    %dma_start3A_292 = arith.constant 0 : i32
    %dma_start3A_293 = tpu.memref_slice %arg9[%dma_start3A_289, %dma_start3A_291, %dma_start3A_292] : memref<2x128x128xf32, #tpu.memory_space<vmem>> -> memref<1x128x128xf32, #tpu.memory_space<vmem>>
    %dma_start3A_294 = tpu.memref_squeeze %dma_start3A_293 : memref<1x128x128xf32, #tpu.memory_space<vmem>> -> memref<128x128xf32, #tpu.memory_space<vmem>>
    %dma_start3A_295 = arith.constant 0 : i32
    %dma_start3A_296 = tpu.memref_slice %arg8[%dma_start3A_290, %dma_start3A_295] : memref<4x128xi32, #tpu.memory_space<vmem>> -> memref<1x128xi32, #tpu.memory_space<vmem>>
    %dma_start3A_297 = tpu.memref_squeeze %dma_start3A_296 : memref<1x128xi32, #tpu.memory_space<vmem>> -> memref<128xi32, #tpu.memory_space<vmem>>
    %dma_start3A_298 = arith.constant 0 : i32
    %dma_start3A_299 = arith.constant 0 : i32
    %dma_start3A_300 = tpu.memref_slice %arg12[%dma_start3A_298, %dma_start3A_299] : memref<10240x128xf32, #tpu.memory_space<vmem_shared>> -> memref<10240x128xf32, #tpu.memory_space<vmem_shared>>
    tpu.enqueue_indirect_dma source(%dma_start3A_294 : memref<128x128xf32, #tpu.memory_space<vmem>>) target(%dma_start3A_300 : memref<10240x128xf32, #tpu.memory_space<vmem_shared>>) offsets(%dma_start3A_297 : memref<128xi32, #tpu.memory_space<vmem>>) semaphore(%arg20 : memref<!tpu.dma_semaphore, #tpu.memory_space<semaphore_mem>>) {add = true}
    %run_scoped3A_301 = arith.constant 0 : i32
    "tpu.region"() ({
      %run_scoped3A_510 = tpu.sem_alloc : memref<!tpu.dma_semaphore, #tpu.memory_space<semaphore_mem>>
      %dma_start3A_511 = arith.constant 0 : i32
      %dma_start3A_512 = tpu.memref_slice %arg8[%run_scoped3A_301, %dma_start3A_511] : memref<4x128xi32, #tpu.memory_space<vmem>> -> memref<1x128xi32, #tpu.memory_space<vmem>>
      %dma_start3A_513 = tpu.memref_squeeze %dma_start3A_512 : memref<1x128xi32, #tpu.memory_space<vmem>> -> memref<128xi32, #tpu.memory_space<vmem>>
      %dma_start3A_514 = arith.constant 0 : i32
      %dma_start3A_515 = tpu.memref_slice %arg13[%dma_start3A_514] : memref<10240xf32, #tpu.memory_space<vmem_shared>> -> memref<10240xf32, #tpu.memory_space<vmem_shared>>
      tpu.enqueue_indirect_dma source(%arg10 : memref<128xf32, #tpu.memory_space<vmem>>) target(%dma_start3A_515 : memref<10240xf32, #tpu.memory_space<vmem_shared>>) offsets(%dma_start3A_513 : memref<128xi32, #tpu.memory_space<vmem>>) semaphore(%run_scoped3A_510 : memref<!tpu.dma_semaphore, #tpu.memory_space<semaphore_mem>>) {add = true}
      %dma_wait3A_516 = arith.constant 0 : i32
      %dma_wait3A_517 = tpu.memref_slice %arg8[%run_scoped3A_301, %dma_wait3A_516] : memref<4x128xi32, #tpu.memory_space<vmem>> -> memref<1x128xi32, #tpu.memory_space<vmem>>
      %dma_wait3A_518 = tpu.memref_squeeze %dma_wait3A_517 : memref<1x128xi32, #tpu.memory_space<vmem>> -> memref<128xi32, #tpu.memory_space<vmem>>
      %dma_wait3A_519 = arith.constant 0 : i32
      %dma_wait3A_520 = tpu.memref_slice %arg13[%dma_wait3A_519] : memref<10240xf32, #tpu.memory_space<vmem_shared>> -> memref<10240xf32, #tpu.memory_space<vmem_shared>>
      tpu.wait_indirect_dma semaphore(%run_scoped3A_510 : memref<!tpu.dma_semaphore, #tpu.memory_space<semaphore_mem>>) src(%arg10 : memref<128xf32, #tpu.memory_space<vmem>>) dst(%dma_wait3A_520 : memref<10240xf32, #tpu.memory_space<vmem_shared>>)
      tpu.yield
    }) : () -> ()
    %add3A_302 = arith.constant 2 : i32
    %add3A_303 = arith.addi %add3A_276, %add3A_302 : i32
    %add3A_304 = arith.addi %mul3A_4, %add3A_303 : i32
    %mul3A_305 = arith.constant 128 : i32
    %mul3A_306 = arith.muli %add3A_304, %mul3A_305 : i32
    %dma_wait3A_307 = arith.constant 2 : i32
    %dma_wait3A_308 = arith.constant 0 : i32
    %dma_wait3A_309 = tpu.memref_slice %arg7[%dma_wait3A_307, %dma_wait3A_308] : memref<4x128xi32, #tpu.memory_space<vmem>> -> memref<1x128xi32, #tpu.memory_space<vmem>>
    %dma_wait3A_310 = tpu.memref_squeeze %dma_wait3A_309 : memref<1x128xi32, #tpu.memory_space<vmem>> -> memref<128xi32, #tpu.memory_space<vmem>>
    %dma_wait3A_311 = tpu.memref_slice %arg3[%mul3A_306] : memref<320000xi32, #tpu.memory_space<hbm>> -> memref<128xi32, #tpu.memory_space<hbm>>
    %dma_wait3A_312 = arith.constant 0 : i32
    %dma_wait3A_313 = tpu.memref_slice %arg7[%dma_wait3A_307, %dma_wait3A_312] : memref<4x128xi32, #tpu.memory_space<vmem>> -> memref<1x128xi32, #tpu.memory_space<vmem>>
    %dma_wait3A_314 = tpu.memref_squeeze %dma_wait3A_313 : memref<1x128xi32, #tpu.memory_space<vmem>> -> memref<128xi32, #tpu.memory_space<vmem>>
    %dma_wait3A_315 = tpu.memref_slice %arg3[%mul3A_306] : memref<320000xi32, #tpu.memory_space<hbm>> -> memref<128xi32, #tpu.memory_space<hbm>>
    tpu.wait_dma2 semaphore(%arg16 : memref<!tpu.dma_semaphore, #tpu.memory_space<semaphore_mem>>) src(%dma_wait3A_315 : memref<128xi32, #tpu.memory_space<hbm>>) dst(%dma_wait3A_314 : memref<128xi32, #tpu.memory_space<vmem>>)
    %dma_wait3A_316 = arith.constant 2 : i32
    %dma_wait3A_317 = arith.constant 0 : i32
    %dma_wait3A_318 = tpu.memref_slice %arg8[%dma_wait3A_316, %dma_wait3A_317] : memref<4x128xi32, #tpu.memory_space<vmem>> -> memref<1x128xi32, #tpu.memory_space<vmem>>
    %dma_wait3A_319 = tpu.memref_squeeze %dma_wait3A_318 : memref<1x128xi32, #tpu.memory_space<vmem>> -> memref<128xi32, #tpu.memory_space<vmem>>
    %dma_wait3A_320 = tpu.memref_slice %arg4[%mul3A_306] : memref<320000xi32, #tpu.memory_space<hbm>> -> memref<128xi32, #tpu.memory_space<hbm>>
    %dma_wait3A_321 = arith.constant 0 : i32
    %dma_wait3A_322 = tpu.memref_slice %arg8[%dma_wait3A_316, %dma_wait3A_321] : memref<4x128xi32, #tpu.memory_space<vmem>> -> memref<1x128xi32, #tpu.memory_space<vmem>>
    %dma_wait3A_323 = tpu.memref_squeeze %dma_wait3A_322 : memref<1x128xi32, #tpu.memory_space<vmem>> -> memref<128xi32, #tpu.memory_space<vmem>>
    %dma_wait3A_324 = tpu.memref_slice %arg4[%mul3A_306] : memref<320000xi32, #tpu.memory_space<hbm>> -> memref<128xi32, #tpu.memory_space<hbm>>
    tpu.wait_dma2 semaphore(%arg16 : memref<!tpu.dma_semaphore, #tpu.memory_space<semaphore_mem>>) src(%dma_wait3A_324 : memref<128xi32, #tpu.memory_space<hbm>>) dst(%dma_wait3A_323 : memref<128xi32, #tpu.memory_space<vmem>>)
    %dma_wait3A_325 = arith.constant 0 : i32
    %dma_wait3A_326 = arith.constant 0 : i32
    %dma_wait3A_327 = arith.constant 0 : i32
    %dma_wait3A_328 = arith.constant 0 : i32
    %dma_wait3A_329 = tpu.memref_slice %arg9[%dma_wait3A_325, %dma_wait3A_327, %dma_wait3A_328] : memref<2x128x128xf32, #tpu.memory_space<vmem>> -> memref<1x128x128xf32, #tpu.memory_space<vmem>>
    %dma_wait3A_330 = tpu.memref_squeeze %dma_wait3A_329 : memref<1x128x128xf32, #tpu.memory_space<vmem>> -> memref<128x128xf32, #tpu.memory_space<vmem>>
    %dma_wait3A_331 = arith.constant 0 : i32
    %dma_wait3A_332 = tpu.memref_slice %arg8[%dma_wait3A_326, %dma_wait3A_331] : memref<4x128xi32, #tpu.memory_space<vmem>> -> memref<1x128xi32, #tpu.memory_space<vmem>>
    %dma_wait3A_333 = tpu.memref_squeeze %dma_wait3A_332 : memref<1x128xi32, #tpu.memory_space<vmem>> -> memref<128xi32, #tpu.memory_space<vmem>>
    %dma_wait3A_334 = arith.constant 0 : i32
    %dma_wait3A_335 = arith.constant 0 : i32
    %dma_wait3A_336 = tpu.memref_slice %arg12[%dma_wait3A_334, %dma_wait3A_335] : memref<10240x128xf32, #tpu.memory_space<vmem_shared>> -> memref<10240x128xf32, #tpu.memory_space<vmem_shared>>
    tpu.wait_indirect_dma semaphore(%arg20 : memref<!tpu.dma_semaphore, #tpu.memory_space<semaphore_mem>>) src(%dma_wait3A_330 : memref<128x128xf32, #tpu.memory_space<vmem>>) dst(%dma_wait3A_336 : memref<10240x128xf32, #tpu.memory_space<vmem_shared>>)
    %dma_start3A_337 = arith.constant 2 : i32
    %dma_start3A_338 = arith.constant 0 : i32
    %dma_start3A_339 = arith.constant 0 : i32
    %dma_start3A_340 = arith.constant 0 : i32
    %dma_start3A_341 = tpu.memref_slice %arg9[%dma_start3A_338, %dma_start3A_339, %dma_start3A_340] : memref<2x128x128xf32, #tpu.memory_space<vmem>> -> memref<1x128x128xf32, #tpu.memory_space<vmem>>
    %dma_start3A_342 = tpu.memref_squeeze %dma_start3A_341 : memref<1x128x128xf32, #tpu.memory_space<vmem>> -> memref<128x128xf32, #tpu.memory_space<vmem>>
    %dma_start3A_343 = arith.constant 0 : i32
    %dma_start3A_344 = tpu.memref_slice %arg7[%dma_start3A_337, %dma_start3A_343] : memref<4x128xi32, #tpu.memory_space<vmem>> -> memref<1x128xi32, #tpu.memory_space<vmem>>
    %dma_start3A_345 = tpu.memref_squeeze %dma_start3A_344 : memref<1x128xi32, #tpu.memory_space<vmem>> -> memref<128xi32, #tpu.memory_space<vmem>>
    %dma_start3A_346 = arith.constant 0 : i32
    %dma_start3A_347 = arith.constant 0 : i32
    %dma_start3A_348 = tpu.memref_slice %arg2[%dma_start3A_346, %dma_start3A_347] : memref<10240x128xf32, #tpu.memory_space<hbm>> -> memref<10240x128xf32, #tpu.memory_space<hbm>>
    tpu.enqueue_indirect_dma source(%dma_start3A_348 : memref<10240x128xf32, #tpu.memory_space<hbm>>) target(%dma_start3A_342 : memref<128x128xf32, #tpu.memory_space<vmem>>) offsets(%dma_start3A_345 : memref<128xi32, #tpu.memory_space<vmem>>) semaphore(%arg18 : memref<!tpu.dma_semaphore, #tpu.memory_space<semaphore_mem>>)
    %add3A_349 = arith.constant 1 : i32
    %add3A_350 = arith.addi %sub3A_274, %add3A_349 : i32
    %dma_wait3A_351 = arith.constant 1 : i32
    %dma_wait3A_352 = arith.constant 1 : i32
    %dma_wait3A_353 = arith.constant 0 : i32
    %dma_wait3A_354 = arith.constant 0 : i32
    %dma_wait3A_355 = tpu.memref_slice %arg9[%dma_wait3A_352, %dma_wait3A_353, %dma_wait3A_354] : memref<2x128x128xf32, #tpu.memory_space<vmem>> -> memref<1x128x128xf32, #tpu.memory_space<vmem>>
    %dma_wait3A_356 = tpu.memref_squeeze %dma_wait3A_355 : memref<1x128x128xf32, #tpu.memory_space<vmem>> -> memref<128x128xf32, #tpu.memory_space<vmem>>
    %dma_wait3A_357 = arith.constant 0 : i32
    %dma_wait3A_358 = tpu.memref_slice %arg7[%dma_wait3A_351, %dma_wait3A_357] : memref<4x128xi32, #tpu.memory_space<vmem>> -> memref<1x128xi32, #tpu.memory_space<vmem>>
    %dma_wait3A_359 = tpu.memref_squeeze %dma_wait3A_358 : memref<1x128xi32, #tpu.memory_space<vmem>> -> memref<128xi32, #tpu.memory_space<vmem>>
    %dma_wait3A_360 = arith.constant 0 : i32
    %dma_wait3A_361 = arith.constant 0 : i32
    %dma_wait3A_362 = tpu.memref_slice %arg2[%dma_wait3A_360, %dma_wait3A_361] : memref<10240x128xf32, #tpu.memory_space<hbm>> -> memref<10240x128xf32, #tpu.memory_space<hbm>>
    tpu.wait_indirect_dma semaphore(%arg19 : memref<!tpu.dma_semaphore, #tpu.memory_space<semaphore_mem>>) src(%dma_wait3A_362 : memref<10240x128xf32, #tpu.memory_space<hbm>>) dst(%dma_wait3A_356 : memref<128x128xf32, #tpu.memory_space<vmem>>)
    %dma_start3A_363 = arith.constant 1 : i32
    %dma_start3A_364 = arith.constant 1 : i32
    %dma_start3A_365 = arith.constant 0 : i32
    %dma_start3A_366 = arith.constant 0 : i32
    %dma_start3A_367 = tpu.memref_slice %arg9[%dma_start3A_363, %dma_start3A_365, %dma_start3A_366] : memref<2x128x128xf32, #tpu.memory_space<vmem>> -> memref<1x128x128xf32, #tpu.memory_space<vmem>>
    %dma_start3A_368 = tpu.memref_squeeze %dma_start3A_367 : memref<1x128x128xf32, #tpu.memory_space<vmem>> -> memref<128x128xf32, #tpu.memory_space<vmem>>
    %dma_start3A_369 = arith.constant 0 : i32
    %dma_start3A_370 = tpu.memref_slice %arg8[%dma_start3A_364, %dma_start3A_369] : memref<4x128xi32, #tpu.memory_space<vmem>> -> memref<1x128xi32, #tpu.memory_space<vmem>>
    %dma_start3A_371 = tpu.memref_squeeze %dma_start3A_370 : memref<1x128xi32, #tpu.memory_space<vmem>> -> memref<128xi32, #tpu.memory_space<vmem>>
    %dma_start3A_372 = arith.constant 0 : i32
    %dma_start3A_373 = arith.constant 0 : i32
    %dma_start3A_374 = tpu.memref_slice %arg12[%dma_start3A_372, %dma_start3A_373] : memref<10240x128xf32, #tpu.memory_space<vmem_shared>> -> memref<10240x128xf32, #tpu.memory_space<vmem_shared>>
    tpu.enqueue_indirect_dma source(%dma_start3A_368 : memref<128x128xf32, #tpu.memory_space<vmem>>) target(%dma_start3A_374 : memref<10240x128xf32, #tpu.memory_space<vmem_shared>>) offsets(%dma_start3A_371 : memref<128xi32, #tpu.memory_space<vmem>>) semaphore(%arg21 : memref<!tpu.dma_semaphore, #tpu.memory_space<semaphore_mem>>) {add = true}
    %run_scoped3A_375 = arith.constant 1 : i32
    "tpu.region"() ({
      %run_scoped3A_510 = tpu.sem_alloc : memref<!tpu.dma_semaphore, #tpu.memory_space<semaphore_mem>>
      %dma_start3A_511 = arith.constant 0 : i32
      %dma_start3A_512 = tpu.memref_slice %arg8[%run_scoped3A_375, %dma_start3A_511] : memref<4x128xi32, #tpu.memory_space<vmem>> -> memref<1x128xi32, #tpu.memory_space<vmem>>
      %dma_start3A_513 = tpu.memref_squeeze %dma_start3A_512 : memref<1x128xi32, #tpu.memory_space<vmem>> -> memref<128xi32, #tpu.memory_space<vmem>>
      %dma_start3A_514 = arith.constant 0 : i32
      %dma_start3A_515 = tpu.memref_slice %arg13[%dma_start3A_514] : memref<10240xf32, #tpu.memory_space<vmem_shared>> -> memref<10240xf32, #tpu.memory_space<vmem_shared>>
      tpu.enqueue_indirect_dma source(%arg10 : memref<128xf32, #tpu.memory_space<vmem>>) target(%dma_start3A_515 : memref<10240xf32, #tpu.memory_space<vmem_shared>>) offsets(%dma_start3A_513 : memref<128xi32, #tpu.memory_space<vmem>>) semaphore(%run_scoped3A_510 : memref<!tpu.dma_semaphore, #tpu.memory_space<semaphore_mem>>) {add = true}
      %dma_wait3A_516 = arith.constant 0 : i32
      %dma_wait3A_517 = tpu.memref_slice %arg8[%run_scoped3A_375, %dma_wait3A_516] : memref<4x128xi32, #tpu.memory_space<vmem>> -> memref<1x128xi32, #tpu.memory_space<vmem>>
      %dma_wait3A_518 = tpu.memref_squeeze %dma_wait3A_517 : memref<1x128xi32, #tpu.memory_space<vmem>> -> memref<128xi32, #tpu.memory_space<vmem>>
      %dma_wait3A_519 = arith.constant 0 : i32
      %dma_wait3A_520 = tpu.memref_slice %arg13[%dma_wait3A_519] : memref<10240xf32, #tpu.memory_space<vmem_shared>> -> memref<10240xf32, #tpu.memory_space<vmem_shared>>
      tpu.wait_indirect_dma semaphore(%run_scoped3A_510 : memref<!tpu.dma_semaphore, #tpu.memory_space<semaphore_mem>>) src(%arg10 : memref<128xf32, #tpu.memory_space<vmem>>) dst(%dma_wait3A_520 : memref<10240xf32, #tpu.memory_space<vmem_shared>>)
      tpu.yield
    }) : () -> ()
    %add3A_376 = arith.constant 2 : i32
    %add3A_377 = arith.addi %add3A_350, %add3A_376 : i32
    %add3A_378 = arith.addi %mul3A_4, %add3A_377 : i32
    %mul3A_379 = arith.constant 128 : i32
    %mul3A_380 = arith.muli %add3A_378, %mul3A_379 : i32
    %dma_wait3A_381 = arith.constant 3 : i32
    %dma_wait3A_382 = arith.constant 0 : i32
    %dma_wait3A_383 = tpu.memref_slice %arg7[%dma_wait3A_381, %dma_wait3A_382] : memref<4x128xi32, #tpu.memory_space<vmem>> -> memref<1x128xi32, #tpu.memory_space<vmem>>
    %dma_wait3A_384 = tpu.memref_squeeze %dma_wait3A_383 : memref<1x128xi32, #tpu.memory_space<vmem>> -> memref<128xi32, #tpu.memory_space<vmem>>
    %dma_wait3A_385 = tpu.memref_slice %arg3[%mul3A_380] : memref<320000xi32, #tpu.memory_space<hbm>> -> memref<128xi32, #tpu.memory_space<hbm>>
    %dma_wait3A_386 = arith.constant 0 : i32
    %dma_wait3A_387 = tpu.memref_slice %arg7[%dma_wait3A_381, %dma_wait3A_386] : memref<4x128xi32, #tpu.memory_space<vmem>> -> memref<1x128xi32, #tpu.memory_space<vmem>>
    %dma_wait3A_388 = tpu.memref_squeeze %dma_wait3A_387 : memref<1x128xi32, #tpu.memory_space<vmem>> -> memref<128xi32, #tpu.memory_space<vmem>>
    %dma_wait3A_389 = tpu.memref_slice %arg3[%mul3A_380] : memref<320000xi32, #tpu.memory_space<hbm>> -> memref<128xi32, #tpu.memory_space<hbm>>
    tpu.wait_dma2 semaphore(%arg17 : memref<!tpu.dma_semaphore, #tpu.memory_space<semaphore_mem>>) src(%dma_wait3A_389 : memref<128xi32, #tpu.memory_space<hbm>>) dst(%dma_wait3A_388 : memref<128xi32, #tpu.memory_space<vmem>>)
    %dma_wait3A_390 = arith.constant 3 : i32
    %dma_wait3A_391 = arith.constant 0 : i32
    %dma_wait3A_392 = tpu.memref_slice %arg8[%dma_wait3A_390, %dma_wait3A_391] : memref<4x128xi32, #tpu.memory_space<vmem>> -> memref<1x128xi32, #tpu.memory_space<vmem>>
    %dma_wait3A_393 = tpu.memref_squeeze %dma_wait3A_392 : memref<1x128xi32, #tpu.memory_space<vmem>> -> memref<128xi32, #tpu.memory_space<vmem>>
    %dma_wait3A_394 = tpu.memref_slice %arg4[%mul3A_380] : memref<320000xi32, #tpu.memory_space<hbm>> -> memref<128xi32, #tpu.memory_space<hbm>>
    %dma_wait3A_395 = arith.constant 0 : i32
    %dma_wait3A_396 = tpu.memref_slice %arg8[%dma_wait3A_390, %dma_wait3A_395] : memref<4x128xi32, #tpu.memory_space<vmem>> -> memref<1x128xi32, #tpu.memory_space<vmem>>
    %dma_wait3A_397 = tpu.memref_squeeze %dma_wait3A_396 : memref<1x128xi32, #tpu.memory_space<vmem>> -> memref<128xi32, #tpu.memory_space<vmem>>
    %dma_wait3A_398 = tpu.memref_slice %arg4[%mul3A_380] : memref<320000xi32, #tpu.memory_space<hbm>> -> memref<128xi32, #tpu.memory_space<hbm>>
    tpu.wait_dma2 semaphore(%arg17 : memref<!tpu.dma_semaphore, #tpu.memory_space<semaphore_mem>>) src(%dma_wait3A_398 : memref<128xi32, #tpu.memory_space<hbm>>) dst(%dma_wait3A_397 : memref<128xi32, #tpu.memory_space<vmem>>)
    %dma_wait3A_399 = arith.constant 1 : i32
    %dma_wait3A_400 = arith.constant 1 : i32
    %dma_wait3A_401 = arith.constant 0 : i32
    %dma_wait3A_402 = arith.constant 0 : i32
    %dma_wait3A_403 = tpu.memref_slice %arg9[%dma_wait3A_399, %dma_wait3A_401, %dma_wait3A_402] : memref<2x128x128xf32, #tpu.memory_space<vmem>> -> memref<1x128x128xf32, #tpu.memory_space<vmem>>
    %dma_wait3A_404 = tpu.memref_squeeze %dma_wait3A_403 : memref<1x128x128xf32, #tpu.memory_space<vmem>> -> memref<128x128xf32, #tpu.memory_space<vmem>>
    %dma_wait3A_405 = arith.constant 0 : i32
    %dma_wait3A_406 = tpu.memref_slice %arg8[%dma_wait3A_400, %dma_wait3A_405] : memref<4x128xi32, #tpu.memory_space<vmem>> -> memref<1x128xi32, #tpu.memory_space<vmem>>
    %dma_wait3A_407 = tpu.memref_squeeze %dma_wait3A_406 : memref<1x128xi32, #tpu.memory_space<vmem>> -> memref<128xi32, #tpu.memory_space<vmem>>
    %dma_wait3A_408 = arith.constant 0 : i32
    %dma_wait3A_409 = arith.constant 0 : i32
    %dma_wait3A_410 = tpu.memref_slice %arg12[%dma_wait3A_408, %dma_wait3A_409] : memref<10240x128xf32, #tpu.memory_space<vmem_shared>> -> memref<10240x128xf32, #tpu.memory_space<vmem_shared>>
    tpu.wait_indirect_dma semaphore(%arg21 : memref<!tpu.dma_semaphore, #tpu.memory_space<semaphore_mem>>) src(%dma_wait3A_404 : memref<128x128xf32, #tpu.memory_space<vmem>>) dst(%dma_wait3A_410 : memref<10240x128xf32, #tpu.memory_space<vmem_shared>>)
    %dma_start3A_411 = arith.constant 3 : i32
    %dma_start3A_412 = arith.constant 1 : i32
    %dma_start3A_413 = arith.constant 0 : i32
    %dma_start3A_414 = arith.constant 0 : i32
    %dma_start3A_415 = tpu.memref_slice %arg9[%dma_start3A_412, %dma_start3A_413, %dma_start3A_414] : memref<2x128x128xf32, #tpu.memory_space<vmem>> -> memref<1x128x128xf32, #tpu.memory_space<vmem>>
    %dma_start3A_416 = tpu.memref_squeeze %dma_start3A_415 : memref<1x128x128xf32, #tpu.memory_space<vmem>> -> memref<128x128xf32, #tpu.memory_space<vmem>>
    %dma_start3A_417 = arith.constant 0 : i32
    %dma_start3A_418 = tpu.memref_slice %arg7[%dma_start3A_411, %dma_start3A_417] : memref<4x128xi32, #tpu.memory_space<vmem>> -> memref<1x128xi32, #tpu.memory_space<vmem>>
    %dma_start3A_419 = tpu.memref_squeeze %dma_start3A_418 : memref<1x128xi32, #tpu.memory_space<vmem>> -> memref<128xi32, #tpu.memory_space<vmem>>
    %dma_start3A_420 = arith.constant 0 : i32
    %dma_start3A_421 = arith.constant 0 : i32
    %dma_start3A_422 = tpu.memref_slice %arg2[%dma_start3A_420, %dma_start3A_421] : memref<10240x128xf32, #tpu.memory_space<hbm>> -> memref<10240x128xf32, #tpu.memory_space<hbm>>
    tpu.enqueue_indirect_dma source(%dma_start3A_422 : memref<10240x128xf32, #tpu.memory_space<hbm>>) target(%dma_start3A_416 : memref<128x128xf32, #tpu.memory_space<vmem>>) offsets(%dma_start3A_419 : memref<128xi32, #tpu.memory_space<vmem>>) semaphore(%arg19 : memref<!tpu.dma_semaphore, #tpu.memory_space<semaphore_mem>>)
    %add3A_423 = arith.constant 2 : i32
    %add3A_424 = arith.addi %sub3A_274, %add3A_423 : i32
    %dma_wait3A_425 = arith.constant 2 : i32
    %dma_wait3A_426 = arith.constant 0 : i32
    %dma_wait3A_427 = arith.constant 0 : i32
    %dma_wait3A_428 = arith.constant 0 : i32
    %dma_wait3A_429 = tpu.memref_slice %arg9[%dma_wait3A_426, %dma_wait3A_427, %dma_wait3A_428] : memref<2x128x128xf32, #tpu.memory_space<vmem>> -> memref<1x128x128xf32, #tpu.memory_space<vmem>>
    %dma_wait3A_430 = tpu.memref_squeeze %dma_wait3A_429 : memref<1x128x128xf32, #tpu.memory_space<vmem>> -> memref<128x128xf32, #tpu.memory_space<vmem>>
    %dma_wait3A_431 = arith.constant 0 : i32
    %dma_wait3A_432 = tpu.memref_slice %arg7[%dma_wait3A_425, %dma_wait3A_431] : memref<4x128xi32, #tpu.memory_space<vmem>> -> memref<1x128xi32, #tpu.memory_space<vmem>>
    %dma_wait3A_433 = tpu.memref_squeeze %dma_wait3A_432 : memref<1x128xi32, #tpu.memory_space<vmem>> -> memref<128xi32, #tpu.memory_space<vmem>>
    %dma_wait3A_434 = arith.constant 0 : i32
    %dma_wait3A_435 = arith.constant 0 : i32
    %dma_wait3A_436 = tpu.memref_slice %arg2[%dma_wait3A_434, %dma_wait3A_435] : memref<10240x128xf32, #tpu.memory_space<hbm>> -> memref<10240x128xf32, #tpu.memory_space<hbm>>
    tpu.wait_indirect_dma semaphore(%arg18 : memref<!tpu.dma_semaphore, #tpu.memory_space<semaphore_mem>>) src(%dma_wait3A_436 : memref<10240x128xf32, #tpu.memory_space<hbm>>) dst(%dma_wait3A_430 : memref<128x128xf32, #tpu.memory_space<vmem>>)
    %dma_start3A_437 = arith.constant 0 : i32
    %dma_start3A_438 = arith.constant 2 : i32
    %dma_start3A_439 = arith.constant 0 : i32
    %dma_start3A_440 = arith.constant 0 : i32
    %dma_start3A_441 = tpu.memref_slice %arg9[%dma_start3A_437, %dma_start3A_439, %dma_start3A_440] : memref<2x128x128xf32, #tpu.memory_space<vmem>> -> memref<1x128x128xf32, #tpu.memory_space<vmem>>
    %dma_start3A_442 = tpu.memref_squeeze %dma_start3A_441 : memref<1x128x128xf32, #tpu.memory_space<vmem>> -> memref<128x128xf32, #tpu.memory_space<vmem>>
    %dma_start3A_443 = arith.constant 0 : i32
    %dma_start3A_444 = tpu.memref_slice %arg8[%dma_start3A_438, %dma_start3A_443] : memref<4x128xi32, #tpu.memory_space<vmem>> -> memref<1x128xi32, #tpu.memory_space<vmem>>
    %dma_start3A_445 = tpu.memref_squeeze %dma_start3A_444 : memref<1x128xi32, #tpu.memory_space<vmem>> -> memref<128xi32, #tpu.memory_space<vmem>>
    %dma_start3A_446 = arith.constant 0 : i32
    %dma_start3A_447 = arith.constant 0 : i32
    %dma_start3A_448 = tpu.memref_slice %arg12[%dma_start3A_446, %dma_start3A_447] : memref<10240x128xf32, #tpu.memory_space<vmem_shared>> -> memref<10240x128xf32, #tpu.memory_space<vmem_shared>>
    tpu.enqueue_indirect_dma source(%dma_start3A_442 : memref<128x128xf32, #tpu.memory_space<vmem>>) target(%dma_start3A_448 : memref<10240x128xf32, #tpu.memory_space<vmem_shared>>) offsets(%dma_start3A_445 : memref<128xi32, #tpu.memory_space<vmem>>) semaphore(%arg20 : memref<!tpu.dma_semaphore, #tpu.memory_space<semaphore_mem>>) {add = true}
    %run_scoped3A_449 = arith.constant 2 : i32
    "tpu.region"() ({
      %run_scoped3A_510 = tpu.sem_alloc : memref<!tpu.dma_semaphore, #tpu.memory_space<semaphore_mem>>
      %dma_start3A_511 = arith.constant 0 : i32
      %dma_start3A_512 = tpu.memref_slice %arg8[%run_scoped3A_449, %dma_start3A_511] : memref<4x128xi32, #tpu.memory_space<vmem>> -> memref<1x128xi32, #tpu.memory_space<vmem>>
      %dma_start3A_513 = tpu.memref_squeeze %dma_start3A_512 : memref<1x128xi32, #tpu.memory_space<vmem>> -> memref<128xi32, #tpu.memory_space<vmem>>
      %dma_start3A_514 = arith.constant 0 : i32
      %dma_start3A_515 = tpu.memref_slice %arg13[%dma_start3A_514] : memref<10240xf32, #tpu.memory_space<vmem_shared>> -> memref<10240xf32, #tpu.memory_space<vmem_shared>>
      tpu.enqueue_indirect_dma source(%arg10 : memref<128xf32, #tpu.memory_space<vmem>>) target(%dma_start3A_515 : memref<10240xf32, #tpu.memory_space<vmem_shared>>) offsets(%dma_start3A_513 : memref<128xi32, #tpu.memory_space<vmem>>) semaphore(%run_scoped3A_510 : memref<!tpu.dma_semaphore, #tpu.memory_space<semaphore_mem>>) {add = true}
      %dma_wait3A_516 = arith.constant 0 : i32
      %dma_wait3A_517 = tpu.memref_slice %arg8[%run_scoped3A_449, %dma_wait3A_516] : memref<4x128xi32, #tpu.memory_space<vmem>> -> memref<1x128xi32, #tpu.memory_space<vmem>>
      %dma_wait3A_518 = tpu.memref_squeeze %dma_wait3A_517 : memref<1x128xi32, #tpu.memory_space<vmem>> -> memref<128xi32, #tpu.memory_space<vmem>>
      %dma_wait3A_519 = arith.constant 0 : i32
      %dma_wait3A_520 = tpu.memref_slice %arg13[%dma_wait3A_519] : memref<10240xf32, #tpu.memory_space<vmem_shared>> -> memref<10240xf32, #tpu.memory_space<vmem_shared>>
      tpu.wait_indirect_dma semaphore(%run_scoped3A_510 : memref<!tpu.dma_semaphore, #tpu.memory_space<semaphore_mem>>) src(%arg10 : memref<128xf32, #tpu.memory_space<vmem>>) dst(%dma_wait3A_520 : memref<10240xf32, #tpu.memory_space<vmem_shared>>)
      tpu.yield
    }) : () -> ()
    %dma_wait3A_450 = arith.constant 0 : i32
    %dma_wait3A_451 = arith.constant 2 : i32
    %dma_wait3A_452 = arith.constant 0 : i32
    %dma_wait3A_453 = arith.constant 0 : i32
    %dma_wait3A_454 = tpu.memref_slice %arg9[%dma_wait3A_450, %dma_wait3A_452, %dma_wait3A_453] : memref<2x128x128xf32, #tpu.memory_space<vmem>> -> memref<1x128x128xf32, #tpu.memory_space<vmem>>
    %dma_wait3A_455 = tpu.memref_squeeze %dma_wait3A_454 : memref<1x128x128xf32, #tpu.memory_space<vmem>> -> memref<128x128xf32, #tpu.memory_space<vmem>>
    %dma_wait3A_456 = arith.constant 0 : i32
    %dma_wait3A_457 = tpu.memref_slice %arg8[%dma_wait3A_451, %dma_wait3A_456] : memref<4x128xi32, #tpu.memory_space<vmem>> -> memref<1x128xi32, #tpu.memory_space<vmem>>
    %dma_wait3A_458 = tpu.memref_squeeze %dma_wait3A_457 : memref<1x128xi32, #tpu.memory_space<vmem>> -> memref<128xi32, #tpu.memory_space<vmem>>
    %dma_wait3A_459 = arith.constant 0 : i32
    %dma_wait3A_460 = arith.constant 0 : i32
    %dma_wait3A_461 = tpu.memref_slice %arg12[%dma_wait3A_459, %dma_wait3A_460] : memref<10240x128xf32, #tpu.memory_space<vmem_shared>> -> memref<10240x128xf32, #tpu.memory_space<vmem_shared>>
    tpu.wait_indirect_dma semaphore(%arg20 : memref<!tpu.dma_semaphore, #tpu.memory_space<semaphore_mem>>) src(%dma_wait3A_455 : memref<128x128xf32, #tpu.memory_space<vmem>>) dst(%dma_wait3A_461 : memref<10240x128xf32, #tpu.memory_space<vmem_shared>>)
    %add3A_462 = arith.constant 3 : i32
    %add3A_463 = arith.addi %sub3A_274, %add3A_462 : i32
    %dma_wait3A_464 = arith.constant 3 : i32
    %dma_wait3A_465 = arith.constant 1 : i32
    %dma_wait3A_466 = arith.constant 0 : i32
    %dma_wait3A_467 = arith.constant 0 : i32
    %dma_wait3A_468 = tpu.memref_slice %arg9[%dma_wait3A_465, %dma_wait3A_466, %dma_wait3A_467] : memref<2x128x128xf32, #tpu.memory_space<vmem>> -> memref<1x128x128xf32, #tpu.memory_space<vmem>>
    %dma_wait3A_469 = tpu.memref_squeeze %dma_wait3A_468 : memref<1x128x128xf32, #tpu.memory_space<vmem>> -> memref<128x128xf32, #tpu.memory_space<vmem>>
    %dma_wait3A_470 = arith.constant 0 : i32
    %dma_wait3A_471 = tpu.memref_slice %arg7[%dma_wait3A_464, %dma_wait3A_470] : memref<4x128xi32, #tpu.memory_space<vmem>> -> memref<1x128xi32, #tpu.memory_space<vmem>>
    %dma_wait3A_472 = tpu.memref_squeeze %dma_wait3A_471 : memref<1x128xi32, #tpu.memory_space<vmem>> -> memref<128xi32, #tpu.memory_space<vmem>>
    %dma_wait3A_473 = arith.constant 0 : i32
    %dma_wait3A_474 = arith.constant 0 : i32
    %dma_wait3A_475 = tpu.memref_slice %arg2[%dma_wait3A_473, %dma_wait3A_474] : memref<10240x128xf32, #tpu.memory_space<hbm>> -> memref<10240x128xf32, #tpu.memory_space<hbm>>
    tpu.wait_indirect_dma semaphore(%arg19 : memref<!tpu.dma_semaphore, #tpu.memory_space<semaphore_mem>>) src(%dma_wait3A_475 : memref<10240x128xf32, #tpu.memory_space<hbm>>) dst(%dma_wait3A_469 : memref<128x128xf32, #tpu.memory_space<vmem>>)
    %dma_start3A_476 = arith.constant 1 : i32
    %dma_start3A_477 = arith.constant 3 : i32
    %dma_start3A_478 = arith.constant 0 : i32
    %dma_start3A_479 = arith.constant 0 : i32
    %dma_start3A_480 = tpu.memref_slice %arg9[%dma_start3A_476, %dma_start3A_478, %dma_start3A_479] : memref<2x128x128xf32, #tpu.memory_space<vmem>> -> memref<1x128x128xf32, #tpu.memory_space<vmem>>
    %dma_start3A_481 = tpu.memref_squeeze %dma_start3A_480 : memref<1x128x128xf32, #tpu.memory_space<vmem>> -> memref<128x128xf32, #tpu.memory_space<vmem>>
    %dma_start3A_482 = arith.constant 0 : i32
    %dma_start3A_483 = tpu.memref_slice %arg8[%dma_start3A_477, %dma_start3A_482] : memref<4x128xi32, #tpu.memory_space<vmem>> -> memref<1x128xi32, #tpu.memory_space<vmem>>
    %dma_start3A_484 = tpu.memref_squeeze %dma_start3A_483 : memref<1x128xi32, #tpu.memory_space<vmem>> -> memref<128xi32, #tpu.memory_space<vmem>>
    %dma_start3A_485 = arith.constant 0 : i32
    %dma_start3A_486 = arith.constant 0 : i32
    %dma_start3A_487 = tpu.memref_slice %arg12[%dma_start3A_485, %dma_start3A_486] : memref<10240x128xf32, #tpu.memory_space<vmem_shared>> -> memref<10240x128xf32, #tpu.memory_space<vmem_shared>>
    tpu.enqueue_indirect_dma source(%dma_start3A_481 : memref<128x128xf32, #tpu.memory_space<vmem>>) target(%dma_start3A_487 : memref<10240x128xf32, #tpu.memory_space<vmem_shared>>) offsets(%dma_start3A_484 : memref<128xi32, #tpu.memory_space<vmem>>) semaphore(%arg21 : memref<!tpu.dma_semaphore, #tpu.memory_space<semaphore_mem>>) {add = true}
    %run_scoped3A_488 = arith.constant 3 : i32
    "tpu.region"() ({
      %run_scoped3A_510 = tpu.sem_alloc : memref<!tpu.dma_semaphore, #tpu.memory_space<semaphore_mem>>
      %dma_start3A_511 = arith.constant 0 : i32
      %dma_start3A_512 = tpu.memref_slice %arg8[%run_scoped3A_488, %dma_start3A_511] : memref<4x128xi32, #tpu.memory_space<vmem>> -> memref<1x128xi32, #tpu.memory_space<vmem>>
      %dma_start3A_513 = tpu.memref_squeeze %dma_start3A_512 : memref<1x128xi32, #tpu.memory_space<vmem>> -> memref<128xi32, #tpu.memory_space<vmem>>
      %dma_start3A_514 = arith.constant 0 : i32
      %dma_start3A_515 = tpu.memref_slice %arg13[%dma_start3A_514] : memref<10240xf32, #tpu.memory_space<vmem_shared>> -> memref<10240xf32, #tpu.memory_space<vmem_shared>>
      tpu.enqueue_indirect_dma source(%arg10 : memref<128xf32, #tpu.memory_space<vmem>>) target(%dma_start3A_515 : memref<10240xf32, #tpu.memory_space<vmem_shared>>) offsets(%dma_start3A_513 : memref<128xi32, #tpu.memory_space<vmem>>) semaphore(%run_scoped3A_510 : memref<!tpu.dma_semaphore, #tpu.memory_space<semaphore_mem>>) {add = true}
      %dma_wait3A_516 = arith.constant 0 : i32
      %dma_wait3A_517 = tpu.memref_slice %arg8[%run_scoped3A_488, %dma_wait3A_516] : memref<4x128xi32, #tpu.memory_space<vmem>> -> memref<1x128xi32, #tpu.memory_space<vmem>>
      %dma_wait3A_518 = tpu.memref_squeeze %dma_wait3A_517 : memref<1x128xi32, #tpu.memory_space<vmem>> -> memref<128xi32, #tpu.memory_space<vmem>>
      %dma_wait3A_519 = arith.constant 0 : i32
      %dma_wait3A_520 = tpu.memref_slice %arg13[%dma_wait3A_519] : memref<10240xf32, #tpu.memory_space<vmem_shared>> -> memref<10240xf32, #tpu.memory_space<vmem_shared>>
      tpu.wait_indirect_dma semaphore(%run_scoped3A_510 : memref<!tpu.dma_semaphore, #tpu.memory_space<semaphore_mem>>) src(%arg10 : memref<128xf32, #tpu.memory_space<vmem>>) dst(%dma_wait3A_520 : memref<10240xf32, #tpu.memory_space<vmem_shared>>)
      tpu.yield
    }) : () -> ()
    %dma_wait3A_489 = arith.constant 1 : i32
    %dma_wait3A_490 = arith.constant 3 : i32
    %dma_wait3A_491 = arith.constant 0 : i32
    %dma_wait3A_492 = arith.constant 0 : i32
    %dma_wait3A_493 = tpu.memref_slice %arg9[%dma_wait3A_489, %dma_wait3A_491, %dma_wait3A_492] : memref<2x128x128xf32, #tpu.memory_space<vmem>> -> memref<1x128x128xf32, #tpu.memory_space<vmem>>
    %dma_wait3A_494 = tpu.memref_squeeze %dma_wait3A_493 : memref<1x128x128xf32, #tpu.memory_space<vmem>> -> memref<128x128xf32, #tpu.memory_space<vmem>>
    %dma_wait3A_495 = arith.constant 0 : i32
    %dma_wait3A_496 = tpu.memref_slice %arg8[%dma_wait3A_490, %dma_wait3A_495] : memref<4x128xi32, #tpu.memory_space<vmem>> -> memref<1x128xi32, #tpu.memory_space<vmem>>
    %dma_wait3A_497 = tpu.memref_squeeze %dma_wait3A_496 : memref<1x128xi32, #tpu.memory_space<vmem>> -> memref<128xi32, #tpu.memory_space<vmem>>
    %dma_wait3A_498 = arith.constant 0 : i32
    %dma_wait3A_499 = arith.constant 0 : i32
    %dma_wait3A_500 = tpu.memref_slice %arg12[%dma_wait3A_498, %dma_wait3A_499] : memref<10240x128xf32, #tpu.memory_space<vmem_shared>> -> memref<10240x128xf32, #tpu.memory_space<vmem_shared>>
    tpu.wait_indirect_dma semaphore(%arg21 : memref<!tpu.dma_semaphore, #tpu.memory_space<semaphore_mem>>) src(%dma_wait3A_494 : memref<128x128xf32, #tpu.memory_space<vmem>>) dst(%dma_wait3A_500 : memref<10240x128xf32, #tpu.memory_space<vmem_shared>>)
    %barrier3A_501 = arith.constant 0 : index
    tpu.barrier barrier_id(%barrier3A_501)
    %mul3A_502 = arith.constant 640 : i32
    %mul3A_503 = arith.muli %arg1, %mul3A_502 : i32
    %mul3A_504 = arith.constant 640 : i32
    %mul3A_505 = arith.muli %arg1, %mul3A_504 : i32
    "tpu.region"() ({
      %run_scoped3A_510 = tpu.sem_alloc : memref<!tpu.dma_semaphore, #tpu.memory_space<semaphore_mem>>
      %dma_start3A_511 = arith.constant 0 : i32
      %dma_start3A_512 = tpu.memref_slice %arg5[%arg0, %mul3A_505, %dma_start3A_511] : memref<2x10240x128xf32, #tpu.memory_space<hbm>> -> memref<1x640x128xf32, #tpu.memory_space<hbm>>
      %dma_start3A_513 = tpu.memref_squeeze %dma_start3A_512 : memref<1x640x128xf32, #tpu.memory_space<hbm>> -> memref<640x128xf32, #tpu.memory_space<hbm>>
      %dma_start3A_514 = arith.constant 0 : i32
      %dma_start3A_515 = tpu.memref_slice %arg12[%mul3A_503, %dma_start3A_514] : memref<10240x128xf32, #tpu.memory_space<vmem_shared>> -> memref<640x128xf32, #tpu.memory_space<vmem_shared>>
      tpu.enqueue_dma source(%dma_start3A_515 : memref<640x128xf32, #tpu.memory_space<vmem_shared>>) target(%dma_start3A_513 : memref<640x128xf32, #tpu.memory_space<hbm>>) target_semaphore(%run_scoped3A_510 : memref<!tpu.dma_semaphore, #tpu.memory_space<semaphore_mem>>)
      %dma_wait3A_516 = arith.constant 0 : i32
      %dma_wait3A_517 = tpu.memref_slice %arg5[%arg0, %mul3A_505, %dma_wait3A_516] : memref<2x10240x128xf32, #tpu.memory_space<hbm>> -> memref<1x640x128xf32, #tpu.memory_space<hbm>>
      %dma_wait3A_518 = tpu.memref_squeeze %dma_wait3A_517 : memref<1x640x128xf32, #tpu.memory_space<hbm>> -> memref<640x128xf32, #tpu.memory_space<hbm>>
      %dma_wait3A_519 = arith.constant 0 : i32
      %dma_wait3A_520 = tpu.memref_slice %arg12[%mul3A_503, %dma_wait3A_519] : memref<10240x128xf32, #tpu.memory_space<vmem_shared>> -> memref<640x128xf32, #tpu.memory_space<vmem_shared>>
      tpu.wait_dma2 semaphore(%run_scoped3A_510 : memref<!tpu.dma_semaphore, #tpu.memory_space<semaphore_mem>>) src(%dma_wait3A_520 : memref<640x128xf32, #tpu.memory_space<vmem_shared>>) dst(%dma_wait3A_518 : memref<640x128xf32, #tpu.memory_space<hbm>>)
      tpu.yield
    }) : () -> ()
    %mul3A_506 = arith.constant 640 : i32
    %mul3A_507 = arith.muli %arg1, %mul3A_506 : i32
    %mul3A_508 = arith.constant 640 : i32
    %mul3A_509 = arith.muli %arg1, %mul3A_508 : i32
    "tpu.region"() ({
      %run_scoped3A_510 = tpu.sem_alloc : memref<!tpu.dma_semaphore, #tpu.memory_space<semaphore_mem>>
      %dma_start3A_511 = tpu.memref_slice %arg6[%arg0, %mul3A_509] : memref<2x10240xf32, #tpu.memory_space<hbm>> -> memref<1x640xf32, #tpu.memory_space<hbm>>
      %dma_start3A_512 = tpu.memref_squeeze %dma_start3A_511 : memref<1x640xf32, #tpu.memory_space<hbm>> -> memref<640xf32, #tpu.memory_space<hbm>>
      %dma_start3A_513 = tpu.memref_slice %arg13[%mul3A_507] : memref<10240xf32, #tpu.memory_space<vmem_shared>> -> memref<640xf32, #tpu.memory_space<vmem_shared>>
      tpu.enqueue_dma source(%dma_start3A_513 : memref<640xf32, #tpu.memory_space<vmem_shared>>) target(%dma_start3A_512 : memref<640xf32, #tpu.memory_space<hbm>>) target_semaphore(%run_scoped3A_510 : memref<!tpu.dma_semaphore, #tpu.memory_space<semaphore_mem>>)
      %dma_wait3A_514 = tpu.memref_slice %arg6[%arg0, %mul3A_509] : memref<2x10240xf32, #tpu.memory_space<hbm>> -> memref<1x640xf32, #tpu.memory_space<hbm>>
      %dma_wait3A_515 = tpu.memref_squeeze %dma_wait3A_514 : memref<1x640xf32, #tpu.memory_space<hbm>> -> memref<640xf32, #tpu.memory_space<hbm>>
      %dma_wait3A_516 = tpu.memref_slice %arg13[%mul3A_507] : memref<10240xf32, #tpu.memory_space<vmem_shared>> -> memref<640xf32, #tpu.memory_space<vmem_shared>>
      tpu.wait_dma2 semaphore(%run_scoped3A_510 : memref<!tpu.dma_semaphore, #tpu.memory_space<semaphore_mem>>) src(%dma_wait3A_516 : memref<640xf32, #tpu.memory_space<vmem_shared>>) dst(%dma_wait3A_515 : memref<640xf32, #tpu.memory_space<hbm>>)
      tpu.yield
    }) : () -> ()
    return
  }
}

#map = affine_map<(d0, d1) -> (0, 0)>
#map1 = affine_map<(d0, d1) -> (0)>
#map2 = affine_map<(d0, d1) -> (0, 0, 0)>
module attributes {stable_mosaic.version = 14 : i64} {
  func.func @_sc_agg_body(%arg0: i32, %arg1: i32, %arg2: memref<10240x128xf32, #tpu.memory_space<hbm>>, %arg3: memref<320000xi32, #tpu.memory_space<hbm>>, %arg4: memref<320000xi32, #tpu.memory_space<hbm>>, %arg5: memref<2x10240x128xf32, #tpu.memory_space<hbm>>, %arg6: memref<4x128xi32, #tpu.memory_space<vmem>>, %arg7: memref<4x128xi32, #tpu.memory_space<vmem>>, %arg8: memref<2x128x128xf32, #tpu.memory_space<vmem>>, %arg9: memref<10240x128xf32, #tpu.memory_space<vmem_shared>>, %arg10: memref<!tpu.dma_semaphore, #tpu.memory_space<semaphore_mem>>, %arg11: memref<!tpu.dma_semaphore, #tpu.memory_space<semaphore_mem>>, %arg12: memref<!tpu.dma_semaphore, #tpu.memory_space<semaphore_mem>>, %arg13: memref<!tpu.dma_semaphore, #tpu.memory_space<semaphore_mem>>, %arg14: memref<!tpu.dma_semaphore, #tpu.memory_space<semaphore_mem>>, %arg15: memref<!tpu.dma_semaphore, #tpu.memory_space<semaphore_mem>>, %arg16: memref<!tpu.dma_semaphore, #tpu.memory_space<semaphore_mem>>, %arg17: memref<!tpu.dma_semaphore, #tpu.memory_space<semaphore_mem>>) attributes {dimension_semantics = [#tpu.dimension_semantics<core_parallel>, #tpu.dimension_semantics<subcore_parallel>], iteration_bounds = array<i64: 2, 16>, scalar_prefetch = 0 : i64, scratch_operands = 12 : i64, tpu.core_type = #tpu.core_type<sc_vector_subcore>, window_params = [{transform_indices = #map}, {transform_indices = #map1}, {transform_indices = #map1}, {transform_indices = #map2}]} {
    %mul3A = arith.constant 16 : i32
    %mul3A_0 = arith.muli %arg0, %mul3A : i32
    %add3A = arith.addi %mul3A_0, %arg1 : i32
    %eq3A = arith.constant 31 : i32
    %eq3A_1 = arith.cmpi eq, %add3A, %eq3A : i32
    %jit3A = arith.constant 20 : i32
    %jit3A_2 = arith.constant 80 : i32
    %select_n3A = arith.select %eq3A_1, %jit3A, %jit3A_2 : i32
    %mul3A_3 = arith.constant 80 : i32
    %mul3A_4 = arith.muli %add3A, %mul3A_3 : i32
    %add3A_5 = arith.constant 0 : i32
    %add3A_6 = arith.addi %mul3A_4, %add3A_5 : i32
    %mul3A_7 = arith.constant 128 : i32
    %mul3A_8 = arith.muli %add3A_6, %mul3A_7 : i32
    %dma_start3A = arith.constant 0 : i32
    %dma_start3A_9 = arith.constant 0 : i32
    %dma_start3A_10 = tpu.memref_slice %arg6[%dma_start3A, %dma_start3A_9] : memref<4x128xi32, #tpu.memory_space<vmem>> -> memref<1x128xi32, #tpu.memory_space<vmem>>
    %dma_start3A_11 = tpu.memref_squeeze %dma_start3A_10 : memref<1x128xi32, #tpu.memory_space<vmem>> -> memref<128xi32, #tpu.memory_space<vmem>>
    %dma_start3A_12 = tpu.memref_slice %arg3[%mul3A_8] : memref<320000xi32, #tpu.memory_space<hbm>> -> memref<128xi32, #tpu.memory_space<hbm>>
    %dma_start3A_13 = arith.constant 0 : i32
    %dma_start3A_14 = tpu.memref_slice %arg6[%dma_start3A, %dma_start3A_13] : memref<4x128xi32, #tpu.memory_space<vmem>> -> memref<1x128xi32, #tpu.memory_space<vmem>>
    %dma_start3A_15 = tpu.memref_squeeze %dma_start3A_14 : memref<1x128xi32, #tpu.memory_space<vmem>> -> memref<128xi32, #tpu.memory_space<vmem>>
    %dma_start3A_16 = tpu.memref_slice %arg3[%mul3A_8] : memref<320000xi32, #tpu.memory_space<hbm>> -> memref<128xi32, #tpu.memory_space<hbm>>
    tpu.enqueue_dma source(%dma_start3A_16 : memref<128xi32, #tpu.memory_space<hbm>>) target(%dma_start3A_15 : memref<128xi32, #tpu.memory_space<vmem>>) target_semaphore(%arg10 : memref<!tpu.dma_semaphore, #tpu.memory_space<semaphore_mem>>)
    %dma_start3A_17 = arith.constant 0 : i32
    %dma_start3A_18 = arith.constant 0 : i32
    %dma_start3A_19 = tpu.memref_slice %arg7[%dma_start3A_17, %dma_start3A_18] : memref<4x128xi32, #tpu.memory_space<vmem>> -> memref<1x128xi32, #tpu.memory_space<vmem>>
    %dma_start3A_20 = tpu.memref_squeeze %dma_start3A_19 : memref<1x128xi32, #tpu.memory_space<vmem>> -> memref<128xi32, #tpu.memory_space<vmem>>
    %dma_start3A_21 = tpu.memref_slice %arg4[%mul3A_8] : memref<320000xi32, #tpu.memory_space<hbm>> -> memref<128xi32, #tpu.memory_space<hbm>>
    %dma_start3A_22 = arith.constant 0 : i32
    %dma_start3A_23 = tpu.memref_slice %arg7[%dma_start3A_17, %dma_start3A_22] : memref<4x128xi32, #tpu.memory_space<vmem>> -> memref<1x128xi32, #tpu.memory_space<vmem>>
    %dma_start3A_24 = tpu.memref_squeeze %dma_start3A_23 : memref<1x128xi32, #tpu.memory_space<vmem>> -> memref<128xi32, #tpu.memory_space<vmem>>
    %dma_start3A_25 = tpu.memref_slice %arg4[%mul3A_8] : memref<320000xi32, #tpu.memory_space<hbm>> -> memref<128xi32, #tpu.memory_space<hbm>>
    tpu.enqueue_dma source(%dma_start3A_25 : memref<128xi32, #tpu.memory_space<hbm>>) target(%dma_start3A_24 : memref<128xi32, #tpu.memory_space<vmem>>) target_semaphore(%arg10 : memref<!tpu.dma_semaphore, #tpu.memory_space<semaphore_mem>>)
    %add3A_26 = arith.constant 1 : i32
    %add3A_27 = arith.addi %mul3A_4, %add3A_26 : i32
    %mul3A_28 = arith.constant 128 : i32
    %mul3A_29 = arith.muli %add3A_27, %mul3A_28 : i32
    %dma_start3A_30 = arith.constant 1 : i32
    %dma_start3A_31 = arith.constant 0 : i32
    %dma_start3A_32 = tpu.memref_slice %arg6[%dma_start3A_30, %dma_start3A_31] : memref<4x128xi32, #tpu.memory_space<vmem>> -> memref<1x128xi32, #tpu.memory_space<vmem>>
    %dma_start3A_33 = tpu.memref_squeeze %dma_start3A_32 : memref<1x128xi32, #tpu.memory_space<vmem>> -> memref<128xi32, #tpu.memory_space<vmem>>
    %dma_start3A_34 = tpu.memref_slice %arg3[%mul3A_29] : memref<320000xi32, #tpu.memory_space<hbm>> -> memref<128xi32, #tpu.memory_space<hbm>>
    %dma_start3A_35 = arith.constant 0 : i32
    %dma_start3A_36 = tpu.memref_slice %arg6[%dma_start3A_30, %dma_start3A_35] : memref<4x128xi32, #tpu.memory_space<vmem>> -> memref<1x128xi32, #tpu.memory_space<vmem>>
    %dma_start3A_37 = tpu.memref_squeeze %dma_start3A_36 : memref<1x128xi32, #tpu.memory_space<vmem>> -> memref<128xi32, #tpu.memory_space<vmem>>
    %dma_start3A_38 = tpu.memref_slice %arg3[%mul3A_29] : memref<320000xi32, #tpu.memory_space<hbm>> -> memref<128xi32, #tpu.memory_space<hbm>>
    tpu.enqueue_dma source(%dma_start3A_38 : memref<128xi32, #tpu.memory_space<hbm>>) target(%dma_start3A_37 : memref<128xi32, #tpu.memory_space<vmem>>) target_semaphore(%arg11 : memref<!tpu.dma_semaphore, #tpu.memory_space<semaphore_mem>>)
    %dma_start3A_39 = arith.constant 1 : i32
    %dma_start3A_40 = arith.constant 0 : i32
    %dma_start3A_41 = tpu.memref_slice %arg7[%dma_start3A_39, %dma_start3A_40] : memref<4x128xi32, #tpu.memory_space<vmem>> -> memref<1x128xi32, #tpu.memory_space<vmem>>
    %dma_start3A_42 = tpu.memref_squeeze %dma_start3A_41 : memref<1x128xi32, #tpu.memory_space<vmem>> -> memref<128xi32, #tpu.memory_space<vmem>>
    %dma_start3A_43 = tpu.memref_slice %arg4[%mul3A_29] : memref<320000xi32, #tpu.memory_space<hbm>> -> memref<128xi32, #tpu.memory_space<hbm>>
    %dma_start3A_44 = arith.constant 0 : i32
    %dma_start3A_45 = tpu.memref_slice %arg7[%dma_start3A_39, %dma_start3A_44] : memref<4x128xi32, #tpu.memory_space<vmem>> -> memref<1x128xi32, #tpu.memory_space<vmem>>
    %dma_start3A_46 = tpu.memref_squeeze %dma_start3A_45 : memref<1x128xi32, #tpu.memory_space<vmem>> -> memref<128xi32, #tpu.memory_space<vmem>>
    %dma_start3A_47 = tpu.memref_slice %arg4[%mul3A_29] : memref<320000xi32, #tpu.memory_space<hbm>> -> memref<128xi32, #tpu.memory_space<hbm>>
    tpu.enqueue_dma source(%dma_start3A_47 : memref<128xi32, #tpu.memory_space<hbm>>) target(%dma_start3A_46 : memref<128xi32, #tpu.memory_space<vmem>>) target_semaphore(%arg11 : memref<!tpu.dma_semaphore, #tpu.memory_space<semaphore_mem>>)
    %add3A_48 = arith.constant 2 : i32
    %add3A_49 = arith.addi %mul3A_4, %add3A_48 : i32
    %mul3A_50 = arith.constant 128 : i32
    %mul3A_51 = arith.muli %add3A_49, %mul3A_50 : i32
    %dma_start3A_52 = arith.constant 2 : i32
    %dma_start3A_53 = arith.constant 0 : i32
    %dma_start3A_54 = tpu.memref_slice %arg6[%dma_start3A_52, %dma_start3A_53] : memref<4x128xi32, #tpu.memory_space<vmem>> -> memref<1x128xi32, #tpu.memory_space<vmem>>
    %dma_start3A_55 = tpu.memref_squeeze %dma_start3A_54 : memref<1x128xi32, #tpu.memory_space<vmem>> -> memref<128xi32, #tpu.memory_space<vmem>>
    %dma_start3A_56 = tpu.memref_slice %arg3[%mul3A_51] : memref<320000xi32, #tpu.memory_space<hbm>> -> memref<128xi32, #tpu.memory_space<hbm>>
    %dma_start3A_57 = arith.constant 0 : i32
    %dma_start3A_58 = tpu.memref_slice %arg6[%dma_start3A_52, %dma_start3A_57] : memref<4x128xi32, #tpu.memory_space<vmem>> -> memref<1x128xi32, #tpu.memory_space<vmem>>
    %dma_start3A_59 = tpu.memref_squeeze %dma_start3A_58 : memref<1x128xi32, #tpu.memory_space<vmem>> -> memref<128xi32, #tpu.memory_space<vmem>>
    %dma_start3A_60 = tpu.memref_slice %arg3[%mul3A_51] : memref<320000xi32, #tpu.memory_space<hbm>> -> memref<128xi32, #tpu.memory_space<hbm>>
    tpu.enqueue_dma source(%dma_start3A_60 : memref<128xi32, #tpu.memory_space<hbm>>) target(%dma_start3A_59 : memref<128xi32, #tpu.memory_space<vmem>>) target_semaphore(%arg12 : memref<!tpu.dma_semaphore, #tpu.memory_space<semaphore_mem>>)
    %dma_start3A_61 = arith.constant 2 : i32
    %dma_start3A_62 = arith.constant 0 : i32
    %dma_start3A_63 = tpu.memref_slice %arg7[%dma_start3A_61, %dma_start3A_62] : memref<4x128xi32, #tpu.memory_space<vmem>> -> memref<1x128xi32, #tpu.memory_space<vmem>>
    %dma_start3A_64 = tpu.memref_squeeze %dma_start3A_63 : memref<1x128xi32, #tpu.memory_space<vmem>> -> memref<128xi32, #tpu.memory_space<vmem>>
    %dma_start3A_65 = tpu.memref_slice %arg4[%mul3A_51] : memref<320000xi32, #tpu.memory_space<hbm>> -> memref<128xi32, #tpu.memory_space<hbm>>
    %dma_start3A_66 = arith.constant 0 : i32
    %dma_start3A_67 = tpu.memref_slice %arg7[%dma_start3A_61, %dma_start3A_66] : memref<4x128xi32, #tpu.memory_space<vmem>> -> memref<1x128xi32, #tpu.memory_space<vmem>>
    %dma_start3A_68 = tpu.memref_squeeze %dma_start3A_67 : memref<1x128xi32, #tpu.memory_space<vmem>> -> memref<128xi32, #tpu.memory_space<vmem>>
    %dma_start3A_69 = tpu.memref_slice %arg4[%mul3A_51] : memref<320000xi32, #tpu.memory_space<hbm>> -> memref<128xi32, #tpu.memory_space<hbm>>
    tpu.enqueue_dma source(%dma_start3A_69 : memref<128xi32, #tpu.memory_space<hbm>>) target(%dma_start3A_68 : memref<128xi32, #tpu.memory_space<vmem>>) target_semaphore(%arg12 : memref<!tpu.dma_semaphore, #tpu.memory_space<semaphore_mem>>)
    %add3A_70 = arith.constant 3 : i32
    %add3A_71 = arith.addi %mul3A_4, %add3A_70 : i32
    %mul3A_72 = arith.constant 128 : i32
    %mul3A_73 = arith.muli %add3A_71, %mul3A_72 : i32
    %dma_start3A_74 = arith.constant 3 : i32
    %dma_start3A_75 = arith.constant 0 : i32
    %dma_start3A_76 = tpu.memref_slice %arg6[%dma_start3A_74, %dma_start3A_75] : memref<4x128xi32, #tpu.memory_space<vmem>> -> memref<1x128xi32, #tpu.memory_space<vmem>>
    %dma_start3A_77 = tpu.memref_squeeze %dma_start3A_76 : memref<1x128xi32, #tpu.memory_space<vmem>> -> memref<128xi32, #tpu.memory_space<vmem>>
    %dma_start3A_78 = tpu.memref_slice %arg3[%mul3A_73] : memref<320000xi32, #tpu.memory_space<hbm>> -> memref<128xi32, #tpu.memory_space<hbm>>
    %dma_start3A_79 = arith.constant 0 : i32
    %dma_start3A_80 = tpu.memref_slice %arg6[%dma_start3A_74, %dma_start3A_79] : memref<4x128xi32, #tpu.memory_space<vmem>> -> memref<1x128xi32, #tpu.memory_space<vmem>>
    %dma_start3A_81 = tpu.memref_squeeze %dma_start3A_80 : memref<1x128xi32, #tpu.memory_space<vmem>> -> memref<128xi32, #tpu.memory_space<vmem>>
    %dma_start3A_82 = tpu.memref_slice %arg3[%mul3A_73] : memref<320000xi32, #tpu.memory_space<hbm>> -> memref<128xi32, #tpu.memory_space<hbm>>
    tpu.enqueue_dma source(%dma_start3A_82 : memref<128xi32, #tpu.memory_space<hbm>>) target(%dma_start3A_81 : memref<128xi32, #tpu.memory_space<vmem>>) target_semaphore(%arg13 : memref<!tpu.dma_semaphore, #tpu.memory_space<semaphore_mem>>)
    %dma_start3A_83 = arith.constant 3 : i32
    %dma_start3A_84 = arith.constant 0 : i32
    %dma_start3A_85 = tpu.memref_slice %arg7[%dma_start3A_83, %dma_start3A_84] : memref<4x128xi32, #tpu.memory_space<vmem>> -> memref<1x128xi32, #tpu.memory_space<vmem>>
    %dma_start3A_86 = tpu.memref_squeeze %dma_start3A_85 : memref<1x128xi32, #tpu.memory_space<vmem>> -> memref<128xi32, #tpu.memory_space<vmem>>
    %dma_start3A_87 = tpu.memref_slice %arg4[%mul3A_73] : memref<320000xi32, #tpu.memory_space<hbm>> -> memref<128xi32, #tpu.memory_space<hbm>>
    %dma_start3A_88 = arith.constant 0 : i32
    %dma_start3A_89 = tpu.memref_slice %arg7[%dma_start3A_83, %dma_start3A_88] : memref<4x128xi32, #tpu.memory_space<vmem>> -> memref<1x128xi32, #tpu.memory_space<vmem>>
    %dma_start3A_90 = tpu.memref_squeeze %dma_start3A_89 : memref<1x128xi32, #tpu.memory_space<vmem>> -> memref<128xi32, #tpu.memory_space<vmem>>
    %dma_start3A_91 = tpu.memref_slice %arg4[%mul3A_73] : memref<320000xi32, #tpu.memory_space<hbm>> -> memref<128xi32, #tpu.memory_space<hbm>>
    tpu.enqueue_dma source(%dma_start3A_91 : memref<128xi32, #tpu.memory_space<hbm>>) target(%dma_start3A_90 : memref<128xi32, #tpu.memory_space<vmem>>) target_semaphore(%arg13 : memref<!tpu.dma_semaphore, #tpu.memory_space<semaphore_mem>>)
    %broadcast_in_dim3A = arith.constant 0.000000e+00 : f32
    %broadcast_in_dim3A_92 = vector.broadcast %broadcast_in_dim3A : f32 to vector<16xf32>
    %scan3A = arith.constant 0 : i32
    %scan3A_93 = arith.constant 0 : i32
    %scan3A_94 = arith.constant 128 : i32
    %scan3A_95 = arith.addi %scan3A_93, %scan3A_94 : i32
    %scan3A_96 = arith.constant 1 : i32
    scf.for %scan3A_447 = %scan3A_93 to %scan3A_95 step %scan3A_96  : i32 {
      %swap3A = arith.constant 0 : i32
      %swap3A_448 = arith.index_cast %swap3A : i32 to index
      %swap3A_449 = arith.index_cast %scan3A_447 : i32 to index
      %swap3A_450 = arith.constant 0 : index
      %swap3A_451 = tpu.vector_load %arg8[%swap3A_448, %swap3A_449, %swap3A_450] {strides = array<i32>} : memref<2x128x128xf32, #tpu.memory_space<vmem>>, vector<1x1x16xf32>,
      %swap3A_452 = vector.shape_cast %swap3A_451 : vector<1x1x16xf32> to vector<16xf32>
      %swap3A_453 = vector.shape_cast %broadcast_in_dim3A_92 : vector<16xf32> to vector<1x1x16xf32>
      tpu.vector_store %arg8[%swap3A_448, %swap3A_449, %swap3A_450], %swap3A_453 {strides = array<i32>} : memref<2x128x128xf32, #tpu.memory_space<vmem>>, vector<1x1x16xf32>,
      %swap3A_454 = arith.constant 0 : i32
      %swap3A_455 = arith.index_cast %swap3A_454 : i32 to index
      %swap3A_456 = arith.index_cast %scan3A_447 : i32 to index
      %swap3A_457 = arith.constant 16 : index
      %swap3A_458 = tpu.vector_load %arg8[%swap3A_455, %swap3A_456, %swap3A_457] {strides = array<i32>} : memref<2x128x128xf32, #tpu.memory_space<vmem>>, vector<1x1x16xf32>,
      %swap3A_459 = vector.shape_cast %swap3A_458 : vector<1x1x16xf32> to vector<16xf32>
      %swap3A_460 = vector.shape_cast %broadcast_in_dim3A_92 : vector<16xf32> to vector<1x1x16xf32>
      tpu.vector_store %arg8[%swap3A_455, %swap3A_456, %swap3A_457], %swap3A_460 {strides = array<i32>} : memref<2x128x128xf32, #tpu.memory_space<vmem>>, vector<1x1x16xf32>,
      %swap3A_461 = arith.constant 0 : i32
      %swap3A_462 = arith.index_cast %swap3A_461 : i32 to index
      %swap3A_463 = arith.index_cast %scan3A_447 : i32 to index
      %swap3A_464 = arith.constant 32 : index
      %swap3A_465 = tpu.vector_load %arg8[%swap3A_462, %swap3A_463, %swap3A_464] {strides = array<i32>} : memref<2x128x128xf32, #tpu.memory_space<vmem>>, vector<1x1x16xf32>,
      %swap3A_466 = vector.shape_cast %swap3A_465 : vector<1x1x16xf32> to vector<16xf32>
      %swap3A_467 = vector.shape_cast %broadcast_in_dim3A_92 : vector<16xf32> to vector<1x1x16xf32>
      tpu.vector_store %arg8[%swap3A_462, %swap3A_463, %swap3A_464], %swap3A_467 {strides = array<i32>} : memref<2x128x128xf32, #tpu.memory_space<vmem>>, vector<1x1x16xf32>,
      %swap3A_468 = arith.constant 0 : i32
      %swap3A_469 = arith.index_cast %swap3A_468 : i32 to index
      %swap3A_470 = arith.index_cast %scan3A_447 : i32 to index
      %swap3A_471 = arith.constant 48 : index
      %swap3A_472 = tpu.vector_load %arg8[%swap3A_469, %swap3A_470, %swap3A_471] {strides = array<i32>} : memref<2x128x128xf32, #tpu.memory_space<vmem>>, vector<1x1x16xf32>,
      %swap3A_473 = vector.shape_cast %swap3A_472 : vector<1x1x16xf32> to vector<16xf32>
      %swap3A_474 = vector.shape_cast %broadcast_in_dim3A_92 : vector<16xf32> to vector<1x1x16xf32>
      tpu.vector_store %arg8[%swap3A_469, %swap3A_470, %swap3A_471], %swap3A_474 {strides = array<i32>} : memref<2x128x128xf32, #tpu.memory_space<vmem>>, vector<1x1x16xf32>,
      %swap3A_475 = arith.constant 0 : i32
      %swap3A_476 = arith.index_cast %swap3A_475 : i32 to index
      %swap3A_477 = arith.index_cast %scan3A_447 : i32 to index
      %swap3A_478 = arith.constant 64 : index
      %swap3A_479 = tpu.vector_load %arg8[%swap3A_476, %swap3A_477, %swap3A_478] {strides = array<i32>} : memref<2x128x128xf32, #tpu.memory_space<vmem>>, vector<1x1x16xf32>,
      %swap3A_480 = vector.shape_cast %swap3A_479 : vector<1x1x16xf32> to vector<16xf32>
      %swap3A_481 = vector.shape_cast %broadcast_in_dim3A_92 : vector<16xf32> to vector<1x1x16xf32>
      tpu.vector_store %arg8[%swap3A_476, %swap3A_477, %swap3A_478], %swap3A_481 {strides = array<i32>} : memref<2x128x128xf32, #tpu.memory_space<vmem>>, vector<1x1x16xf32>,
      %swap3A_482 = arith.constant 0 : i32
      %swap3A_483 = arith.index_cast %swap3A_482 : i32 to index
      %swap3A_484 = arith.index_cast %scan3A_447 : i32 to index
      %swap3A_485 = arith.constant 80 : index
      %swap3A_486 = tpu.vector_load %arg8[%swap3A_483, %swap3A_484, %swap3A_485] {strides = array<i32>} : memref<2x128x128xf32, #tpu.memory_space<vmem>>, vector<1x1x16xf32>,
      %swap3A_487 = vector.shape_cast %swap3A_486 : vector<1x1x16xf32> to vector<16xf32>
      %swap3A_488 = vector.shape_cast %broadcast_in_dim3A_92 : vector<16xf32> to vector<1x1x16xf32>
      tpu.vector_store %arg8[%swap3A_483, %swap3A_484, %swap3A_485], %swap3A_488 {strides = array<i32>} : memref<2x128x128xf32, #tpu.memory_space<vmem>>, vector<1x1x16xf32>,
      %swap3A_489 = arith.constant 0 : i32
      %swap3A_490 = arith.index_cast %swap3A_489 : i32 to index
      %swap3A_491 = arith.index_cast %scan3A_447 : i32 to index
      %swap3A_492 = arith.constant 96 : index
      %swap3A_493 = tpu.vector_load %arg8[%swap3A_490, %swap3A_491, %swap3A_492] {strides = array<i32>} : memref<2x128x128xf32, #tpu.memory_space<vmem>>, vector<1x1x16xf32>,
      %swap3A_494 = vector.shape_cast %swap3A_493 : vector<1x1x16xf32> to vector<16xf32>
      %swap3A_495 = vector.shape_cast %broadcast_in_dim3A_92 : vector<16xf32> to vector<1x1x16xf32>
      tpu.vector_store %arg8[%swap3A_490, %swap3A_491, %swap3A_492], %swap3A_495 {strides = array<i32>} : memref<2x128x128xf32, #tpu.memory_space<vmem>>, vector<1x1x16xf32>,
      %swap3A_496 = arith.constant 0 : i32
      %swap3A_497 = arith.index_cast %swap3A_496 : i32 to index
      %swap3A_498 = arith.index_cast %scan3A_447 : i32 to index
      %swap3A_499 = arith.constant 112 : index
      %swap3A_500 = tpu.vector_load %arg8[%swap3A_497, %swap3A_498, %swap3A_499] {strides = array<i32>} : memref<2x128x128xf32, #tpu.memory_space<vmem>>, vector<1x1x16xf32>,
      %swap3A_501 = vector.shape_cast %swap3A_500 : vector<1x1x16xf32> to vector<16xf32>
      %swap3A_502 = vector.shape_cast %broadcast_in_dim3A_92 : vector<16xf32> to vector<1x1x16xf32>
      tpu.vector_store %arg8[%swap3A_497, %swap3A_498, %swap3A_499], %swap3A_502 {strides = array<i32>} : memref<2x128x128xf32, #tpu.memory_space<vmem>>, vector<1x1x16xf32>,
    }
    %scan3A_97 = arith.constant 128 : i32
    %mul3A_98 = arith.constant 640 : i32
    %mul3A_99 = arith.muli %arg1, %mul3A_98 : i32
    %add3A_100 = arith.constant 0 : i32
    %add3A_101 = arith.addi %mul3A_99, %add3A_100 : i32
    %run_scoped3A = arith.constant 0 : i32
    "tpu.region"() ({
      %run_scoped3A_447 = tpu.sem_alloc : memref<!tpu.dma_semaphore, #tpu.memory_space<semaphore_mem>>
      %dma_start3A_448 = arith.constant 0 : i32
      %dma_start3A_449 = arith.constant 0 : i32
      %dma_start3A_450 = tpu.memref_slice %arg8[%run_scoped3A, %dma_start3A_448, %dma_start3A_449] : memref<2x128x128xf32, #tpu.memory_space<vmem>> -> memref<1x128x128xf32, #tpu.memory_space<vmem>>
      %dma_start3A_451 = tpu.memref_squeeze %dma_start3A_450 : memref<1x128x128xf32, #tpu.memory_space<vmem>> -> memref<128x128xf32, #tpu.memory_space<vmem>>
      %dma_start3A_452 = arith.constant 0 : i32
      %dma_start3A_453 = tpu.memref_slice %arg9[%add3A_101, %dma_start3A_452] : memref<10240x128xf32, #tpu.memory_space<vmem_shared>> -> memref<128x128xf32, #tpu.memory_space<vmem_shared>>
      %dma_start3A_454 = arith.constant 0 : i32
      %dma_start3A_455 = tpu.memref_slice %arg9[%add3A_101, %dma_start3A_454] : memref<10240x128xf32, #tpu.memory_space<vmem_shared>> -> memref<128x128xf32, #tpu.memory_space<vmem_shared>>
      %dma_start3A_456 = arith.constant 0 : i32
      %dma_start3A_457 = arith.constant 0 : i32
      %dma_start3A_458 = tpu.memref_slice %arg8[%run_scoped3A, %dma_start3A_456, %dma_start3A_457] : memref<2x128x128xf32, #tpu.memory_space<vmem>> -> memref<1x128x128xf32, #tpu.memory_space<vmem>>
      %dma_start3A_459 = tpu.memref_squeeze %dma_start3A_458 : memref<1x128x128xf32, #tpu.memory_space<vmem>> -> memref<128x128xf32, #tpu.memory_space<vmem>>
      tpu.enqueue_dma source(%dma_start3A_459 : memref<128x128xf32, #tpu.memory_space<vmem>>) target(%dma_start3A_455 : memref<128x128xf32, #tpu.memory_space<vmem_shared>>) target_semaphore(%run_scoped3A_447 : memref<!tpu.dma_semaphore, #tpu.memory_space<semaphore_mem>>)
      %dma_wait3A_460 = arith.constant 0 : i32
      %dma_wait3A_461 = arith.constant 0 : i32
      %dma_wait3A_462 = tpu.memref_slice %arg8[%run_scoped3A, %dma_wait3A_460, %dma_wait3A_461] : memref<2x128x128xf32, #tpu.memory_space<vmem>> -> memref<1x128x128xf32, #tpu.memory_space<vmem>>
      %dma_wait3A_463 = tpu.memref_squeeze %dma_wait3A_462 : memref<1x128x128xf32, #tpu.memory_space<vmem>> -> memref<128x128xf32, #tpu.memory_space<vmem>>
      %dma_wait3A_464 = arith.constant 0 : i32
      %dma_wait3A_465 = tpu.memref_slice %arg9[%add3A_101, %dma_wait3A_464] : memref<10240x128xf32, #tpu.memory_space<vmem_shared>> -> memref<128x128xf32, #tpu.memory_space<vmem_shared>>
      %dma_wait3A_466 = arith.constant 0 : i32
      %dma_wait3A_467 = tpu.memref_slice %arg9[%add3A_101, %dma_wait3A_466] : memref<10240x128xf32, #tpu.memory_space<vmem_shared>> -> memref<128x128xf32, #tpu.memory_space<vmem_shared>>
      %dma_wait3A_468 = arith.constant 0 : i32
      %dma_wait3A_469 = arith.constant 0 : i32
      %dma_wait3A_470 = tpu.memref_slice %arg8[%run_scoped3A, %dma_wait3A_468, %dma_wait3A_469] : memref<2x128x128xf32, #tpu.memory_space<vmem>> -> memref<1x128x128xf32, #tpu.memory_space<vmem>>
      %dma_wait3A_471 = tpu.memref_squeeze %dma_wait3A_470 : memref<1x128x128xf32, #tpu.memory_space<vmem>> -> memref<128x128xf32, #tpu.memory_space<vmem>>
      tpu.wait_dma2 semaphore(%run_scoped3A_447 : memref<!tpu.dma_semaphore, #tpu.memory_space<semaphore_mem>>) src(%dma_wait3A_471 : memref<128x128xf32, #tpu.memory_space<vmem>>) dst(%dma_wait3A_467 : memref<128x128xf32, #tpu.memory_space<vmem_shared>>)
      tpu.yield
    }) : () -> ()
    %mul3A_102 = arith.constant 640 : i32
    %mul3A_103 = arith.muli %arg1, %mul3A_102 : i32
    %add3A_104 = arith.constant 128 : i32
    %add3A_105 = arith.addi %mul3A_103, %add3A_104 : i32
    %run_scoped3A_106 = arith.constant 0 : i32
    "tpu.region"() ({
      %run_scoped3A_447 = tpu.sem_alloc : memref<!tpu.dma_semaphore, #tpu.memory_space<semaphore_mem>>
      %dma_start3A_448 = arith.constant 0 : i32
      %dma_start3A_449 = arith.constant 0 : i32
      %dma_start3A_450 = tpu.memref_slice %arg8[%run_scoped3A_106, %dma_start3A_448, %dma_start3A_449] : memref<2x128x128xf32, #tpu.memory_space<vmem>> -> memref<1x128x128xf32, #tpu.memory_space<vmem>>
      %dma_start3A_451 = tpu.memref_squeeze %dma_start3A_450 : memref<1x128x128xf32, #tpu.memory_space<vmem>> -> memref<128x128xf32, #tpu.memory_space<vmem>>
      %dma_start3A_452 = arith.constant 0 : i32
      %dma_start3A_453 = tpu.memref_slice %arg9[%add3A_105, %dma_start3A_452] : memref<10240x128xf32, #tpu.memory_space<vmem_shared>> -> memref<128x128xf32, #tpu.memory_space<vmem_shared>>
      %dma_start3A_454 = arith.constant 0 : i32
      %dma_start3A_455 = tpu.memref_slice %arg9[%add3A_105, %dma_start3A_454] : memref<10240x128xf32, #tpu.memory_space<vmem_shared>> -> memref<128x128xf32, #tpu.memory_space<vmem_shared>>
      %dma_start3A_456 = arith.constant 0 : i32
      %dma_start3A_457 = arith.constant 0 : i32
      %dma_start3A_458 = tpu.memref_slice %arg8[%run_scoped3A_106, %dma_start3A_456, %dma_start3A_457] : memref<2x128x128xf32, #tpu.memory_space<vmem>> -> memref<1x128x128xf32, #tpu.memory_space<vmem>>
      %dma_start3A_459 = tpu.memref_squeeze %dma_start3A_458 : memref<1x128x128xf32, #tpu.memory_space<vmem>> -> memref<128x128xf32, #tpu.memory_space<vmem>>
      tpu.enqueue_dma source(%dma_start3A_459 : memref<128x128xf32, #tpu.memory_space<vmem>>) target(%dma_start3A_455 : memref<128x128xf32, #tpu.memory_space<vmem_shared>>) target_semaphore(%run_scoped3A_447 : memref<!tpu.dma_semaphore, #tpu.memory_space<semaphore_mem>>)
      %dma_wait3A_460 = arith.constant 0 : i32
      %dma_wait3A_461 = arith.constant 0 : i32
      %dma_wait3A_462 = tpu.memref_slice %arg8[%run_scoped3A_106, %dma_wait3A_460, %dma_wait3A_461] : memref<2x128x128xf32, #tpu.memory_space<vmem>> -> memref<1x128x128xf32, #tpu.memory_space<vmem>>
      %dma_wait3A_463 = tpu.memref_squeeze %dma_wait3A_462 : memref<1x128x128xf32, #tpu.memory_space<vmem>> -> memref<128x128xf32, #tpu.memory_space<vmem>>
      %dma_wait3A_464 = arith.constant 0 : i32
      %dma_wait3A_465 = tpu.memref_slice %arg9[%add3A_105, %dma_wait3A_464] : memref<10240x128xf32, #tpu.memory_space<vmem_shared>> -> memref<128x128xf32, #tpu.memory_space<vmem_shared>>
      %dma_wait3A_466 = arith.constant 0 : i32
      %dma_wait3A_467 = tpu.memref_slice %arg9[%add3A_105, %dma_wait3A_466] : memref<10240x128xf32, #tpu.memory_space<vmem_shared>> -> memref<128x128xf32, #tpu.memory_space<vmem_shared>>
      %dma_wait3A_468 = arith.constant 0 : i32
      %dma_wait3A_469 = arith.constant 0 : i32
      %dma_wait3A_470 = tpu.memref_slice %arg8[%run_scoped3A_106, %dma_wait3A_468, %dma_wait3A_469] : memref<2x128x128xf32, #tpu.memory_space<vmem>> -> memref<1x128x128xf32, #tpu.memory_space<vmem>>
      %dma_wait3A_471 = tpu.memref_squeeze %dma_wait3A_470 : memref<1x128x128xf32, #tpu.memory_space<vmem>> -> memref<128x128xf32, #tpu.memory_space<vmem>>
      tpu.wait_dma2 semaphore(%run_scoped3A_447 : memref<!tpu.dma_semaphore, #tpu.memory_space<semaphore_mem>>) src(%dma_wait3A_471 : memref<128x128xf32, #tpu.memory_space<vmem>>) dst(%dma_wait3A_467 : memref<128x128xf32, #tpu.memory_space<vmem_shared>>)
      tpu.yield
    }) : () -> ()
    %mul3A_107 = arith.constant 640 : i32
    %mul3A_108 = arith.muli %arg1, %mul3A_107 : i32
    %add3A_109 = arith.constant 256 : i32
    %add3A_110 = arith.addi %mul3A_108, %add3A_109 : i32
    %run_scoped3A_111 = arith.constant 0 : i32
    "tpu.region"() ({
      %run_scoped3A_447 = tpu.sem_alloc : memref<!tpu.dma_semaphore, #tpu.memory_space<semaphore_mem>>
      %dma_start3A_448 = arith.constant 0 : i32
      %dma_start3A_449 = arith.constant 0 : i32
      %dma_start3A_450 = tpu.memref_slice %arg8[%run_scoped3A_111, %dma_start3A_448, %dma_start3A_449] : memref<2x128x128xf32, #tpu.memory_space<vmem>> -> memref<1x128x128xf32, #tpu.memory_space<vmem>>
      %dma_start3A_451 = tpu.memref_squeeze %dma_start3A_450 : memref<1x128x128xf32, #tpu.memory_space<vmem>> -> memref<128x128xf32, #tpu.memory_space<vmem>>
      %dma_start3A_452 = arith.constant 0 : i32
      %dma_start3A_453 = tpu.memref_slice %arg9[%add3A_110, %dma_start3A_452] : memref<10240x128xf32, #tpu.memory_space<vmem_shared>> -> memref<128x128xf32, #tpu.memory_space<vmem_shared>>
      %dma_start3A_454 = arith.constant 0 : i32
      %dma_start3A_455 = tpu.memref_slice %arg9[%add3A_110, %dma_start3A_454] : memref<10240x128xf32, #tpu.memory_space<vmem_shared>> -> memref<128x128xf32, #tpu.memory_space<vmem_shared>>
      %dma_start3A_456 = arith.constant 0 : i32
      %dma_start3A_457 = arith.constant 0 : i32
      %dma_start3A_458 = tpu.memref_slice %arg8[%run_scoped3A_111, %dma_start3A_456, %dma_start3A_457] : memref<2x128x128xf32, #tpu.memory_space<vmem>> -> memref<1x128x128xf32, #tpu.memory_space<vmem>>
      %dma_start3A_459 = tpu.memref_squeeze %dma_start3A_458 : memref<1x128x128xf32, #tpu.memory_space<vmem>> -> memref<128x128xf32, #tpu.memory_space<vmem>>
      tpu.enqueue_dma source(%dma_start3A_459 : memref<128x128xf32, #tpu.memory_space<vmem>>) target(%dma_start3A_455 : memref<128x128xf32, #tpu.memory_space<vmem_shared>>) target_semaphore(%run_scoped3A_447 : memref<!tpu.dma_semaphore, #tpu.memory_space<semaphore_mem>>)
      %dma_wait3A_460 = arith.constant 0 : i32
      %dma_wait3A_461 = arith.constant 0 : i32
      %dma_wait3A_462 = tpu.memref_slice %arg8[%run_scoped3A_111, %dma_wait3A_460, %dma_wait3A_461] : memref<2x128x128xf32, #tpu.memory_space<vmem>> -> memref<1x128x128xf32, #tpu.memory_space<vmem>>
      %dma_wait3A_463 = tpu.memref_squeeze %dma_wait3A_462 : memref<1x128x128xf32, #tpu.memory_space<vmem>> -> memref<128x128xf32, #tpu.memory_space<vmem>>
      %dma_wait3A_464 = arith.constant 0 : i32
      %dma_wait3A_465 = tpu.memref_slice %arg9[%add3A_110, %dma_wait3A_464] : memref<10240x128xf32, #tpu.memory_space<vmem_shared>> -> memref<128x128xf32, #tpu.memory_space<vmem_shared>>
      %dma_wait3A_466 = arith.constant 0 : i32
      %dma_wait3A_467 = tpu.memref_slice %arg9[%add3A_110, %dma_wait3A_466] : memref<10240x128xf32, #tpu.memory_space<vmem_shared>> -> memref<128x128xf32, #tpu.memory_space<vmem_shared>>
      %dma_wait3A_468 = arith.constant 0 : i32
      %dma_wait3A_469 = arith.constant 0 : i32
      %dma_wait3A_470 = tpu.memref_slice %arg8[%run_scoped3A_111, %dma_wait3A_468, %dma_wait3A_469] : memref<2x128x128xf32, #tpu.memory_space<vmem>> -> memref<1x128x128xf32, #tpu.memory_space<vmem>>
      %dma_wait3A_471 = tpu.memref_squeeze %dma_wait3A_470 : memref<1x128x128xf32, #tpu.memory_space<vmem>> -> memref<128x128xf32, #tpu.memory_space<vmem>>
      tpu.wait_dma2 semaphore(%run_scoped3A_447 : memref<!tpu.dma_semaphore, #tpu.memory_space<semaphore_mem>>) src(%dma_wait3A_471 : memref<128x128xf32, #tpu.memory_space<vmem>>) dst(%dma_wait3A_467 : memref<128x128xf32, #tpu.memory_space<vmem_shared>>)
      tpu.yield
    }) : () -> ()
    %mul3A_112 = arith.constant 640 : i32
    %mul3A_113 = arith.muli %arg1, %mul3A_112 : i32
    %add3A_114 = arith.constant 384 : i32
    %add3A_115 = arith.addi %mul3A_113, %add3A_114 : i32
    %run_scoped3A_116 = arith.constant 0 : i32
    "tpu.region"() ({
      %run_scoped3A_447 = tpu.sem_alloc : memref<!tpu.dma_semaphore, #tpu.memory_space<semaphore_mem>>
      %dma_start3A_448 = arith.constant 0 : i32
      %dma_start3A_449 = arith.constant 0 : i32
      %dma_start3A_450 = tpu.memref_slice %arg8[%run_scoped3A_116, %dma_start3A_448, %dma_start3A_449] : memref<2x128x128xf32, #tpu.memory_space<vmem>> -> memref<1x128x128xf32, #tpu.memory_space<vmem>>
      %dma_start3A_451 = tpu.memref_squeeze %dma_start3A_450 : memref<1x128x128xf32, #tpu.memory_space<vmem>> -> memref<128x128xf32, #tpu.memory_space<vmem>>
      %dma_start3A_452 = arith.constant 0 : i32
      %dma_start3A_453 = tpu.memref_slice %arg9[%add3A_115, %dma_start3A_452] : memref<10240x128xf32, #tpu.memory_space<vmem_shared>> -> memref<128x128xf32, #tpu.memory_space<vmem_shared>>
      %dma_start3A_454 = arith.constant 0 : i32
      %dma_start3A_455 = tpu.memref_slice %arg9[%add3A_115, %dma_start3A_454] : memref<10240x128xf32, #tpu.memory_space<vmem_shared>> -> memref<128x128xf32, #tpu.memory_space<vmem_shared>>
      %dma_start3A_456 = arith.constant 0 : i32
      %dma_start3A_457 = arith.constant 0 : i32
      %dma_start3A_458 = tpu.memref_slice %arg8[%run_scoped3A_116, %dma_start3A_456, %dma_start3A_457] : memref<2x128x128xf32, #tpu.memory_space<vmem>> -> memref<1x128x128xf32, #tpu.memory_space<vmem>>
      %dma_start3A_459 = tpu.memref_squeeze %dma_start3A_458 : memref<1x128x128xf32, #tpu.memory_space<vmem>> -> memref<128x128xf32, #tpu.memory_space<vmem>>
      tpu.enqueue_dma source(%dma_start3A_459 : memref<128x128xf32, #tpu.memory_space<vmem>>) target(%dma_start3A_455 : memref<128x128xf32, #tpu.memory_space<vmem_shared>>) target_semaphore(%run_scoped3A_447 : memref<!tpu.dma_semaphore, #tpu.memory_space<semaphore_mem>>)
      %dma_wait3A_460 = arith.constant 0 : i32
      %dma_wait3A_461 = arith.constant 0 : i32
      %dma_wait3A_462 = tpu.memref_slice %arg8[%run_scoped3A_116, %dma_wait3A_460, %dma_wait3A_461] : memref<2x128x128xf32, #tpu.memory_space<vmem>> -> memref<1x128x128xf32, #tpu.memory_space<vmem>>
      %dma_wait3A_463 = tpu.memref_squeeze %dma_wait3A_462 : memref<1x128x128xf32, #tpu.memory_space<vmem>> -> memref<128x128xf32, #tpu.memory_space<vmem>>
      %dma_wait3A_464 = arith.constant 0 : i32
      %dma_wait3A_465 = tpu.memref_slice %arg9[%add3A_115, %dma_wait3A_464] : memref<10240x128xf32, #tpu.memory_space<vmem_shared>> -> memref<128x128xf32, #tpu.memory_space<vmem_shared>>
      %dma_wait3A_466 = arith.constant 0 : i32
      %dma_wait3A_467 = tpu.memref_slice %arg9[%add3A_115, %dma_wait3A_466] : memref<10240x128xf32, #tpu.memory_space<vmem_shared>> -> memref<128x128xf32, #tpu.memory_space<vmem_shared>>
      %dma_wait3A_468 = arith.constant 0 : i32
      %dma_wait3A_469 = arith.constant 0 : i32
      %dma_wait3A_470 = tpu.memref_slice %arg8[%run_scoped3A_116, %dma_wait3A_468, %dma_wait3A_469] : memref<2x128x128xf32, #tpu.memory_space<vmem>> -> memref<1x128x128xf32, #tpu.memory_space<vmem>>
      %dma_wait3A_471 = tpu.memref_squeeze %dma_wait3A_470 : memref<1x128x128xf32, #tpu.memory_space<vmem>> -> memref<128x128xf32, #tpu.memory_space<vmem>>
      tpu.wait_dma2 semaphore(%run_scoped3A_447 : memref<!tpu.dma_semaphore, #tpu.memory_space<semaphore_mem>>) src(%dma_wait3A_471 : memref<128x128xf32, #tpu.memory_space<vmem>>) dst(%dma_wait3A_467 : memref<128x128xf32, #tpu.memory_space<vmem_shared>>)
      tpu.yield
    }) : () -> ()
    %mul3A_117 = arith.constant 640 : i32
    %mul3A_118 = arith.muli %arg1, %mul3A_117 : i32
    %add3A_119 = arith.constant 512 : i32
    %add3A_120 = arith.addi %mul3A_118, %add3A_119 : i32
    %run_scoped3A_121 = arith.constant 0 : i32
    "tpu.region"() ({
      %run_scoped3A_447 = tpu.sem_alloc : memref<!tpu.dma_semaphore, #tpu.memory_space<semaphore_mem>>
      %dma_start3A_448 = arith.constant 0 : i32
      %dma_start3A_449 = arith.constant 0 : i32
      %dma_start3A_450 = tpu.memref_slice %arg8[%run_scoped3A_121, %dma_start3A_448, %dma_start3A_449] : memref<2x128x128xf32, #tpu.memory_space<vmem>> -> memref<1x128x128xf32, #tpu.memory_space<vmem>>
      %dma_start3A_451 = tpu.memref_squeeze %dma_start3A_450 : memref<1x128x128xf32, #tpu.memory_space<vmem>> -> memref<128x128xf32, #tpu.memory_space<vmem>>
      %dma_start3A_452 = arith.constant 0 : i32
      %dma_start3A_453 = tpu.memref_slice %arg9[%add3A_120, %dma_start3A_452] : memref<10240x128xf32, #tpu.memory_space<vmem_shared>> -> memref<128x128xf32, #tpu.memory_space<vmem_shared>>
      %dma_start3A_454 = arith.constant 0 : i32
      %dma_start3A_455 = tpu.memref_slice %arg9[%add3A_120, %dma_start3A_454] : memref<10240x128xf32, #tpu.memory_space<vmem_shared>> -> memref<128x128xf32, #tpu.memory_space<vmem_shared>>
      %dma_start3A_456 = arith.constant 0 : i32
      %dma_start3A_457 = arith.constant 0 : i32
      %dma_start3A_458 = tpu.memref_slice %arg8[%run_scoped3A_121, %dma_start3A_456, %dma_start3A_457] : memref<2x128x128xf32, #tpu.memory_space<vmem>> -> memref<1x128x128xf32, #tpu.memory_space<vmem>>
      %dma_start3A_459 = tpu.memref_squeeze %dma_start3A_458 : memref<1x128x128xf32, #tpu.memory_space<vmem>> -> memref<128x128xf32, #tpu.memory_space<vmem>>
      tpu.enqueue_dma source(%dma_start3A_459 : memref<128x128xf32, #tpu.memory_space<vmem>>) target(%dma_start3A_455 : memref<128x128xf32, #tpu.memory_space<vmem_shared>>) target_semaphore(%run_scoped3A_447 : memref<!tpu.dma_semaphore, #tpu.memory_space<semaphore_mem>>)
      %dma_wait3A_460 = arith.constant 0 : i32
      %dma_wait3A_461 = arith.constant 0 : i32
      %dma_wait3A_462 = tpu.memref_slice %arg8[%run_scoped3A_121, %dma_wait3A_460, %dma_wait3A_461] : memref<2x128x128xf32, #tpu.memory_space<vmem>> -> memref<1x128x128xf32, #tpu.memory_space<vmem>>
      %dma_wait3A_463 = tpu.memref_squeeze %dma_wait3A_462 : memref<1x128x128xf32, #tpu.memory_space<vmem>> -> memref<128x128xf32, #tpu.memory_space<vmem>>
      %dma_wait3A_464 = arith.constant 0 : i32
      %dma_wait3A_465 = tpu.memref_slice %arg9[%add3A_120, %dma_wait3A_464] : memref<10240x128xf32, #tpu.memory_space<vmem_shared>> -> memref<128x128xf32, #tpu.memory_space<vmem_shared>>
      %dma_wait3A_466 = arith.constant 0 : i32
      %dma_wait3A_467 = tpu.memref_slice %arg9[%add3A_120, %dma_wait3A_466] : memref<10240x128xf32, #tpu.memory_space<vmem_shared>> -> memref<128x128xf32, #tpu.memory_space<vmem_shared>>
      %dma_wait3A_468 = arith.constant 0 : i32
      %dma_wait3A_469 = arith.constant 0 : i32
      %dma_wait3A_470 = tpu.memref_slice %arg8[%run_scoped3A_121, %dma_wait3A_468, %dma_wait3A_469] : memref<2x128x128xf32, #tpu.memory_space<vmem>> -> memref<1x128x128xf32, #tpu.memory_space<vmem>>
      %dma_wait3A_471 = tpu.memref_squeeze %dma_wait3A_470 : memref<1x128x128xf32, #tpu.memory_space<vmem>> -> memref<128x128xf32, #tpu.memory_space<vmem>>
      tpu.wait_dma2 semaphore(%run_scoped3A_447 : memref<!tpu.dma_semaphore, #tpu.memory_space<semaphore_mem>>) src(%dma_wait3A_471 : memref<128x128xf32, #tpu.memory_space<vmem>>) dst(%dma_wait3A_467 : memref<128x128xf32, #tpu.memory_space<vmem_shared>>)
      tpu.yield
    }) : () -> ()
    %add3A_122 = arith.constant 0 : i32
    %add3A_123 = arith.addi %mul3A_4, %add3A_122 : i32
    %mul3A_124 = arith.constant 128 : i32
    %mul3A_125 = arith.muli %add3A_123, %mul3A_124 : i32
    %dma_wait3A = arith.constant 0 : i32
    %dma_wait3A_126 = arith.constant 0 : i32
    %dma_wait3A_127 = tpu.memref_slice %arg6[%dma_wait3A, %dma_wait3A_126] : memref<4x128xi32, #tpu.memory_space<vmem>> -> memref<1x128xi32, #tpu.memory_space<vmem>>
    %dma_wait3A_128 = tpu.memref_squeeze %dma_wait3A_127 : memref<1x128xi32, #tpu.memory_space<vmem>> -> memref<128xi32, #tpu.memory_space<vmem>>
    %dma_wait3A_129 = tpu.memref_slice %arg3[%mul3A_125] : memref<320000xi32, #tpu.memory_space<hbm>> -> memref<128xi32, #tpu.memory_space<hbm>>
    %dma_wait3A_130 = arith.constant 0 : i32
    %dma_wait3A_131 = tpu.memref_slice %arg6[%dma_wait3A, %dma_wait3A_130] : memref<4x128xi32, #tpu.memory_space<vmem>> -> memref<1x128xi32, #tpu.memory_space<vmem>>
    %dma_wait3A_132 = tpu.memref_squeeze %dma_wait3A_131 : memref<1x128xi32, #tpu.memory_space<vmem>> -> memref<128xi32, #tpu.memory_space<vmem>>
    %dma_wait3A_133 = tpu.memref_slice %arg3[%mul3A_125] : memref<320000xi32, #tpu.memory_space<hbm>> -> memref<128xi32, #tpu.memory_space<hbm>>
    tpu.wait_dma2 semaphore(%arg10 : memref<!tpu.dma_semaphore, #tpu.memory_space<semaphore_mem>>) src(%dma_wait3A_133 : memref<128xi32, #tpu.memory_space<hbm>>) dst(%dma_wait3A_132 : memref<128xi32, #tpu.memory_space<vmem>>)
    %dma_wait3A_134 = arith.constant 0 : i32
    %dma_wait3A_135 = arith.constant 0 : i32
    %dma_wait3A_136 = tpu.memref_slice %arg7[%dma_wait3A_134, %dma_wait3A_135] : memref<4x128xi32, #tpu.memory_space<vmem>> -> memref<1x128xi32, #tpu.memory_space<vmem>>
    %dma_wait3A_137 = tpu.memref_squeeze %dma_wait3A_136 : memref<1x128xi32, #tpu.memory_space<vmem>> -> memref<128xi32, #tpu.memory_space<vmem>>
    %dma_wait3A_138 = tpu.memref_slice %arg4[%mul3A_125] : memref<320000xi32, #tpu.memory_space<hbm>> -> memref<128xi32, #tpu.memory_space<hbm>>
    %dma_wait3A_139 = arith.constant 0 : i32
    %dma_wait3A_140 = tpu.memref_slice %arg7[%dma_wait3A_134, %dma_wait3A_139] : memref<4x128xi32, #tpu.memory_space<vmem>> -> memref<1x128xi32, #tpu.memory_space<vmem>>
    %dma_wait3A_141 = tpu.memref_squeeze %dma_wait3A_140 : memref<1x128xi32, #tpu.memory_space<vmem>> -> memref<128xi32, #tpu.memory_space<vmem>>
    %dma_wait3A_142 = tpu.memref_slice %arg4[%mul3A_125] : memref<320000xi32, #tpu.memory_space<hbm>> -> memref<128xi32, #tpu.memory_space<hbm>>
    tpu.wait_dma2 semaphore(%arg10 : memref<!tpu.dma_semaphore, #tpu.memory_space<semaphore_mem>>) src(%dma_wait3A_142 : memref<128xi32, #tpu.memory_space<hbm>>) dst(%dma_wait3A_141 : memref<128xi32, #tpu.memory_space<vmem>>)
    %dma_start3A_143 = arith.constant 0 : i32
    %dma_start3A_144 = arith.constant 0 : i32
    %dma_start3A_145 = arith.constant 0 : i32
    %dma_start3A_146 = arith.constant 0 : i32
    %dma_start3A_147 = tpu.memref_slice %arg8[%dma_start3A_144, %dma_start3A_145, %dma_start3A_146] : memref<2x128x128xf32, #tpu.memory_space<vmem>> -> memref<1x128x128xf32, #tpu.memory_space<vmem>>
    %dma_start3A_148 = tpu.memref_squeeze %dma_start3A_147 : memref<1x128x128xf32, #tpu.memory_space<vmem>> -> memref<128x128xf32, #tpu.memory_space<vmem>>
    %dma_start3A_149 = arith.constant 0 : i32
    %dma_start3A_150 = tpu.memref_slice %arg6[%dma_start3A_143, %dma_start3A_149] : memref<4x128xi32, #tpu.memory_space<vmem>> -> memref<1x128xi32, #tpu.memory_space<vmem>>
    %dma_start3A_151 = tpu.memref_squeeze %dma_start3A_150 : memref<1x128xi32, #tpu.memory_space<vmem>> -> memref<128xi32, #tpu.memory_space<vmem>>
    %dma_start3A_152 = arith.constant 0 : i32
    %dma_start3A_153 = arith.constant 0 : i32
    %dma_start3A_154 = tpu.memref_slice %arg2[%dma_start3A_152, %dma_start3A_153] : memref<10240x128xf32, #tpu.memory_space<hbm>> -> memref<10240x128xf32, #tpu.memory_space<hbm>>
    tpu.enqueue_indirect_dma source(%dma_start3A_154 : memref<10240x128xf32, #tpu.memory_space<hbm>>) target(%dma_start3A_148 : memref<128x128xf32, #tpu.memory_space<vmem>>) offsets(%dma_start3A_151 : memref<128xi32, #tpu.memory_space<vmem>>) semaphore(%arg14 : memref<!tpu.dma_semaphore, #tpu.memory_space<semaphore_mem>>)
    %add3A_155 = arith.constant 1 : i32
    %add3A_156 = arith.addi %mul3A_4, %add3A_155 : i32
    %mul3A_157 = arith.constant 128 : i32
    %mul3A_158 = arith.muli %add3A_156, %mul3A_157 : i32
    %dma_wait3A_159 = arith.constant 1 : i32
    %dma_wait3A_160 = arith.constant 0 : i32
    %dma_wait3A_161 = tpu.memref_slice %arg6[%dma_wait3A_159, %dma_wait3A_160] : memref<4x128xi32, #tpu.memory_space<vmem>> -> memref<1x128xi32, #tpu.memory_space<vmem>>
    %dma_wait3A_162 = tpu.memref_squeeze %dma_wait3A_161 : memref<1x128xi32, #tpu.memory_space<vmem>> -> memref<128xi32, #tpu.memory_space<vmem>>
    %dma_wait3A_163 = tpu.memref_slice %arg3[%mul3A_158] : memref<320000xi32, #tpu.memory_space<hbm>> -> memref<128xi32, #tpu.memory_space<hbm>>
    %dma_wait3A_164 = arith.constant 0 : i32
    %dma_wait3A_165 = tpu.memref_slice %arg6[%dma_wait3A_159, %dma_wait3A_164] : memref<4x128xi32, #tpu.memory_space<vmem>> -> memref<1x128xi32, #tpu.memory_space<vmem>>
    %dma_wait3A_166 = tpu.memref_squeeze %dma_wait3A_165 : memref<1x128xi32, #tpu.memory_space<vmem>> -> memref<128xi32, #tpu.memory_space<vmem>>
    %dma_wait3A_167 = tpu.memref_slice %arg3[%mul3A_158] : memref<320000xi32, #tpu.memory_space<hbm>> -> memref<128xi32, #tpu.memory_space<hbm>>
    tpu.wait_dma2 semaphore(%arg11 : memref<!tpu.dma_semaphore, #tpu.memory_space<semaphore_mem>>) src(%dma_wait3A_167 : memref<128xi32, #tpu.memory_space<hbm>>) dst(%dma_wait3A_166 : memref<128xi32, #tpu.memory_space<vmem>>)
    %dma_wait3A_168 = arith.constant 1 : i32
    %dma_wait3A_169 = arith.constant 0 : i32
    %dma_wait3A_170 = tpu.memref_slice %arg7[%dma_wait3A_168, %dma_wait3A_169] : memref<4x128xi32, #tpu.memory_space<vmem>> -> memref<1x128xi32, #tpu.memory_space<vmem>>
    %dma_wait3A_171 = tpu.memref_squeeze %dma_wait3A_170 : memref<1x128xi32, #tpu.memory_space<vmem>> -> memref<128xi32, #tpu.memory_space<vmem>>
    %dma_wait3A_172 = tpu.memref_slice %arg4[%mul3A_158] : memref<320000xi32, #tpu.memory_space<hbm>> -> memref<128xi32, #tpu.memory_space<hbm>>
    %dma_wait3A_173 = arith.constant 0 : i32
    %dma_wait3A_174 = tpu.memref_slice %arg7[%dma_wait3A_168, %dma_wait3A_173] : memref<4x128xi32, #tpu.memory_space<vmem>> -> memref<1x128xi32, #tpu.memory_space<vmem>>
    %dma_wait3A_175 = tpu.memref_squeeze %dma_wait3A_174 : memref<1x128xi32, #tpu.memory_space<vmem>> -> memref<128xi32, #tpu.memory_space<vmem>>
    %dma_wait3A_176 = tpu.memref_slice %arg4[%mul3A_158] : memref<320000xi32, #tpu.memory_space<hbm>> -> memref<128xi32, #tpu.memory_space<hbm>>
    tpu.wait_dma2 semaphore(%arg11 : memref<!tpu.dma_semaphore, #tpu.memory_space<semaphore_mem>>) src(%dma_wait3A_176 : memref<128xi32, #tpu.memory_space<hbm>>) dst(%dma_wait3A_175 : memref<128xi32, #tpu.memory_space<vmem>>)
    %dma_start3A_177 = arith.constant 1 : i32
    %dma_start3A_178 = arith.constant 1 : i32
    %dma_start3A_179 = arith.constant 0 : i32
    %dma_start3A_180 = arith.constant 0 : i32
    %dma_start3A_181 = tpu.memref_slice %arg8[%dma_start3A_178, %dma_start3A_179, %dma_start3A_180] : memref<2x128x128xf32, #tpu.memory_space<vmem>> -> memref<1x128x128xf32, #tpu.memory_space<vmem>>
    %dma_start3A_182 = tpu.memref_squeeze %dma_start3A_181 : memref<1x128x128xf32, #tpu.memory_space<vmem>> -> memref<128x128xf32, #tpu.memory_space<vmem>>
    %dma_start3A_183 = arith.constant 0 : i32
    %dma_start3A_184 = tpu.memref_slice %arg6[%dma_start3A_177, %dma_start3A_183] : memref<4x128xi32, #tpu.memory_space<vmem>> -> memref<1x128xi32, #tpu.memory_space<vmem>>
    %dma_start3A_185 = tpu.memref_squeeze %dma_start3A_184 : memref<1x128xi32, #tpu.memory_space<vmem>> -> memref<128xi32, #tpu.memory_space<vmem>>
    %dma_start3A_186 = arith.constant 0 : i32
    %dma_start3A_187 = arith.constant 0 : i32
    %dma_start3A_188 = tpu.memref_slice %arg2[%dma_start3A_186, %dma_start3A_187] : memref<10240x128xf32, #tpu.memory_space<hbm>> -> memref<10240x128xf32, #tpu.memory_space<hbm>>
    tpu.enqueue_indirect_dma source(%dma_start3A_188 : memref<10240x128xf32, #tpu.memory_space<hbm>>) target(%dma_start3A_182 : memref<128x128xf32, #tpu.memory_space<vmem>>) offsets(%dma_start3A_185 : memref<128xi32, #tpu.memory_space<vmem>>) semaphore(%arg15 : memref<!tpu.dma_semaphore, #tpu.memory_space<semaphore_mem>>)
    %barrier3A = arith.constant 0 : index
    tpu.barrier barrier_id(%barrier3A)
    %jit3A_189 = arith.constant 4 : i32
    %div3A = arith.divsi %select_n3A, %jit3A_189 : i32
    %sign3A = arith.constant 0 : i32
    %sign3A_190 = arith.cmpi sgt, %select_n3A, %sign3A : i32
    %sign3A_191 = arith.extui %sign3A_190 : i1 to i32
    %sign3A_192 = arith.constant 0 : i32
    %sign3A_193 = arith.cmpi slt, %select_n3A, %sign3A_192 : i32
    %sign3A_194 = arith.extui %sign3A_193 : i1 to i32
    %sign3A_195 = arith.subi %sign3A_191, %sign3A_194 : i32
    %sign3A_196 = arith.constant 0 : i32
    %sign3A_197 = arith.cmpi sgt, %jit3A_189, %sign3A_196 : i32
    %sign3A_198 = arith.extui %sign3A_197 : i1 to i32
    %sign3A_199 = arith.constant 0 : i32
    %sign3A_200 = arith.cmpi slt, %jit3A_189, %sign3A_199 : i32
    %sign3A_201 = arith.extui %sign3A_200 : i1 to i32
    %sign3A_202 = arith.subi %sign3A_198, %sign3A_201 : i32
    %ne3A = arith.cmpi ne, %sign3A_195, %sign3A_202 : i32
    %rem3A = arith.remsi %select_n3A, %jit3A_189 : i32
    %ne3A_203 = arith.constant 0 : i32
    %ne3A_204 = arith.cmpi ne, %rem3A, %ne3A_203 : i32
    %and3A = arith.andi %ne3A, %ne3A_204 : i1
    %sub3A = arith.constant 1 : i32
    %sub3A_205 = arith.subi %div3A, %sub3A : i32
    %select_n3A_206 = arith.select %and3A, %sub3A_205, %div3A : i32
    %sub3A_207 = arith.constant 1 : i32
    %sub3A_208 = arith.subi %select_n3A_206, %sub3A_207 : i32
    %while3A = arith.constant 0 : i32
    %while3A_209 = arith.constant 0 : i32
    %while3A_210 = arith.subi %sub3A_208, %while3A_209 : i32
    %while3A_211 = arith.addi %while3A_209, %while3A_210 : i32
    %while3A_212 = arith.constant 1 : i32
    %while3A_213 = arith.divsi %while3A_210, %while3A_212 : i32
    %while3A_214 = arith.muli %while3A_213, %while3A_212 : i32
    %while3A_215 = arith.addi %while3A_209, %while3A_214 : i32
    %while3A_216 = arith.constant 1 : i32
    scf.for %while3A_447 = %while3A_209 to %while3A_215 step %while3A_216  : i32 {
      %mul3A_448 = arith.constant 4 : i32
      %mul3A_449 = arith.muli %while3A_447, %mul3A_448 : i32
      %add3A_450 = arith.constant 0 : i32
      %add3A_451 = arith.addi %mul3A_449, %add3A_450 : i32
      %dma_wait3A_452 = arith.constant 0 : i32
      %dma_wait3A_453 = arith.constant 0 : i32
      %dma_wait3A_454 = arith.constant 0 : i32
      %dma_wait3A_455 = arith.constant 0 : i32
      %dma_wait3A_456 = tpu.memref_slice %arg8[%dma_wait3A_453, %dma_wait3A_454, %dma_wait3A_455] : memref<2x128x128xf32, #tpu.memory_space<vmem>> -> memref<1x128x128xf32, #tpu.memory_space<vmem>>
      %dma_wait3A_457 = tpu.memref_squeeze %dma_wait3A_456 : memref<1x128x128xf32, #tpu.memory_space<vmem>> -> memref<128x128xf32, #tpu.memory_space<vmem>>
      %dma_wait3A_458 = arith.constant 0 : i32
      %dma_wait3A_459 = tpu.memref_slice %arg6[%dma_wait3A_452, %dma_wait3A_458] : memref<4x128xi32, #tpu.memory_space<vmem>> -> memref<1x128xi32, #tpu.memory_space<vmem>>
      %dma_wait3A_460 = tpu.memref_squeeze %dma_wait3A_459 : memref<1x128xi32, #tpu.memory_space<vmem>> -> memref<128xi32, #tpu.memory_space<vmem>>
      %dma_wait3A_461 = arith.constant 0 : i32
      %dma_wait3A_462 = arith.constant 0 : i32
      %dma_wait3A_463 = tpu.memref_slice %arg2[%dma_wait3A_461, %dma_wait3A_462] : memref<10240x128xf32, #tpu.memory_space<hbm>> -> memref<10240x128xf32, #tpu.memory_space<hbm>>
      tpu.wait_indirect_dma semaphore(%arg14 : memref<!tpu.dma_semaphore, #tpu.memory_space<semaphore_mem>>) src(%dma_wait3A_463 : memref<10240x128xf32, #tpu.memory_space<hbm>>) dst(%dma_wait3A_457 : memref<128x128xf32, #tpu.memory_space<vmem>>)
      %dma_start3A_464 = arith.constant 0 : i32
      %dma_start3A_465 = arith.constant 0 : i32
      %dma_start3A_466 = arith.constant 0 : i32
      %dma_start3A_467 = arith.constant 0 : i32
      %dma_start3A_468 = tpu.memref_slice %arg8[%dma_start3A_464, %dma_start3A_466, %dma_start3A_467] : memref<2x128x128xf32, #tpu.memory_space<vmem>> -> memref<1x128x128xf32, #tpu.memory_space<vmem>>
      %dma_start3A_469 = tpu.memref_squeeze %dma_start3A_468 : memref<1x128x128xf32, #tpu.memory_space<vmem>> -> memref<128x128xf32, #tpu.memory_space<vmem>>
      %dma_start3A_470 = arith.constant 0 : i32
      %dma_start3A_471 = tpu.memref_slice %arg7[%dma_start3A_465, %dma_start3A_470] : memref<4x128xi32, #tpu.memory_space<vmem>> -> memref<1x128xi32, #tpu.memory_space<vmem>>
      %dma_start3A_472 = tpu.memref_squeeze %dma_start3A_471 : memref<1x128xi32, #tpu.memory_space<vmem>> -> memref<128xi32, #tpu.memory_space<vmem>>
      %dma_start3A_473 = arith.constant 0 : i32
      %dma_start3A_474 = arith.constant 0 : i32
      %dma_start3A_475 = tpu.memref_slice %arg9[%dma_start3A_473, %dma_start3A_474] : memref<10240x128xf32, #tpu.memory_space<vmem_shared>> -> memref<10240x128xf32, #tpu.memory_space<vmem_shared>>
      tpu.enqueue_indirect_dma source(%dma_start3A_469 : memref<128x128xf32, #tpu.memory_space<vmem>>) target(%dma_start3A_475 : memref<10240x128xf32, #tpu.memory_space<vmem_shared>>) offsets(%dma_start3A_472 : memref<128xi32, #tpu.memory_space<vmem>>) semaphore(%arg16 : memref<!tpu.dma_semaphore, #tpu.memory_space<semaphore_mem>>) {add = true}
      %add3A_476 = arith.constant 2 : i32
      %add3A_477 = arith.addi %add3A_451, %add3A_476 : i32
      %add3A_478 = arith.addi %mul3A_4, %add3A_477 : i32
      %mul3A_479 = arith.constant 128 : i32
      %mul3A_480 = arith.muli %add3A_478, %mul3A_479 : i32
      %dma_wait3A_481 = arith.constant 2 : i32
      %dma_wait3A_482 = arith.constant 0 : i32
      %dma_wait3A_483 = tpu.memref_slice %arg6[%dma_wait3A_481, %dma_wait3A_482] : memref<4x128xi32, #tpu.memory_space<vmem>> -> memref<1x128xi32, #tpu.memory_space<vmem>>
      %dma_wait3A_484 = tpu.memref_squeeze %dma_wait3A_483 : memref<1x128xi32, #tpu.memory_space<vmem>> -> memref<128xi32, #tpu.memory_space<vmem>>
      %dma_wait3A_485 = tpu.memref_slice %arg3[%mul3A_480] : memref<320000xi32, #tpu.memory_space<hbm>> -> memref<128xi32, #tpu.memory_space<hbm>>
      %dma_wait3A_486 = arith.constant 0 : i32
      %dma_wait3A_487 = tpu.memref_slice %arg6[%dma_wait3A_481, %dma_wait3A_486] : memref<4x128xi32, #tpu.memory_space<vmem>> -> memref<1x128xi32, #tpu.memory_space<vmem>>
      %dma_wait3A_488 = tpu.memref_squeeze %dma_wait3A_487 : memref<1x128xi32, #tpu.memory_space<vmem>> -> memref<128xi32, #tpu.memory_space<vmem>>
      %dma_wait3A_489 = tpu.memref_slice %arg3[%mul3A_480] : memref<320000xi32, #tpu.memory_space<hbm>> -> memref<128xi32, #tpu.memory_space<hbm>>
      tpu.wait_dma2 semaphore(%arg12 : memref<!tpu.dma_semaphore, #tpu.memory_space<semaphore_mem>>) src(%dma_wait3A_489 : memref<128xi32, #tpu.memory_space<hbm>>) dst(%dma_wait3A_488 : memref<128xi32, #tpu.memory_space<vmem>>)
      %dma_wait3A_490 = arith.constant 2 : i32
      %dma_wait3A_491 = arith.constant 0 : i32
      %dma_wait3A_492 = tpu.memref_slice %arg7[%dma_wait3A_490, %dma_wait3A_491] : memref<4x128xi32, #tpu.memory_space<vmem>> -> memref<1x128xi32, #tpu.memory_space<vmem>>
      %dma_wait3A_493 = tpu.memref_squeeze %dma_wait3A_492 : memref<1x128xi32, #tpu.memory_space<vmem>> -> memref<128xi32, #tpu.memory_space<vmem>>
      %dma_wait3A_494 = tpu.memref_slice %arg4[%mul3A_480] : memref<320000xi32, #tpu.memory_space<hbm>> -> memref<128xi32, #tpu.memory_space<hbm>>
      %dma_wait3A_495 = arith.constant 0 : i32
      %dma_wait3A_496 = tpu.memref_slice %arg7[%dma_wait3A_490, %dma_wait3A_495] : memref<4x128xi32, #tpu.memory_space<vmem>> -> memref<1x128xi32, #tpu.memory_space<vmem>>
      %dma_wait3A_497 = tpu.memref_squeeze %dma_wait3A_496 : memref<1x128xi32, #tpu.memory_space<vmem>> -> memref<128xi32, #tpu.memory_space<vmem>>
      %dma_wait3A_498 = tpu.memref_slice %arg4[%mul3A_480] : memref<320000xi32, #tpu.memory_space<hbm>> -> memref<128xi32, #tpu.memory_space<hbm>>
      tpu.wait_dma2 semaphore(%arg12 : memref<!tpu.dma_semaphore, #tpu.memory_space<semaphore_mem>>) src(%dma_wait3A_498 : memref<128xi32, #tpu.memory_space<hbm>>) dst(%dma_wait3A_497 : memref<128xi32, #tpu.memory_space<vmem>>)
      %dma_wait3A_499 = arith.constant 0 : i32
      %dma_wait3A_500 = arith.constant 0 : i32
      %dma_wait3A_501 = arith.constant 0 : i32
      %dma_wait3A_502 = arith.constant 0 : i32
      %dma_wait3A_503 = tpu.memref_slice %arg8[%dma_wait3A_499, %dma_wait3A_501, %dma_wait3A_502] : memref<2x128x128xf32, #tpu.memory_space<vmem>> -> memref<1x128x128xf32, #tpu.memory_space<vmem>>
      %dma_wait3A_504 = tpu.memref_squeeze %dma_wait3A_503 : memref<1x128x128xf32, #tpu.memory_space<vmem>> -> memref<128x128xf32, #tpu.memory_space<vmem>>
      %dma_wait3A_505 = arith.constant 0 : i32
      %dma_wait3A_506 = tpu.memref_slice %arg7[%dma_wait3A_500, %dma_wait3A_505] : memref<4x128xi32, #tpu.memory_space<vmem>> -> memref<1x128xi32, #tpu.memory_space<vmem>>
      %dma_wait3A_507 = tpu.memref_squeeze %dma_wait3A_506 : memref<1x128xi32, #tpu.memory_space<vmem>> -> memref<128xi32, #tpu.memory_space<vmem>>
      %dma_wait3A_508 = arith.constant 0 : i32
      %dma_wait3A_509 = arith.constant 0 : i32
      %dma_wait3A_510 = tpu.memref_slice %arg9[%dma_wait3A_508, %dma_wait3A_509] : memref<10240x128xf32, #tpu.memory_space<vmem_shared>> -> memref<10240x128xf32, #tpu.memory_space<vmem_shared>>
      tpu.wait_indirect_dma semaphore(%arg16 : memref<!tpu.dma_semaphore, #tpu.memory_space<semaphore_mem>>) src(%dma_wait3A_504 : memref<128x128xf32, #tpu.memory_space<vmem>>) dst(%dma_wait3A_510 : memref<10240x128xf32, #tpu.memory_space<vmem_shared>>)
      %dma_start3A_511 = arith.constant 2 : i32
      %dma_start3A_512 = arith.constant 0 : i32
      %dma_start3A_513 = arith.constant 0 : i32
      %dma_start3A_514 = arith.constant 0 : i32
      %dma_start3A_515 = tpu.memref_slice %arg8[%dma_start3A_512, %dma_start3A_513, %dma_start3A_514] : memref<2x128x128xf32, #tpu.memory_space<vmem>> -> memref<1x128x128xf32, #tpu.memory_space<vmem>>
      %dma_start3A_516 = tpu.memref_squeeze %dma_start3A_515 : memref<1x128x128xf32, #tpu.memory_space<vmem>> -> memref<128x128xf32, #tpu.memory_space<vmem>>
      %dma_start3A_517 = arith.constant 0 : i32
      %dma_start3A_518 = tpu.memref_slice %arg6[%dma_start3A_511, %dma_start3A_517] : memref<4x128xi32, #tpu.memory_space<vmem>> -> memref<1x128xi32, #tpu.memory_space<vmem>>
      %dma_start3A_519 = tpu.memref_squeeze %dma_start3A_518 : memref<1x128xi32, #tpu.memory_space<vmem>> -> memref<128xi32, #tpu.memory_space<vmem>>
      %dma_start3A_520 = arith.constant 0 : i32
      %dma_start3A_521 = arith.constant 0 : i32
      %dma_start3A_522 = tpu.memref_slice %arg2[%dma_start3A_520, %dma_start3A_521] : memref<10240x128xf32, #tpu.memory_space<hbm>> -> memref<10240x128xf32, #tpu.memory_space<hbm>>
      tpu.enqueue_indirect_dma source(%dma_start3A_522 : memref<10240x128xf32, #tpu.memory_space<hbm>>) target(%dma_start3A_516 : memref<128x128xf32, #tpu.memory_space<vmem>>) offsets(%dma_start3A_519 : memref<128xi32, #tpu.memory_space<vmem>>) semaphore(%arg14 : memref<!tpu.dma_semaphore, #tpu.memory_space<semaphore_mem>>)
      %add3A_523 = arith.constant 4 : i32
      %add3A_524 = arith.addi %add3A_451, %add3A_523 : i32
      %add3A_525 = arith.addi %mul3A_4, %add3A_524 : i32
      %mul3A_526 = arith.constant 128 : i32
      %mul3A_527 = arith.muli %add3A_525, %mul3A_526 : i32
      %dma_start3A_528 = arith.constant 0 : i32
      %dma_start3A_529 = arith.constant 0 : i32
      %dma_start3A_530 = tpu.memref_slice %arg6[%dma_start3A_528, %dma_start3A_529] : memref<4x128xi32, #tpu.memory_space<vmem>> -> memref<1x128xi32, #tpu.memory_space<vmem>>
      %dma_start3A_531 = tpu.memref_squeeze %dma_start3A_530 : memref<1x128xi32, #tpu.memory_space<vmem>> -> memref<128xi32, #tpu.memory_space<vmem>>
      %dma_start3A_532 = tpu.memref_slice %arg3[%mul3A_527] : memref<320000xi32, #tpu.memory_space<hbm>> -> memref<128xi32, #tpu.memory_space<hbm>>
      %dma_start3A_533 = arith.constant 0 : i32
      %dma_start3A_534 = tpu.memref_slice %arg6[%dma_start3A_528, %dma_start3A_533] : memref<4x128xi32, #tpu.memory_space<vmem>> -> memref<1x128xi32, #tpu.memory_space<vmem>>
      %dma_start3A_535 = tpu.memref_squeeze %dma_start3A_534 : memref<1x128xi32, #tpu.memory_space<vmem>> -> memref<128xi32, #tpu.memory_space<vmem>>
      %dma_start3A_536 = tpu.memref_slice %arg3[%mul3A_527] : memref<320000xi32, #tpu.memory_space<hbm>> -> memref<128xi32, #tpu.memory_space<hbm>>
      tpu.enqueue_dma source(%dma_start3A_536 : memref<128xi32, #tpu.memory_space<hbm>>) target(%dma_start3A_535 : memref<128xi32, #tpu.memory_space<vmem>>) target_semaphore(%arg10 : memref<!tpu.dma_semaphore, #tpu.memory_space<semaphore_mem>>)
      %dma_start3A_537 = arith.constant 0 : i32
      %dma_start3A_538 = arith.constant 0 : i32
      %dma_start3A_539 = tpu.memref_slice %arg7[%dma_start3A_537, %dma_start3A_538] : memref<4x128xi32, #tpu.memory_space<vmem>> -> memref<1x128xi32, #tpu.memory_space<vmem>>
      %dma_start3A_540 = tpu.memref_squeeze %dma_start3A_539 : memref<1x128xi32, #tpu.memory_space<vmem>> -> memref<128xi32, #tpu.memory_space<vmem>>
      %dma_start3A_541 = tpu.memref_slice %arg4[%mul3A_527] : memref<320000xi32, #tpu.memory_space<hbm>> -> memref<128xi32, #tpu.memory_space<hbm>>
      %dma_start3A_542 = arith.constant 0 : i32
      %dma_start3A_543 = tpu.memref_slice %arg7[%dma_start3A_537, %dma_start3A_542] : memref<4x128xi32, #tpu.memory_space<vmem>> -> memref<1x128xi32, #tpu.memory_space<vmem>>
      %dma_start3A_544 = tpu.memref_squeeze %dma_start3A_543 : memref<1x128xi32, #tpu.memory_space<vmem>> -> memref<128xi32, #tpu.memory_space<vmem>>
      %dma_start3A_545 = tpu.memref_slice %arg4[%mul3A_527] : memref<320000xi32, #tpu.memory_space<hbm>> -> memref<128xi32, #tpu.memory_space<hbm>>
      tpu.enqueue_dma source(%dma_start3A_545 : memref<128xi32, #tpu.memory_space<hbm>>) target(%dma_start3A_544 : memref<128xi32, #tpu.memory_space<vmem>>) target_semaphore(%arg10 : memref<!tpu.dma_semaphore, #tpu.memory_space<semaphore_mem>>)
      %add3A_546 = arith.constant 1 : i32
      %add3A_547 = arith.addi %mul3A_449, %add3A_546 : i32
      %dma_wait3A_548 = arith.constant 1 : i32
      %dma_wait3A_549 = arith.constant 1 : i32
      %dma_wait3A_550 = arith.constant 0 : i32
      %dma_wait3A_551 = arith.constant 0 : i32
      %dma_wait3A_552 = tpu.memref_slice %arg8[%dma_wait3A_549, %dma_wait3A_550, %dma_wait3A_551] : memref<2x128x128xf32, #tpu.memory_space<vmem>> -> memref<1x128x128xf32, #tpu.memory_space<vmem>>
      %dma_wait3A_553 = tpu.memref_squeeze %dma_wait3A_552 : memref<1x128x128xf32, #tpu.memory_space<vmem>> -> memref<128x128xf32, #tpu.memory_space<vmem>>
      %dma_wait3A_554 = arith.constant 0 : i32
      %dma_wait3A_555 = tpu.memref_slice %arg6[%dma_wait3A_548, %dma_wait3A_554] : memref<4x128xi32, #tpu.memory_space<vmem>> -> memref<1x128xi32, #tpu.memory_space<vmem>>
      %dma_wait3A_556 = tpu.memref_squeeze %dma_wait3A_555 : memref<1x128xi32, #tpu.memory_space<vmem>> -> memref<128xi32, #tpu.memory_space<vmem>>
      %dma_wait3A_557 = arith.constant 0 : i32
      %dma_wait3A_558 = arith.constant 0 : i32
      %dma_wait3A_559 = tpu.memref_slice %arg2[%dma_wait3A_557, %dma_wait3A_558] : memref<10240x128xf32, #tpu.memory_space<hbm>> -> memref<10240x128xf32, #tpu.memory_space<hbm>>
      tpu.wait_indirect_dma semaphore(%arg15 : memref<!tpu.dma_semaphore, #tpu.memory_space<semaphore_mem>>) src(%dma_wait3A_559 : memref<10240x128xf32, #tpu.memory_space<hbm>>) dst(%dma_wait3A_553 : memref<128x128xf32, #tpu.memory_space<vmem>>)
      %dma_start3A_560 = arith.constant 1 : i32
      %dma_start3A_561 = arith.constant 1 : i32
      %dma_start3A_562 = arith.constant 0 : i32
      %dma_start3A_563 = arith.constant 0 : i32
      %dma_start3A_564 = tpu.memref_slice %arg8[%dma_start3A_560, %dma_start3A_562, %dma_start3A_563] : memref<2x128x128xf32, #tpu.memory_space<vmem>> -> memref<1x128x128xf32, #tpu.memory_space<vmem>>
      %dma_start3A_565 = tpu.memref_squeeze %dma_start3A_564 : memref<1x128x128xf32, #tpu.memory_space<vmem>> -> memref<128x128xf32, #tpu.memory_space<vmem>>
      %dma_start3A_566 = arith.constant 0 : i32
      %dma_start3A_567 = tpu.memref_slice %arg7[%dma_start3A_561, %dma_start3A_566] : memref<4x128xi32, #tpu.memory_space<vmem>> -> memref<1x128xi32, #tpu.memory_space<vmem>>
      %dma_start3A_568 = tpu.memref_squeeze %dma_start3A_567 : memref<1x128xi32, #tpu.memory_space<vmem>> -> memref<128xi32, #tpu.memory_space<vmem>>
      %dma_start3A_569 = arith.constant 0 : i32
      %dma_start3A_570 = arith.constant 0 : i32
      %dma_start3A_571 = tpu.memref_slice %arg9[%dma_start3A_569, %dma_start3A_570] : memref<10240x128xf32, #tpu.memory_space<vmem_shared>> -> memref<10240x128xf32, #tpu.memory_space<vmem_shared>>
      tpu.enqueue_indirect_dma source(%dma_start3A_565 : memref<128x128xf32, #tpu.memory_space<vmem>>) target(%dma_start3A_571 : memref<10240x128xf32, #tpu.memory_space<vmem_shared>>) offsets(%dma_start3A_568 : memref<128xi32, #tpu.memory_space<vmem>>) semaphore(%arg17 : memref<!tpu.dma_semaphore, #tpu.memory_space<semaphore_mem>>) {add = true}
      %add3A_572 = arith.constant 2 : i32
      %add3A_573 = arith.addi %add3A_547, %add3A_572 : i32
      %add3A_574 = arith.addi %mul3A_4, %add3A_573 : i32
      %mul3A_575 = arith.constant 128 : i32
      %mul3A_576 = arith.muli %add3A_574, %mul3A_575 : i32
      %dma_wait3A_577 = arith.constant 3 : i32
      %dma_wait3A_578 = arith.constant 0 : i32
      %dma_wait3A_579 = tpu.memref_slice %arg6[%dma_wait3A_577, %dma_wait3A_578] : memref<4x128xi32, #tpu.memory_space<vmem>> -> memref<1x128xi32, #tpu.memory_space<vmem>>
      %dma_wait3A_580 = tpu.memref_squeeze %dma_wait3A_579 : memref<1x128xi32, #tpu.memory_space<vmem>> -> memref<128xi32, #tpu.memory_space<vmem>>
      %dma_wait3A_581 = tpu.memref_slice %arg3[%mul3A_576] : memref<320000xi32, #tpu.memory_space<hbm>> -> memref<128xi32, #tpu.memory_space<hbm>>
      %dma_wait3A_582 = arith.constant 0 : i32
      %dma_wait3A_583 = tpu.memref_slice %arg6[%dma_wait3A_577, %dma_wait3A_582] : memref<4x128xi32, #tpu.memory_space<vmem>> -> memref<1x128xi32, #tpu.memory_space<vmem>>
      %dma_wait3A_584 = tpu.memref_squeeze %dma_wait3A_583 : memref<1x128xi32, #tpu.memory_space<vmem>> -> memref<128xi32, #tpu.memory_space<vmem>>
      %dma_wait3A_585 = tpu.memref_slice %arg3[%mul3A_576] : memref<320000xi32, #tpu.memory_space<hbm>> -> memref<128xi32, #tpu.memory_space<hbm>>
      tpu.wait_dma2 semaphore(%arg13 : memref<!tpu.dma_semaphore, #tpu.memory_space<semaphore_mem>>) src(%dma_wait3A_585 : memref<128xi32, #tpu.memory_space<hbm>>) dst(%dma_wait3A_584 : memref<128xi32, #tpu.memory_space<vmem>>)
      %dma_wait3A_586 = arith.constant 3 : i32
      %dma_wait3A_587 = arith.constant 0 : i32
      %dma_wait3A_588 = tpu.memref_slice %arg7[%dma_wait3A_586, %dma_wait3A_587] : memref<4x128xi32, #tpu.memory_space<vmem>> -> memref<1x128xi32, #tpu.memory_space<vmem>>
      %dma_wait3A_589 = tpu.memref_squeeze %dma_wait3A_588 : memref<1x128xi32, #tpu.memory_space<vmem>> -> memref<128xi32, #tpu.memory_space<vmem>>
      %dma_wait3A_590 = tpu.memref_slice %arg4[%mul3A_576] : memref<320000xi32, #tpu.memory_space<hbm>> -> memref<128xi32, #tpu.memory_space<hbm>>
      %dma_wait3A_591 = arith.constant 0 : i32
      %dma_wait3A_592 = tpu.memref_slice %arg7[%dma_wait3A_586, %dma_wait3A_591] : memref<4x128xi32, #tpu.memory_space<vmem>> -> memref<1x128xi32, #tpu.memory_space<vmem>>
      %dma_wait3A_593 = tpu.memref_squeeze %dma_wait3A_592 : memref<1x128xi32, #tpu.memory_space<vmem>> -> memref<128xi32, #tpu.memory_space<vmem>>
      %dma_wait3A_594 = tpu.memref_slice %arg4[%mul3A_576] : memref<320000xi32, #tpu.memory_space<hbm>> -> memref<128xi32, #tpu.memory_space<hbm>>
      tpu.wait_dma2 semaphore(%arg13 : memref<!tpu.dma_semaphore, #tpu.memory_space<semaphore_mem>>) src(%dma_wait3A_594 : memref<128xi32, #tpu.memory_space<hbm>>) dst(%dma_wait3A_593 : memref<128xi32, #tpu.memory_space<vmem>>)
      %dma_wait3A_595 = arith.constant 1 : i32
      %dma_wait3A_596 = arith.constant 1 : i32
      %dma_wait3A_597 = arith.constant 0 : i32
      %dma_wait3A_598 = arith.constant 0 : i32
      %dma_wait3A_599 = tpu.memref_slice %arg8[%dma_wait3A_595, %dma_wait3A_597, %dma_wait3A_598] : memref<2x128x128xf32, #tpu.memory_space<vmem>> -> memref<1x128x128xf32, #tpu.memory_space<vmem>>
      %dma_wait3A_600 = tpu.memref_squeeze %dma_wait3A_599 : memref<1x128x128xf32, #tpu.memory_space<vmem>> -> memref<128x128xf32, #tpu.memory_space<vmem>>
      %dma_wait3A_601 = arith.constant 0 : i32
      %dma_wait3A_602 = tpu.memref_slice %arg7[%dma_wait3A_596, %dma_wait3A_601] : memref<4x128xi32, #tpu.memory_space<vmem>> -> memref<1x128xi32, #tpu.memory_space<vmem>>
      %dma_wait3A_603 = tpu.memref_squeeze %dma_wait3A_602 : memref<1x128xi32, #tpu.memory_space<vmem>> -> memref<128xi32, #tpu.memory_space<vmem>>
      %dma_wait3A_604 = arith.constant 0 : i32
      %dma_wait3A_605 = arith.constant 0 : i32
      %dma_wait3A_606 = tpu.memref_slice %arg9[%dma_wait3A_604, %dma_wait3A_605] : memref<10240x128xf32, #tpu.memory_space<vmem_shared>> -> memref<10240x128xf32, #tpu.memory_space<vmem_shared>>
      tpu.wait_indirect_dma semaphore(%arg17 : memref<!tpu.dma_semaphore, #tpu.memory_space<semaphore_mem>>) src(%dma_wait3A_600 : memref<128x128xf32, #tpu.memory_space<vmem>>) dst(%dma_wait3A_606 : memref<10240x128xf32, #tpu.memory_space<vmem_shared>>)
      %dma_start3A_607 = arith.constant 3 : i32
      %dma_start3A_608 = arith.constant 1 : i32
      %dma_start3A_609 = arith.constant 0 : i32
      %dma_start3A_610 = arith.constant 0 : i32
      %dma_start3A_611 = tpu.memref_slice %arg8[%dma_start3A_608, %dma_start3A_609, %dma_start3A_610] : memref<2x128x128xf32, #tpu.memory_space<vmem>> -> memref<1x128x128xf32, #tpu.memory_space<vmem>>
      %dma_start3A_612 = tpu.memref_squeeze %dma_start3A_611 : memref<1x128x128xf32, #tpu.memory_space<vmem>> -> memref<128x128xf32, #tpu.memory_space<vmem>>
      %dma_start3A_613 = arith.constant 0 : i32
      %dma_start3A_614 = tpu.memref_slice %arg6[%dma_start3A_607, %dma_start3A_613] : memref<4x128xi32, #tpu.memory_space<vmem>> -> memref<1x128xi32, #tpu.memory_space<vmem>>
      %dma_start3A_615 = tpu.memref_squeeze %dma_start3A_614 : memref<1x128xi32, #tpu.memory_space<vmem>> -> memref<128xi32, #tpu.memory_space<vmem>>
      %dma_start3A_616 = arith.constant 0 : i32
      %dma_start3A_617 = arith.constant 0 : i32
      %dma_start3A_618 = tpu.memref_slice %arg2[%dma_start3A_616, %dma_start3A_617] : memref<10240x128xf32, #tpu.memory_space<hbm>> -> memref<10240x128xf32, #tpu.memory_space<hbm>>
      tpu.enqueue_indirect_dma source(%dma_start3A_618 : memref<10240x128xf32, #tpu.memory_space<hbm>>) target(%dma_start3A_612 : memref<128x128xf32, #tpu.memory_space<vmem>>) offsets(%dma_start3A_615 : memref<128xi32, #tpu.memory_space<vmem>>) semaphore(%arg15 : memref<!tpu.dma_semaphore, #tpu.memory_space<semaphore_mem>>)
      %add3A_619 = arith.constant 4 : i32
      %add3A_620 = arith.addi %add3A_547, %add3A_619 : i32
      %add3A_621 = arith.addi %mul3A_4, %add3A_620 : i32
      %mul3A_622 = arith.constant 128 : i32
      %mul3A_623 = arith.muli %add3A_621, %mul3A_622 : i32
      %dma_start3A_624 = arith.constant 1 : i32
      %dma_start3A_625 = arith.constant 0 : i32
      %dma_start3A_626 = tpu.memref_slice %arg6[%dma_start3A_624, %dma_start3A_625] : memref<4x128xi32, #tpu.memory_space<vmem>> -> memref<1x128xi32, #tpu.memory_space<vmem>>
      %dma_start3A_627 = tpu.memref_squeeze %dma_start3A_626 : memref<1x128xi32, #tpu.memory_space<vmem>> -> memref<128xi32, #tpu.memory_space<vmem>>
      %dma_start3A_628 = tpu.memref_slice %arg3[%mul3A_623] : memref<320000xi32, #tpu.memory_space<hbm>> -> memref<128xi32, #tpu.memory_space<hbm>>
      %dma_start3A_629 = arith.constant 0 : i32
      %dma_start3A_630 = tpu.memref_slice %arg6[%dma_start3A_624, %dma_start3A_629] : memref<4x128xi32, #tpu.memory_space<vmem>> -> memref<1x128xi32, #tpu.memory_space<vmem>>
      %dma_start3A_631 = tpu.memref_squeeze %dma_start3A_630 : memref<1x128xi32, #tpu.memory_space<vmem>> -> memref<128xi32, #tpu.memory_space<vmem>>
      %dma_start3A_632 = tpu.memref_slice %arg3[%mul3A_623] : memref<320000xi32, #tpu.memory_space<hbm>> -> memref<128xi32, #tpu.memory_space<hbm>>
      tpu.enqueue_dma source(%dma_start3A_632 : memref<128xi32, #tpu.memory_space<hbm>>) target(%dma_start3A_631 : memref<128xi32, #tpu.memory_space<vmem>>) target_semaphore(%arg11 : memref<!tpu.dma_semaphore, #tpu.memory_space<semaphore_mem>>)
      %dma_start3A_633 = arith.constant 1 : i32
      %dma_start3A_634 = arith.constant 0 : i32
      %dma_start3A_635 = tpu.memref_slice %arg7[%dma_start3A_633, %dma_start3A_634] : memref<4x128xi32, #tpu.memory_space<vmem>> -> memref<1x128xi32, #tpu.memory_space<vmem>>
      %dma_start3A_636 = tpu.memref_squeeze %dma_start3A_635 : memref<1x128xi32, #tpu.memory_space<vmem>> -> memref<128xi32, #tpu.memory_space<vmem>>
      %dma_start3A_637 = tpu.memref_slice %arg4[%mul3A_623] : memref<320000xi32, #tpu.memory_space<hbm>> -> memref<128xi32, #tpu.memory_space<hbm>>
      %dma_start3A_638 = arith.constant 0 : i32
      %dma_start3A_639 = tpu.memref_slice %arg7[%dma_start3A_633, %dma_start3A_638] : memref<4x128xi32, #tpu.memory_space<vmem>> -> memref<1x128xi32, #tpu.memory_space<vmem>>
      %dma_start3A_640 = tpu.memref_squeeze %dma_start3A_639 : memref<1x128xi32, #tpu.memory_space<vmem>> -> memref<128xi32, #tpu.memory_space<vmem>>
      %dma_start3A_641 = tpu.memref_slice %arg4[%mul3A_623] : memref<320000xi32, #tpu.memory_space<hbm>> -> memref<128xi32, #tpu.memory_space<hbm>>
      tpu.enqueue_dma source(%dma_start3A_641 : memref<128xi32, #tpu.memory_space<hbm>>) target(%dma_start3A_640 : memref<128xi32, #tpu.memory_space<vmem>>) target_semaphore(%arg11 : memref<!tpu.dma_semaphore, #tpu.memory_space<semaphore_mem>>)
      %add3A_642 = arith.constant 2 : i32
      %add3A_643 = arith.addi %mul3A_449, %add3A_642 : i32
      %dma_wait3A_644 = arith.constant 2 : i32
      %dma_wait3A_645 = arith.constant 0 : i32
      %dma_wait3A_646 = arith.constant 0 : i32
      %dma_wait3A_647 = arith.constant 0 : i32
      %dma_wait3A_648 = tpu.memref_slice %arg8[%dma_wait3A_645, %dma_wait3A_646, %dma_wait3A_647] : memref<2x128x128xf32, #tpu.memory_space<vmem>> -> memref<1x128x128xf32, #tpu.memory_space<vmem>>
      %dma_wait3A_649 = tpu.memref_squeeze %dma_wait3A_648 : memref<1x128x128xf32, #tpu.memory_space<vmem>> -> memref<128x128xf32, #tpu.memory_space<vmem>>
      %dma_wait3A_650 = arith.constant 0 : i32
      %dma_wait3A_651 = tpu.memref_slice %arg6[%dma_wait3A_644, %dma_wait3A_650] : memref<4x128xi32, #tpu.memory_space<vmem>> -> memref<1x128xi32, #tpu.memory_space<vmem>>
      %dma_wait3A_652 = tpu.memref_squeeze %dma_wait3A_651 : memref<1x128xi32, #tpu.memory_space<vmem>> -> memref<128xi32, #tpu.memory_space<vmem>>
      %dma_wait3A_653 = arith.constant 0 : i32
      %dma_wait3A_654 = arith.constant 0 : i32
      %dma_wait3A_655 = tpu.memref_slice %arg2[%dma_wait3A_653, %dma_wait3A_654] : memref<10240x128xf32, #tpu.memory_space<hbm>> -> memref<10240x128xf32, #tpu.memory_space<hbm>>
      tpu.wait_indirect_dma semaphore(%arg14 : memref<!tpu.dma_semaphore, #tpu.memory_space<semaphore_mem>>) src(%dma_wait3A_655 : memref<10240x128xf32, #tpu.memory_space<hbm>>) dst(%dma_wait3A_649 : memref<128x128xf32, #tpu.memory_space<vmem>>)
      %dma_start3A_656 = arith.constant 0 : i32
      %dma_start3A_657 = arith.constant 2 : i32
      %dma_start3A_658 = arith.constant 0 : i32
      %dma_start3A_659 = arith.constant 0 : i32
      %dma_start3A_660 = tpu.memref_slice %arg8[%dma_start3A_656, %dma_start3A_658, %dma_start3A_659] : memref<2x128x128xf32, #tpu.memory_space<vmem>> -> memref<1x128x128xf32, #tpu.memory_space<vmem>>
      %dma_start3A_661 = tpu.memref_squeeze %dma_start3A_660 : memref<1x128x128xf32, #tpu.memory_space<vmem>> -> memref<128x128xf32, #tpu.memory_space<vmem>>
      %dma_start3A_662 = arith.constant 0 : i32
      %dma_start3A_663 = tpu.memref_slice %arg7[%dma_start3A_657, %dma_start3A_662] : memref<4x128xi32, #tpu.memory_space<vmem>> -> memref<1x128xi32, #tpu.memory_space<vmem>>
      %dma_start3A_664 = tpu.memref_squeeze %dma_start3A_663 : memref<1x128xi32, #tpu.memory_space<vmem>> -> memref<128xi32, #tpu.memory_space<vmem>>
      %dma_start3A_665 = arith.constant 0 : i32
      %dma_start3A_666 = arith.constant 0 : i32
      %dma_start3A_667 = tpu.memref_slice %arg9[%dma_start3A_665, %dma_start3A_666] : memref<10240x128xf32, #tpu.memory_space<vmem_shared>> -> memref<10240x128xf32, #tpu.memory_space<vmem_shared>>
      tpu.enqueue_indirect_dma source(%dma_start3A_661 : memref<128x128xf32, #tpu.memory_space<vmem>>) target(%dma_start3A_667 : memref<10240x128xf32, #tpu.memory_space<vmem_shared>>) offsets(%dma_start3A_664 : memref<128xi32, #tpu.memory_space<vmem>>) semaphore(%arg16 : memref<!tpu.dma_semaphore, #tpu.memory_space<semaphore_mem>>) {add = true}
      %add3A_668 = arith.constant 2 : i32
      %add3A_669 = arith.addi %add3A_643, %add3A_668 : i32
      %add3A_670 = arith.addi %mul3A_4, %add3A_669 : i32
      %mul3A_671 = arith.constant 128 : i32
      %mul3A_672 = arith.muli %add3A_670, %mul3A_671 : i32
      %dma_wait3A_673 = arith.constant 0 : i32
      %dma_wait3A_674 = arith.constant 0 : i32
      %dma_wait3A_675 = tpu.memref_slice %arg6[%dma_wait3A_673, %dma_wait3A_674] : memref<4x128xi32, #tpu.memory_space<vmem>> -> memref<1x128xi32, #tpu.memory_space<vmem>>
      %dma_wait3A_676 = tpu.memref_squeeze %dma_wait3A_675 : memref<1x128xi32, #tpu.memory_space<vmem>> -> memref<128xi32, #tpu.memory_space<vmem>>
      %dma_wait3A_677 = tpu.memref_slice %arg3[%mul3A_672] : memref<320000xi32, #tpu.memory_space<hbm>> -> memref<128xi32, #tpu.memory_space<hbm>>
      %dma_wait3A_678 = arith.constant 0 : i32
      %dma_wait3A_679 = tpu.memref_slice %arg6[%dma_wait3A_673, %dma_wait3A_678] : memref<4x128xi32, #tpu.memory_space<vmem>> -> memref<1x128xi32, #tpu.memory_space<vmem>>
      %dma_wait3A_680 = tpu.memref_squeeze %dma_wait3A_679 : memref<1x128xi32, #tpu.memory_space<vmem>> -> memref<128xi32, #tpu.memory_space<vmem>>
      %dma_wait3A_681 = tpu.memref_slice %arg3[%mul3A_672] : memref<320000xi32, #tpu.memory_space<hbm>> -> memref<128xi32, #tpu.memory_space<hbm>>
      tpu.wait_dma2 semaphore(%arg10 : memref<!tpu.dma_semaphore, #tpu.memory_space<semaphore_mem>>) src(%dma_wait3A_681 : memref<128xi32, #tpu.memory_space<hbm>>) dst(%dma_wait3A_680 : memref<128xi32, #tpu.memory_space<vmem>>)
      %dma_wait3A_682 = arith.constant 0 : i32
      %dma_wait3A_683 = arith.constant 0 : i32
      %dma_wait3A_684 = tpu.memref_slice %arg7[%dma_wait3A_682, %dma_wait3A_683] : memref<4x128xi32, #tpu.memory_space<vmem>> -> memref<1x128xi32, #tpu.memory_space<vmem>>
      %dma_wait3A_685 = tpu.memref_squeeze %dma_wait3A_684 : memref<1x128xi32, #tpu.memory_space<vmem>> -> memref<128xi32, #tpu.memory_space<vmem>>
      %dma_wait3A_686 = tpu.memref_slice %arg4[%mul3A_672] : memref<320000xi32, #tpu.memory_space<hbm>> -> memref<128xi32, #tpu.memory_space<hbm>>
      %dma_wait3A_687 = arith.constant 0 : i32
      %dma_wait3A_688 = tpu.memref_slice %arg7[%dma_wait3A_682, %dma_wait3A_687] : memref<4x128xi32, #tpu.memory_space<vmem>> -> memref<1x128xi32, #tpu.memory_space<vmem>>
      %dma_wait3A_689 = tpu.memref_squeeze %dma_wait3A_688 : memref<1x128xi32, #tpu.memory_space<vmem>> -> memref<128xi32, #tpu.memory_space<vmem>>
      %dma_wait3A_690 = tpu.memref_slice %arg4[%mul3A_672] : memref<320000xi32, #tpu.memory_space<hbm>> -> memref<128xi32, #tpu.memory_space<hbm>>
      tpu.wait_dma2 semaphore(%arg10 : memref<!tpu.dma_semaphore, #tpu.memory_space<semaphore_mem>>) src(%dma_wait3A_690 : memref<128xi32, #tpu.memory_space<hbm>>) dst(%dma_wait3A_689 : memref<128xi32, #tpu.memory_space<vmem>>)
      %dma_wait3A_691 = arith.constant 0 : i32
      %dma_wait3A_692 = arith.constant 2 : i32
      %dma_wait3A_693 = arith.constant 0 : i32
      %dma_wait3A_694 = arith.constant 0 : i32
      %dma_wait3A_695 = tpu.memref_slice %arg8[%dma_wait3A_691, %dma_wait3A_693, %dma_wait3A_694] : memref<2x128x128xf32, #tpu.memory_space<vmem>> -> memref<1x128x128xf32, #tpu.memory_space<vmem>>
      %dma_wait3A_696 = tpu.memref_squeeze %dma_wait3A_695 : memref<1x128x128xf32, #tpu.memory_space<vmem>> -> memref<128x128xf32, #tpu.memory_space<vmem>>
      %dma_wait3A_697 = arith.constant 0 : i32
      %dma_wait3A_698 = tpu.memref_slice %arg7[%dma_wait3A_692, %dma_wait3A_697] : memref<4x128xi32, #tpu.memory_space<vmem>> -> memref<1x128xi32, #tpu.memory_space<vmem>>
      %dma_wait3A_699 = tpu.memref_squeeze %dma_wait3A_698 : memref<1x128xi32, #tpu.memory_space<vmem>> -> memref<128xi32, #tpu.memory_space<vmem>>
      %dma_wait3A_700 = arith.constant 0 : i32
      %dma_wait3A_701 = arith.constant 0 : i32
      %dma_wait3A_702 = tpu.memref_slice %arg9[%dma_wait3A_700, %dma_wait3A_701] : memref<10240x128xf32, #tpu.memory_space<vmem_shared>> -> memref<10240x128xf32, #tpu.memory_space<vmem_shared>>
      tpu.wait_indirect_dma semaphore(%arg16 : memref<!tpu.dma_semaphore, #tpu.memory_space<semaphore_mem>>) src(%dma_wait3A_696 : memref<128x128xf32, #tpu.memory_space<vmem>>) dst(%dma_wait3A_702 : memref<10240x128xf32, #tpu.memory_space<vmem_shared>>)
      %dma_start3A_703 = arith.constant 0 : i32
      %dma_start3A_704 = arith.constant 0 : i32
      %dma_start3A_705 = arith.constant 0 : i32
      %dma_start3A_706 = arith.constant 0 : i32
      %dma_start3A_707 = tpu.memref_slice %arg8[%dma_start3A_704, %dma_start3A_705, %dma_start3A_706] : memref<2x128x128xf32, #tpu.memory_space<vmem>> -> memref<1x128x128xf32, #tpu.memory_space<vmem>>
      %dma_start3A_708 = tpu.memref_squeeze %dma_start3A_707 : memref<1x128x128xf32, #tpu.memory_space<vmem>> -> memref<128x128xf32, #tpu.memory_space<vmem>>
      %dma_start3A_709 = arith.constant 0 : i32
      %dma_start3A_710 = tpu.memref_slice %arg6[%dma_start3A_703, %dma_start3A_709] : memref<4x128xi32, #tpu.memory_space<vmem>> -> memref<1x128xi32, #tpu.memory_space<vmem>>
      %dma_start3A_711 = tpu.memref_squeeze %dma_start3A_710 : memref<1x128xi32, #tpu.memory_space<vmem>> -> memref<128xi32, #tpu.memory_space<vmem>>
      %dma_start3A_712 = arith.constant 0 : i32
      %dma_start3A_713 = arith.constant 0 : i32
      %dma_start3A_714 = tpu.memref_slice %arg2[%dma_start3A_712, %dma_start3A_713] : memref<10240x128xf32, #tpu.memory_space<hbm>> -> memref<10240x128xf32, #tpu.memory_space<hbm>>
      tpu.enqueue_indirect_dma source(%dma_start3A_714 : memref<10240x128xf32, #tpu.memory_space<hbm>>) target(%dma_start3A_708 : memref<128x128xf32, #tpu.memory_space<vmem>>) offsets(%dma_start3A_711 : memref<128xi32, #tpu.memory_space<vmem>>) semaphore(%arg14 : memref<!tpu.dma_semaphore, #tpu.memory_space<semaphore_mem>>)
      %add3A_715 = arith.constant 4 : i32
      %add3A_716 = arith.addi %add3A_643, %add3A_715 : i32
      %add3A_717 = arith.addi %mul3A_4, %add3A_716 : i32
      %mul3A_718 = arith.constant 128 : i32
      %mul3A_719 = arith.muli %add3A_717, %mul3A_718 : i32
      %dma_start3A_720 = arith.constant 2 : i32
      %dma_start3A_721 = arith.constant 0 : i32
      %dma_start3A_722 = tpu.memref_slice %arg6[%dma_start3A_720, %dma_start3A_721] : memref<4x128xi32, #tpu.memory_space<vmem>> -> memref<1x128xi32, #tpu.memory_space<vmem>>
      %dma_start3A_723 = tpu.memref_squeeze %dma_start3A_722 : memref<1x128xi32, #tpu.memory_space<vmem>> -> memref<128xi32, #tpu.memory_space<vmem>>
      %dma_start3A_724 = tpu.memref_slice %arg3[%mul3A_719] : memref<320000xi32, #tpu.memory_space<hbm>> -> memref<128xi32, #tpu.memory_space<hbm>>
      %dma_start3A_725 = arith.constant 0 : i32
      %dma_start3A_726 = tpu.memref_slice %arg6[%dma_start3A_720, %dma_start3A_725] : memref<4x128xi32, #tpu.memory_space<vmem>> -> memref<1x128xi32, #tpu.memory_space<vmem>>
      %dma_start3A_727 = tpu.memref_squeeze %dma_start3A_726 : memref<1x128xi32, #tpu.memory_space<vmem>> -> memref<128xi32, #tpu.memory_space<vmem>>
      %dma_start3A_728 = tpu.memref_slice %arg3[%mul3A_719] : memref<320000xi32, #tpu.memory_space<hbm>> -> memref<128xi32, #tpu.memory_space<hbm>>
      tpu.enqueue_dma source(%dma_start3A_728 : memref<128xi32, #tpu.memory_space<hbm>>) target(%dma_start3A_727 : memref<128xi32, #tpu.memory_space<vmem>>) target_semaphore(%arg12 : memref<!tpu.dma_semaphore, #tpu.memory_space<semaphore_mem>>)
      %dma_start3A_729 = arith.constant 2 : i32
      %dma_start3A_730 = arith.constant 0 : i32
      %dma_start3A_731 = tpu.memref_slice %arg7[%dma_start3A_729, %dma_start3A_730] : memref<4x128xi32, #tpu.memory_space<vmem>> -> memref<1x128xi32, #tpu.memory_space<vmem>>
      %dma_start3A_732 = tpu.memref_squeeze %dma_start3A_731 : memref<1x128xi32, #tpu.memory_space<vmem>> -> memref<128xi32, #tpu.memory_space<vmem>>
      %dma_start3A_733 = tpu.memref_slice %arg4[%mul3A_719] : memref<320000xi32, #tpu.memory_space<hbm>> -> memref<128xi32, #tpu.memory_space<hbm>>
      %dma_start3A_734 = arith.constant 0 : i32
      %dma_start3A_735 = tpu.memref_slice %arg7[%dma_start3A_729, %dma_start3A_734] : memref<4x128xi32, #tpu.memory_space<vmem>> -> memref<1x128xi32, #tpu.memory_space<vmem>>
      %dma_start3A_736 = tpu.memref_squeeze %dma_start3A_735 : memref<1x128xi32, #tpu.memory_space<vmem>> -> memref<128xi32, #tpu.memory_space<vmem>>
      %dma_start3A_737 = tpu.memref_slice %arg4[%mul3A_719] : memref<320000xi32, #tpu.memory_space<hbm>> -> memref<128xi32, #tpu.memory_space<hbm>>
      tpu.enqueue_dma source(%dma_start3A_737 : memref<128xi32, #tpu.memory_space<hbm>>) target(%dma_start3A_736 : memref<128xi32, #tpu.memory_space<vmem>>) target_semaphore(%arg12 : memref<!tpu.dma_semaphore, #tpu.memory_space<semaphore_mem>>)
      %add3A_738 = arith.constant 3 : i32
      %add3A_739 = arith.addi %mul3A_449, %add3A_738 : i32
      %dma_wait3A_740 = arith.constant 3 : i32
      %dma_wait3A_741 = arith.constant 1 : i32
      %dma_wait3A_742 = arith.constant 0 : i32
      %dma_wait3A_743 = arith.constant 0 : i32
      %dma_wait3A_744 = tpu.memref_slice %arg8[%dma_wait3A_741, %dma_wait3A_742, %dma_wait3A_743] : memref<2x128x128xf32, #tpu.memory_space<vmem>> -> memref<1x128x128xf32, #tpu.memory_space<vmem>>
      %dma_wait3A_745 = tpu.memref_squeeze %dma_wait3A_744 : memref<1x128x128xf32, #tpu.memory_space<vmem>> -> memref<128x128xf32, #tpu.memory_space<vmem>>
      %dma_wait3A_746 = arith.constant 0 : i32
      %dma_wait3A_747 = tpu.memref_slice %arg6[%dma_wait3A_740, %dma_wait3A_746] : memref<4x128xi32, #tpu.memory_space<vmem>> -> memref<1x128xi32, #tpu.memory_space<vmem>>
      %dma_wait3A_748 = tpu.memref_squeeze %dma_wait3A_747 : memref<1x128xi32, #tpu.memory_space<vmem>> -> memref<128xi32, #tpu.memory_space<vmem>>
      %dma_wait3A_749 = arith.constant 0 : i32
      %dma_wait3A_750 = arith.constant 0 : i32
      %dma_wait3A_751 = tpu.memref_slice %arg2[%dma_wait3A_749, %dma_wait3A_750] : memref<10240x128xf32, #tpu.memory_space<hbm>> -> memref<10240x128xf32, #tpu.memory_space<hbm>>
      tpu.wait_indirect_dma semaphore(%arg15 : memref<!tpu.dma_semaphore, #tpu.memory_space<semaphore_mem>>) src(%dma_wait3A_751 : memref<10240x128xf32, #tpu.memory_space<hbm>>) dst(%dma_wait3A_745 : memref<128x128xf32, #tpu.memory_space<vmem>>)
      %dma_start3A_752 = arith.constant 1 : i32
      %dma_start3A_753 = arith.constant 3 : i32
      %dma_start3A_754 = arith.constant 0 : i32
      %dma_start3A_755 = arith.constant 0 : i32
      %dma_start3A_756 = tpu.memref_slice %arg8[%dma_start3A_752, %dma_start3A_754, %dma_start3A_755] : memref<2x128x128xf32, #tpu.memory_space<vmem>> -> memref<1x128x128xf32, #tpu.memory_space<vmem>>
      %dma_start3A_757 = tpu.memref_squeeze %dma_start3A_756 : memref<1x128x128xf32, #tpu.memory_space<vmem>> -> memref<128x128xf32, #tpu.memory_space<vmem>>
      %dma_start3A_758 = arith.constant 0 : i32
      %dma_start3A_759 = tpu.memref_slice %arg7[%dma_start3A_753, %dma_start3A_758] : memref<4x128xi32, #tpu.memory_space<vmem>> -> memref<1x128xi32, #tpu.memory_space<vmem>>
      %dma_start3A_760 = tpu.memref_squeeze %dma_start3A_759 : memref<1x128xi32, #tpu.memory_space<vmem>> -> memref<128xi32, #tpu.memory_space<vmem>>
      %dma_start3A_761 = arith.constant 0 : i32
      %dma_start3A_762 = arith.constant 0 : i32
      %dma_start3A_763 = tpu.memref_slice %arg9[%dma_start3A_761, %dma_start3A_762] : memref<10240x128xf32, #tpu.memory_space<vmem_shared>> -> memref<10240x128xf32, #tpu.memory_space<vmem_shared>>
      tpu.enqueue_indirect_dma source(%dma_start3A_757 : memref<128x128xf32, #tpu.memory_space<vmem>>) target(%dma_start3A_763 : memref<10240x128xf32, #tpu.memory_space<vmem_shared>>) offsets(%dma_start3A_760 : memref<128xi32, #tpu.memory_space<vmem>>) semaphore(%arg17 : memref<!tpu.dma_semaphore, #tpu.memory_space<semaphore_mem>>) {add = true}
      %add3A_764 = arith.constant 2 : i32
      %add3A_765 = arith.addi %add3A_739, %add3A_764 : i32
      %add3A_766 = arith.addi %mul3A_4, %add3A_765 : i32
      %mul3A_767 = arith.constant 128 : i32
      %mul3A_768 = arith.muli %add3A_766, %mul3A_767 : i32
      %dma_wait3A_769 = arith.constant 1 : i32
      %dma_wait3A_770 = arith.constant 0 : i32
      %dma_wait3A_771 = tpu.memref_slice %arg6[%dma_wait3A_769, %dma_wait3A_770] : memref<4x128xi32, #tpu.memory_space<vmem>> -> memref<1x128xi32, #tpu.memory_space<vmem>>
      %dma_wait3A_772 = tpu.memref_squeeze %dma_wait3A_771 : memref<1x128xi32, #tpu.memory_space<vmem>> -> memref<128xi32, #tpu.memory_space<vmem>>
      %dma_wait3A_773 = tpu.memref_slice %arg3[%mul3A_768] : memref<320000xi32, #tpu.memory_space<hbm>> -> memref<128xi32, #tpu.memory_space<hbm>>
      %dma_wait3A_774 = arith.constant 0 : i32
      %dma_wait3A_775 = tpu.memref_slice %arg6[%dma_wait3A_769, %dma_wait3A_774] : memref<4x128xi32, #tpu.memory_space<vmem>> -> memref<1x128xi32, #tpu.memory_space<vmem>>
      %dma_wait3A_776 = tpu.memref_squeeze %dma_wait3A_775 : memref<1x128xi32, #tpu.memory_space<vmem>> -> memref<128xi32, #tpu.memory_space<vmem>>
      %dma_wait3A_777 = tpu.memref_slice %arg3[%mul3A_768] : memref<320000xi32, #tpu.memory_space<hbm>> -> memref<128xi32, #tpu.memory_space<hbm>>
      tpu.wait_dma2 semaphore(%arg11 : memref<!tpu.dma_semaphore, #tpu.memory_space<semaphore_mem>>) src(%dma_wait3A_777 : memref<128xi32, #tpu.memory_space<hbm>>) dst(%dma_wait3A_776 : memref<128xi32, #tpu.memory_space<vmem>>)
      %dma_wait3A_778 = arith.constant 1 : i32
      %dma_wait3A_779 = arith.constant 0 : i32
      %dma_wait3A_780 = tpu.memref_slice %arg7[%dma_wait3A_778, %dma_wait3A_779] : memref<4x128xi32, #tpu.memory_space<vmem>> -> memref<1x128xi32, #tpu.memory_space<vmem>>
      %dma_wait3A_781 = tpu.memref_squeeze %dma_wait3A_780 : memref<1x128xi32, #tpu.memory_space<vmem>> -> memref<128xi32, #tpu.memory_space<vmem>>
      %dma_wait3A_782 = tpu.memref_slice %arg4[%mul3A_768] : memref<320000xi32, #tpu.memory_space<hbm>> -> memref<128xi32, #tpu.memory_space<hbm>>
      %dma_wait3A_783 = arith.constant 0 : i32
      %dma_wait3A_784 = tpu.memref_slice %arg7[%dma_wait3A_778, %dma_wait3A_783] : memref<4x128xi32, #tpu.memory_space<vmem>> -> memref<1x128xi32, #tpu.memory_space<vmem>>
      %dma_wait3A_785 = tpu.memref_squeeze %dma_wait3A_784 : memref<1x128xi32, #tpu.memory_space<vmem>> -> memref<128xi32, #tpu.memory_space<vmem>>
      %dma_wait3A_786 = tpu.memref_slice %arg4[%mul3A_768] : memref<320000xi32, #tpu.memory_space<hbm>> -> memref<128xi32, #tpu.memory_space<hbm>>
      tpu.wait_dma2 semaphore(%arg11 : memref<!tpu.dma_semaphore, #tpu.memory_space<semaphore_mem>>) src(%dma_wait3A_786 : memref<128xi32, #tpu.memory_space<hbm>>) dst(%dma_wait3A_785 : memref<128xi32, #tpu.memory_space<vmem>>)
      %dma_wait3A_787 = arith.constant 1 : i32
      %dma_wait3A_788 = arith.constant 3 : i32
      %dma_wait3A_789 = arith.constant 0 : i32
      %dma_wait3A_790 = arith.constant 0 : i32
      %dma_wait3A_791 = tpu.memref_slice %arg8[%dma_wait3A_787, %dma_wait3A_789, %dma_wait3A_790] : memref<2x128x128xf32, #tpu.memory_space<vmem>> -> memref<1x128x128xf32, #tpu.memory_space<vmem>>
      %dma_wait3A_792 = tpu.memref_squeeze %dma_wait3A_791 : memref<1x128x128xf32, #tpu.memory_space<vmem>> -> memref<128x128xf32, #tpu.memory_space<vmem>>
      %dma_wait3A_793 = arith.constant 0 : i32
      %dma_wait3A_794 = tpu.memref_slice %arg7[%dma_wait3A_788, %dma_wait3A_793] : memref<4x128xi32, #tpu.memory_space<vmem>> -> memref<1x128xi32, #tpu.memory_space<vmem>>
      %dma_wait3A_795 = tpu.memref_squeeze %dma_wait3A_794 : memref<1x128xi32, #tpu.memory_space<vmem>> -> memref<128xi32, #tpu.memory_space<vmem>>
      %dma_wait3A_796 = arith.constant 0 : i32
      %dma_wait3A_797 = arith.constant 0 : i32
      %dma_wait3A_798 = tpu.memref_slice %arg9[%dma_wait3A_796, %dma_wait3A_797] : memref<10240x128xf32, #tpu.memory_space<vmem_shared>> -> memref<10240x128xf32, #tpu.memory_space<vmem_shared>>
      tpu.wait_indirect_dma semaphore(%arg17 : memref<!tpu.dma_semaphore, #tpu.memory_space<semaphore_mem>>) src(%dma_wait3A_792 : memref<128x128xf32, #tpu.memory_space<vmem>>) dst(%dma_wait3A_798 : memref<10240x128xf32, #tpu.memory_space<vmem_shared>>)
      %dma_start3A_799 = arith.constant 1 : i32
      %dma_start3A_800 = arith.constant 1 : i32
      %dma_start3A_801 = arith.constant 0 : i32
      %dma_start3A_802 = arith.constant 0 : i32
      %dma_start3A_803 = tpu.memref_slice %arg8[%dma_start3A_800, %dma_start3A_801, %dma_start3A_802] : memref<2x128x128xf32, #tpu.memory_space<vmem>> -> memref<1x128x128xf32, #tpu.memory_space<vmem>>
      %dma_start3A_804 = tpu.memref_squeeze %dma_start3A_803 : memref<1x128x128xf32, #tpu.memory_space<vmem>> -> memref<128x128xf32, #tpu.memory_space<vmem>>
      %dma_start3A_805 = arith.constant 0 : i32
      %dma_start3A_806 = tpu.memref_slice %arg6[%dma_start3A_799, %dma_start3A_805] : memref<4x128xi32, #tpu.memory_space<vmem>> -> memref<1x128xi32, #tpu.memory_space<vmem>>
      %dma_start3A_807 = tpu.memref_squeeze %dma_start3A_806 : memref<1x128xi32, #tpu.memory_space<vmem>> -> memref<128xi32, #tpu.memory_space<vmem>>
      %dma_start3A_808 = arith.constant 0 : i32
      %dma_start3A_809 = arith.constant 0 : i32
      %dma_start3A_810 = tpu.memref_slice %arg2[%dma_start3A_808, %dma_start3A_809] : memref<10240x128xf32, #tpu.memory_space<hbm>> -> memref<10240x128xf32, #tpu.memory_space<hbm>>
      tpu.enqueue_indirect_dma source(%dma_start3A_810 : memref<10240x128xf32, #tpu.memory_space<hbm>>) target(%dma_start3A_804 : memref<128x128xf32, #tpu.memory_space<vmem>>) offsets(%dma_start3A_807 : memref<128xi32, #tpu.memory_space<vmem>>) semaphore(%arg15 : memref<!tpu.dma_semaphore, #tpu.memory_space<semaphore_mem>>)
      %add3A_811 = arith.constant 4 : i32
      %add3A_812 = arith.addi %add3A_739, %add3A_811 : i32
      %add3A_813 = arith.addi %mul3A_4, %add3A_812 : i32
      %mul3A_814 = arith.constant 128 : i32
      %mul3A_815 = arith.muli %add3A_813, %mul3A_814 : i32
      %dma_start3A_816 = arith.constant 3 : i32
      %dma_start3A_817 = arith.constant 0 : i32
      %dma_start3A_818 = tpu.memref_slice %arg6[%dma_start3A_816, %dma_start3A_817] : memref<4x128xi32, #tpu.memory_space<vmem>> -> memref<1x128xi32, #tpu.memory_space<vmem>>
      %dma_start3A_819 = tpu.memref_squeeze %dma_start3A_818 : memref<1x128xi32, #tpu.memory_space<vmem>> -> memref<128xi32, #tpu.memory_space<vmem>>
      %dma_start3A_820 = tpu.memref_slice %arg3[%mul3A_815] : memref<320000xi32, #tpu.memory_space<hbm>> -> memref<128xi32, #tpu.memory_space<hbm>>
      %dma_start3A_821 = arith.constant 0 : i32
      %dma_start3A_822 = tpu.memref_slice %arg6[%dma_start3A_816, %dma_start3A_821] : memref<4x128xi32, #tpu.memory_space<vmem>> -> memref<1x128xi32, #tpu.memory_space<vmem>>
      %dma_start3A_823 = tpu.memref_squeeze %dma_start3A_822 : memref<1x128xi32, #tpu.memory_space<vmem>> -> memref<128xi32, #tpu.memory_space<vmem>>
      %dma_start3A_824 = tpu.memref_slice %arg3[%mul3A_815] : memref<320000xi32, #tpu.memory_space<hbm>> -> memref<128xi32, #tpu.memory_space<hbm>>
      tpu.enqueue_dma source(%dma_start3A_824 : memref<128xi32, #tpu.memory_space<hbm>>) target(%dma_start3A_823 : memref<128xi32, #tpu.memory_space<vmem>>) target_semaphore(%arg13 : memref<!tpu.dma_semaphore, #tpu.memory_space<semaphore_mem>>)
      %dma_start3A_825 = arith.constant 3 : i32
      %dma_start3A_826 = arith.constant 0 : i32
      %dma_start3A_827 = tpu.memref_slice %arg7[%dma_start3A_825, %dma_start3A_826] : memref<4x128xi32, #tpu.memory_space<vmem>> -> memref<1x128xi32, #tpu.memory_space<vmem>>
      %dma_start3A_828 = tpu.memref_squeeze %dma_start3A_827 : memref<1x128xi32, #tpu.memory_space<vmem>> -> memref<128xi32, #tpu.memory_space<vmem>>
      %dma_start3A_829 = tpu.memref_slice %arg4[%mul3A_815] : memref<320000xi32, #tpu.memory_space<hbm>> -> memref<128xi32, #tpu.memory_space<hbm>>
      %dma_start3A_830 = arith.constant 0 : i32
      %dma_start3A_831 = tpu.memref_slice %arg7[%dma_start3A_825, %dma_start3A_830] : memref<4x128xi32, #tpu.memory_space<vmem>> -> memref<1x128xi32, #tpu.memory_space<vmem>>
      %dma_start3A_832 = tpu.memref_squeeze %dma_start3A_831 : memref<1x128xi32, #tpu.memory_space<vmem>> -> memref<128xi32, #tpu.memory_space<vmem>>
      %dma_start3A_833 = tpu.memref_slice %arg4[%mul3A_815] : memref<320000xi32, #tpu.memory_space<hbm>> -> memref<128xi32, #tpu.memory_space<hbm>>
      tpu.enqueue_dma source(%dma_start3A_833 : memref<128xi32, #tpu.memory_space<hbm>>) target(%dma_start3A_832 : memref<128xi32, #tpu.memory_space<vmem>>) target_semaphore(%arg13 : memref<!tpu.dma_semaphore, #tpu.memory_space<semaphore_mem>>)
    }
    %while3A_217 = arith.constant 1 : i32
    scf.for %while3A_447 = %while3A_215 to %while3A_211 step %while3A_217  : i32 {
      %mul3A_448 = arith.constant 4 : i32
      %mul3A_449 = arith.muli %while3A_447, %mul3A_448 : i32
      %add3A_450 = arith.constant 0 : i32
      %add3A_451 = arith.addi %mul3A_449, %add3A_450 : i32
      %dma_wait3A_452 = arith.constant 0 : i32
      %dma_wait3A_453 = arith.constant 0 : i32
      %dma_wait3A_454 = arith.constant 0 : i32
      %dma_wait3A_455 = arith.constant 0 : i32
      %dma_wait3A_456 = tpu.memref_slice %arg8[%dma_wait3A_453, %dma_wait3A_454, %dma_wait3A_455] : memref<2x128x128xf32, #tpu.memory_space<vmem>> -> memref<1x128x128xf32, #tpu.memory_space<vmem>>
      %dma_wait3A_457 = tpu.memref_squeeze %dma_wait3A_456 : memref<1x128x128xf32, #tpu.memory_space<vmem>> -> memref<128x128xf32, #tpu.memory_space<vmem>>
      %dma_wait3A_458 = arith.constant 0 : i32
      %dma_wait3A_459 = tpu.memref_slice %arg6[%dma_wait3A_452, %dma_wait3A_458] : memref<4x128xi32, #tpu.memory_space<vmem>> -> memref<1x128xi32, #tpu.memory_space<vmem>>
      %dma_wait3A_460 = tpu.memref_squeeze %dma_wait3A_459 : memref<1x128xi32, #tpu.memory_space<vmem>> -> memref<128xi32, #tpu.memory_space<vmem>>
      %dma_wait3A_461 = arith.constant 0 : i32
      %dma_wait3A_462 = arith.constant 0 : i32
      %dma_wait3A_463 = tpu.memref_slice %arg2[%dma_wait3A_461, %dma_wait3A_462] : memref<10240x128xf32, #tpu.memory_space<hbm>> -> memref<10240x128xf32, #tpu.memory_space<hbm>>
      tpu.wait_indirect_dma semaphore(%arg14 : memref<!tpu.dma_semaphore, #tpu.memory_space<semaphore_mem>>) src(%dma_wait3A_463 : memref<10240x128xf32, #tpu.memory_space<hbm>>) dst(%dma_wait3A_457 : memref<128x128xf32, #tpu.memory_space<vmem>>)
      %dma_start3A_464 = arith.constant 0 : i32
      %dma_start3A_465 = arith.constant 0 : i32
      %dma_start3A_466 = arith.constant 0 : i32
      %dma_start3A_467 = arith.constant 0 : i32
      %dma_start3A_468 = tpu.memref_slice %arg8[%dma_start3A_464, %dma_start3A_466, %dma_start3A_467] : memref<2x128x128xf32, #tpu.memory_space<vmem>> -> memref<1x128x128xf32, #tpu.memory_space<vmem>>
      %dma_start3A_469 = tpu.memref_squeeze %dma_start3A_468 : memref<1x128x128xf32, #tpu.memory_space<vmem>> -> memref<128x128xf32, #tpu.memory_space<vmem>>
      %dma_start3A_470 = arith.constant 0 : i32
      %dma_start3A_471 = tpu.memref_slice %arg7[%dma_start3A_465, %dma_start3A_470] : memref<4x128xi32, #tpu.memory_space<vmem>> -> memref<1x128xi32, #tpu.memory_space<vmem>>
      %dma_start3A_472 = tpu.memref_squeeze %dma_start3A_471 : memref<1x128xi32, #tpu.memory_space<vmem>> -> memref<128xi32, #tpu.memory_space<vmem>>
      %dma_start3A_473 = arith.constant 0 : i32
      %dma_start3A_474 = arith.constant 0 : i32
      %dma_start3A_475 = tpu.memref_slice %arg9[%dma_start3A_473, %dma_start3A_474] : memref<10240x128xf32, #tpu.memory_space<vmem_shared>> -> memref<10240x128xf32, #tpu.memory_space<vmem_shared>>
      tpu.enqueue_indirect_dma source(%dma_start3A_469 : memref<128x128xf32, #tpu.memory_space<vmem>>) target(%dma_start3A_475 : memref<10240x128xf32, #tpu.memory_space<vmem_shared>>) offsets(%dma_start3A_472 : memref<128xi32, #tpu.memory_space<vmem>>) semaphore(%arg16 : memref<!tpu.dma_semaphore, #tpu.memory_space<semaphore_mem>>) {add = true}
      %add3A_476 = arith.constant 2 : i32
      %add3A_477 = arith.addi %add3A_451, %add3A_476 : i32
      %add3A_478 = arith.addi %mul3A_4, %add3A_477 : i32
      %mul3A_479 = arith.constant 128 : i32
      %mul3A_480 = arith.muli %add3A_478, %mul3A_479 : i32
      %dma_wait3A_481 = arith.constant 2 : i32
      %dma_wait3A_482 = arith.constant 0 : i32
      %dma_wait3A_483 = tpu.memref_slice %arg6[%dma_wait3A_481, %dma_wait3A_482] : memref<4x128xi32, #tpu.memory_space<vmem>> -> memref<1x128xi32, #tpu.memory_space<vmem>>
      %dma_wait3A_484 = tpu.memref_squeeze %dma_wait3A_483 : memref<1x128xi32, #tpu.memory_space<vmem>> -> memref<128xi32, #tpu.memory_space<vmem>>
      %dma_wait3A_485 = tpu.memref_slice %arg3[%mul3A_480] : memref<320000xi32, #tpu.memory_space<hbm>> -> memref<128xi32, #tpu.memory_space<hbm>>
      %dma_wait3A_486 = arith.constant 0 : i32
      %dma_wait3A_487 = tpu.memref_slice %arg6[%dma_wait3A_481, %dma_wait3A_486] : memref<4x128xi32, #tpu.memory_space<vmem>> -> memref<1x128xi32, #tpu.memory_space<vmem>>
      %dma_wait3A_488 = tpu.memref_squeeze %dma_wait3A_487 : memref<1x128xi32, #tpu.memory_space<vmem>> -> memref<128xi32, #tpu.memory_space<vmem>>
      %dma_wait3A_489 = tpu.memref_slice %arg3[%mul3A_480] : memref<320000xi32, #tpu.memory_space<hbm>> -> memref<128xi32, #tpu.memory_space<hbm>>
      tpu.wait_dma2 semaphore(%arg12 : memref<!tpu.dma_semaphore, #tpu.memory_space<semaphore_mem>>) src(%dma_wait3A_489 : memref<128xi32, #tpu.memory_space<hbm>>) dst(%dma_wait3A_488 : memref<128xi32, #tpu.memory_space<vmem>>)
      %dma_wait3A_490 = arith.constant 2 : i32
      %dma_wait3A_491 = arith.constant 0 : i32
      %dma_wait3A_492 = tpu.memref_slice %arg7[%dma_wait3A_490, %dma_wait3A_491] : memref<4x128xi32, #tpu.memory_space<vmem>> -> memref<1x128xi32, #tpu.memory_space<vmem>>
      %dma_wait3A_493 = tpu.memref_squeeze %dma_wait3A_492 : memref<1x128xi32, #tpu.memory_space<vmem>> -> memref<128xi32, #tpu.memory_space<vmem>>
      %dma_wait3A_494 = tpu.memref_slice %arg4[%mul3A_480] : memref<320000xi32, #tpu.memory_space<hbm>> -> memref<128xi32, #tpu.memory_space<hbm>>
      %dma_wait3A_495 = arith.constant 0 : i32
      %dma_wait3A_496 = tpu.memref_slice %arg7[%dma_wait3A_490, %dma_wait3A_495] : memref<4x128xi32, #tpu.memory_space<vmem>> -> memref<1x128xi32, #tpu.memory_space<vmem>>
      %dma_wait3A_497 = tpu.memref_squeeze %dma_wait3A_496 : memref<1x128xi32, #tpu.memory_space<vmem>> -> memref<128xi32, #tpu.memory_space<vmem>>
      %dma_wait3A_498 = tpu.memref_slice %arg4[%mul3A_480] : memref<320000xi32, #tpu.memory_space<hbm>> -> memref<128xi32, #tpu.memory_space<hbm>>
      tpu.wait_dma2 semaphore(%arg12 : memref<!tpu.dma_semaphore, #tpu.memory_space<semaphore_mem>>) src(%dma_wait3A_498 : memref<128xi32, #tpu.memory_space<hbm>>) dst(%dma_wait3A_497 : memref<128xi32, #tpu.memory_space<vmem>>)
      %dma_wait3A_499 = arith.constant 0 : i32
      %dma_wait3A_500 = arith.constant 0 : i32
      %dma_wait3A_501 = arith.constant 0 : i32
      %dma_wait3A_502 = arith.constant 0 : i32
      %dma_wait3A_503 = tpu.memref_slice %arg8[%dma_wait3A_499, %dma_wait3A_501, %dma_wait3A_502] : memref<2x128x128xf32, #tpu.memory_space<vmem>> -> memref<1x128x128xf32, #tpu.memory_space<vmem>>
      %dma_wait3A_504 = tpu.memref_squeeze %dma_wait3A_503 : memref<1x128x128xf32, #tpu.memory_space<vmem>> -> memref<128x128xf32, #tpu.memory_space<vmem>>
      %dma_wait3A_505 = arith.constant 0 : i32
      %dma_wait3A_506 = tpu.memref_slice %arg7[%dma_wait3A_500, %dma_wait3A_505] : memref<4x128xi32, #tpu.memory_space<vmem>> -> memref<1x128xi32, #tpu.memory_space<vmem>>
      %dma_wait3A_507 = tpu.memref_squeeze %dma_wait3A_506 : memref<1x128xi32, #tpu.memory_space<vmem>> -> memref<128xi32, #tpu.memory_space<vmem>>
      %dma_wait3A_508 = arith.constant 0 : i32
      %dma_wait3A_509 = arith.constant 0 : i32
      %dma_wait3A_510 = tpu.memref_slice %arg9[%dma_wait3A_508, %dma_wait3A_509] : memref<10240x128xf32, #tpu.memory_space<vmem_shared>> -> memref<10240x128xf32, #tpu.memory_space<vmem_shared>>
      tpu.wait_indirect_dma semaphore(%arg16 : memref<!tpu.dma_semaphore, #tpu.memory_space<semaphore_mem>>) src(%dma_wait3A_504 : memref<128x128xf32, #tpu.memory_space<vmem>>) dst(%dma_wait3A_510 : memref<10240x128xf32, #tpu.memory_space<vmem_shared>>)
      %dma_start3A_511 = arith.constant 2 : i32
      %dma_start3A_512 = arith.constant 0 : i32
      %dma_start3A_513 = arith.constant 0 : i32
      %dma_start3A_514 = arith.constant 0 : i32
      %dma_start3A_515 = tpu.memref_slice %arg8[%dma_start3A_512, %dma_start3A_513, %dma_start3A_514] : memref<2x128x128xf32, #tpu.memory_space<vmem>> -> memref<1x128x128xf32, #tpu.memory_space<vmem>>
      %dma_start3A_516 = tpu.memref_squeeze %dma_start3A_515 : memref<1x128x128xf32, #tpu.memory_space<vmem>> -> memref<128x128xf32, #tpu.memory_space<vmem>>
      %dma_start3A_517 = arith.constant 0 : i32
      %dma_start3A_518 = tpu.memref_slice %arg6[%dma_start3A_511, %dma_start3A_517] : memref<4x128xi32, #tpu.memory_space<vmem>> -> memref<1x128xi32, #tpu.memory_space<vmem>>
      %dma_start3A_519 = tpu.memref_squeeze %dma_start3A_518 : memref<1x128xi32, #tpu.memory_space<vmem>> -> memref<128xi32, #tpu.memory_space<vmem>>
      %dma_start3A_520 = arith.constant 0 : i32
      %dma_start3A_521 = arith.constant 0 : i32
      %dma_start3A_522 = tpu.memref_slice %arg2[%dma_start3A_520, %dma_start3A_521] : memref<10240x128xf32, #tpu.memory_space<hbm>> -> memref<10240x128xf32, #tpu.memory_space<hbm>>
      tpu.enqueue_indirect_dma source(%dma_start3A_522 : memref<10240x128xf32, #tpu.memory_space<hbm>>) target(%dma_start3A_516 : memref<128x128xf32, #tpu.memory_space<vmem>>) offsets(%dma_start3A_519 : memref<128xi32, #tpu.memory_space<vmem>>) semaphore(%arg14 : memref<!tpu.dma_semaphore, #tpu.memory_space<semaphore_mem>>)
      %add3A_523 = arith.constant 4 : i32
      %add3A_524 = arith.addi %add3A_451, %add3A_523 : i32
      %add3A_525 = arith.addi %mul3A_4, %add3A_524 : i32
      %mul3A_526 = arith.constant 128 : i32
      %mul3A_527 = arith.muli %add3A_525, %mul3A_526 : i32
      %dma_start3A_528 = arith.constant 0 : i32
      %dma_start3A_529 = arith.constant 0 : i32
      %dma_start3A_530 = tpu.memref_slice %arg6[%dma_start3A_528, %dma_start3A_529] : memref<4x128xi32, #tpu.memory_space<vmem>> -> memref<1x128xi32, #tpu.memory_space<vmem>>
      %dma_start3A_531 = tpu.memref_squeeze %dma_start3A_530 : memref<1x128xi32, #tpu.memory_space<vmem>> -> memref<128xi32, #tpu.memory_space<vmem>>
      %dma_start3A_532 = tpu.memref_slice %arg3[%mul3A_527] : memref<320000xi32, #tpu.memory_space<hbm>> -> memref<128xi32, #tpu.memory_space<hbm>>
      %dma_start3A_533 = arith.constant 0 : i32
      %dma_start3A_534 = tpu.memref_slice %arg6[%dma_start3A_528, %dma_start3A_533] : memref<4x128xi32, #tpu.memory_space<vmem>> -> memref<1x128xi32, #tpu.memory_space<vmem>>
      %dma_start3A_535 = tpu.memref_squeeze %dma_start3A_534 : memref<1x128xi32, #tpu.memory_space<vmem>> -> memref<128xi32, #tpu.memory_space<vmem>>
      %dma_start3A_536 = tpu.memref_slice %arg3[%mul3A_527] : memref<320000xi32, #tpu.memory_space<hbm>> -> memref<128xi32, #tpu.memory_space<hbm>>
      tpu.enqueue_dma source(%dma_start3A_536 : memref<128xi32, #tpu.memory_space<hbm>>) target(%dma_start3A_535 : memref<128xi32, #tpu.memory_space<vmem>>) target_semaphore(%arg10 : memref<!tpu.dma_semaphore, #tpu.memory_space<semaphore_mem>>)
      %dma_start3A_537 = arith.constant 0 : i32
      %dma_start3A_538 = arith.constant 0 : i32
      %dma_start3A_539 = tpu.memref_slice %arg7[%dma_start3A_537, %dma_start3A_538] : memref<4x128xi32, #tpu.memory_space<vmem>> -> memref<1x128xi32, #tpu.memory_space<vmem>>
      %dma_start3A_540 = tpu.memref_squeeze %dma_start3A_539 : memref<1x128xi32, #tpu.memory_space<vmem>> -> memref<128xi32, #tpu.memory_space<vmem>>
      %dma_start3A_541 = tpu.memref_slice %arg4[%mul3A_527] : memref<320000xi32, #tpu.memory_space<hbm>> -> memref<128xi32, #tpu.memory_space<hbm>>
      %dma_start3A_542 = arith.constant 0 : i32
      %dma_start3A_543 = tpu.memref_slice %arg7[%dma_start3A_537, %dma_start3A_542] : memref<4x128xi32, #tpu.memory_space<vmem>> -> memref<1x128xi32, #tpu.memory_space<vmem>>
      %dma_start3A_544 = tpu.memref_squeeze %dma_start3A_543 : memref<1x128xi32, #tpu.memory_space<vmem>> -> memref<128xi32, #tpu.memory_space<vmem>>
      %dma_start3A_545 = tpu.memref_slice %arg4[%mul3A_527] : memref<320000xi32, #tpu.memory_space<hbm>> -> memref<128xi32, #tpu.memory_space<hbm>>
      tpu.enqueue_dma source(%dma_start3A_545 : memref<128xi32, #tpu.memory_space<hbm>>) target(%dma_start3A_544 : memref<128xi32, #tpu.memory_space<vmem>>) target_semaphore(%arg10 : memref<!tpu.dma_semaphore, #tpu.memory_space<semaphore_mem>>)
      %add3A_546 = arith.constant 1 : i32
      %add3A_547 = arith.addi %mul3A_449, %add3A_546 : i32
      %dma_wait3A_548 = arith.constant 1 : i32
      %dma_wait3A_549 = arith.constant 1 : i32
      %dma_wait3A_550 = arith.constant 0 : i32
      %dma_wait3A_551 = arith.constant 0 : i32
      %dma_wait3A_552 = tpu.memref_slice %arg8[%dma_wait3A_549, %dma_wait3A_550, %dma_wait3A_551] : memref<2x128x128xf32, #tpu.memory_space<vmem>> -> memref<1x128x128xf32, #tpu.memory_space<vmem>>
      %dma_wait3A_553 = tpu.memref_squeeze %dma_wait3A_552 : memref<1x128x128xf32, #tpu.memory_space<vmem>> -> memref<128x128xf32, #tpu.memory_space<vmem>>
      %dma_wait3A_554 = arith.constant 0 : i32
      %dma_wait3A_555 = tpu.memref_slice %arg6[%dma_wait3A_548, %dma_wait3A_554] : memref<4x128xi32, #tpu.memory_space<vmem>> -> memref<1x128xi32, #tpu.memory_space<vmem>>
      %dma_wait3A_556 = tpu.memref_squeeze %dma_wait3A_555 : memref<1x128xi32, #tpu.memory_space<vmem>> -> memref<128xi32, #tpu.memory_space<vmem>>
      %dma_wait3A_557 = arith.constant 0 : i32
      %dma_wait3A_558 = arith.constant 0 : i32
      %dma_wait3A_559 = tpu.memref_slice %arg2[%dma_wait3A_557, %dma_wait3A_558] : memref<10240x128xf32, #tpu.memory_space<hbm>> -> memref<10240x128xf32, #tpu.memory_space<hbm>>
      tpu.wait_indirect_dma semaphore(%arg15 : memref<!tpu.dma_semaphore, #tpu.memory_space<semaphore_mem>>) src(%dma_wait3A_559 : memref<10240x128xf32, #tpu.memory_space<hbm>>) dst(%dma_wait3A_553 : memref<128x128xf32, #tpu.memory_space<vmem>>)
      %dma_start3A_560 = arith.constant 1 : i32
      %dma_start3A_561 = arith.constant 1 : i32
      %dma_start3A_562 = arith.constant 0 : i32
      %dma_start3A_563 = arith.constant 0 : i32
      %dma_start3A_564 = tpu.memref_slice %arg8[%dma_start3A_560, %dma_start3A_562, %dma_start3A_563] : memref<2x128x128xf32, #tpu.memory_space<vmem>> -> memref<1x128x128xf32, #tpu.memory_space<vmem>>
      %dma_start3A_565 = tpu.memref_squeeze %dma_start3A_564 : memref<1x128x128xf32, #tpu.memory_space<vmem>> -> memref<128x128xf32, #tpu.memory_space<vmem>>
      %dma_start3A_566 = arith.constant 0 : i32
      %dma_start3A_567 = tpu.memref_slice %arg7[%dma_start3A_561, %dma_start3A_566] : memref<4x128xi32, #tpu.memory_space<vmem>> -> memref<1x128xi32, #tpu.memory_space<vmem>>
      %dma_start3A_568 = tpu.memref_squeeze %dma_start3A_567 : memref<1x128xi32, #tpu.memory_space<vmem>> -> memref<128xi32, #tpu.memory_space<vmem>>
      %dma_start3A_569 = arith.constant 0 : i32
      %dma_start3A_570 = arith.constant 0 : i32
      %dma_start3A_571 = tpu.memref_slice %arg9[%dma_start3A_569, %dma_start3A_570] : memref<10240x128xf32, #tpu.memory_space<vmem_shared>> -> memref<10240x128xf32, #tpu.memory_space<vmem_shared>>
      tpu.enqueue_indirect_dma source(%dma_start3A_565 : memref<128x128xf32, #tpu.memory_space<vmem>>) target(%dma_start3A_571 : memref<10240x128xf32, #tpu.memory_space<vmem_shared>>) offsets(%dma_start3A_568 : memref<128xi32, #tpu.memory_space<vmem>>) semaphore(%arg17 : memref<!tpu.dma_semaphore, #tpu.memory_space<semaphore_mem>>) {add = true}
      %add3A_572 = arith.constant 2 : i32
      %add3A_573 = arith.addi %add3A_547, %add3A_572 : i32
      %add3A_574 = arith.addi %mul3A_4, %add3A_573 : i32
      %mul3A_575 = arith.constant 128 : i32
      %mul3A_576 = arith.muli %add3A_574, %mul3A_575 : i32
      %dma_wait3A_577 = arith.constant 3 : i32
      %dma_wait3A_578 = arith.constant 0 : i32
      %dma_wait3A_579 = tpu.memref_slice %arg6[%dma_wait3A_577, %dma_wait3A_578] : memref<4x128xi32, #tpu.memory_space<vmem>> -> memref<1x128xi32, #tpu.memory_space<vmem>>
      %dma_wait3A_580 = tpu.memref_squeeze %dma_wait3A_579 : memref<1x128xi32, #tpu.memory_space<vmem>> -> memref<128xi32, #tpu.memory_space<vmem>>
      %dma_wait3A_581 = tpu.memref_slice %arg3[%mul3A_576] : memref<320000xi32, #tpu.memory_space<hbm>> -> memref<128xi32, #tpu.memory_space<hbm>>
      %dma_wait3A_582 = arith.constant 0 : i32
      %dma_wait3A_583 = tpu.memref_slice %arg6[%dma_wait3A_577, %dma_wait3A_582] : memref<4x128xi32, #tpu.memory_space<vmem>> -> memref<1x128xi32, #tpu.memory_space<vmem>>
      %dma_wait3A_584 = tpu.memref_squeeze %dma_wait3A_583 : memref<1x128xi32, #tpu.memory_space<vmem>> -> memref<128xi32, #tpu.memory_space<vmem>>
      %dma_wait3A_585 = tpu.memref_slice %arg3[%mul3A_576] : memref<320000xi32, #tpu.memory_space<hbm>> -> memref<128xi32, #tpu.memory_space<hbm>>
      tpu.wait_dma2 semaphore(%arg13 : memref<!tpu.dma_semaphore, #tpu.memory_space<semaphore_mem>>) src(%dma_wait3A_585 : memref<128xi32, #tpu.memory_space<hbm>>) dst(%dma_wait3A_584 : memref<128xi32, #tpu.memory_space<vmem>>)
      %dma_wait3A_586 = arith.constant 3 : i32
      %dma_wait3A_587 = arith.constant 0 : i32
      %dma_wait3A_588 = tpu.memref_slice %arg7[%dma_wait3A_586, %dma_wait3A_587] : memref<4x128xi32, #tpu.memory_space<vmem>> -> memref<1x128xi32, #tpu.memory_space<vmem>>
      %dma_wait3A_589 = tpu.memref_squeeze %dma_wait3A_588 : memref<1x128xi32, #tpu.memory_space<vmem>> -> memref<128xi32, #tpu.memory_space<vmem>>
      %dma_wait3A_590 = tpu.memref_slice %arg4[%mul3A_576] : memref<320000xi32, #tpu.memory_space<hbm>> -> memref<128xi32, #tpu.memory_space<hbm>>
      %dma_wait3A_591 = arith.constant 0 : i32
      %dma_wait3A_592 = tpu.memref_slice %arg7[%dma_wait3A_586, %dma_wait3A_591] : memref<4x128xi32, #tpu.memory_space<vmem>> -> memref<1x128xi32, #tpu.memory_space<vmem>>
      %dma_wait3A_593 = tpu.memref_squeeze %dma_wait3A_592 : memref<1x128xi32, #tpu.memory_space<vmem>> -> memref<128xi32, #tpu.memory_space<vmem>>
      %dma_wait3A_594 = tpu.memref_slice %arg4[%mul3A_576] : memref<320000xi32, #tpu.memory_space<hbm>> -> memref<128xi32, #tpu.memory_space<hbm>>
      tpu.wait_dma2 semaphore(%arg13 : memref<!tpu.dma_semaphore, #tpu.memory_space<semaphore_mem>>) src(%dma_wait3A_594 : memref<128xi32, #tpu.memory_space<hbm>>) dst(%dma_wait3A_593 : memref<128xi32, #tpu.memory_space<vmem>>)
      %dma_wait3A_595 = arith.constant 1 : i32
      %dma_wait3A_596 = arith.constant 1 : i32
      %dma_wait3A_597 = arith.constant 0 : i32
      %dma_wait3A_598 = arith.constant 0 : i32
      %dma_wait3A_599 = tpu.memref_slice %arg8[%dma_wait3A_595, %dma_wait3A_597, %dma_wait3A_598] : memref<2x128x128xf32, #tpu.memory_space<vmem>> -> memref<1x128x128xf32, #tpu.memory_space<vmem>>
      %dma_wait3A_600 = tpu.memref_squeeze %dma_wait3A_599 : memref<1x128x128xf32, #tpu.memory_space<vmem>> -> memref<128x128xf32, #tpu.memory_space<vmem>>
      %dma_wait3A_601 = arith.constant 0 : i32
      %dma_wait3A_602 = tpu.memref_slice %arg7[%dma_wait3A_596, %dma_wait3A_601] : memref<4x128xi32, #tpu.memory_space<vmem>> -> memref<1x128xi32, #tpu.memory_space<vmem>>
      %dma_wait3A_603 = tpu.memref_squeeze %dma_wait3A_602 : memref<1x128xi32, #tpu.memory_space<vmem>> -> memref<128xi32, #tpu.memory_space<vmem>>
      %dma_wait3A_604 = arith.constant 0 : i32
      %dma_wait3A_605 = arith.constant 0 : i32
      %dma_wait3A_606 = tpu.memref_slice %arg9[%dma_wait3A_604, %dma_wait3A_605] : memref<10240x128xf32, #tpu.memory_space<vmem_shared>> -> memref<10240x128xf32, #tpu.memory_space<vmem_shared>>
      tpu.wait_indirect_dma semaphore(%arg17 : memref<!tpu.dma_semaphore, #tpu.memory_space<semaphore_mem>>) src(%dma_wait3A_600 : memref<128x128xf32, #tpu.memory_space<vmem>>) dst(%dma_wait3A_606 : memref<10240x128xf32, #tpu.memory_space<vmem_shared>>)
      %dma_start3A_607 = arith.constant 3 : i32
      %dma_start3A_608 = arith.constant 1 : i32
      %dma_start3A_609 = arith.constant 0 : i32
      %dma_start3A_610 = arith.constant 0 : i32
      %dma_start3A_611 = tpu.memref_slice %arg8[%dma_start3A_608, %dma_start3A_609, %dma_start3A_610] : memref<2x128x128xf32, #tpu.memory_space<vmem>> -> memref<1x128x128xf32, #tpu.memory_space<vmem>>
      %dma_start3A_612 = tpu.memref_squeeze %dma_start3A_611 : memref<1x128x128xf32, #tpu.memory_space<vmem>> -> memref<128x128xf32, #tpu.memory_space<vmem>>
      %dma_start3A_613 = arith.constant 0 : i32
      %dma_start3A_614 = tpu.memref_slice %arg6[%dma_start3A_607, %dma_start3A_613] : memref<4x128xi32, #tpu.memory_space<vmem>> -> memref<1x128xi32, #tpu.memory_space<vmem>>
      %dma_start3A_615 = tpu.memref_squeeze %dma_start3A_614 : memref<1x128xi32, #tpu.memory_space<vmem>> -> memref<128xi32, #tpu.memory_space<vmem>>
      %dma_start3A_616 = arith.constant 0 : i32
      %dma_start3A_617 = arith.constant 0 : i32
      %dma_start3A_618 = tpu.memref_slice %arg2[%dma_start3A_616, %dma_start3A_617] : memref<10240x128xf32, #tpu.memory_space<hbm>> -> memref<10240x128xf32, #tpu.memory_space<hbm>>
      tpu.enqueue_indirect_dma source(%dma_start3A_618 : memref<10240x128xf32, #tpu.memory_space<hbm>>) target(%dma_start3A_612 : memref<128x128xf32, #tpu.memory_space<vmem>>) offsets(%dma_start3A_615 : memref<128xi32, #tpu.memory_space<vmem>>) semaphore(%arg15 : memref<!tpu.dma_semaphore, #tpu.memory_space<semaphore_mem>>)
      %add3A_619 = arith.constant 4 : i32
      %add3A_620 = arith.addi %add3A_547, %add3A_619 : i32
      %add3A_621 = arith.addi %mul3A_4, %add3A_620 : i32
      %mul3A_622 = arith.constant 128 : i32
      %mul3A_623 = arith.muli %add3A_621, %mul3A_622 : i32
      %dma_start3A_624 = arith.constant 1 : i32
      %dma_start3A_625 = arith.constant 0 : i32
      %dma_start3A_626 = tpu.memref_slice %arg6[%dma_start3A_624, %dma_start3A_625] : memref<4x128xi32, #tpu.memory_space<vmem>> -> memref<1x128xi32, #tpu.memory_space<vmem>>
      %dma_start3A_627 = tpu.memref_squeeze %dma_start3A_626 : memref<1x128xi32, #tpu.memory_space<vmem>> -> memref<128xi32, #tpu.memory_space<vmem>>
      %dma_start3A_628 = tpu.memref_slice %arg3[%mul3A_623] : memref<320000xi32, #tpu.memory_space<hbm>> -> memref<128xi32, #tpu.memory_space<hbm>>
      %dma_start3A_629 = arith.constant 0 : i32
      %dma_start3A_630 = tpu.memref_slice %arg6[%dma_start3A_624, %dma_start3A_629] : memref<4x128xi32, #tpu.memory_space<vmem>> -> memref<1x128xi32, #tpu.memory_space<vmem>>
      %dma_start3A_631 = tpu.memref_squeeze %dma_start3A_630 : memref<1x128xi32, #tpu.memory_space<vmem>> -> memref<128xi32, #tpu.memory_space<vmem>>
      %dma_start3A_632 = tpu.memref_slice %arg3[%mul3A_623] : memref<320000xi32, #tpu.memory_space<hbm>> -> memref<128xi32, #tpu.memory_space<hbm>>
      tpu.enqueue_dma source(%dma_start3A_632 : memref<128xi32, #tpu.memory_space<hbm>>) target(%dma_start3A_631 : memref<128xi32, #tpu.memory_space<vmem>>) target_semaphore(%arg11 : memref<!tpu.dma_semaphore, #tpu.memory_space<semaphore_mem>>)
      %dma_start3A_633 = arith.constant 1 : i32
      %dma_start3A_634 = arith.constant 0 : i32
      %dma_start3A_635 = tpu.memref_slice %arg7[%dma_start3A_633, %dma_start3A_634] : memref<4x128xi32, #tpu.memory_space<vmem>> -> memref<1x128xi32, #tpu.memory_space<vmem>>
      %dma_start3A_636 = tpu.memref_squeeze %dma_start3A_635 : memref<1x128xi32, #tpu.memory_space<vmem>> -> memref<128xi32, #tpu.memory_space<vmem>>
      %dma_start3A_637 = tpu.memref_slice %arg4[%mul3A_623] : memref<320000xi32, #tpu.memory_space<hbm>> -> memref<128xi32, #tpu.memory_space<hbm>>
      %dma_start3A_638 = arith.constant 0 : i32
      %dma_start3A_639 = tpu.memref_slice %arg7[%dma_start3A_633, %dma_start3A_638] : memref<4x128xi32, #tpu.memory_space<vmem>> -> memref<1x128xi32, #tpu.memory_space<vmem>>
      %dma_start3A_640 = tpu.memref_squeeze %dma_start3A_639 : memref<1x128xi32, #tpu.memory_space<vmem>> -> memref<128xi32, #tpu.memory_space<vmem>>
      %dma_start3A_641 = tpu.memref_slice %arg4[%mul3A_623] : memref<320000xi32, #tpu.memory_space<hbm>> -> memref<128xi32, #tpu.memory_space<hbm>>
      tpu.enqueue_dma source(%dma_start3A_641 : memref<128xi32, #tpu.memory_space<hbm>>) target(%dma_start3A_640 : memref<128xi32, #tpu.memory_space<vmem>>) target_semaphore(%arg11 : memref<!tpu.dma_semaphore, #tpu.memory_space<semaphore_mem>>)
      %add3A_642 = arith.constant 2 : i32
      %add3A_643 = arith.addi %mul3A_449, %add3A_642 : i32
      %dma_wait3A_644 = arith.constant 2 : i32
      %dma_wait3A_645 = arith.constant 0 : i32
      %dma_wait3A_646 = arith.constant 0 : i32
      %dma_wait3A_647 = arith.constant 0 : i32
      %dma_wait3A_648 = tpu.memref_slice %arg8[%dma_wait3A_645, %dma_wait3A_646, %dma_wait3A_647] : memref<2x128x128xf32, #tpu.memory_space<vmem>> -> memref<1x128x128xf32, #tpu.memory_space<vmem>>
      %dma_wait3A_649 = tpu.memref_squeeze %dma_wait3A_648 : memref<1x128x128xf32, #tpu.memory_space<vmem>> -> memref<128x128xf32, #tpu.memory_space<vmem>>
      %dma_wait3A_650 = arith.constant 0 : i32
      %dma_wait3A_651 = tpu.memref_slice %arg6[%dma_wait3A_644, %dma_wait3A_650] : memref<4x128xi32, #tpu.memory_space<vmem>> -> memref<1x128xi32, #tpu.memory_space<vmem>>
      %dma_wait3A_652 = tpu.memref_squeeze %dma_wait3A_651 : memref<1x128xi32, #tpu.memory_space<vmem>> -> memref<128xi32, #tpu.memory_space<vmem>>
      %dma_wait3A_653 = arith.constant 0 : i32
      %dma_wait3A_654 = arith.constant 0 : i32
      %dma_wait3A_655 = tpu.memref_slice %arg2[%dma_wait3A_653, %dma_wait3A_654] : memref<10240x128xf32, #tpu.memory_space<hbm>> -> memref<10240x128xf32, #tpu.memory_space<hbm>>
      tpu.wait_indirect_dma semaphore(%arg14 : memref<!tpu.dma_semaphore, #tpu.memory_space<semaphore_mem>>) src(%dma_wait3A_655 : memref<10240x128xf32, #tpu.memory_space<hbm>>) dst(%dma_wait3A_649 : memref<128x128xf32, #tpu.memory_space<vmem>>)
      %dma_start3A_656 = arith.constant 0 : i32
      %dma_start3A_657 = arith.constant 2 : i32
      %dma_start3A_658 = arith.constant 0 : i32
      %dma_start3A_659 = arith.constant 0 : i32
      %dma_start3A_660 = tpu.memref_slice %arg8[%dma_start3A_656, %dma_start3A_658, %dma_start3A_659] : memref<2x128x128xf32, #tpu.memory_space<vmem>> -> memref<1x128x128xf32, #tpu.memory_space<vmem>>
      %dma_start3A_661 = tpu.memref_squeeze %dma_start3A_660 : memref<1x128x128xf32, #tpu.memory_space<vmem>> -> memref<128x128xf32, #tpu.memory_space<vmem>>
      %dma_start3A_662 = arith.constant 0 : i32
      %dma_start3A_663 = tpu.memref_slice %arg7[%dma_start3A_657, %dma_start3A_662] : memref<4x128xi32, #tpu.memory_space<vmem>> -> memref<1x128xi32, #tpu.memory_space<vmem>>
      %dma_start3A_664 = tpu.memref_squeeze %dma_start3A_663 : memref<1x128xi32, #tpu.memory_space<vmem>> -> memref<128xi32, #tpu.memory_space<vmem>>
      %dma_start3A_665 = arith.constant 0 : i32
      %dma_start3A_666 = arith.constant 0 : i32
      %dma_start3A_667 = tpu.memref_slice %arg9[%dma_start3A_665, %dma_start3A_666] : memref<10240x128xf32, #tpu.memory_space<vmem_shared>> -> memref<10240x128xf32, #tpu.memory_space<vmem_shared>>
      tpu.enqueue_indirect_dma source(%dma_start3A_661 : memref<128x128xf32, #tpu.memory_space<vmem>>) target(%dma_start3A_667 : memref<10240x128xf32, #tpu.memory_space<vmem_shared>>) offsets(%dma_start3A_664 : memref<128xi32, #tpu.memory_space<vmem>>) semaphore(%arg16 : memref<!tpu.dma_semaphore, #tpu.memory_space<semaphore_mem>>) {add = true}
      %add3A_668 = arith.constant 2 : i32
      %add3A_669 = arith.addi %add3A_643, %add3A_668 : i32
      %add3A_670 = arith.addi %mul3A_4, %add3A_669 : i32
      %mul3A_671 = arith.constant 128 : i32
      %mul3A_672 = arith.muli %add3A_670, %mul3A_671 : i32
      %dma_wait3A_673 = arith.constant 0 : i32
      %dma_wait3A_674 = arith.constant 0 : i32
      %dma_wait3A_675 = tpu.memref_slice %arg6[%dma_wait3A_673, %dma_wait3A_674] : memref<4x128xi32, #tpu.memory_space<vmem>> -> memref<1x128xi32, #tpu.memory_space<vmem>>
      %dma_wait3A_676 = tpu.memref_squeeze %dma_wait3A_675 : memref<1x128xi32, #tpu.memory_space<vmem>> -> memref<128xi32, #tpu.memory_space<vmem>>
      %dma_wait3A_677 = tpu.memref_slice %arg3[%mul3A_672] : memref<320000xi32, #tpu.memory_space<hbm>> -> memref<128xi32, #tpu.memory_space<hbm>>
      %dma_wait3A_678 = arith.constant 0 : i32
      %dma_wait3A_679 = tpu.memref_slice %arg6[%dma_wait3A_673, %dma_wait3A_678] : memref<4x128xi32, #tpu.memory_space<vmem>> -> memref<1x128xi32, #tpu.memory_space<vmem>>
      %dma_wait3A_680 = tpu.memref_squeeze %dma_wait3A_679 : memref<1x128xi32, #tpu.memory_space<vmem>> -> memref<128xi32, #tpu.memory_space<vmem>>
      %dma_wait3A_681 = tpu.memref_slice %arg3[%mul3A_672] : memref<320000xi32, #tpu.memory_space<hbm>> -> memref<128xi32, #tpu.memory_space<hbm>>
      tpu.wait_dma2 semaphore(%arg10 : memref<!tpu.dma_semaphore, #tpu.memory_space<semaphore_mem>>) src(%dma_wait3A_681 : memref<128xi32, #tpu.memory_space<hbm>>) dst(%dma_wait3A_680 : memref<128xi32, #tpu.memory_space<vmem>>)
      %dma_wait3A_682 = arith.constant 0 : i32
      %dma_wait3A_683 = arith.constant 0 : i32
      %dma_wait3A_684 = tpu.memref_slice %arg7[%dma_wait3A_682, %dma_wait3A_683] : memref<4x128xi32, #tpu.memory_space<vmem>> -> memref<1x128xi32, #tpu.memory_space<vmem>>
      %dma_wait3A_685 = tpu.memref_squeeze %dma_wait3A_684 : memref<1x128xi32, #tpu.memory_space<vmem>> -> memref<128xi32, #tpu.memory_space<vmem>>
      %dma_wait3A_686 = tpu.memref_slice %arg4[%mul3A_672] : memref<320000xi32, #tpu.memory_space<hbm>> -> memref<128xi32, #tpu.memory_space<hbm>>
      %dma_wait3A_687 = arith.constant 0 : i32
      %dma_wait3A_688 = tpu.memref_slice %arg7[%dma_wait3A_682, %dma_wait3A_687] : memref<4x128xi32, #tpu.memory_space<vmem>> -> memref<1x128xi32, #tpu.memory_space<vmem>>
      %dma_wait3A_689 = tpu.memref_squeeze %dma_wait3A_688 : memref<1x128xi32, #tpu.memory_space<vmem>> -> memref<128xi32, #tpu.memory_space<vmem>>
      %dma_wait3A_690 = tpu.memref_slice %arg4[%mul3A_672] : memref<320000xi32, #tpu.memory_space<hbm>> -> memref<128xi32, #tpu.memory_space<hbm>>
      tpu.wait_dma2 semaphore(%arg10 : memref<!tpu.dma_semaphore, #tpu.memory_space<semaphore_mem>>) src(%dma_wait3A_690 : memref<128xi32, #tpu.memory_space<hbm>>) dst(%dma_wait3A_689 : memref<128xi32, #tpu.memory_space<vmem>>)
      %dma_wait3A_691 = arith.constant 0 : i32
      %dma_wait3A_692 = arith.constant 2 : i32
      %dma_wait3A_693 = arith.constant 0 : i32
      %dma_wait3A_694 = arith.constant 0 : i32
      %dma_wait3A_695 = tpu.memref_slice %arg8[%dma_wait3A_691, %dma_wait3A_693, %dma_wait3A_694] : memref<2x128x128xf32, #tpu.memory_space<vmem>> -> memref<1x128x128xf32, #tpu.memory_space<vmem>>
      %dma_wait3A_696 = tpu.memref_squeeze %dma_wait3A_695 : memref<1x128x128xf32, #tpu.memory_space<vmem>> -> memref<128x128xf32, #tpu.memory_space<vmem>>
      %dma_wait3A_697 = arith.constant 0 : i32
      %dma_wait3A_698 = tpu.memref_slice %arg7[%dma_wait3A_692, %dma_wait3A_697] : memref<4x128xi32, #tpu.memory_space<vmem>> -> memref<1x128xi32, #tpu.memory_space<vmem>>
      %dma_wait3A_699 = tpu.memref_squeeze %dma_wait3A_698 : memref<1x128xi32, #tpu.memory_space<vmem>> -> memref<128xi32, #tpu.memory_space<vmem>>
      %dma_wait3A_700 = arith.constant 0 : i32
      %dma_wait3A_701 = arith.constant 0 : i32
      %dma_wait3A_702 = tpu.memref_slice %arg9[%dma_wait3A_700, %dma_wait3A_701] : memref<10240x128xf32, #tpu.memory_space<vmem_shared>> -> memref<10240x128xf32, #tpu.memory_space<vmem_shared>>
      tpu.wait_indirect_dma semaphore(%arg16 : memref<!tpu.dma_semaphore, #tpu.memory_space<semaphore_mem>>) src(%dma_wait3A_696 : memref<128x128xf32, #tpu.memory_space<vmem>>) dst(%dma_wait3A_702 : memref<10240x128xf32, #tpu.memory_space<vmem_shared>>)
      %dma_start3A_703 = arith.constant 0 : i32
      %dma_start3A_704 = arith.constant 0 : i32
      %dma_start3A_705 = arith.constant 0 : i32
      %dma_start3A_706 = arith.constant 0 : i32
      %dma_start3A_707 = tpu.memref_slice %arg8[%dma_start3A_704, %dma_start3A_705, %dma_start3A_706] : memref<2x128x128xf32, #tpu.memory_space<vmem>> -> memref<1x128x128xf32, #tpu.memory_space<vmem>>
      %dma_start3A_708 = tpu.memref_squeeze %dma_start3A_707 : memref<1x128x128xf32, #tpu.memory_space<vmem>> -> memref<128x128xf32, #tpu.memory_space<vmem>>
      %dma_start3A_709 = arith.constant 0 : i32
      %dma_start3A_710 = tpu.memref_slice %arg6[%dma_start3A_703, %dma_start3A_709] : memref<4x128xi32, #tpu.memory_space<vmem>> -> memref<1x128xi32, #tpu.memory_space<vmem>>
      %dma_start3A_711 = tpu.memref_squeeze %dma_start3A_710 : memref<1x128xi32, #tpu.memory_space<vmem>> -> memref<128xi32, #tpu.memory_space<vmem>>
      %dma_start3A_712 = arith.constant 0 : i32
      %dma_start3A_713 = arith.constant 0 : i32
      %dma_start3A_714 = tpu.memref_slice %arg2[%dma_start3A_712, %dma_start3A_713] : memref<10240x128xf32, #tpu.memory_space<hbm>> -> memref<10240x128xf32, #tpu.memory_space<hbm>>
      tpu.enqueue_indirect_dma source(%dma_start3A_714 : memref<10240x128xf32, #tpu.memory_space<hbm>>) target(%dma_start3A_708 : memref<128x128xf32, #tpu.memory_space<vmem>>) offsets(%dma_start3A_711 : memref<128xi32, #tpu.memory_space<vmem>>) semaphore(%arg14 : memref<!tpu.dma_semaphore, #tpu.memory_space<semaphore_mem>>)
      %add3A_715 = arith.constant 4 : i32
      %add3A_716 = arith.addi %add3A_643, %add3A_715 : i32
      %add3A_717 = arith.addi %mul3A_4, %add3A_716 : i32
      %mul3A_718 = arith.constant 128 : i32
      %mul3A_719 = arith.muli %add3A_717, %mul3A_718 : i32
      %dma_start3A_720 = arith.constant 2 : i32
      %dma_start3A_721 = arith.constant 0 : i32
      %dma_start3A_722 = tpu.memref_slice %arg6[%dma_start3A_720, %dma_start3A_721] : memref<4x128xi32, #tpu.memory_space<vmem>> -> memref<1x128xi32, #tpu.memory_space<vmem>>
      %dma_start3A_723 = tpu.memref_squeeze %dma_start3A_722 : memref<1x128xi32, #tpu.memory_space<vmem>> -> memref<128xi32, #tpu.memory_space<vmem>>
      %dma_start3A_724 = tpu.memref_slice %arg3[%mul3A_719] : memref<320000xi32, #tpu.memory_space<hbm>> -> memref<128xi32, #tpu.memory_space<hbm>>
      %dma_start3A_725 = arith.constant 0 : i32
      %dma_start3A_726 = tpu.memref_slice %arg6[%dma_start3A_720, %dma_start3A_725] : memref<4x128xi32, #tpu.memory_space<vmem>> -> memref<1x128xi32, #tpu.memory_space<vmem>>
      %dma_start3A_727 = tpu.memref_squeeze %dma_start3A_726 : memref<1x128xi32, #tpu.memory_space<vmem>> -> memref<128xi32, #tpu.memory_space<vmem>>
      %dma_start3A_728 = tpu.memref_slice %arg3[%mul3A_719] : memref<320000xi32, #tpu.memory_space<hbm>> -> memref<128xi32, #tpu.memory_space<hbm>>
      tpu.enqueue_dma source(%dma_start3A_728 : memref<128xi32, #tpu.memory_space<hbm>>) target(%dma_start3A_727 : memref<128xi32, #tpu.memory_space<vmem>>) target_semaphore(%arg12 : memref<!tpu.dma_semaphore, #tpu.memory_space<semaphore_mem>>)
      %dma_start3A_729 = arith.constant 2 : i32
      %dma_start3A_730 = arith.constant 0 : i32
      %dma_start3A_731 = tpu.memref_slice %arg7[%dma_start3A_729, %dma_start3A_730] : memref<4x128xi32, #tpu.memory_space<vmem>> -> memref<1x128xi32, #tpu.memory_space<vmem>>
      %dma_start3A_732 = tpu.memref_squeeze %dma_start3A_731 : memref<1x128xi32, #tpu.memory_space<vmem>> -> memref<128xi32, #tpu.memory_space<vmem>>
      %dma_start3A_733 = tpu.memref_slice %arg4[%mul3A_719] : memref<320000xi32, #tpu.memory_space<hbm>> -> memref<128xi32, #tpu.memory_space<hbm>>
      %dma_start3A_734 = arith.constant 0 : i32
      %dma_start3A_735 = tpu.memref_slice %arg7[%dma_start3A_729, %dma_start3A_734] : memref<4x128xi32, #tpu.memory_space<vmem>> -> memref<1x128xi32, #tpu.memory_space<vmem>>
      %dma_start3A_736 = tpu.memref_squeeze %dma_start3A_735 : memref<1x128xi32, #tpu.memory_space<vmem>> -> memref<128xi32, #tpu.memory_space<vmem>>
      %dma_start3A_737 = tpu.memref_slice %arg4[%mul3A_719] : memref<320000xi32, #tpu.memory_space<hbm>> -> memref<128xi32, #tpu.memory_space<hbm>>
      tpu.enqueue_dma source(%dma_start3A_737 : memref<128xi32, #tpu.memory_space<hbm>>) target(%dma_start3A_736 : memref<128xi32, #tpu.memory_space<vmem>>) target_semaphore(%arg12 : memref<!tpu.dma_semaphore, #tpu.memory_space<semaphore_mem>>)
      %add3A_738 = arith.constant 3 : i32
      %add3A_739 = arith.addi %mul3A_449, %add3A_738 : i32
      %dma_wait3A_740 = arith.constant 3 : i32
      %dma_wait3A_741 = arith.constant 1 : i32
      %dma_wait3A_742 = arith.constant 0 : i32
      %dma_wait3A_743 = arith.constant 0 : i32
      %dma_wait3A_744 = tpu.memref_slice %arg8[%dma_wait3A_741, %dma_wait3A_742, %dma_wait3A_743] : memref<2x128x128xf32, #tpu.memory_space<vmem>> -> memref<1x128x128xf32, #tpu.memory_space<vmem>>
      %dma_wait3A_745 = tpu.memref_squeeze %dma_wait3A_744 : memref<1x128x128xf32, #tpu.memory_space<vmem>> -> memref<128x128xf32, #tpu.memory_space<vmem>>
      %dma_wait3A_746 = arith.constant 0 : i32
      %dma_wait3A_747 = tpu.memref_slice %arg6[%dma_wait3A_740, %dma_wait3A_746] : memref<4x128xi32, #tpu.memory_space<vmem>> -> memref<1x128xi32, #tpu.memory_space<vmem>>
      %dma_wait3A_748 = tpu.memref_squeeze %dma_wait3A_747 : memref<1x128xi32, #tpu.memory_space<vmem>> -> memref<128xi32, #tpu.memory_space<vmem>>
      %dma_wait3A_749 = arith.constant 0 : i32
      %dma_wait3A_750 = arith.constant 0 : i32
      %dma_wait3A_751 = tpu.memref_slice %arg2[%dma_wait3A_749, %dma_wait3A_750] : memref<10240x128xf32, #tpu.memory_space<hbm>> -> memref<10240x128xf32, #tpu.memory_space<hbm>>
      tpu.wait_indirect_dma semaphore(%arg15 : memref<!tpu.dma_semaphore, #tpu.memory_space<semaphore_mem>>) src(%dma_wait3A_751 : memref<10240x128xf32, #tpu.memory_space<hbm>>) dst(%dma_wait3A_745 : memref<128x128xf32, #tpu.memory_space<vmem>>)
      %dma_start3A_752 = arith.constant 1 : i32
      %dma_start3A_753 = arith.constant 3 : i32
      %dma_start3A_754 = arith.constant 0 : i32
      %dma_start3A_755 = arith.constant 0 : i32
      %dma_start3A_756 = tpu.memref_slice %arg8[%dma_start3A_752, %dma_start3A_754, %dma_start3A_755] : memref<2x128x128xf32, #tpu.memory_space<vmem>> -> memref<1x128x128xf32, #tpu.memory_space<vmem>>
      %dma_start3A_757 = tpu.memref_squeeze %dma_start3A_756 : memref<1x128x128xf32, #tpu.memory_space<vmem>> -> memref<128x128xf32, #tpu.memory_space<vmem>>
      %dma_start3A_758 = arith.constant 0 : i32
      %dma_start3A_759 = tpu.memref_slice %arg7[%dma_start3A_753, %dma_start3A_758] : memref<4x128xi32, #tpu.memory_space<vmem>> -> memref<1x128xi32, #tpu.memory_space<vmem>>
      %dma_start3A_760 = tpu.memref_squeeze %dma_start3A_759 : memref<1x128xi32, #tpu.memory_space<vmem>> -> memref<128xi32, #tpu.memory_space<vmem>>
      %dma_start3A_761 = arith.constant 0 : i32
      %dma_start3A_762 = arith.constant 0 : i32
      %dma_start3A_763 = tpu.memref_slice %arg9[%dma_start3A_761, %dma_start3A_762] : memref<10240x128xf32, #tpu.memory_space<vmem_shared>> -> memref<10240x128xf32, #tpu.memory_space<vmem_shared>>
      tpu.enqueue_indirect_dma source(%dma_start3A_757 : memref<128x128xf32, #tpu.memory_space<vmem>>) target(%dma_start3A_763 : memref<10240x128xf32, #tpu.memory_space<vmem_shared>>) offsets(%dma_start3A_760 : memref<128xi32, #tpu.memory_space<vmem>>) semaphore(%arg17 : memref<!tpu.dma_semaphore, #tpu.memory_space<semaphore_mem>>) {add = true}
      %add3A_764 = arith.constant 2 : i32
      %add3A_765 = arith.addi %add3A_739, %add3A_764 : i32
      %add3A_766 = arith.addi %mul3A_4, %add3A_765 : i32
      %mul3A_767 = arith.constant 128 : i32
      %mul3A_768 = arith.muli %add3A_766, %mul3A_767 : i32
      %dma_wait3A_769 = arith.constant 1 : i32
      %dma_wait3A_770 = arith.constant 0 : i32
      %dma_wait3A_771 = tpu.memref_slice %arg6[%dma_wait3A_769, %dma_wait3A_770] : memref<4x128xi32, #tpu.memory_space<vmem>> -> memref<1x128xi32, #tpu.memory_space<vmem>>
      %dma_wait3A_772 = tpu.memref_squeeze %dma_wait3A_771 : memref<1x128xi32, #tpu.memory_space<vmem>> -> memref<128xi32, #tpu.memory_space<vmem>>
      %dma_wait3A_773 = tpu.memref_slice %arg3[%mul3A_768] : memref<320000xi32, #tpu.memory_space<hbm>> -> memref<128xi32, #tpu.memory_space<hbm>>
      %dma_wait3A_774 = arith.constant 0 : i32
      %dma_wait3A_775 = tpu.memref_slice %arg6[%dma_wait3A_769, %dma_wait3A_774] : memref<4x128xi32, #tpu.memory_space<vmem>> -> memref<1x128xi32, #tpu.memory_space<vmem>>
      %dma_wait3A_776 = tpu.memref_squeeze %dma_wait3A_775 : memref<1x128xi32, #tpu.memory_space<vmem>> -> memref<128xi32, #tpu.memory_space<vmem>>
      %dma_wait3A_777 = tpu.memref_slice %arg3[%mul3A_768] : memref<320000xi32, #tpu.memory_space<hbm>> -> memref<128xi32, #tpu.memory_space<hbm>>
      tpu.wait_dma2 semaphore(%arg11 : memref<!tpu.dma_semaphore, #tpu.memory_space<semaphore_mem>>) src(%dma_wait3A_777 : memref<128xi32, #tpu.memory_space<hbm>>) dst(%dma_wait3A_776 : memref<128xi32, #tpu.memory_space<vmem>>)
      %dma_wait3A_778 = arith.constant 1 : i32
      %dma_wait3A_779 = arith.constant 0 : i32
      %dma_wait3A_780 = tpu.memref_slice %arg7[%dma_wait3A_778, %dma_wait3A_779] : memref<4x128xi32, #tpu.memory_space<vmem>> -> memref<1x128xi32, #tpu.memory_space<vmem>>
      %dma_wait3A_781 = tpu.memref_squeeze %dma_wait3A_780 : memref<1x128xi32, #tpu.memory_space<vmem>> -> memref<128xi32, #tpu.memory_space<vmem>>
      %dma_wait3A_782 = tpu.memref_slice %arg4[%mul3A_768] : memref<320000xi32, #tpu.memory_space<hbm>> -> memref<128xi32, #tpu.memory_space<hbm>>
      %dma_wait3A_783 = arith.constant 0 : i32
      %dma_wait3A_784 = tpu.memref_slice %arg7[%dma_wait3A_778, %dma_wait3A_783] : memref<4x128xi32, #tpu.memory_space<vmem>> -> memref<1x128xi32, #tpu.memory_space<vmem>>
      %dma_wait3A_785 = tpu.memref_squeeze %dma_wait3A_784 : memref<1x128xi32, #tpu.memory_space<vmem>> -> memref<128xi32, #tpu.memory_space<vmem>>
      %dma_wait3A_786 = tpu.memref_slice %arg4[%mul3A_768] : memref<320000xi32, #tpu.memory_space<hbm>> -> memref<128xi32, #tpu.memory_space<hbm>>
      tpu.wait_dma2 semaphore(%arg11 : memref<!tpu.dma_semaphore, #tpu.memory_space<semaphore_mem>>) src(%dma_wait3A_786 : memref<128xi32, #tpu.memory_space<hbm>>) dst(%dma_wait3A_785 : memref<128xi32, #tpu.memory_space<vmem>>)
      %dma_wait3A_787 = arith.constant 1 : i32
      %dma_wait3A_788 = arith.constant 3 : i32
      %dma_wait3A_789 = arith.constant 0 : i32
      %dma_wait3A_790 = arith.constant 0 : i32
      %dma_wait3A_791 = tpu.memref_slice %arg8[%dma_wait3A_787, %dma_wait3A_789, %dma_wait3A_790] : memref<2x128x128xf32, #tpu.memory_space<vmem>> -> memref<1x128x128xf32, #tpu.memory_space<vmem>>
      %dma_wait3A_792 = tpu.memref_squeeze %dma_wait3A_791 : memref<1x128x128xf32, #tpu.memory_space<vmem>> -> memref<128x128xf32, #tpu.memory_space<vmem>>
      %dma_wait3A_793 = arith.constant 0 : i32
      %dma_wait3A_794 = tpu.memref_slice %arg7[%dma_wait3A_788, %dma_wait3A_793] : memref<4x128xi32, #tpu.memory_space<vmem>> -> memref<1x128xi32, #tpu.memory_space<vmem>>
      %dma_wait3A_795 = tpu.memref_squeeze %dma_wait3A_794 : memref<1x128xi32, #tpu.memory_space<vmem>> -> memref<128xi32, #tpu.memory_space<vmem>>
      %dma_wait3A_796 = arith.constant 0 : i32
      %dma_wait3A_797 = arith.constant 0 : i32
      %dma_wait3A_798 = tpu.memref_slice %arg9[%dma_wait3A_796, %dma_wait3A_797] : memref<10240x128xf32, #tpu.memory_space<vmem_shared>> -> memref<10240x128xf32, #tpu.memory_space<vmem_shared>>
      tpu.wait_indirect_dma semaphore(%arg17 : memref<!tpu.dma_semaphore, #tpu.memory_space<semaphore_mem>>) src(%dma_wait3A_792 : memref<128x128xf32, #tpu.memory_space<vmem>>) dst(%dma_wait3A_798 : memref<10240x128xf32, #tpu.memory_space<vmem_shared>>)
      %dma_start3A_799 = arith.constant 1 : i32
      %dma_start3A_800 = arith.constant 1 : i32
      %dma_start3A_801 = arith.constant 0 : i32
      %dma_start3A_802 = arith.constant 0 : i32
      %dma_start3A_803 = tpu.memref_slice %arg8[%dma_start3A_800, %dma_start3A_801, %dma_start3A_802] : memref<2x128x128xf32, #tpu.memory_space<vmem>> -> memref<1x128x128xf32, #tpu.memory_space<vmem>>
      %dma_start3A_804 = tpu.memref_squeeze %dma_start3A_803 : memref<1x128x128xf32, #tpu.memory_space<vmem>> -> memref<128x128xf32, #tpu.memory_space<vmem>>
      %dma_start3A_805 = arith.constant 0 : i32
      %dma_start3A_806 = tpu.memref_slice %arg6[%dma_start3A_799, %dma_start3A_805] : memref<4x128xi32, #tpu.memory_space<vmem>> -> memref<1x128xi32, #tpu.memory_space<vmem>>
      %dma_start3A_807 = tpu.memref_squeeze %dma_start3A_806 : memref<1x128xi32, #tpu.memory_space<vmem>> -> memref<128xi32, #tpu.memory_space<vmem>>
      %dma_start3A_808 = arith.constant 0 : i32
      %dma_start3A_809 = arith.constant 0 : i32
      %dma_start3A_810 = tpu.memref_slice %arg2[%dma_start3A_808, %dma_start3A_809] : memref<10240x128xf32, #tpu.memory_space<hbm>> -> memref<10240x128xf32, #tpu.memory_space<hbm>>
      tpu.enqueue_indirect_dma source(%dma_start3A_810 : memref<10240x128xf32, #tpu.memory_space<hbm>>) target(%dma_start3A_804 : memref<128x128xf32, #tpu.memory_space<vmem>>) offsets(%dma_start3A_807 : memref<128xi32, #tpu.memory_space<vmem>>) semaphore(%arg15 : memref<!tpu.dma_semaphore, #tpu.memory_space<semaphore_mem>>)
      %add3A_811 = arith.constant 4 : i32
      %add3A_812 = arith.addi %add3A_739, %add3A_811 : i32
      %add3A_813 = arith.addi %mul3A_4, %add3A_812 : i32
      %mul3A_814 = arith.constant 128 : i32
      %mul3A_815 = arith.muli %add3A_813, %mul3A_814 : i32
      %dma_start3A_816 = arith.constant 3 : i32
      %dma_start3A_817 = arith.constant 0 : i32
      %dma_start3A_818 = tpu.memref_slice %arg6[%dma_start3A_816, %dma_start3A_817] : memref<4x128xi32, #tpu.memory_space<vmem>> -> memref<1x128xi32, #tpu.memory_space<vmem>>
      %dma_start3A_819 = tpu.memref_squeeze %dma_start3A_818 : memref<1x128xi32, #tpu.memory_space<vmem>> -> memref<128xi32, #tpu.memory_space<vmem>>
      %dma_start3A_820 = tpu.memref_slice %arg3[%mul3A_815] : memref<320000xi32, #tpu.memory_space<hbm>> -> memref<128xi32, #tpu.memory_space<hbm>>
      %dma_start3A_821 = arith.constant 0 : i32
      %dma_start3A_822 = tpu.memref_slice %arg6[%dma_start3A_816, %dma_start3A_821] : memref<4x128xi32, #tpu.memory_space<vmem>> -> memref<1x128xi32, #tpu.memory_space<vmem>>
      %dma_start3A_823 = tpu.memref_squeeze %dma_start3A_822 : memref<1x128xi32, #tpu.memory_space<vmem>> -> memref<128xi32, #tpu.memory_space<vmem>>
      %dma_start3A_824 = tpu.memref_slice %arg3[%mul3A_815] : memref<320000xi32, #tpu.memory_space<hbm>> -> memref<128xi32, #tpu.memory_space<hbm>>
      tpu.enqueue_dma source(%dma_start3A_824 : memref<128xi32, #tpu.memory_space<hbm>>) target(%dma_start3A_823 : memref<128xi32, #tpu.memory_space<vmem>>) target_semaphore(%arg13 : memref<!tpu.dma_semaphore, #tpu.memory_space<semaphore_mem>>)
      %dma_start3A_825 = arith.constant 3 : i32
      %dma_start3A_826 = arith.constant 0 : i32
      %dma_start3A_827 = tpu.memref_slice %arg7[%dma_start3A_825, %dma_start3A_826] : memref<4x128xi32, #tpu.memory_space<vmem>> -> memref<1x128xi32, #tpu.memory_space<vmem>>
      %dma_start3A_828 = tpu.memref_squeeze %dma_start3A_827 : memref<1x128xi32, #tpu.memory_space<vmem>> -> memref<128xi32, #tpu.memory_space<vmem>>
      %dma_start3A_829 = tpu.memref_slice %arg4[%mul3A_815] : memref<320000xi32, #tpu.memory_space<hbm>> -> memref<128xi32, #tpu.memory_space<hbm>>
      %dma_start3A_830 = arith.constant 0 : i32
      %dma_start3A_831 = tpu.memref_slice %arg7[%dma_start3A_825, %dma_start3A_830] : memref<4x128xi32, #tpu.memory_space<vmem>> -> memref<1x128xi32, #tpu.memory_space<vmem>>
      %dma_start3A_832 = tpu.memref_squeeze %dma_start3A_831 : memref<1x128xi32, #tpu.memory_space<vmem>> -> memref<128xi32, #tpu.memory_space<vmem>>
      %dma_start3A_833 = tpu.memref_slice %arg4[%mul3A_815] : memref<320000xi32, #tpu.memory_space<hbm>> -> memref<128xi32, #tpu.memory_space<hbm>>
      tpu.enqueue_dma source(%dma_start3A_833 : memref<128xi32, #tpu.memory_space<hbm>>) target(%dma_start3A_832 : memref<128xi32, #tpu.memory_space<vmem>>) target_semaphore(%arg13 : memref<!tpu.dma_semaphore, #tpu.memory_space<semaphore_mem>>)
    }
    %sub3A_218 = arith.constant 4 : i32
    %sub3A_219 = arith.subi %select_n3A, %sub3A_218 : i32
    %add3A_220 = arith.constant 0 : i32
    %add3A_221 = arith.addi %sub3A_219, %add3A_220 : i32
    %dma_wait3A_222 = arith.constant 0 : i32
    %dma_wait3A_223 = arith.constant 0 : i32
    %dma_wait3A_224 = arith.constant 0 : i32
    %dma_wait3A_225 = arith.constant 0 : i32
    %dma_wait3A_226 = tpu.memref_slice %arg8[%dma_wait3A_223, %dma_wait3A_224, %dma_wait3A_225] : memref<2x128x128xf32, #tpu.memory_space<vmem>> -> memref<1x128x128xf32, #tpu.memory_space<vmem>>
    %dma_wait3A_227 = tpu.memref_squeeze %dma_wait3A_226 : memref<1x128x128xf32, #tpu.memory_space<vmem>> -> memref<128x128xf32, #tpu.memory_space<vmem>>
    %dma_wait3A_228 = arith.constant 0 : i32
    %dma_wait3A_229 = tpu.memref_slice %arg6[%dma_wait3A_222, %dma_wait3A_228] : memref<4x128xi32, #tpu.memory_space<vmem>> -> memref<1x128xi32, #tpu.memory_space<vmem>>
    %dma_wait3A_230 = tpu.memref_squeeze %dma_wait3A_229 : memref<1x128xi32, #tpu.memory_space<vmem>> -> memref<128xi32, #tpu.memory_space<vmem>>
    %dma_wait3A_231 = arith.constant 0 : i32
    %dma_wait3A_232 = arith.constant 0 : i32
    %dma_wait3A_233 = tpu.memref_slice %arg2[%dma_wait3A_231, %dma_wait3A_232] : memref<10240x128xf32, #tpu.memory_space<hbm>> -> memref<10240x128xf32, #tpu.memory_space<hbm>>
    tpu.wait_indirect_dma semaphore(%arg14 : memref<!tpu.dma_semaphore, #tpu.memory_space<semaphore_mem>>) src(%dma_wait3A_233 : memref<10240x128xf32, #tpu.memory_space<hbm>>) dst(%dma_wait3A_227 : memref<128x128xf32, #tpu.memory_space<vmem>>)
    %dma_start3A_234 = arith.constant 0 : i32
    %dma_start3A_235 = arith.constant 0 : i32
    %dma_start3A_236 = arith.constant 0 : i32
    %dma_start3A_237 = arith.constant 0 : i32
    %dma_start3A_238 = tpu.memref_slice %arg8[%dma_start3A_234, %dma_start3A_236, %dma_start3A_237] : memref<2x128x128xf32, #tpu.memory_space<vmem>> -> memref<1x128x128xf32, #tpu.memory_space<vmem>>
    %dma_start3A_239 = tpu.memref_squeeze %dma_start3A_238 : memref<1x128x128xf32, #tpu.memory_space<vmem>> -> memref<128x128xf32, #tpu.memory_space<vmem>>
    %dma_start3A_240 = arith.constant 0 : i32
    %dma_start3A_241 = tpu.memref_slice %arg7[%dma_start3A_235, %dma_start3A_240] : memref<4x128xi32, #tpu.memory_space<vmem>> -> memref<1x128xi32, #tpu.memory_space<vmem>>
    %dma_start3A_242 = tpu.memref_squeeze %dma_start3A_241 : memref<1x128xi32, #tpu.memory_space<vmem>> -> memref<128xi32, #tpu.memory_space<vmem>>
    %dma_start3A_243 = arith.constant 0 : i32
    %dma_start3A_244 = arith.constant 0 : i32
    %dma_start3A_245 = tpu.memref_slice %arg9[%dma_start3A_243, %dma_start3A_244] : memref<10240x128xf32, #tpu.memory_space<vmem_shared>> -> memref<10240x128xf32, #tpu.memory_space<vmem_shared>>
    tpu.enqueue_indirect_dma source(%dma_start3A_239 : memref<128x128xf32, #tpu.memory_space<vmem>>) target(%dma_start3A_245 : memref<10240x128xf32, #tpu.memory_space<vmem_shared>>) offsets(%dma_start3A_242 : memref<128xi32, #tpu.memory_space<vmem>>) semaphore(%arg16 : memref<!tpu.dma_semaphore, #tpu.memory_space<semaphore_mem>>) {add = true}
    %add3A_246 = arith.constant 2 : i32
    %add3A_247 = arith.addi %add3A_221, %add3A_246 : i32
    %add3A_248 = arith.addi %mul3A_4, %add3A_247 : i32
    %mul3A_249 = arith.constant 128 : i32
    %mul3A_250 = arith.muli %add3A_248, %mul3A_249 : i32
    %dma_wait3A_251 = arith.constant 2 : i32
    %dma_wait3A_252 = arith.constant 0 : i32
    %dma_wait3A_253 = tpu.memref_slice %arg6[%dma_wait3A_251, %dma_wait3A_252] : memref<4x128xi32, #tpu.memory_space<vmem>> -> memref<1x128xi32, #tpu.memory_space<vmem>>
    %dma_wait3A_254 = tpu.memref_squeeze %dma_wait3A_253 : memref<1x128xi32, #tpu.memory_space<vmem>> -> memref<128xi32, #tpu.memory_space<vmem>>
    %dma_wait3A_255 = tpu.memref_slice %arg3[%mul3A_250] : memref<320000xi32, #tpu.memory_space<hbm>> -> memref<128xi32, #tpu.memory_space<hbm>>
    %dma_wait3A_256 = arith.constant 0 : i32
    %dma_wait3A_257 = tpu.memref_slice %arg6[%dma_wait3A_251, %dma_wait3A_256] : memref<4x128xi32, #tpu.memory_space<vmem>> -> memref<1x128xi32, #tpu.memory_space<vmem>>
    %dma_wait3A_258 = tpu.memref_squeeze %dma_wait3A_257 : memref<1x128xi32, #tpu.memory_space<vmem>> -> memref<128xi32, #tpu.memory_space<vmem>>
    %dma_wait3A_259 = tpu.memref_slice %arg3[%mul3A_250] : memref<320000xi32, #tpu.memory_space<hbm>> -> memref<128xi32, #tpu.memory_space<hbm>>
    tpu.wait_dma2 semaphore(%arg12 : memref<!tpu.dma_semaphore, #tpu.memory_space<semaphore_mem>>) src(%dma_wait3A_259 : memref<128xi32, #tpu.memory_space<hbm>>) dst(%dma_wait3A_258 : memref<128xi32, #tpu.memory_space<vmem>>)
    %dma_wait3A_260 = arith.constant 2 : i32
    %dma_wait3A_261 = arith.constant 0 : i32
    %dma_wait3A_262 = tpu.memref_slice %arg7[%dma_wait3A_260, %dma_wait3A_261] : memref<4x128xi32, #tpu.memory_space<vmem>> -> memref<1x128xi32, #tpu.memory_space<vmem>>
    %dma_wait3A_263 = tpu.memref_squeeze %dma_wait3A_262 : memref<1x128xi32, #tpu.memory_space<vmem>> -> memref<128xi32, #tpu.memory_space<vmem>>
    %dma_wait3A_264 = tpu.memref_slice %arg4[%mul3A_250] : memref<320000xi32, #tpu.memory_space<hbm>> -> memref<128xi32, #tpu.memory_space<hbm>>
    %dma_wait3A_265 = arith.constant 0 : i32
    %dma_wait3A_266 = tpu.memref_slice %arg7[%dma_wait3A_260, %dma_wait3A_265] : memref<4x128xi32, #tpu.memory_space<vmem>> -> memref<1x128xi32, #tpu.memory_space<vmem>>
    %dma_wait3A_267 = tpu.memref_squeeze %dma_wait3A_266 : memref<1x128xi32, #tpu.memory_space<vmem>> -> memref<128xi32, #tpu.memory_space<vmem>>
    %dma_wait3A_268 = tpu.memref_slice %arg4[%mul3A_250] : memref<320000xi32, #tpu.memory_space<hbm>> -> memref<128xi32, #tpu.memory_space<hbm>>
    tpu.wait_dma2 semaphore(%arg12 : memref<!tpu.dma_semaphore, #tpu.memory_space<semaphore_mem>>) src(%dma_wait3A_268 : memref<128xi32, #tpu.memory_space<hbm>>) dst(%dma_wait3A_267 : memref<128xi32, #tpu.memory_space<vmem>>)
    %dma_wait3A_269 = arith.constant 0 : i32
    %dma_wait3A_270 = arith.constant 0 : i32
    %dma_wait3A_271 = arith.constant 0 : i32
    %dma_wait3A_272 = arith.constant 0 : i32
    %dma_wait3A_273 = tpu.memref_slice %arg8[%dma_wait3A_269, %dma_wait3A_271, %dma_wait3A_272] : memref<2x128x128xf32, #tpu.memory_space<vmem>> -> memref<1x128x128xf32, #tpu.memory_space<vmem>>
    %dma_wait3A_274 = tpu.memref_squeeze %dma_wait3A_273 : memref<1x128x128xf32, #tpu.memory_space<vmem>> -> memref<128x128xf32, #tpu.memory_space<vmem>>
    %dma_wait3A_275 = arith.constant 0 : i32
    %dma_wait3A_276 = tpu.memref_slice %arg7[%dma_wait3A_270, %dma_wait3A_275] : memref<4x128xi32, #tpu.memory_space<vmem>> -> memref<1x128xi32, #tpu.memory_space<vmem>>
    %dma_wait3A_277 = tpu.memref_squeeze %dma_wait3A_276 : memref<1x128xi32, #tpu.memory_space<vmem>> -> memref<128xi32, #tpu.memory_space<vmem>>
    %dma_wait3A_278 = arith.constant 0 : i32
    %dma_wait3A_279 = arith.constant 0 : i32
    %dma_wait3A_280 = tpu.memref_slice %arg9[%dma_wait3A_278, %dma_wait3A_279] : memref<10240x128xf32, #tpu.memory_space<vmem_shared>> -> memref<10240x128xf32, #tpu.memory_space<vmem_shared>>
    tpu.wait_indirect_dma semaphore(%arg16 : memref<!tpu.dma_semaphore, #tpu.memory_space<semaphore_mem>>) src(%dma_wait3A_274 : memref<128x128xf32, #tpu.memory_space<vmem>>) dst(%dma_wait3A_280 : memref<10240x128xf32, #tpu.memory_space<vmem_shared>>)
    %dma_start3A_281 = arith.constant 2 : i32
    %dma_start3A_282 = arith.constant 0 : i32
    %dma_start3A_283 = arith.constant 0 : i32
    %dma_start3A_284 = arith.constant 0 : i32
    %dma_start3A_285 = tpu.memref_slice %arg8[%dma_start3A_282, %dma_start3A_283, %dma_start3A_284] : memref<2x128x128xf32, #tpu.memory_space<vmem>> -> memref<1x128x128xf32, #tpu.memory_space<vmem>>
    %dma_start3A_286 = tpu.memref_squeeze %dma_start3A_285 : memref<1x128x128xf32, #tpu.memory_space<vmem>> -> memref<128x128xf32, #tpu.memory_space<vmem>>
    %dma_start3A_287 = arith.constant 0 : i32
    %dma_start3A_288 = tpu.memref_slice %arg6[%dma_start3A_281, %dma_start3A_287] : memref<4x128xi32, #tpu.memory_space<vmem>> -> memref<1x128xi32, #tpu.memory_space<vmem>>
    %dma_start3A_289 = tpu.memref_squeeze %dma_start3A_288 : memref<1x128xi32, #tpu.memory_space<vmem>> -> memref<128xi32, #tpu.memory_space<vmem>>
    %dma_start3A_290 = arith.constant 0 : i32
    %dma_start3A_291 = arith.constant 0 : i32
    %dma_start3A_292 = tpu.memref_slice %arg2[%dma_start3A_290, %dma_start3A_291] : memref<10240x128xf32, #tpu.memory_space<hbm>> -> memref<10240x128xf32, #tpu.memory_space<hbm>>
    tpu.enqueue_indirect_dma source(%dma_start3A_292 : memref<10240x128xf32, #tpu.memory_space<hbm>>) target(%dma_start3A_286 : memref<128x128xf32, #tpu.memory_space<vmem>>) offsets(%dma_start3A_289 : memref<128xi32, #tpu.memory_space<vmem>>) semaphore(%arg14 : memref<!tpu.dma_semaphore, #tpu.memory_space<semaphore_mem>>)
    %add3A_293 = arith.constant 1 : i32
    %add3A_294 = arith.addi %sub3A_219, %add3A_293 : i32
    %dma_wait3A_295 = arith.constant 1 : i32
    %dma_wait3A_296 = arith.constant 1 : i32
    %dma_wait3A_297 = arith.constant 0 : i32
    %dma_wait3A_298 = arith.constant 0 : i32
    %dma_wait3A_299 = tpu.memref_slice %arg8[%dma_wait3A_296, %dma_wait3A_297, %dma_wait3A_298] : memref<2x128x128xf32, #tpu.memory_space<vmem>> -> memref<1x128x128xf32, #tpu.memory_space<vmem>>
    %dma_wait3A_300 = tpu.memref_squeeze %dma_wait3A_299 : memref<1x128x128xf32, #tpu.memory_space<vmem>> -> memref<128x128xf32, #tpu.memory_space<vmem>>
    %dma_wait3A_301 = arith.constant 0 : i32
    %dma_wait3A_302 = tpu.memref_slice %arg6[%dma_wait3A_295, %dma_wait3A_301] : memref<4x128xi32, #tpu.memory_space<vmem>> -> memref<1x128xi32, #tpu.memory_space<vmem>>
    %dma_wait3A_303 = tpu.memref_squeeze %dma_wait3A_302 : memref<1x128xi32, #tpu.memory_space<vmem>> -> memref<128xi32, #tpu.memory_space<vmem>>
    %dma_wait3A_304 = arith.constant 0 : i32
    %dma_wait3A_305 = arith.constant 0 : i32
    %dma_wait3A_306 = tpu.memref_slice %arg2[%dma_wait3A_304, %dma_wait3A_305] : memref<10240x128xf32, #tpu.memory_space<hbm>> -> memref<10240x128xf32, #tpu.memory_space<hbm>>
    tpu.wait_indirect_dma semaphore(%arg15 : memref<!tpu.dma_semaphore, #tpu.memory_space<semaphore_mem>>) src(%dma_wait3A_306 : memref<10240x128xf32, #tpu.memory_space<hbm>>) dst(%dma_wait3A_300 : memref<128x128xf32, #tpu.memory_space<vmem>>)
    %dma_start3A_307 = arith.constant 1 : i32
    %dma_start3A_308 = arith.constant 1 : i32
    %dma_start3A_309 = arith.constant 0 : i32
    %dma_start3A_310 = arith.constant 0 : i32
    %dma_start3A_311 = tpu.memref_slice %arg8[%dma_start3A_307, %dma_start3A_309, %dma_start3A_310] : memref<2x128x128xf32, #tpu.memory_space<vmem>> -> memref<1x128x128xf32, #tpu.memory_space<vmem>>
    %dma_start3A_312 = tpu.memref_squeeze %dma_start3A_311 : memref<1x128x128xf32, #tpu.memory_space<vmem>> -> memref<128x128xf32, #tpu.memory_space<vmem>>
    %dma_start3A_313 = arith.constant 0 : i32
    %dma_start3A_314 = tpu.memref_slice %arg7[%dma_start3A_308, %dma_start3A_313] : memref<4x128xi32, #tpu.memory_space<vmem>> -> memref<1x128xi32, #tpu.memory_space<vmem>>
    %dma_start3A_315 = tpu.memref_squeeze %dma_start3A_314 : memref<1x128xi32, #tpu.memory_space<vmem>> -> memref<128xi32, #tpu.memory_space<vmem>>
    %dma_start3A_316 = arith.constant 0 : i32
    %dma_start3A_317 = arith.constant 0 : i32
    %dma_start3A_318 = tpu.memref_slice %arg9[%dma_start3A_316, %dma_start3A_317] : memref<10240x128xf32, #tpu.memory_space<vmem_shared>> -> memref<10240x128xf32, #tpu.memory_space<vmem_shared>>
    tpu.enqueue_indirect_dma source(%dma_start3A_312 : memref<128x128xf32, #tpu.memory_space<vmem>>) target(%dma_start3A_318 : memref<10240x128xf32, #tpu.memory_space<vmem_shared>>) offsets(%dma_start3A_315 : memref<128xi32, #tpu.memory_space<vmem>>) semaphore(%arg17 : memref<!tpu.dma_semaphore, #tpu.memory_space<semaphore_mem>>) {add = true}
    %add3A_319 = arith.constant 2 : i32
    %add3A_320 = arith.addi %add3A_294, %add3A_319 : i32
    %add3A_321 = arith.addi %mul3A_4, %add3A_320 : i32
    %mul3A_322 = arith.constant 128 : i32
    %mul3A_323 = arith.muli %add3A_321, %mul3A_322 : i32
    %dma_wait3A_324 = arith.constant 3 : i32
    %dma_wait3A_325 = arith.constant 0 : i32
    %dma_wait3A_326 = tpu.memref_slice %arg6[%dma_wait3A_324, %dma_wait3A_325] : memref<4x128xi32, #tpu.memory_space<vmem>> -> memref<1x128xi32, #tpu.memory_space<vmem>>
    %dma_wait3A_327 = tpu.memref_squeeze %dma_wait3A_326 : memref<1x128xi32, #tpu.memory_space<vmem>> -> memref<128xi32, #tpu.memory_space<vmem>>
    %dma_wait3A_328 = tpu.memref_slice %arg3[%mul3A_323] : memref<320000xi32, #tpu.memory_space<hbm>> -> memref<128xi32, #tpu.memory_space<hbm>>
    %dma_wait3A_329 = arith.constant 0 : i32
    %dma_wait3A_330 = tpu.memref_slice %arg6[%dma_wait3A_324, %dma_wait3A_329] : memref<4x128xi32, #tpu.memory_space<vmem>> -> memref<1x128xi32, #tpu.memory_space<vmem>>
    %dma_wait3A_331 = tpu.memref_squeeze %dma_wait3A_330 : memref<1x128xi32, #tpu.memory_space<vmem>> -> memref<128xi32, #tpu.memory_space<vmem>>
    %dma_wait3A_332 = tpu.memref_slice %arg3[%mul3A_323] : memref<320000xi32, #tpu.memory_space<hbm>> -> memref<128xi32, #tpu.memory_space<hbm>>
    tpu.wait_dma2 semaphore(%arg13 : memref<!tpu.dma_semaphore, #tpu.memory_space<semaphore_mem>>) src(%dma_wait3A_332 : memref<128xi32, #tpu.memory_space<hbm>>) dst(%dma_wait3A_331 : memref<128xi32, #tpu.memory_space<vmem>>)
    %dma_wait3A_333 = arith.constant 3 : i32
    %dma_wait3A_334 = arith.constant 0 : i32
    %dma_wait3A_335 = tpu.memref_slice %arg7[%dma_wait3A_333, %dma_wait3A_334] : memref<4x128xi32, #tpu.memory_space<vmem>> -> memref<1x128xi32, #tpu.memory_space<vmem>>
    %dma_wait3A_336 = tpu.memref_squeeze %dma_wait3A_335 : memref<1x128xi32, #tpu.memory_space<vmem>> -> memref<128xi32, #tpu.memory_space<vmem>>
    %dma_wait3A_337 = tpu.memref_slice %arg4[%mul3A_323] : memref<320000xi32, #tpu.memory_space<hbm>> -> memref<128xi32, #tpu.memory_space<hbm>>
    %dma_wait3A_338 = arith.constant 0 : i32
    %dma_wait3A_339 = tpu.memref_slice %arg7[%dma_wait3A_333, %dma_wait3A_338] : memref<4x128xi32, #tpu.memory_space<vmem>> -> memref<1x128xi32, #tpu.memory_space<vmem>>
    %dma_wait3A_340 = tpu.memref_squeeze %dma_wait3A_339 : memref<1x128xi32, #tpu.memory_space<vmem>> -> memref<128xi32, #tpu.memory_space<vmem>>
    %dma_wait3A_341 = tpu.memref_slice %arg4[%mul3A_323] : memref<320000xi32, #tpu.memory_space<hbm>> -> memref<128xi32, #tpu.memory_space<hbm>>
    tpu.wait_dma2 semaphore(%arg13 : memref<!tpu.dma_semaphore, #tpu.memory_space<semaphore_mem>>) src(%dma_wait3A_341 : memref<128xi32, #tpu.memory_space<hbm>>) dst(%dma_wait3A_340 : memref<128xi32, #tpu.memory_space<vmem>>)
    %dma_wait3A_342 = arith.constant 1 : i32
    %dma_wait3A_343 = arith.constant 1 : i32
    %dma_wait3A_344 = arith.constant 0 : i32
    %dma_wait3A_345 = arith.constant 0 : i32
    %dma_wait3A_346 = tpu.memref_slice %arg8[%dma_wait3A_342, %dma_wait3A_344, %dma_wait3A_345] : memref<2x128x128xf32, #tpu.memory_space<vmem>> -> memref<1x128x128xf32, #tpu.memory_space<vmem>>
    %dma_wait3A_347 = tpu.memref_squeeze %dma_wait3A_346 : memref<1x128x128xf32, #tpu.memory_space<vmem>> -> memref<128x128xf32, #tpu.memory_space<vmem>>
    %dma_wait3A_348 = arith.constant 0 : i32
    %dma_wait3A_349 = tpu.memref_slice %arg7[%dma_wait3A_343, %dma_wait3A_348] : memref<4x128xi32, #tpu.memory_space<vmem>> -> memref<1x128xi32, #tpu.memory_space<vmem>>
    %dma_wait3A_350 = tpu.memref_squeeze %dma_wait3A_349 : memref<1x128xi32, #tpu.memory_space<vmem>> -> memref<128xi32, #tpu.memory_space<vmem>>
    %dma_wait3A_351 = arith.constant 0 : i32
    %dma_wait3A_352 = arith.constant 0 : i32
    %dma_wait3A_353 = tpu.memref_slice %arg9[%dma_wait3A_351, %dma_wait3A_352] : memref<10240x128xf32, #tpu.memory_space<vmem_shared>> -> memref<10240x128xf32, #tpu.memory_space<vmem_shared>>
    tpu.wait_indirect_dma semaphore(%arg17 : memref<!tpu.dma_semaphore, #tpu.memory_space<semaphore_mem>>) src(%dma_wait3A_347 : memref<128x128xf32, #tpu.memory_space<vmem>>) dst(%dma_wait3A_353 : memref<10240x128xf32, #tpu.memory_space<vmem_shared>>)
    %dma_start3A_354 = arith.constant 3 : i32
    %dma_start3A_355 = arith.constant 1 : i32
    %dma_start3A_356 = arith.constant 0 : i32
    %dma_start3A_357 = arith.constant 0 : i32
    %dma_start3A_358 = tpu.memref_slice %arg8[%dma_start3A_355, %dma_start3A_356, %dma_start3A_357] : memref<2x128x128xf32, #tpu.memory_space<vmem>> -> memref<1x128x128xf32, #tpu.memory_space<vmem>>
    %dma_start3A_359 = tpu.memref_squeeze %dma_start3A_358 : memref<1x128x128xf32, #tpu.memory_space<vmem>> -> memref<128x128xf32, #tpu.memory_space<vmem>>
    %dma_start3A_360 = arith.constant 0 : i32
    %dma_start3A_361 = tpu.memref_slice %arg6[%dma_start3A_354, %dma_start3A_360] : memref<4x128xi32, #tpu.memory_space<vmem>> -> memref<1x128xi32, #tpu.memory_space<vmem>>
    %dma_start3A_362 = tpu.memref_squeeze %dma_start3A_361 : memref<1x128xi32, #tpu.memory_space<vmem>> -> memref<128xi32, #tpu.memory_space<vmem>>
    %dma_start3A_363 = arith.constant 0 : i32
    %dma_start3A_364 = arith.constant 0 : i32
    %dma_start3A_365 = tpu.memref_slice %arg2[%dma_start3A_363, %dma_start3A_364] : memref<10240x128xf32, #tpu.memory_space<hbm>> -> memref<10240x128xf32, #tpu.memory_space<hbm>>
    tpu.enqueue_indirect_dma source(%dma_start3A_365 : memref<10240x128xf32, #tpu.memory_space<hbm>>) target(%dma_start3A_359 : memref<128x128xf32, #tpu.memory_space<vmem>>) offsets(%dma_start3A_362 : memref<128xi32, #tpu.memory_space<vmem>>) semaphore(%arg15 : memref<!tpu.dma_semaphore, #tpu.memory_space<semaphore_mem>>)
    %add3A_366 = arith.constant 2 : i32
    %add3A_367 = arith.addi %sub3A_219, %add3A_366 : i32
    %dma_wait3A_368 = arith.constant 2 : i32
    %dma_wait3A_369 = arith.constant 0 : i32
    %dma_wait3A_370 = arith.constant 0 : i32
    %dma_wait3A_371 = arith.constant 0 : i32
    %dma_wait3A_372 = tpu.memref_slice %arg8[%dma_wait3A_369, %dma_wait3A_370, %dma_wait3A_371] : memref<2x128x128xf32, #tpu.memory_space<vmem>> -> memref<1x128x128xf32, #tpu.memory_space<vmem>>
    %dma_wait3A_373 = tpu.memref_squeeze %dma_wait3A_372 : memref<1x128x128xf32, #tpu.memory_space<vmem>> -> memref<128x128xf32, #tpu.memory_space<vmem>>
    %dma_wait3A_374 = arith.constant 0 : i32
    %dma_wait3A_375 = tpu.memref_slice %arg6[%dma_wait3A_368, %dma_wait3A_374] : memref<4x128xi32, #tpu.memory_space<vmem>> -> memref<1x128xi32, #tpu.memory_space<vmem>>
    %dma_wait3A_376 = tpu.memref_squeeze %dma_wait3A_375 : memref<1x128xi32, #tpu.memory_space<vmem>> -> memref<128xi32, #tpu.memory_space<vmem>>
    %dma_wait3A_377 = arith.constant 0 : i32
    %dma_wait3A_378 = arith.constant 0 : i32
    %dma_wait3A_379 = tpu.memref_slice %arg2[%dma_wait3A_377, %dma_wait3A_378] : memref<10240x128xf32, #tpu.memory_space<hbm>> -> memref<10240x128xf32, #tpu.memory_space<hbm>>
    tpu.wait_indirect_dma semaphore(%arg14 : memref<!tpu.dma_semaphore, #tpu.memory_space<semaphore_mem>>) src(%dma_wait3A_379 : memref<10240x128xf32, #tpu.memory_space<hbm>>) dst(%dma_wait3A_373 : memref<128x128xf32, #tpu.memory_space<vmem>>)
    %dma_start3A_380 = arith.constant 0 : i32
    %dma_start3A_381 = arith.constant 2 : i32
    %dma_start3A_382 = arith.constant 0 : i32
    %dma_start3A_383 = arith.constant 0 : i32
    %dma_start3A_384 = tpu.memref_slice %arg8[%dma_start3A_380, %dma_start3A_382, %dma_start3A_383] : memref<2x128x128xf32, #tpu.memory_space<vmem>> -> memref<1x128x128xf32, #tpu.memory_space<vmem>>
    %dma_start3A_385 = tpu.memref_squeeze %dma_start3A_384 : memref<1x128x128xf32, #tpu.memory_space<vmem>> -> memref<128x128xf32, #tpu.memory_space<vmem>>
    %dma_start3A_386 = arith.constant 0 : i32
    %dma_start3A_387 = tpu.memref_slice %arg7[%dma_start3A_381, %dma_start3A_386] : memref<4x128xi32, #tpu.memory_space<vmem>> -> memref<1x128xi32, #tpu.memory_space<vmem>>
    %dma_start3A_388 = tpu.memref_squeeze %dma_start3A_387 : memref<1x128xi32, #tpu.memory_space<vmem>> -> memref<128xi32, #tpu.memory_space<vmem>>
    %dma_start3A_389 = arith.constant 0 : i32
    %dma_start3A_390 = arith.constant 0 : i32
    %dma_start3A_391 = tpu.memref_slice %arg9[%dma_start3A_389, %dma_start3A_390] : memref<10240x128xf32, #tpu.memory_space<vmem_shared>> -> memref<10240x128xf32, #tpu.memory_space<vmem_shared>>
    tpu.enqueue_indirect_dma source(%dma_start3A_385 : memref<128x128xf32, #tpu.memory_space<vmem>>) target(%dma_start3A_391 : memref<10240x128xf32, #tpu.memory_space<vmem_shared>>) offsets(%dma_start3A_388 : memref<128xi32, #tpu.memory_space<vmem>>) semaphore(%arg16 : memref<!tpu.dma_semaphore, #tpu.memory_space<semaphore_mem>>) {add = true}
    %dma_wait3A_392 = arith.constant 0 : i32
    %dma_wait3A_393 = arith.constant 2 : i32
    %dma_wait3A_394 = arith.constant 0 : i32
    %dma_wait3A_395 = arith.constant 0 : i32
    %dma_wait3A_396 = tpu.memref_slice %arg8[%dma_wait3A_392, %dma_wait3A_394, %dma_wait3A_395] : memref<2x128x128xf32, #tpu.memory_space<vmem>> -> memref<1x128x128xf32, #tpu.memory_space<vmem>>
    %dma_wait3A_397 = tpu.memref_squeeze %dma_wait3A_396 : memref<1x128x128xf32, #tpu.memory_space<vmem>> -> memref<128x128xf32, #tpu.memory_space<vmem>>
    %dma_wait3A_398 = arith.constant 0 : i32
    %dma_wait3A_399 = tpu.memref_slice %arg7[%dma_wait3A_393, %dma_wait3A_398] : memref<4x128xi32, #tpu.memory_space<vmem>> -> memref<1x128xi32, #tpu.memory_space<vmem>>
    %dma_wait3A_400 = tpu.memref_squeeze %dma_wait3A_399 : memref<1x128xi32, #tpu.memory_space<vmem>> -> memref<128xi32, #tpu.memory_space<vmem>>
    %dma_wait3A_401 = arith.constant 0 : i32
    %dma_wait3A_402 = arith.constant 0 : i32
    %dma_wait3A_403 = tpu.memref_slice %arg9[%dma_wait3A_401, %dma_wait3A_402] : memref<10240x128xf32, #tpu.memory_space<vmem_shared>> -> memref<10240x128xf32, #tpu.memory_space<vmem_shared>>
    tpu.wait_indirect_dma semaphore(%arg16 : memref<!tpu.dma_semaphore, #tpu.memory_space<semaphore_mem>>) src(%dma_wait3A_397 : memref<128x128xf32, #tpu.memory_space<vmem>>) dst(%dma_wait3A_403 : memref<10240x128xf32, #tpu.memory_space<vmem_shared>>)
    %add3A_404 = arith.constant 3 : i32
    %add3A_405 = arith.addi %sub3A_219, %add3A_404 : i32
    %dma_wait3A_406 = arith.constant 3 : i32
    %dma_wait3A_407 = arith.constant 1 : i32
    %dma_wait3A_408 = arith.constant 0 : i32
    %dma_wait3A_409 = arith.constant 0 : i32
    %dma_wait3A_410 = tpu.memref_slice %arg8[%dma_wait3A_407, %dma_wait3A_408, %dma_wait3A_409] : memref<2x128x128xf32, #tpu.memory_space<vmem>> -> memref<1x128x128xf32, #tpu.memory_space<vmem>>
    %dma_wait3A_411 = tpu.memref_squeeze %dma_wait3A_410 : memref<1x128x128xf32, #tpu.memory_space<vmem>> -> memref<128x128xf32, #tpu.memory_space<vmem>>
    %dma_wait3A_412 = arith.constant 0 : i32
    %dma_wait3A_413 = tpu.memref_slice %arg6[%dma_wait3A_406, %dma_wait3A_412] : memref<4x128xi32, #tpu.memory_space<vmem>> -> memref<1x128xi32, #tpu.memory_space<vmem>>
    %dma_wait3A_414 = tpu.memref_squeeze %dma_wait3A_413 : memref<1x128xi32, #tpu.memory_space<vmem>> -> memref<128xi32, #tpu.memory_space<vmem>>
    %dma_wait3A_415 = arith.constant 0 : i32
    %dma_wait3A_416 = arith.constant 0 : i32
    %dma_wait3A_417 = tpu.memref_slice %arg2[%dma_wait3A_415, %dma_wait3A_416] : memref<10240x128xf32, #tpu.memory_space<hbm>> -> memref<10240x128xf32, #tpu.memory_space<hbm>>
    tpu.wait_indirect_dma semaphore(%arg15 : memref<!tpu.dma_semaphore, #tpu.memory_space<semaphore_mem>>) src(%dma_wait3A_417 : memref<10240x128xf32, #tpu.memory_space<hbm>>) dst(%dma_wait3A_411 : memref<128x128xf32, #tpu.memory_space<vmem>>)
    %dma_start3A_418 = arith.constant 1 : i32
    %dma_start3A_419 = arith.constant 3 : i32
    %dma_start3A_420 = arith.constant 0 : i32
    %dma_start3A_421 = arith.constant 0 : i32
    %dma_start3A_422 = tpu.memref_slice %arg8[%dma_start3A_418, %dma_start3A_420, %dma_start3A_421] : memref<2x128x128xf32, #tpu.memory_space<vmem>> -> memref<1x128x128xf32, #tpu.memory_space<vmem>>
    %dma_start3A_423 = tpu.memref_squeeze %dma_start3A_422 : memref<1x128x128xf32, #tpu.memory_space<vmem>> -> memref<128x128xf32, #tpu.memory_space<vmem>>
    %dma_start3A_424 = arith.constant 0 : i32
    %dma_start3A_425 = tpu.memref_slice %arg7[%dma_start3A_419, %dma_start3A_424] : memref<4x128xi32, #tpu.memory_space<vmem>> -> memref<1x128xi32, #tpu.memory_space<vmem>>
    %dma_start3A_426 = tpu.memref_squeeze %dma_start3A_425 : memref<1x128xi32, #tpu.memory_space<vmem>> -> memref<128xi32, #tpu.memory_space<vmem>>
    %dma_start3A_427 = arith.constant 0 : i32
    %dma_start3A_428 = arith.constant 0 : i32
    %dma_start3A_429 = tpu.memref_slice %arg9[%dma_start3A_427, %dma_start3A_428] : memref<10240x128xf32, #tpu.memory_space<vmem_shared>> -> memref<10240x128xf32, #tpu.memory_space<vmem_shared>>
    tpu.enqueue_indirect_dma source(%dma_start3A_423 : memref<128x128xf32, #tpu.memory_space<vmem>>) target(%dma_start3A_429 : memref<10240x128xf32, #tpu.memory_space<vmem_shared>>) offsets(%dma_start3A_426 : memref<128xi32, #tpu.memory_space<vmem>>) semaphore(%arg17 : memref<!tpu.dma_semaphore, #tpu.memory_space<semaphore_mem>>) {add = true}
    %dma_wait3A_430 = arith.constant 1 : i32
    %dma_wait3A_431 = arith.constant 3 : i32
    %dma_wait3A_432 = arith.constant 0 : i32
    %dma_wait3A_433 = arith.constant 0 : i32
    %dma_wait3A_434 = tpu.memref_slice %arg8[%dma_wait3A_430, %dma_wait3A_432, %dma_wait3A_433] : memref<2x128x128xf32, #tpu.memory_space<vmem>> -> memref<1x128x128xf32, #tpu.memory_space<vmem>>
    %dma_wait3A_435 = tpu.memref_squeeze %dma_wait3A_434 : memref<1x128x128xf32, #tpu.memory_space<vmem>> -> memref<128x128xf32, #tpu.memory_space<vmem>>
    %dma_wait3A_436 = arith.constant 0 : i32
    %dma_wait3A_437 = tpu.memref_slice %arg7[%dma_wait3A_431, %dma_wait3A_436] : memref<4x128xi32, #tpu.memory_space<vmem>> -> memref<1x128xi32, #tpu.memory_space<vmem>>
    %dma_wait3A_438 = tpu.memref_squeeze %dma_wait3A_437 : memref<1x128xi32, #tpu.memory_space<vmem>> -> memref<128xi32, #tpu.memory_space<vmem>>
    %dma_wait3A_439 = arith.constant 0 : i32
    %dma_wait3A_440 = arith.constant 0 : i32
    %dma_wait3A_441 = tpu.memref_slice %arg9[%dma_wait3A_439, %dma_wait3A_440] : memref<10240x128xf32, #tpu.memory_space<vmem_shared>> -> memref<10240x128xf32, #tpu.memory_space<vmem_shared>>
    tpu.wait_indirect_dma semaphore(%arg17 : memref<!tpu.dma_semaphore, #tpu.memory_space<semaphore_mem>>) src(%dma_wait3A_435 : memref<128x128xf32, #tpu.memory_space<vmem>>) dst(%dma_wait3A_441 : memref<10240x128xf32, #tpu.memory_space<vmem_shared>>)
    %barrier3A_442 = arith.constant 0 : index
    tpu.barrier barrier_id(%barrier3A_442)
    %mul3A_443 = arith.constant 640 : i32
    %mul3A_444 = arith.muli %arg1, %mul3A_443 : i32
    %mul3A_445 = arith.constant 640 : i32
    %mul3A_446 = arith.muli %arg1, %mul3A_445 : i32
    "tpu.region"() ({
      %run_scoped3A_447 = tpu.sem_alloc : memref<!tpu.dma_semaphore, #tpu.memory_space<semaphore_mem>>
      %dma_start3A_448 = arith.constant 0 : i32
      %dma_start3A_449 = tpu.memref_slice %arg5[%arg0, %mul3A_446, %dma_start3A_448] : memref<2x10240x128xf32, #tpu.memory_space<hbm>> -> memref<1x640x128xf32, #tpu.memory_space<hbm>>
      %dma_start3A_450 = tpu.memref_squeeze %dma_start3A_449 : memref<1x640x128xf32, #tpu.memory_space<hbm>> -> memref<640x128xf32, #tpu.memory_space<hbm>>
      %dma_start3A_451 = arith.constant 0 : i32
      %dma_start3A_452 = tpu.memref_slice %arg9[%mul3A_444, %dma_start3A_451] : memref<10240x128xf32, #tpu.memory_space<vmem_shared>> -> memref<640x128xf32, #tpu.memory_space<vmem_shared>>
      tpu.enqueue_dma source(%dma_start3A_452 : memref<640x128xf32, #tpu.memory_space<vmem_shared>>) target(%dma_start3A_450 : memref<640x128xf32, #tpu.memory_space<hbm>>) target_semaphore(%run_scoped3A_447 : memref<!tpu.dma_semaphore, #tpu.memory_space<semaphore_mem>>)
      %dma_wait3A_453 = arith.constant 0 : i32
      %dma_wait3A_454 = tpu.memref_slice %arg5[%arg0, %mul3A_446, %dma_wait3A_453] : memref<2x10240x128xf32, #tpu.memory_space<hbm>> -> memref<1x640x128xf32, #tpu.memory_space<hbm>>
      %dma_wait3A_455 = tpu.memref_squeeze %dma_wait3A_454 : memref<1x640x128xf32, #tpu.memory_space<hbm>> -> memref<640x128xf32, #tpu.memory_space<hbm>>
      %dma_wait3A_456 = arith.constant 0 : i32
      %dma_wait3A_457 = tpu.memref_slice %arg9[%mul3A_444, %dma_wait3A_456] : memref<10240x128xf32, #tpu.memory_space<vmem_shared>> -> memref<640x128xf32, #tpu.memory_space<vmem_shared>>
      tpu.wait_dma2 semaphore(%run_scoped3A_447 : memref<!tpu.dma_semaphore, #tpu.memory_space<semaphore_mem>>) src(%dma_wait3A_457 : memref<640x128xf32, #tpu.memory_space<vmem_shared>>) dst(%dma_wait3A_455 : memref<640x128xf32, #tpu.memory_space<hbm>>)
      tpu.yield
    }) : () -> ()
    return
  }
}

module attributes {stable_mosaic.version = 14 : i64} {
  func.func @_encode_body(%arg0: i32, %arg1: memref<1024x8xf32, #tpu.memory_space<vmem>>, %arg2: memref<8x128xf32, #tpu.memory_space<vmem>>, %arg3: memref<1x128xf32, #tpu.memory_space<vmem>>, %arg4: memref<1024x128xf32, #tpu.memory_space<vmem>>) attributes {dimension_semantics = [#tpu.dimension_semantics<arbitrary>], iteration_bounds = array<i64: 10>, scalar_prefetch = 0 : i64, scratch_operands = 0 : i64, tpu.core_type = #tpu.core_type<tc>, window_params = [{transform_indices = @transform_0, window_bounds = array<i64: 1024, 8>}, {pipeline_mode = #tpu.pipeline_mode<synchronous>, transform_indices = @transform_1, window_bounds = array<i64: 8, 128>}, {pipeline_mode = #tpu.pipeline_mode<synchronous>, transform_indices = @transform_2, window_bounds = array<i64: 1, 128>}, {transform_indices = @transform_3, window_bounds = array<i64: 1024, 128>}]} {
    %get3A = arith.constant 0 : index
    %get3A_0 = arith.constant 0 : index
    %get3A_1 = vector.load %arg1[%get3A, %get3A_0] : memref<1024x8xf32, #tpu.memory_space<vmem>>, vector<1024x8xf32>
    %get3A_2 = arith.constant 0 : index
    %get3A_3 = arith.constant 0 : index
    %get3A_4 = vector.load %arg2[%get3A_2, %get3A_3] : memref<8x128xf32, #tpu.memory_space<vmem>>, vector<8x128xf32>
    %dot_general3A = arith.constant dense<0.000000e+00> : vector<1024x128xf32>
    %dot_general3A_5 = tpu.matmul %get3A_1, %get3A_4, %dot_general3A {dimension_numbers = #tpu.dot_dimension_numbers<[1], [0], [0], [1], [0, 0, 1, 1], [], []>, transpose_lhs_hint = false} : vector<1024x8xf32>, vector<8x128xf32>, vector<1024x128xf32> -> vector<1024x128xf32>
    %get3A_6 = arith.constant 0 : index
    %get3A_7 = arith.constant 0 : index
    %get3A_8 = vector.load %arg3[%get3A_6, %get3A_7] : memref<1x128xf32, #tpu.memory_space<vmem>>, vector<1x128xf32>
    %add3A = vector.broadcast %get3A_8 : vector<1x128xf32> to vector<1024x128xf32>
    %add3A_9 = arith.addf %dot_general3A_5, %add3A : vector<1024x128xf32>
    %max3A = arith.constant 0.000000e+00 : f32
    %max3A_10 = vector.broadcast %max3A : f32 to vector<1024x128xf32>
    %max3A_11 = arith.maximumf %add3A_9, %max3A_10 : vector<1024x128xf32>
    %mul3A = arith.constant 1024 : i32
    %mul3A_12 = arith.muli %arg0, %mul3A : i32
    %iota3A = tpu.iota {dimensions = array<i32: 0>} : vector<1024x1xi32>
    %add3A_13 = vector.broadcast %mul3A_12 : i32 to vector<1024x1xi32>
    %add3A_14 = arith.addi %add3A_13, %iota3A : vector<1024x1xi32>
    %lt3A = arith.constant 10000 : i32
    %lt3A_15 = vector.broadcast %lt3A : i32 to vector<1024x1xi32>
    %lt3A_16 = arith.cmpi slt, %add3A_14, %lt3A_15 : vector<1024x1xi32>
    %jit3A = arith.constant 0.000000e+00 : f32
    %broadcast_in_dim3A = vector.shape_cast %lt3A_16 : vector<1024x1xi1> to vector<1024x1xi1>
    %broadcast_in_dim3A_17 = vector.broadcast %broadcast_in_dim3A : vector<1024x1xi1> to vector<1024x128xi1>
    %broadcast_in_dim3A_18 = vector.broadcast %jit3A : f32 to vector<1024x128xf32>
    %select_n3A = arith.select %broadcast_in_dim3A_17, %max3A_11, %broadcast_in_dim3A_18 : vector<1024x128xi1>, vector<1024x128xf32>
    %swap3A = arith.constant 0 : index
    %swap3A_19 = arith.constant 0 : index
    %swap3A_20 = vector.load %arg4[%swap3A, %swap3A_19] : memref<1024x128xf32, #tpu.memory_space<vmem>>, vector<1024x128xf32>
    tpu.vector_store %arg4[%swap3A, %swap3A_19], %select_n3A {strides = array<i32>} : memref<1024x128xf32, #tpu.memory_space<vmem>>, vector<1024x128xf32>,
    return
  }
  func.func @transform_0(%arg0: i32) -> (i32, i32) {
    %c0_i32 = arith.constant 0 : i32
    %c0_i32_0 = arith.constant 0 : i32
    return %arg0, %c0_i32 : i32, i32
  }
  func.func @transform_1(%arg0: i32) -> (i32, i32) {
    %c0_i32 = arith.constant 0 : i32
    %c0_i32_0 = arith.constant 0 : i32
    %c0_i32_1 = arith.constant 0 : i32
    return %c0_i32, %c0_i32_0 : i32, i32
  }
  func.func @transform_2(%arg0: i32) -> (i32, i32) {
    %c0_i32 = arith.constant 0 : i32
    %c0_i32_0 = arith.constant 0 : i32
    %c0_i32_1 = arith.constant 0 : i32
    return %c0_i32, %c0_i32_0 : i32, i32
  }
  func.func @transform_3(%arg0: i32) -> (i32, i32) {
    %c0_i32 = arith.constant 0 : i32
    %c0_i32_0 = arith.constant 0 : i32
    return %arg0, %c0_i32 : i32, i32
  }
}

module attributes {stable_mosaic.version = 14 : i64} {
  func.func @_root_body(%arg0: i32, %arg1: memref<1024x128xf32, #tpu.memory_space<vmem>>, %arg2: memref<128x128xf32, #tpu.memory_space<vmem>>, %arg3: memref<1024x128xf32, #tpu.memory_space<vmem>>) attributes {dimension_semantics = [#tpu.dimension_semantics<arbitrary>], iteration_bounds = array<i64: 10>, scalar_prefetch = 0 : i64, scratch_operands = 0 : i64, tpu.core_type = #tpu.core_type<tc>, window_params = [{transform_indices = @transform_0, window_bounds = array<i64: 1024, 128>}, {pipeline_mode = #tpu.pipeline_mode<synchronous>, transform_indices = @transform_1, window_bounds = array<i64: 128, 128>}, {transform_indices = @transform_2, window_bounds = array<i64: 1024, 128>}]} {
    %get3A = arith.constant 0 : index
    %get3A_0 = arith.constant 0 : index
    %get3A_1 = vector.load %arg1[%get3A, %get3A_0] : memref<1024x128xf32, #tpu.memory_space<vmem>>, vector<1024x128xf32>
    %get3A_2 = arith.constant 0 : index
    %get3A_3 = arith.constant 0 : index
    %get3A_4 = vector.load %arg2[%get3A_2, %get3A_3] : memref<128x128xf32, #tpu.memory_space<vmem>>, vector<128x128xf32>
    %dot_general3A = arith.constant dense<0.000000e+00> : vector<1024x128xf32>
    %dot_general3A_5 = tpu.matmul %get3A_1, %get3A_4, %dot_general3A {dimension_numbers = #tpu.dot_dimension_numbers<[1], [0], [0], [1], [0, 0, 1, 1], [], []>, transpose_lhs_hint = false} : vector<1024x128xf32>, vector<128x128xf32>, vector<1024x128xf32> -> vector<1024x128xf32>
    %swap3A = arith.constant 0 : index
    %swap3A_6 = arith.constant 0 : index
    %swap3A_7 = vector.load %arg3[%swap3A, %swap3A_6] : memref<1024x128xf32, #tpu.memory_space<vmem>>, vector<1024x128xf32>
    tpu.vector_store %arg3[%swap3A, %swap3A_6], %dot_general3A_5 {strides = array<i32>} : memref<1024x128xf32, #tpu.memory_space<vmem>>, vector<1024x128xf32>,
    return
  }
  func.func @transform_0(%arg0: i32) -> (i32, i32) {
    %c0_i32 = arith.constant 0 : i32
    %c0_i32_0 = arith.constant 0 : i32
    return %arg0, %c0_i32 : i32, i32
  }
  func.func @transform_1(%arg0: i32) -> (i32, i32) {
    %c0_i32 = arith.constant 0 : i32
    %c0_i32_0 = arith.constant 0 : i32
    %c0_i32_1 = arith.constant 0 : i32
    return %c0_i32, %c0_i32_0 : i32, i32
  }
  func.func @transform_2(%arg0: i32) -> (i32, i32) {
    %c0_i32 = arith.constant 0 : i32
    %c0_i32_0 = arith.constant 0 : i32
    return %arg0, %c0_i32 : i32, i32
  }
}

module attributes {stable_mosaic.version = 14 : i64} {
  func.func @_sage_body(%arg0: i32, %arg1: memref<2x1024x128xf32, #tpu.memory_space<vmem>>, %arg2: memref<2x1024x1xf32, #tpu.memory_space<vmem>>, %arg3: memref<1024x128xf32, #tpu.memory_space<vmem>>, %arg4: memref<128x128xf32, #tpu.memory_space<vmem>>, %arg5: memref<1x128xf32, #tpu.memory_space<vmem>>, %arg6: memref<1024x128xf32, #tpu.memory_space<vmem>>) attributes {dimension_semantics = [#tpu.dimension_semantics<arbitrary>], iteration_bounds = array<i64: 10>, scalar_prefetch = 0 : i64, scratch_operands = 0 : i64, tpu.core_type = #tpu.core_type<tc>, window_params = [{transform_indices = @transform_0, window_bounds = array<i64: 2, 1024, 128>}, {transform_indices = @transform_1, window_bounds = array<i64: 2, 1024, 1>}, {transform_indices = @transform_2, window_bounds = array<i64: 1024, 128>}, {pipeline_mode = #tpu.pipeline_mode<synchronous>, transform_indices = @transform_3, window_bounds = array<i64: 128, 128>}, {pipeline_mode = #tpu.pipeline_mode<synchronous>, transform_indices = @transform_4, window_bounds = array<i64: 1, 128>}, {transform_indices = @transform_5, window_bounds = array<i64: 1024, 128>}]} {
    %get3A = arith.constant 0 : index
    %get3A_0 = arith.constant 0 : index
    %get3A_1 = arith.constant 0 : index
    %get3A_2 = vector.load %arg2[%get3A, %get3A_0, %get3A_1] : memref<2x1024x1xf32, #tpu.memory_space<vmem>>, vector<1x1024x1xf32>
    %get3A_3 = vector.shape_cast %get3A_2 : vector<1x1024x1xf32> to vector<1024x1xf32>
    %get3A_4 = arith.constant 1 : index
    %get3A_5 = arith.constant 0 : index
    %get3A_6 = arith.constant 0 : index
    %get3A_7 = vector.load %arg2[%get3A_4, %get3A_5, %get3A_6] : memref<2x1024x1xf32, #tpu.memory_space<vmem>>, vector<1x1024x1xf32>
    %get3A_8 = vector.shape_cast %get3A_7 : vector<1x1024x1xf32> to vector<1024x1xf32>
    %add3A = arith.addf %get3A_3, %get3A_8 : vector<1024x1xf32>
    %max3A = arith.constant 1.000000e+00 : f32
    %max3A_9 = vector.broadcast %max3A : f32 to vector<1024x1xf32>
    %max3A_10 = arith.maximumf %add3A, %max3A_9 : vector<1024x1xf32>
    %div3A = arith.constant 1.000000e+00 : f32
    %div3A_11 = vector.broadcast %div3A : f32 to vector<1024x1xf32>
    %div3A_12 = arith.divf %div3A_11, %max3A_10 : vector<1024x1xf32>
    %get3A_13 = arith.constant 0 : index
    %get3A_14 = arith.constant 0 : index
    %get3A_15 = arith.constant 0 : index
    %get3A_16 = vector.load %arg1[%get3A_13, %get3A_14, %get3A_15] : memref<2x1024x128xf32, #tpu.memory_space<vmem>>, vector<1x1024x128xf32>
    %get3A_17 = vector.shape_cast %get3A_16 : vector<1x1024x128xf32> to vector<1024x128xf32>
    %get3A_18 = arith.constant 1 : index
    %get3A_19 = arith.constant 0 : index
    %get3A_20 = arith.constant 0 : index
    %get3A_21 = vector.load %arg1[%get3A_18, %get3A_19, %get3A_20] : memref<2x1024x128xf32, #tpu.memory_space<vmem>>, vector<1x1024x128xf32>
    %get3A_22 = vector.shape_cast %get3A_21 : vector<1x1024x128xf32> to vector<1024x128xf32>
    %add3A_23 = arith.addf %get3A_17, %get3A_22 : vector<1024x128xf32>
    %mul3A = vector.broadcast %div3A_12 : vector<1024x1xf32> to vector<1024x128xf32>
    %mul3A_24 = arith.mulf %add3A_23, %mul3A : vector<1024x128xf32>
    %get3A_25 = arith.constant 0 : index
    %get3A_26 = arith.constant 0 : index
    %get3A_27 = vector.load %arg4[%get3A_25, %get3A_26] : memref<128x128xf32, #tpu.memory_space<vmem>>, vector<128x128xf32>
    %dot_general3A = arith.constant dense<0.000000e+00> : vector<1024x128xf32>
    %dot_general3A_28 = tpu.matmul %mul3A_24, %get3A_27, %dot_general3A {dimension_numbers = #tpu.dot_dimension_numbers<[1], [0], [0], [1], [0, 0, 1, 1], [], []>, transpose_lhs_hint = false} : vector<1024x128xf32>, vector<128x128xf32>, vector<1024x128xf32> -> vector<1024x128xf32>
    %get3A_29 = arith.constant 0 : index
    %get3A_30 = arith.constant 0 : index
    %get3A_31 = vector.load %arg5[%get3A_29, %get3A_30] : memref<1x128xf32, #tpu.memory_space<vmem>>, vector<1x128xf32>
    %add3A_32 = vector.broadcast %get3A_31 : vector<1x128xf32> to vector<1024x128xf32>
    %add3A_33 = arith.addf %dot_general3A_28, %add3A_32 : vector<1024x128xf32>
    %get3A_34 = arith.constant 0 : index
    %get3A_35 = arith.constant 0 : index
    %get3A_36 = vector.load %arg3[%get3A_34, %get3A_35] : memref<1024x128xf32, #tpu.memory_space<vmem>>, vector<1024x128xf32>
    %add3A_37 = arith.addf %add3A_33, %get3A_36 : vector<1024x128xf32>
    %max3A_38 = arith.constant 0.000000e+00 : f32
    %max3A_39 = vector.broadcast %max3A_38 : f32 to vector<1024x128xf32>
    %max3A_40 = arith.maximumf %add3A_37, %max3A_39 : vector<1024x128xf32>
    %mul3A_41 = arith.constant 1024 : i32
    %mul3A_42 = arith.muli %arg0, %mul3A_41 : i32
    %iota3A = tpu.iota {dimensions = array<i32: 0>} : vector<1024x1xi32>
    %add3A_43 = vector.broadcast %mul3A_42 : i32 to vector<1024x1xi32>
    %add3A_44 = arith.addi %add3A_43, %iota3A : vector<1024x1xi32>
    %lt3A = arith.constant 10000 : i32
    %lt3A_45 = vector.broadcast %lt3A : i32 to vector<1024x1xi32>
    %lt3A_46 = arith.cmpi slt, %add3A_44, %lt3A_45 : vector<1024x1xi32>
    %jit3A = arith.constant 0.000000e+00 : f32
    %broadcast_in_dim3A = vector.shape_cast %lt3A_46 : vector<1024x1xi1> to vector<1024x1xi1>
    %broadcast_in_dim3A_47 = vector.broadcast %broadcast_in_dim3A : vector<1024x1xi1> to vector<1024x128xi1>
    %broadcast_in_dim3A_48 = vector.broadcast %jit3A : f32 to vector<1024x128xf32>
    %select_n3A = arith.select %broadcast_in_dim3A_47, %max3A_40, %broadcast_in_dim3A_48 : vector<1024x128xi1>, vector<1024x128xf32>
    %swap3A = arith.constant 0 : index
    %swap3A_49 = arith.constant 0 : index
    %swap3A_50 = vector.load %arg6[%swap3A, %swap3A_49] : memref<1024x128xf32, #tpu.memory_space<vmem>>, vector<1024x128xf32>
    tpu.vector_store %arg6[%swap3A, %swap3A_49], %select_n3A {strides = array<i32>} : memref<1024x128xf32, #tpu.memory_space<vmem>>, vector<1024x128xf32>,
    return
  }
  func.func @transform_0(%arg0: i32) -> (i32, i32, i32) {
    %c0_i32 = arith.constant 0 : i32
    %c0_i32_0 = arith.constant 0 : i32
    %c0_i32_1 = arith.constant 0 : i32
    return %c0_i32, %arg0, %c0_i32_0 : i32, i32, i32
  }
  func.func @transform_1(%arg0: i32) -> (i32, i32, i32) {
    %c0_i32 = arith.constant 0 : i32
    %c0_i32_0 = arith.constant 0 : i32
    %c0_i32_1 = arith.constant 0 : i32
    return %c0_i32, %arg0, %c0_i32_0 : i32, i32, i32
  }
  func.func @transform_2(%arg0: i32) -> (i32, i32) {
    %c0_i32 = arith.constant 0 : i32
    %c0_i32_0 = arith.constant 0 : i32
    return %arg0, %c0_i32 : i32, i32
  }
  func.func @transform_3(%arg0: i32) -> (i32, i32) {
    %c0_i32 = arith.constant 0 : i32
    %c0_i32_0 = arith.constant 0 : i32
    %c0_i32_1 = arith.constant 0 : i32
    return %c0_i32, %c0_i32_0 : i32, i32
  }
  func.func @transform_4(%arg0: i32) -> (i32, i32) {
    %c0_i32 = arith.constant 0 : i32
    %c0_i32_0 = arith.constant 0 : i32
    %c0_i32_1 = arith.constant 0 : i32
    return %c0_i32, %c0_i32_0 : i32, i32
  }
  func.func @transform_5(%arg0: i32) -> (i32, i32) {
    %c0_i32 = arith.constant 0 : i32
    %c0_i32_0 = arith.constant 0 : i32
    return %arg0, %c0_i32 : i32, i32
  }
}

module attributes {stable_mosaic.version = 14 : i64} {
  func.func @_sage_out_body(%arg0: i32, %arg1: memref<2x1000x128xf32, #tpu.memory_space<vmem>>, %arg2: memref<2x1000x1xf32, #tpu.memory_space<vmem>>, %arg3: memref<1000x128xf32, #tpu.memory_space<vmem>>, %arg4: memref<128x128xf32, #tpu.memory_space<vmem>>, %arg5: memref<1x128xf32, #tpu.memory_space<vmem>>, %arg6: memref<128x128xf32, #tpu.memory_space<vmem>>, %arg7: memref<1x128xf32, #tpu.memory_space<vmem>>, %arg8: memref<1x128xf32, #tpu.memory_space<vmem>>, %arg9: memref<1000x128xf32, #tpu.memory_space<vmem>>) attributes {dimension_semantics = [#tpu.dimension_semantics<arbitrary>], iteration_bounds = array<i64: 10>, scalar_prefetch = 0 : i64, scratch_operands = 0 : i64, tpu.core_type = #tpu.core_type<tc>, window_params = [{transform_indices = @transform_0, window_bounds = array<i64: 2, 1000, 128>}, {transform_indices = @transform_1, window_bounds = array<i64: 2, 1000, 1>}, {transform_indices = @transform_2, window_bounds = array<i64: 1000, 128>}, {pipeline_mode = #tpu.pipeline_mode<synchronous>, transform_indices = @transform_3, window_bounds = array<i64: 128, 128>}, {pipeline_mode = #tpu.pipeline_mode<synchronous>, transform_indices = @transform_4, window_bounds = array<i64: 1, 128>}, {pipeline_mode = #tpu.pipeline_mode<synchronous>, transform_indices = @transform_5, window_bounds = array<i64: 128, 128>}, {pipeline_mode = #tpu.pipeline_mode<synchronous>, transform_indices = @transform_6, window_bounds = array<i64: 1, 128>}, {pipeline_mode = #tpu.pipeline_mode<synchronous>, transform_indices = @transform_7, window_bounds = array<i64: 1, 128>}, {transform_indices = @transform_8, window_bounds = array<i64: 1000, 128>}]} {
    %get3A = arith.constant 0 : index
    %get3A_0 = arith.constant 0 : index
    %get3A_1 = arith.constant 0 : index
    %get3A_2 = vector.load %arg2[%get3A, %get3A_0, %get3A_1] : memref<2x1000x1xf32, #tpu.memory_space<vmem>>, vector<1x1000x1xf32>
    %get3A_3 = vector.shape_cast %get3A_2 : vector<1x1000x1xf32> to vector<1000x1xf32>
    %get3A_4 = arith.constant 1 : index
    %get3A_5 = arith.constant 0 : index
    %get3A_6 = arith.constant 0 : index
    %get3A_7 = vector.load %arg2[%get3A_4, %get3A_5, %get3A_6] : memref<2x1000x1xf32, #tpu.memory_space<vmem>>, vector<1x1000x1xf32>
    %get3A_8 = vector.shape_cast %get3A_7 : vector<1x1000x1xf32> to vector<1000x1xf32>
    %add3A = arith.addf %get3A_3, %get3A_8 : vector<1000x1xf32>
    %max3A = arith.constant 1.000000e+00 : f32
    %max3A_9 = vector.broadcast %max3A : f32 to vector<1000x1xf32>
    %max3A_10 = arith.maximumf %add3A, %max3A_9 : vector<1000x1xf32>
    %div3A = arith.constant 1.000000e+00 : f32
    %div3A_11 = vector.broadcast %div3A : f32 to vector<1000x1xf32>
    %div3A_12 = arith.divf %div3A_11, %max3A_10 : vector<1000x1xf32>
    %get3A_13 = arith.constant 0 : index
    %get3A_14 = arith.constant 0 : index
    %get3A_15 = arith.constant 0 : index
    %get3A_16 = vector.load %arg1[%get3A_13, %get3A_14, %get3A_15] : memref<2x1000x128xf32, #tpu.memory_space<vmem>>, vector<1x1000x128xf32>
    %get3A_17 = vector.shape_cast %get3A_16 : vector<1x1000x128xf32> to vector<1000x128xf32>
    %get3A_18 = arith.constant 1 : index
    %get3A_19 = arith.constant 0 : index
    %get3A_20 = arith.constant 0 : index
    %get3A_21 = vector.load %arg1[%get3A_18, %get3A_19, %get3A_20] : memref<2x1000x128xf32, #tpu.memory_space<vmem>>, vector<1x1000x128xf32>
    %get3A_22 = vector.shape_cast %get3A_21 : vector<1x1000x128xf32> to vector<1000x128xf32>
    %add3A_23 = arith.addf %get3A_17, %get3A_22 : vector<1000x128xf32>
    %mul3A = vector.broadcast %div3A_12 : vector<1000x1xf32> to vector<1000x128xf32>
    %mul3A_24 = arith.mulf %add3A_23, %mul3A : vector<1000x128xf32>
    %get3A_25 = arith.constant 0 : index
    %get3A_26 = arith.constant 0 : index
    %get3A_27 = vector.load %arg4[%get3A_25, %get3A_26] : memref<128x128xf32, #tpu.memory_space<vmem>>, vector<128x128xf32>
    %dot_general3A = arith.constant dense<0.000000e+00> : vector<1000x128xf32>
    %dot_general3A_28 = tpu.matmul %mul3A_24, %get3A_27, %dot_general3A {dimension_numbers = #tpu.dot_dimension_numbers<[1], [0], [0], [1], [0, 0, 1, 1], [], []>, transpose_lhs_hint = false} : vector<1000x128xf32>, vector<128x128xf32>, vector<1000x128xf32> -> vector<1000x128xf32>
    %get3A_29 = arith.constant 0 : index
    %get3A_30 = arith.constant 0 : index
    %get3A_31 = vector.load %arg5[%get3A_29, %get3A_30] : memref<1x128xf32, #tpu.memory_space<vmem>>, vector<1x128xf32>
    %add3A_32 = vector.broadcast %get3A_31 : vector<1x128xf32> to vector<1000x128xf32>
    %add3A_33 = arith.addf %dot_general3A_28, %add3A_32 : vector<1000x128xf32>
    %get3A_34 = arith.constant 0 : index
    %get3A_35 = arith.constant 0 : index
    %get3A_36 = vector.load %arg3[%get3A_34, %get3A_35] : memref<1000x128xf32, #tpu.memory_space<vmem>>, vector<1000x128xf32>
    %add3A_37 = arith.addf %add3A_33, %get3A_36 : vector<1000x128xf32>
    %max3A_38 = arith.constant 0.000000e+00 : f32
    %max3A_39 = vector.broadcast %max3A_38 : f32 to vector<1000x128xf32>
    %max3A_40 = arith.maximumf %add3A_37, %max3A_39 : vector<1000x128xf32>
    %get3A_41 = arith.constant 0 : index
    %get3A_42 = arith.constant 0 : index
    %get3A_43 = vector.load %arg6[%get3A_41, %get3A_42] : memref<128x128xf32, #tpu.memory_space<vmem>>, vector<128x128xf32>
    %dot_general3A_44 = arith.constant dense<0.000000e+00> : vector<1000x128xf32>
    %dot_general3A_45 = tpu.matmul %max3A_40, %get3A_43, %dot_general3A_44 {dimension_numbers = #tpu.dot_dimension_numbers<[1], [0], [0], [1], [0, 0, 1, 1], [], []>, transpose_lhs_hint = false} : vector<1000x128xf32>, vector<128x128xf32>, vector<1000x128xf32> -> vector<1000x128xf32>
    %get3A_46 = arith.constant 0 : index
    %get3A_47 = arith.constant 0 : index
    %get3A_48 = vector.load %arg7[%get3A_46, %get3A_47] : memref<1x128xf32, #tpu.memory_space<vmem>>, vector<1x128xf32>
    %add3A_49 = vector.broadcast %get3A_48 : vector<1x128xf32> to vector<1000x128xf32>
    %add3A_50 = arith.addf %dot_general3A_45, %add3A_49 : vector<1000x128xf32>
    %swap3A = arith.constant 0 : index
    %swap3A_51 = arith.constant 0 : index
    %swap3A_52 = vector.load %arg9[%swap3A, %swap3A_51] : memref<1000x128xf32, #tpu.memory_space<vmem>>, vector<1000x128xf32>
    tpu.vector_store %arg9[%swap3A, %swap3A_51], %add3A_50 {strides = array<i32>} : memref<1000x128xf32, #tpu.memory_space<vmem>>, vector<1000x128xf32>,
    %eq3A = arith.constant 0 : i32
    %eq3A_53 = arith.cmpi eq, %arg0, %eq3A : i32
    %convert_element_type3A = arith.extui %eq3A_53 : i1 to i32
    %cond3A = arith.constant 0 : i32
    %cond3A_54 = arith.cmpi ne, %convert_element_type3A, %cond3A : i32
    scf.if %cond3A_54 {
      %broadcast_in_dim3A_68 = arith.constant 0.000000e+00 : f32
      %broadcast_in_dim3A_69 = vector.broadcast %broadcast_in_dim3A_68 : f32 to vector<1x128xf32>
      %swap3A_70 = arith.constant 0 : index
      %swap3A_71 = arith.constant 0 : index
      %swap3A_72 = vector.load %arg8[%swap3A_70, %swap3A_71] : memref<1x128xf32, #tpu.memory_space<vmem>>, vector<1x128xf32>
      tpu.vector_store %arg8[%swap3A_70, %swap3A_71], %broadcast_in_dim3A_69 {strides = array<i32>} : memref<1x128xf32, #tpu.memory_space<vmem>>, vector<1x128xf32>,
    } else {
    }
    %get3A_55 = arith.constant 0 : index
    %get3A_56 = arith.constant 0 : index
    %get3A_57 = vector.load %arg8[%get3A_55, %get3A_56] : memref<1x128xf32, #tpu.memory_space<vmem>>, vector<1x128xf32>
    %reduce_sum3A = arith.constant dense<0.000000e+00> : vector<128xf32>
    %reduce_sum3A_58 = vector.multi_reduction <add>, %add3A_50, %reduce_sum3A [0] : vector<1000x128xf32> to vector<128xf32>
    %broadcast_in_dim3A = vector.shape_cast %reduce_sum3A_58 : vector<128xf32> to vector<1x128xf32>
    %add3A_59 = arith.addf %get3A_57, %broadcast_in_dim3A : vector<1x128xf32>
    %swap3A_60 = arith.constant 0 : index
    %swap3A_61 = arith.constant 0 : index
    %swap3A_62 = vector.load %arg8[%swap3A_60, %swap3A_61] : memref<1x128xf32, #tpu.memory_space<vmem>>, vector<1x128xf32>
    tpu.vector_store %arg8[%swap3A_60, %swap3A_61], %add3A_59 {strides = array<i32>} : memref<1x128xf32, #tpu.memory_space<vmem>>, vector<1x128xf32>,
    %eq3A_63 = arith.constant 9 : i32
    %eq3A_64 = arith.cmpi eq, %arg0, %eq3A_63 : i32
    %convert_element_type3A_65 = arith.extui %eq3A_64 : i1 to i32
    %cond3A_66 = arith.constant 0 : i32
    %cond3A_67 = arith.cmpi ne, %convert_element_type3A_65, %cond3A_66 : i32
    scf.if %cond3A_67 {
      %get3A_68 = arith.constant 0 : index
      %get3A_69 = arith.constant 0 : index
      %get3A_70 = vector.load %arg8[%get3A_68, %get3A_69] : memref<1x128xf32, #tpu.memory_space<vmem>>, vector<1x128xf32>
      %mul3A_71 = arith.constant 9.99999974E-5 : f32
      %mul3A_72 = vector.broadcast %mul3A_71 : f32 to vector<1x128xf32>
      %mul3A_73 = arith.mulf %get3A_70, %mul3A_72 : vector<1x128xf32>
      %swap3A_74 = arith.constant 0 : index
      %swap3A_75 = arith.constant 0 : index
      %swap3A_76 = vector.load %arg8[%swap3A_74, %swap3A_75] : memref<1x128xf32, #tpu.memory_space<vmem>>, vector<1x128xf32>
      tpu.vector_store %arg8[%swap3A_74, %swap3A_75], %mul3A_73 {strides = array<i32>} : memref<1x128xf32, #tpu.memory_space<vmem>>, vector<1x128xf32>,
    } else {
    }
    return
  }
  func.func @transform_0(%arg0: i32) -> (i32, i32, i32) {
    %c0_i32 = arith.constant 0 : i32
    %c0_i32_0 = arith.constant 0 : i32
    %c0_i32_1 = arith.constant 0 : i32
    return %c0_i32, %arg0, %c0_i32_0 : i32, i32, i32
  }
  func.func @transform_1(%arg0: i32) -> (i32, i32, i32) {
    %c0_i32 = arith.constant 0 : i32
    %c0_i32_0 = arith.constant 0 : i32
    %c0_i32_1 = arith.constant 0 : i32
    return %c0_i32, %arg0, %c0_i32_0 : i32, i32, i32
  }
  func.func @transform_2(%arg0: i32) -> (i32, i32) {
    %c0_i32 = arith.constant 0 : i32
    %c0_i32_0 = arith.constant 0 : i32
    return %arg0, %c0_i32 : i32, i32
  }
  func.func @transform_3(%arg0: i32) -> (i32, i32) {
    %c0_i32 = arith.constant 0 : i32
    %c0_i32_0 = arith.constant 0 : i32
    %c0_i32_1 = arith.constant 0 : i32
    return %c0_i32, %c0_i32_0 : i32, i32
  }
  func.func @transform_4(%arg0: i32) -> (i32, i32) {
    %c0_i32 = arith.constant 0 : i32
    %c0_i32_0 = arith.constant 0 : i32
    %c0_i32_1 = arith.constant 0 : i32
    return %c0_i32, %c0_i32_0 : i32, i32
  }
  func.func @transform_5(%arg0: i32) -> (i32, i32) {
    %c0_i32 = arith.constant 0 : i32
    %c0_i32_0 = arith.constant 0 : i32
    %c0_i32_1 = arith.constant 0 : i32
    return %c0_i32, %c0_i32_0 : i32, i32
  }
  func.func @transform_6(%arg0: i32) -> (i32, i32) {
    %c0_i32 = arith.constant 0 : i32
    %c0_i32_0 = arith.constant 0 : i32
    %c0_i32_1 = arith.constant 0 : i32
    return %c0_i32, %c0_i32_0 : i32, i32
  }
  func.func @transform_7(%arg0: i32) -> (i32, i32) {
    %c0_i32 = arith.constant 0 : i32
    %c0_i32_0 = arith.constant 0 : i32
    %c0_i32_1 = arith.constant 0 : i32
    return %c0_i32, %c0_i32_0 : i32, i32
  }
  func.func @transform_8(%arg0: i32) -> (i32, i32) {
    %c0_i32 = arith.constant 0 : i32
    %c0_i32_0 = arith.constant 0 : i32
    return %arg0, %c0_i32 : i32, i32
  }
}

</mosaic_0001>

<sc_bundles>
// kernel: kernel.12.cloned.1.call-start
scs
__scs_entry_jumppad:
0x0: {  	(pc) =	sbr.rel $0x88, $3  }
0x1: {  	(tag) =	ssettag $0x0;
	lr =	simm.s32 $0x1  }
0x2: {  	[smem:$0x3F94] =	sst lr;
	_ =	strace $0xD0000000  }
0x3: {  	_ = 	snop  }
0x4: {  	_ = 	snop  }
0x5: {  	_ = 	snop  }
0x6: {  	_ = 	snop  }
0x7: {  	_ = 	snop  }
__scs_overlays_trampoline_lowered:
0x8: {  	[smem:$0x3FA3] =	sst s0  }
0x9: {  	[smem:$0x3FA4] =	sst s1  }
0xa: {  	[smem:$0x3FA5] =	sst s2  }
0xb: {  	[smem:$0x3FA6] =	sst s3  }
0xc: {  	[smem:$0x3FA7] =	sst s4  }
0xd: {  	[smem:$0x3FA8] =	sst s5  }
0xe: {  	[smem:$0x3FA9] =	sst s6  }
0xf: {  	[smem:$0x3FAA] =	sst s7  }
0x10: {  	[smem:$0x3FAB] =	sst s8  }
0x11: {  	[smem:$0x3FAC] =	sst s9;
	s0 =	simm.s32 @!p0 $0x0  }
0x12: {  	s1 =	sld [smem:$0x3F92];
	s0 =	simm.s32 @p0 $0x1  }
0x13: {  	[smem:$0x3FAD] =	sst s0;
	s0 =	simm.s32 @!p1 $0x0  }
0x14: {  	s2 =	sld [smem:$0x3F91];
	s0 =	simm.s32 @p1 $0x1  }
0x15: {  	[smem:$0x3FAE] =	sst s0;
	s0 =	simm.s32 @!p2 $0x0  }
0x16: {  	s3 =	sld [smem:$0x3FDB];
	s0 =	simm.s32 @p2 $0x1  }
0x17: {  	s4 =	simm.s32 $0x1BF5;
	[smem:$0x3FB0] =	sst s0  }
0x18: {  	s0 =	sld [smem:$0x3F93];
	_ =	swait.ge [sflag:s4], $0x0  }
0x19: {  	s7 =	sld [smem:$0x3F94]  }
0x1a: {  	s8 =	sadd.s32 $0xFFFFE003, lr  }
0x1b: {  	s9 =	sadd.s32 $0xFFFFFEF7, lr;
	s5 =	simm.s32 $0xFFFFFFFF;
	p2 =	slt.u32 s8, $0xFFFFF086  }
0x1c: {  	p1 =	slt.u32 s9, $0xF7A;
	s5 =	simm.s32 @!p2 $0x0  }
0x1d: {  	s5 =	simm.s32 @p1 $0x1;
	p0 =	seq.s32 s7, s2  }
0x1e: {  	s7 =	smul.u32 @!p0 $0xF7A, s2;
	p2 =	seq.s32 @!p0 s5, $0x0  }
0x1f: {  	s9 =	smul.u32 $0xF7A, s1;
	s8 =	simm.s32 @!p0 $0x1BF5;
	p2 =	por !p2, p0  }
0x20: {  	[sflag:s8] =	ssyncset.s32 @!p0 $0xFFFFF086;
	s6 =	sadd.s32 @!p0 s3, s7;
	s7 =	simm.s32 @!p0 $0x108  }
0x21: {  	s3 =	sadd.s32 s3, s9;
	s6 =	sadd.s32 @!p0 $0x88, s6;
	s7 =	simm.s32 @p2 $0x1082  }
0x22: {  	[simem:s7], [sflag:s8] =	dma.local @!p0 [hbm:s6], $0xF7A  }
0x23: {  	s9 =	sor.u32 $0xD0000000, s2;
	s6 =	simm.s32 $0x108;
	_ =	swait.ge @!p0 [sflag:s8], $0x0  }
0x24: {  	s3 =	sadd.s32 $0x88, s3;
	s6 =	simm.s32 @!p1 $0x1082;
	[sflag:s4] =	ssyncset.s32 $0xFFFFF086  }
0x25: {  	[simem:s6], [sflag:s4] =	dma.local [hbm:s3], $0xF7A  }
0x26: {  	[smem:$0x3F94] =	sst s1;
	(tag) =	ssettag s2;
	_ =	strace s9  }
0x27: {  	s1 =	sld [smem:$0x3FA4]  }
0x28: {  	s2 =	sld [smem:$0x3FA5]  }
0x29: {  	s4 =	sld [smem:$0x3FA7]  }
0x2a: {  	p0 =	seq.s32 s5, $0x0;
	s5 =	sld [smem:$0x3FA8]  }
0x2b: {  	s6 =	sld [smem:$0x3FA9]  }
0x2c: {  	s7 =	sld [smem:$0x3FAA]  }
0x2d: {  	s3 =	simm.s32 $0x108;
	s8 =	sld [smem:$0x3FAB]  }
0x2e: {  	s3 =	simm.s32 @!p0 $0x1082;
	s9 =	sld [smem:$0x3FAC]  }
0x2f: {  	lr =	sadd.s32 s0, s3;
	s0 =	sld [smem:$0x3FA3]  }
0x30: {  	s3 =	sld [smem:$0x3FA6]  }
0x31: {  	[smem:$0x3FAF] =	sst s10  }
0x32: {  	s10 =	sld [smem:$0x3FAD];
	_ =	sdelay $0x3  }
0x33: {  	p0 =	seq.s32 s10, $0x1;
	s10 =	sld [smem:$0x3FAF];
	_ =	sdelay $0x3  }
0x34: {  	[smem:$0x3FAF] =	sst s10  }
0x35: {  	s10 =	sld [smem:$0x3FAE];
	_ =	sdelay $0x3  }
0x36: {  	p1 =	seq.s32 s10, $0x1;
	s10 =	sld [smem:$0x3FAF];
	_ =	sdelay $0x3  }
0x37: {  	[smem:$0x3FAF] =	sst s10  }
0x38: {  	s10 =	sld [smem:$0x3FB0]  }
0x39: {  	_ = 	snop;
	(pc) =	sbr.ind lr, $3  }
0x3a: {  	_ = 	snop  }
0x3b: {  	_ = 	snop  }
0x3c: {  	p2 =	seq.s32 s10, $0x1;
	s10 =	sld [smem:$0x3FAF]  }
0x3d: {  	_ =	shalt  }
0x3e: {  	_ =	shalt  }
0x3f: {  	_ =	shalt  }
0x40: {  	_ =	shalt  }
0x41: {  	_ =	shalt  }
0x42: {  	_ =	shalt  }
0x43: {  	_ =	shalt  }
0x44: {  	_ =	shalt  }
0x45: {  	_ =	shalt  }
0x46: {  	_ =	shalt  }
0x47: {  	_ =	shalt  }
0x48: {  	_ =	shalt  }
0x49: {  	_ =	shalt  }
0x4a: {  	_ =	shalt  }
0x4b: {  	_ =	shalt  }
0x4c: {  	_ =	shalt  }
0x4d: {  	_ =	shalt  }
0x4e: {  	_ =	shalt  }
0x4f: {  	_ =	shalt  }
0x50: {  	_ =	shalt  }
0x51: {  	_ =	shalt  }
0x52: {  	_ =	shalt  }
0x53: {  	_ =	shalt  }
0x54: {  	_ =	shalt  }
0x55: {  	_ =	shalt  }
0x56: {  	_ =	shalt  }
0x57: {  	_ =	shalt  }
0x58: {  	_ =	shalt  }
0x59: {  	_ =	shalt  }
0x5a: {  	_ =	shalt  }
0x5b: {  	_ =	shalt  }
0x5c: {  	_ =	shalt  }
0x5d: {  	_ =	shalt  }
0x5e: {  	_ =	shalt  }
0x5f: {  	_ =	shalt  }
0x60: {  	_ =	shalt  }
0x61: {  	_ =	shalt  }
0x62: {  	_ =	shalt  }
0x63: {  	_ =	shalt  }
0x64: {  	_ =	shalt  }
0x65: {  	_ =	shalt  }
0x66: {  	_ =	shalt  }
0x67: {  	_ =	shalt  }
0x68: {  	_ =	shalt  }
0x69: {  	_ =	shalt  }
0x6a: {  	_ =	shalt  }
0x6b: {  	_ =	shalt  }
0x6c: {  	_ =	shalt  }
0x6d: {  	_ =	shalt  }
0x6e: {  	_ =	shalt  }
0x6f: {  	_ =	shalt  }
0x70: {  	_ =	shalt  }
0x71: {  	_ =	shalt  }
0x72: {  	_ =	shalt  }
0x73: {  	_ =	shalt  }
0x74: {  	_ =	shalt  }
0x75: {  	_ =	shalt  }
0x76: {  	_ =	shalt  }
0x77: {  	_ =	shalt  }
0x78: {  	_ =	shalt  }
0x79: {  	_ =	shalt  }
0x7a: {  	_ =	shalt  }
0x7b: {  	_ =	shalt  }
0x7c: {  	_ =	shalt  }
0x7d: {  	_ =	shalt  }
0x7e: {  	_ =	shalt  }
0x7f: {  	_ =	shalt  }
0x80: {  	_ =	shalt  }
0x81: {  	_ =	shalt  }
0x82: {  	_ =	shalt  }
0x83: {  	_ =	shalt  }
0x84: {  	_ =	shalt  }
0x85: {  	_ =	shalt  }
0x86: {  	_ =	shalt  }
0x87: {  	_ =	shalt  }
.Lfunc_end0:
.L_simem_size_0:
called_computation.1_lowered:
.L_overlay_start_0:
0x88: {  	s2 =	sld [smem:$0x3FD9]  }
0x89: {  	s3 =	sld [smem:$0x3FFE];
	_ =	sdelay $0x1  }
0x8a: {  	s1 =	srdreg.scid  }
0x8b: {  	s0 =	sand.u32 $0x1, s1  }
0x8c: {  	s14 =	sshll.u32 s0, $0xA;
	s2 =	sadd.s32 s3, s2  }
0x8d: {  	s2 =	sadd.s32 s2, s14  }
0x8e: {  	[smem:$0x3FBB] =	sst s2  }
0x8f: {  	_ = 	snop  }
0x90: {  	s2 =	sld [smem:$0x3FD0];
	_ =	sdelay $0x2  }
0x91: {  	s15 =	simm.s32 $0xA;
	s4 =	simm.s32 $0x10  }
0x92: {  	[smem:s4], [sflag:s15] =	dma.local [hbm:s2], $0x1  }
0x93: {  	_ =	swait.eq [sflag:s15], $0x1  }
0x94: {  	[sflag:s15] =	ssyncset.done $0x0  }
0x95: {  	[sflag:s15] =	ssyncadd.s32 $0xFFFFFFFF  }
0x96: {  	s16 =	sld [smem:$0x11];
	(tm) =	ssettm $0x1  }
0x97: {  	s17 =	sld [smem:$0x3FFB];
	_ =	sdelay $0x3  }
0x98: {  	_ =	strace s17  }
0x99: {  	s3 =	sld [smem:$0x3FFC];
	_ =	sdelay $0x3  }
0x9a: {  	_ =	strace s3  }
0x9b: {  	s3 =	sld [smem:$0x3FFD];
	_ =	sdelay $0x3  }
0x9c: {  	_ =	strace s3  }
0x9d: {  	_ =	strace $0x8FFFFFFF  }
0x9e: {  	s18 =	sld [smem:$0x3FDB];
	_ =	sdelay $0x1  }
0x9f: {  	s19 =	simm.s32 $_scs_section_size  }
0xa0: {  	s5 =	simm.s32 $_size__tile_overlayer_lowered;
	s6 =	simm.s32 $_tile_overlayer_lowered  }
0xa1: {  	s22 =	simm.s32 $0x1BFF;
	s21 =	sshll.u32 s6, $0x1;
	s3 =	sadd.s32 s19, s18  }
0xa2: {  	s7 =	simm.s32 $0x0;
	s20 =	sshll.u32 s5, $0x1;
	s5 =	sadd.s32 s21, s3  }
0xa3: {  	[timem:s7], [sflag:s22] =	dma.local [hbm:s5], s20  }
0xa4: {  	_ =	swait.ge [sflag:s22], s20  }
0xa5: {  	s4 =	ssub.s32 $0x0, s20;
	[sflag:s22] =	ssyncset.done $0x0  }
0xa6: {  	[sflag:s22] =	ssyncadd.s32 s4;
	_ =	sdelay $0x1  }
0xa7: {  	s23 =	simm.s32 $0x1B8B  }
0xa8: {  	_ =	swait.ge [sflag:s23], $0x1  }
0xa9: {  	[sflag:s23] =	ssyncset.done $0x0  }
0xaa: {  	s25 =	simm.s32 $0x1B8E;
	s24 =	sld [smem:$0x3FFE];
	[sflag:s23] =	ssyncadd.s32 $0xFFFFFFFF  }
0xab: {  	s26 =	simm.s32 $execute0_lowered;
	[smem:$0x3FD2] =	sst s25  }
0xac: {  	s5 =	sshll.u32 s26, $0x1;
	_ =	strace $0x80000049;
	[dreg:$0x1] =	wrdreg $0xFFFFFFFF  }
0xad: {  	s28 =	simm.s32 $_size_execute0_lowered;
	s3 =	sadd.s32 s3, s5;
	[dreg:$0x0] =	wrdreg $0x0  }
0xae: {  	s5 =	sshll.u32 s28, $0x1;
	[dreg:$0x2] =	wrdreg s3  }
0xaf: {  	[dreg:$0x3] =	wrdreg s5  }
0xb0: {  	[dreg:$0x4] =	wrdreg $0xC0  }
0xb1: {  	_ =	task [dreg:s7], $0x5FFFF  }
0xb2: {  	[dreg:$0x1] =	wrdreg $0xFFFFFFFF  }
0xb3: {  	[dreg:$0x0] =	wrdreg $0x60  }
0xb4: {  	[dreg:$0x2] =	wrdreg s24  }
0xb5: {  	[dreg:$0x3] =	wrdreg s16  }
0xb6: {  	[dreg:$0x4] =	wrdreg $0x84000  }
0xb7: {  	[dreg:$0x5] =	wrdreg $0x9  }
0xb8: {  	_ =	task.clear_ibuf [dreg:s7], $0x6FFFF;
	_ =	strace $0x90000049  }
0xb9: {  	s29 =	simm.s32 $0x9;
	_ =	strace $0x8000004B  }
0xba: {  	_ =	swait.ge [sflag:s29], $0x1  }
0xbb: {  	[sflag:s29] =	ssyncadd.s32 $0xFFFFFFFF  }
0xbc: {  	_ =	strace $0x9000004B  }
0xbd: {  	_ =	sfence  }
0xbe: {  	s30 =	sld [smem:$0x0];
	_ =	sdelay $0x2  }
0xbf: {  	s31 =	sshll.u32 s1, $0xD;
	s1 =	sshrl.u32 s1, $0x2  }
0xc0: {  	s3 =	sand.u32 $0x4000, s31;
	s1 =	sadd.s32 s1, s30  }
0xc1: {  	s0 =	sor.u32 s3, s0;
	s1 =	sshll.u32 s1, $0x11  }
0xc2: {  	s0 =	sor.u32 s1, s0  }
0xc3: {  	s0 =	sadd.s32 $0x8F2B, s0  }
0xc4: {  	[sflag:s0] =	ssyncadd.remote.s32 $0x1  }
0xc5: {  	_ =	sfence.sel $0xFFFF  }
0xc6: {  	[dreg:$0x0] =	wrdreg $0xFFFFFFFF;
	(pc) =	sbr.abs _section_cstart, $3  }
0xc7: {  	[dreg:$0x1] =	wrdreg $0xFFFFFFFF  }
0xc8: {  	_ =	task.clear_ibuf [dreg:s7], $0x2FFFF;
	_ =	strace $0x9FFFFFFF  }
0xc9: {  	(tm) =	ssettm $0x7FFFFFFF  }
tec
execute0_lowered:
.L_overlay_start_1:
0x0: {  	(tag) =	ssettag $0x1  }
0x1: {  	s0 =	rddreg [dreg:$0x0]  }
0x2: {  	s1 =	rddreg [dreg:$0x1]  }
0x3: {  	s2 =	rddreg [dreg:$0x2];
	s3 =	srdreg.scid  }
0x4: {  	s4 =	simm.s32 $0x0;
	s12 =	stileid.u32;
	s28 =	simm.s32 $0x280  }
0x5: {  	s29 =	simm.s32 $0x100;
	s30 =	simm.s32 $0x300;
	s7 =	smul.u32 $0x14000, s12  }
0x6: {  	s31 =	simm.s32 $0x180;
	s3 =	sand.u32 $0x1, s3;
	s15 =	smul.u32 $0x50000, s12  }
0x7: {  	[smem:$0x7FF] =	sst s4;
	s5 =	sadd.s32 $0xC800, s0;
	s24 =	smul.u32 $0x500, s12  }
0x8: {  	s6 =	smul.u32 $0x140000, s3;
	_ =	strace $0x8000004A;
	s8 =	sshll.u32 s3, $0x4  }
0x9: {  	s25 =	ssub.s32 $0x2, s3;
	s3 =	smul.u32 $0x5000, s3;
	s8 =	sor.u32 s12, s8  }
0xa: {  	s10 =	sshrl.u32 s25, $0x1;
	s19 =	sshrl.u32 s15, $0x2;
	s12 =	simm.s32 $0x3  }
0xb: {  	s6 =	sadd.s32 s7, s6;
	s11 =	smul.u32 $0x500, s8;
	s7 =	ssub.s32 s25, s10  }
0xc: {  	p0 =	seq.s32 s8, $0x1F;
	s15 =	sadd.s32 s19, s2;
	s24 =	sadd.s32 s24, s3  }
0xd: {  	s3 =	simm.s32 $0x400;
	s9 =	sshrl.u32 s6, $0x3;
	s21 =	sadd.s32 $0x4000, s15  }
0xe: {  	s6 =	sadd.s32 $0x2A00, s0;
	s22 =	sadd.s32 $0x8000, s15;
	[dreg:$0xc] =	wrdreg s21  }
0xf: {  	s23 =	sadd.s32 $0xC000, s15;
	s25 =	sadd.s32 $0x10000, s15;
	[dreg:$0xd] =	wrdreg s22  }
0x10: {  	s0 =	sadd.s32 s9, s0;
	s26 =	sadd.s32 s6, s11;
	[dreg:$0xe] =	wrdreg s23  }
0x11: {  	s9 =	sadd.s32 s1, s11;
	s10 =	sor.u32 $0x10, s11;
	[dreg:$0x10] =	wrdreg s25  }
0x12: {  	s14 =	sor.u32 $0x20, s11;
	s18 =	sor.u32 $0x30, s11;
	[dreg:$0x4] =	wrdreg s26  }
0x13: {  	s21 =	simm.s32 $0x4;
	[dreg:$0x5] =	wrdreg s9;
	s13 =	sadd.s32 s6, s10  }
0x14: {  	s25 =	simm.s32 $0x200;
	s8 =	sadd.s32 s1, s10;
	[dreg:$0x6] =	wrdreg s13  }
0x15: {  	s11 =	simm.s32 $0x5;
	s16 =	sadd.s32 s6, s14;
	[dreg:$0x7] =	wrdreg s8  }
0x16: {  	s17 =	sadd.s32 s1, s14;
	s20 =	sadd.s32 s6, s18;
	[dreg:$0x8] =	wrdreg s16  }
0x17: {  	s9 =	simm.s32 $0x4;
	s0 =	sadd.s32 $0x34800, s0;
	[dreg:$0x9] =	wrdreg s17  }
0x18: {  	s26 =	smax.u32 s7, $0x1;
	s7 =	simm.s32 $0x9;
	[dreg:$0xa] =	wrdreg s20  }
0x19: {  	s10 =	simm.s32 $0x4400;
	s14 =	simm.s32 $0x6;
	[dreg:$0x11] =	wrdreg s0  }
0x1a: {  	s8 =	sadd.s32 s1, s18;
	s9 =	simm.s32 @!p0 $0x13;
	[dreg:$0x12] =	wrdreg s26  }
0x1b: {  	s26 =	simm.s32 $0x80;
	s0 =	simm.s32 $0x380;
	s13 =	simm.s32 $0x7  }
0x1c: {  	s16 =	simm.s32 $0x8;
	s17 =	simm.s32 $0x0;
	[dreg:$0xb] =	wrdreg s8  }
0x1d: {  	v0 =	vimm.f32 $0.0e+00;
	[dreg:$0xf] =	wrdreg s9;
	s8 =	simm.s32 $0x1;
	s9 =	simm.s32 $0x2  }
.LBB2_1:
0x1e: {  	s18 =	rddreg [dreg:$0x4]  }
0x1f: {  	[tilespmem:s4], [sflag:$0x1] =	stream.linear.gather [hbm4b:s18+s4], $0x80, $0x38;
	[tilespmem:$0x1C400] =	vst v63  }
0x20: {  	s20 =	rddreg [dreg:$0x5]  }
0x21: {  	[tilespmem:s25], [sflag:$0x1] =	stream.linear.gather [hbm4b:s20+s4], $0x80, $0x38;
	[tilespmem:$0x1C400] =	vst v63  }
0x22: {  	s22 =	rddreg [dreg:$0x6]  }
0x23: {  	[tilespmem:s26], [sflag:$0x2] =	stream.linear.gather [hbm4b:s22+s4], $0x80, $0x38;
	[tilespmem:$0x1C400] =	vst v63  }
0x24: {  	s23 =	rddreg [dreg:$0x7]  }
0x25: {  	[tilespmem:s28], [sflag:$0x2] =	stream.linear.gather [hbm4b:s23+s4], $0x80, $0x38;
	[tilespmem:$0x1C400] =	vst v63  }
0x26: {  	s19 =	rddreg [dreg:$0x8]  }
0x27: {  	[tilespmem:s29], [sflag:$0x3] =	stream.linear.gather [hbm4b:s19+s4], $0x80, $0x38;
	[tilespmem:$0x1C400] =	vst v63  }
0x28: {  	s20 =	rddreg [dreg:$0x9]  }
0x29: {  	[tilespmem:s30], [sflag:$0x3] =	stream.linear.gather [hbm4b:s20+s4], $0x80, $0x38;
	[tilespmem:$0x1C400] =	vst v63  }
0x2a: {  	s22 =	rddreg [dreg:$0xa]  }
0x2b: {  	[tilespmem:s31], [sflag:$0x4] =	stream.linear.gather [hbm4b:s22+s4], $0x80, $0x38;
	[tilespmem:$0x1C400] =	vst v63  }
0x2c: {  	s18 =	simm.s32 $0x0;
	s23 =	rddreg [dreg:$0xb];
	s20 =	simm.s32 $0x200  }
0x2d: {  	[tilespmem:s0], [sflag:$0x4] =	stream.linear.gather [hbm4b:s23+s4], $0x80, $0x38;
	[tilespmem:$0x1C400] =	vst v63  }
.LBB2_2:
0x2e: {  	p0 =	sne.s32 s20, $0xFE00;
	[tilespmem:s18+$0x470] =	vst v0  }
0x2f: {  	[tilespmem:s18+$0x400] =	vst v0  }
0x30: {  	[tilespmem:s18+$0x410] =	vst v0  }
.Ltmp0:
0x31: {  	[tilespmem:s18+$0x420] =	vst v0;
	(pc) =	sbr.rel @p0 .LBB2_2-.Ltmp0, $4  }
0x32: {  	[tilespmem:s18+$0x430] =	vst v0  }
0x33: {  	[tilespmem:s18+$0x440] =	vst v0  }
0x34: {  	[tilespmem:s18+$0x450] =	vst v0  }
0x35: {  	[tilespmem:s18+$0x460] =	vst v0;
	s18 =	sshra.s32 s20, $0x2;
	s20 =	sadd.s32 $0x200, s20  }
0x36: {  	[tilespmem:s18+$0x470] =	vst v0  }
0x37: {  	[tilespmem:s18+$0x400] =	vst v0  }
0x38: {  	[tilespmem:s18+$0x410] =	vst v0  }
0x39: {  	[tilespmem:s18+$0x420] =	vst v0  }
0x3a: {  	[tilespmem:s18+$0x430] =	vst v0  }
0x3b: {  	[tilespmem:s18+$0x440] =	vst v0  }
0x3c: {  	[tilespmem:s18+$0x450] =	vst v0  }
0x3d: {  	[tilespmem:s18+$0x460] =	vst v0  }
0x3e: {  	[spmem:s15] =	stream.linear.scatter [tilespmem:s3], [sflag:$0x9], $0x4000, $0x38;
	[tilespmem:$0x1C400] =	vst v63  }
0x3f: {  	_ =	swait.ge [sflag:s7], $0x4000  }
0x40: {  	[sflag:s7] =	ssyncset.done $0x0  }
0x41: {  	s23 =	rddreg [dreg:$0xc];
	[sflag:s7] =	ssyncadd.s32 $0xFFFFC000  }
0x42: {  	[spmem:s23] =	stream.linear.scatter [tilespmem:s3], [sflag:$0x9], $0x4000, $0x38;
	[tilespmem:$0x1C400] =	vst v63  }
0x43: {  	_ =	swait.ge [sflag:s7], $0x4000  }
0x44: {  	[sflag:s7] =	ssyncset.done $0x0  }
0x45: {  	s19 =	rddreg [dreg:$0xd];
	[sflag:s7] =	ssyncadd.s32 $0xFFFFC000  }
0x46: {  	[spmem:s19] =	stream.linear.scatter [tilespmem:s3], [sflag:$0x9], $0x4000, $0x38;
	[tilespmem:$0x1C400] =	vst v63  }
0x47: {  	_ =	swait.ge [sflag:s7], $0x4000  }
0x48: {  	[sflag:s7] =	ssyncset.done $0x0  }
0x49: {  	s20 =	rddreg [dreg:$0xe];
	[sflag:s7] =	ssyncadd.s32 $0xFFFFC000  }
0x4a: {  	[spmem:s20] =	stream.linear.scatter [tilespmem:s3], [sflag:$0x9], $0x4000, $0x38;
	[tilespmem:$0x1C400] =	vst v63  }
0x4b: {  	_ =	swait.ge [sflag:s7], $0x4000  }
0x4c: {  	[sflag:s7] =	ssyncset.done $0x0  }
0x4d: {  	s22 =	rddreg [dreg:$0x10];
	[sflag:s7] =	ssyncadd.s32 $0xFFFFC000  }
0x4e: {  	[spmem:s22] =	stream.linear.scatter [tilespmem:s3], [sflag:$0x9], $0x4000, $0x38;
	[tilespmem:$0x1C400] =	vst v63  }
0x4f: {  	_ =	swait.ge [sflag:s7], $0x4000  }
0x50: {  	[sflag:s7] =	ssyncset.done $0x0  }
0x51: {  	[sflag:s7] =	ssyncadd.s32 $0xFFFFC000  }
0x52: {  	_ =	swait.ge [sflag:s8], $0x80  }
0x53: {  	[sflag:s8] =	ssyncset.done $0x0  }
0x54: {  	[sflag:s8] =	ssyncadd.s32 $0xFFFFFF80  }
0x55: {  	_ =	swait.ge [sflag:s8], $0x80  }
0x56: {  	[sflag:s8] =	ssyncset.done $0x0  }
0x57: {  	[sflag:s8] =	ssyncadd.s32 $0xFFFFFF80  }
0x58: {  	[tilespmem:s3], [sflag:$0x5] =	stream.indirect.gather [hbm4b:s5+s26], $0x80, s4, s26, $0xb8;
	[tilespmem:$0x1C400] =	vst v63  }
0x59: {  	_ =	swait.ge [sflag:s9], $0x80  }
0x5a: {  	[sflag:s9] =	ssyncset.done $0x0  }
0x5b: {  	[sflag:s9] =	ssyncadd.s32 $0xFFFFFF80  }
0x5c: {  	_ =	swait.ge [sflag:s9], $0x80  }
0x5d: {  	[sflag:s9] =	ssyncset.done $0x0  }
0x5e: {  	[sflag:s9] =	ssyncadd.s32 $0xFFFFFF80  }
0x5f: {  	[tilespmem:s10], [sflag:$0x6] =	stream.indirect.gather [hbm4b:s5+s26], $0x80, s26, s26, $0xb8;
	[tilespmem:$0x1C400] =	vst v63  }
0x60: {  	[bflag:$0x0] =	sbarrier.arrive $0xFFFF  }
0x61: {  	_ =	swait.ge [sflag:s11], $0x4000  }
0x62: {  	[sflag:s11] =	ssyncset.done $0x0  }
0x63: {  	[sflag:s11] =	ssyncadd.s32 $0xFFFFC000  }
0x64: {  	[spmem:s2] =	stream.indirect.scatter.add.f32 [tilespmem:s3], [sflag:$0x7], $0x80, s25, s26, $0xb8;
	[tilespmem:$0x1C400] =	vst v63  }
0x65: {  	_ =	swait.ge [sflag:s12], $0x80  }
0x66: {  	[sflag:s12] =	ssyncset.done $0x0  }
0x67: {  	[sflag:s12] =	ssyncadd.s32 $0xFFFFFF80  }
0x68: {  	_ =	swait.ge [sflag:s12], $0x80  }
0x69: {  	[sflag:s12] =	ssyncset.done $0x0  }
0x6a: {  	[sflag:s12] =	ssyncadd.s32 $0xFFFFFF80  }
0x6b: {  	_ =	swait.ge [sflag:s13], $0x4000  }
0x6c: {  	s18 =	sadd.s32 $0x40, s24;
	[sflag:s13] =	ssyncset.done $0x0  }
0x6d: {  	s20 =	sand.u32 $0x1FFFFFC0, s18;
	[sflag:s13] =	ssyncadd.s32 $0xFFFFC000  }
0x6e: {  	[tilespmem:s3], [sflag:$0x5] =	stream.indirect.gather [hbm4b:s5+s26], $0x80, s29, s26, $0xb8;
	[tilespmem:$0x1C400] =	vst v63  }
0x6f: {  	s22 =	sadd.s32 s6, s20  }
0x70: {  	[tilespmem:s4], [sflag:$0x1] =	stream.linear.gather [hbm4b:s22+s4], $0x80, $0x38;
	[tilespmem:$0x1C400] =	vst v63  }
0x71: {  	s20 =	sadd.s32 s1, s20  }
0x72: {  	[tilespmem:s25], [sflag:$0x1] =	stream.linear.gather [hbm4b:s20+s4], $0x80, $0x38;
	[tilespmem:$0x1C400] =	vst v63  }
0x73: {  	_ =	swait.ge [sflag:s14], $0x4000  }
0x74: {  	[sflag:s14] =	ssyncset.done $0x0  }
0x75: {  	[sflag:s14] =	ssyncadd.s32 $0xFFFFC000  }
0x76: {  	[spmem:s2] =	stream.indirect.scatter.add.f32 [tilespmem:s10], [sflag:$0x8], $0x80, s28, s26, $0xb8;
	[tilespmem:$0x1C400] =	vst v63  }
0x77: {  	_ =	swait.ge [sflag:s21], $0x80  }
0x78: {  	[sflag:s21] =	ssyncset.done $0x0  }
0x79: {  	[sflag:s21] =	ssyncadd.s32 $0xFFFFFF80  }
0x7a: {  	_ =	swait.ge [sflag:s21], $0x80  }
0x7b: {  	[sflag:s21] =	ssyncset.done $0x0  }
0x7c: {  	[sflag:s21] =	ssyncadd.s32 $0xFFFFFF80  }
0x7d: {  	_ =	swait.ge [sflag:s16], $0x4000  }
0x7e: {  	s23 =	sadd.s32 $0x50, s24;
	[sflag:s16] =	ssyncset.done $0x0  }
0x7f: {  	s20 =	sand.u32 $0x1FFFFFD0, s23;
	[sflag:s16] =	ssyncadd.s32 $0xFFFFC000  }
0x80: {  	[tilespmem:s10], [sflag:$0x6] =	stream.indirect.gather [hbm4b:s5+s26], $0x80, s31, s26, $0xb8;
	[tilespmem:$0x1C400] =	vst v63  }
0x81: {  	s19 =	sadd.s32 s6, s20  }
0x82: {  	[tilespmem:s26], [sflag:$0x2] =	stream.linear.gather [hbm4b:s19+s4], $0x80, $0x38;
	[tilespmem:$0x1C400] =	vst v63  }
0x83: {  	s20 =	sadd.s32 s1, s20  }
0x84: {  	[tilespmem:s28], [sflag:$0x2] =	stream.linear.gather [hbm4b:s20+s4], $0x80, $0x38;
	[tilespmem:$0x1C400] =	vst v63  }
0x85: {  	_ =	swait.ge [sflag:s11], $0x4000  }
0x86: {  	[sflag:s11] =	ssyncset.done $0x0  }
0x87: {  	[sflag:s11] =	ssyncadd.s32 $0xFFFFC000  }
0x88: {  	[spmem:s2] =	stream.indirect.scatter.add.f32 [tilespmem:s3], [sflag:$0x7], $0x80, s30, s26, $0xb8;
	[tilespmem:$0x1C400] =	vst v63  }
0x89: {  	_ =	swait.ge [sflag:s8], $0x80  }
0x8a: {  	[sflag:s8] =	ssyncset.done $0x0  }
0x8b: {  	[sflag:s8] =	ssyncadd.s32 $0xFFFFFF80  }
0x8c: {  	_ =	swait.ge [sflag:s8], $0x80  }
0x8d: {  	[sflag:s8] =	ssyncset.done $0x0  }
0x8e: {  	[sflag:s8] =	ssyncadd.s32 $0xFFFFFF80  }
0x8f: {  	_ =	swait.ge [sflag:s13], $0x4000  }
0x90: {  	s23 =	sadd.s32 $0x60, s24;
	[sflag:s13] =	ssyncset.done $0x0  }
0x91: {  	s20 =	sand.u32 $0x1FFFFFE0, s23;
	[sflag:s13] =	ssyncadd.s32 $0xFFFFC000  }
0x92: {  	[tilespmem:s3], [sflag:$0x5] =	stream.indirect.gather [hbm4b:s5+s26], $0x80, s4, s26, $0xb8;
	[tilespmem:$0x1C400] =	vst v63  }
0x93: {  	s19 =	sadd.s32 s6, s20  }
0x94: {  	[tilespmem:s29], [sflag:$0x3] =	stream.linear.gather [hbm4b:s19+s4], $0x80, $0x38;
	[tilespmem:$0x1C400] =	vst v63  }
0x95: {  	s20 =	sadd.s32 s1, s20  }
0x96: {  	[tilespmem:s30], [sflag:$0x3] =	stream.linear.gather [hbm4b:s20+s4], $0x80, $0x38;
	[tilespmem:$0x1C400] =	vst v63  }
0x97: {  	_ =	swait.ge [sflag:s14], $0x4000  }
0x98: {  	[sflag:s14] =	ssyncset.done $0x0  }
0x99: {  	[sflag:s14] =	ssyncadd.s32 $0xFFFFC000  }
0x9a: {  	[spmem:s2] =	stream.indirect.scatter.add.f32 [tilespmem:s10], [sflag:$0x8], $0x80, s0, s26, $0xb8;
	[tilespmem:$0x1C400] =	vst v63  }
0x9b: {  	_ =	swait.ge [sflag:s9], $0x80  }
0x9c: {  	[sflag:s9] =	ssyncset.done $0x0  }
0x9d: {  	[sflag:s9] =	ssyncadd.s32 $0xFFFFFF80  }
0x9e: {  	_ =	swait.ge [sflag:s9], $0x80  }
0x9f: {  	[sflag:s9] =	ssyncset.done $0x0  }
0xa0: {  	[sflag:s9] =	ssyncadd.s32 $0xFFFFFF80  }
0xa1: {  	_ =	swait.ge [sflag:s16], $0x4000  }
0xa2: {  	s19 =	rddreg [dreg:$0xf]  }
0xa3: {  	s22 =	sadd.s32 $0x70, s24;
	[sflag:s16] =	ssyncset.done $0x0;
	p0 =	sne.s32 s19, $0x1  }
.Ltmp1:
0xa4: {  	s23 =	sand.u32 $0x1FFFFFF0, s22;
	[sflag:s16] =	ssyncadd.s32 $0xFFFFC000;
	(pc) =	sbr.rel @!p0 .LBB2_5-.Ltmp1, $4  }
0xa5: {  	[tilespmem:s10], [sflag:$0x6] =	stream.indirect.gather [hbm4b:s5+s26], $0x80, s26, s26, $0xb8;
	[tilespmem:$0x1C400] =	vst v63  }
0xa6: {  	s20 =	sadd.s32 s6, s23  }
0xa7: {  	[tilespmem:s31], [sflag:$0x4] =	stream.linear.gather [hbm4b:s20+s4], $0x80, $0x38;
	[tilespmem:$0x1C400] =	vst v63  }
0xa8: {  	s23 =	sadd.s32 s1, s23;
	s20 =	sadd.s32 $0xFFFFFFFF, s19  }
.LBB2_4:
0xa9: {  	p0 =	sne.s32 s20, $0x1;
	s20 =	sadd.s32 $0xFFFFFFFF, s20;
	s22 =	smov.u32 s18  }
0xaa: {  	[tilespmem:s0], [sflag:$0x4] =	stream.linear.gather [hbm4b:s23+s4], $0x80, $0x38;
	[tilespmem:$0x1C400] =	vst v63  }
0xab: {  	_ =	swait.ge [sflag:s11], $0x4000  }
0xac: {  	[sflag:s11] =	ssyncset.done $0x0  }
0xad: {  	[sflag:s11] =	ssyncadd.s32 $0xFFFFC000  }
0xae: {  	[spmem:s2] =	stream.indirect.scatter.add.f32 [tilespmem:s3], [sflag:$0x7], $0x80, s25, s26, $0xb8;
	[tilespmem:$0x1C400] =	vst v63  }
0xaf: {  	_ =	swait.ge [sflag:s12], $0x80  }
0xb0: {  	[sflag:s12] =	ssyncset.done $0x0  }
0xb1: {  	[sflag:s12] =	ssyncadd.s32 $0xFFFFFF80  }
0xb2: {  	_ =	swait.ge [sflag:s12], $0x80  }
0xb3: {  	[sflag:s12] =	ssyncset.done $0x0  }
0xb4: {  	[sflag:s12] =	ssyncadd.s32 $0xFFFFFF80  }
0xb5: {  	_ =	swait.ge [sflag:s13], $0x4000  }
0xb6: {  	s18 =	sadd.s32 $0x40, s18;
	[sflag:s13] =	ssyncset.done $0x0  }
0xb7: {  	s23 =	sand.u32 $0x1FFFFFC0, s18;
	[sflag:s13] =	ssyncadd.s32 $0xFFFFC000  }
0xb8: {  	[tilespmem:s3], [sflag:$0x5] =	stream.indirect.gather [hbm4b:s5+s26], $0x80, s29, s26, $0xb8;
	[tilespmem:$0x1C400] =	vst v63  }
0xb9: {  	s19 =	sadd.s32 s6, s23;
	s23 =	sadd.s32 s1, s23  }
0xba: {  	[tilespmem:s4], [sflag:$0x1] =	stream.linear.gather [hbm4b:s19+s4], $0x80, $0x38;
	[tilespmem:$0x1C400] =	vst v63  }
0xbb: {  	_ = 	snop  }
0xbc: {  	[tilespmem:s25], [sflag:$0x1] =	stream.linear.gather [hbm4b:s23+s4], $0x80, $0x38;
	[tilespmem:$0x1C400] =	vst v63  }
0xbd: {  	_ =	swait.ge [sflag:s14], $0x4000  }
0xbe: {  	[sflag:s14] =	ssyncset.done $0x0  }
0xbf: {  	[sflag:s14] =	ssyncadd.s32 $0xFFFFC000  }
0xc0: {  	[spmem:s2] =	stream.indirect.scatter.add.f32 [tilespmem:s10], [sflag:$0x8], $0x80, s28, s26, $0xb8;
	[tilespmem:$0x1C400] =	vst v63  }
0xc1: {  	_ =	swait.ge [sflag:s21], $0x80  }
0xc2: {  	[sflag:s21] =	ssyncset.done $0x0  }
0xc3: {  	[sflag:s21] =	ssyncadd.s32 $0xFFFFFF80  }
0xc4: {  	_ =	swait.ge [sflag:s21], $0x80  }
0xc5: {  	[sflag:s21] =	ssyncset.done $0x0  }
0xc6: {  	[sflag:s21] =	ssyncadd.s32 $0xFFFFFF80  }
0xc7: {  	_ =	swait.ge [sflag:s16], $0x4000  }
0xc8: {  	s19 =	sadd.s32 $0x50, s22;
	[sflag:s16] =	ssyncset.done $0x0  }
0xc9: {  	s19 =	sand.u32 $0x1FFFFFD0, s19;
	[sflag:s16] =	ssyncadd.s32 $0xFFFFC000  }
0xca: {  	[tilespmem:s10], [sflag:$0x6] =	stream.indirect.gather [hbm4b:s5+s26], $0x80, s31, s26, $0xb8;
	[tilespmem:$0x1C400] =	vst v63  }
0xcb: {  	s23 =	sadd.s32 s6, s19;
	s19 =	sadd.s32 s1, s19  }
0xcc: {  	[tilespmem:s26], [sflag:$0x2] =	stream.linear.gather [hbm4b:s23+s4], $0x80, $0x38;
	[tilespmem:$0x1C400] =	vst v63  }
0xcd: {  	_ = 	snop  }
0xce: {  	[tilespmem:s28], [sflag:$0x2] =	stream.linear.gather [hbm4b:s19+s4], $0x80, $0x38;
	[tilespmem:$0x1C400] =	vst v63  }
0xcf: {  	_ =	swait.ge [sflag:s11], $0x4000  }
0xd0: {  	[sflag:s11] =	ssyncset.done $0x0  }
0xd1: {  	[sflag:s11] =	ssyncadd.s32 $0xFFFFC000  }
0xd2: {  	[spmem:s2] =	stream.indirect.scatter.add.f32 [tilespmem:s3], [sflag:$0x7], $0x80, s30, s26, $0xb8;
	[tilespmem:$0x1C400] =	vst v63  }
0xd3: {  	_ =	swait.ge [sflag:s8], $0x80  }
0xd4: {  	[sflag:s8] =	ssyncset.done $0x0  }
0xd5: {  	[sflag:s8] =	ssyncadd.s32 $0xFFFFFF80  }
0xd6: {  	_ =	swait.ge [sflag:s8], $0x80  }
0xd7: {  	[sflag:s8] =	ssyncset.done $0x0  }
0xd8: {  	[sflag:s8] =	ssyncadd.s32 $0xFFFFFF80  }
0xd9: {  	_ =	swait.ge [sflag:s13], $0x4000  }
0xda: {  	s19 =	sadd.s32 $0x60, s22;
	[sflag:s13] =	ssyncset.done $0x0  }
0xdb: {  	s19 =	sand.u32 $0x1FFFFFE0, s19;
	[sflag:s13] =	ssyncadd.s32 $0xFFFFC000  }
0xdc: {  	[tilespmem:s3], [sflag:$0x5] =	stream.indirect.gather [hbm4b:s5+s26], $0x80, s4, s26, $0xb8;
	[tilespmem:$0x1C400] =	vst v63  }
0xdd: {  	s23 =	sadd.s32 s6, s19;
	s19 =	sadd.s32 s1, s19  }
0xde: {  	[tilespmem:s29], [sflag:$0x3] =	stream.linear.gather [hbm4b:s23+s4], $0x80, $0x38;
	[tilespmem:$0x1C400] =	vst v63  }
0xdf: {  	_ = 	snop  }
0xe0: {  	[tilespmem:s30], [sflag:$0x3] =	stream.linear.gather [hbm4b:s19+s4], $0x80, $0x38;
	[tilespmem:$0x1C400] =	vst v63  }
0xe1: {  	_ =	swait.ge [sflag:s14], $0x4000  }
0xe2: {  	[sflag:s14] =	ssyncset.done $0x0  }
0xe3: {  	[sflag:s14] =	ssyncadd.s32 $0xFFFFC000  }
0xe4: {  	[spmem:s2] =	stream.indirect.scatter.add.f32 [tilespmem:s10], [sflag:$0x8], $0x80, s0, s26, $0xb8;
	[tilespmem:$0x1C400] =	vst v63  }
0xe5: {  	_ =	swait.ge [sflag:s9], $0x80  }
0xe6: {  	[sflag:s9] =	ssyncset.done $0x0  }
0xe7: {  	[sflag:s9] =	ssyncadd.s32 $0xFFFFFF80  }
0xe8: {  	_ =	swait.ge [sflag:s9], $0x80  }
0xe9: {  	[sflag:s9] =	ssyncset.done $0x0  }
0xea: {  	[sflag:s9] =	ssyncadd.s32 $0xFFFFFF80  }
0xeb: {  	_ =	swait.ge [sflag:s16], $0x4000  }
.Ltmp2:
0xec: {  	s19 =	sadd.s32 $0x70, s22;
	[sflag:s16] =	ssyncset.done $0x0;
	(pc) =	sbr.rel @p0 .LBB2_4-.Ltmp2, $4  }
0xed: {  	s19 =	sand.u32 $0x1FFFFFF0, s19;
	[sflag:s16] =	ssyncadd.s32 $0xFFFFC000  }
0xee: {  	[tilespmem:s10], [sflag:$0x6] =	stream.indirect.gather [hbm4b:s5+s26], $0x80, s26, s26, $0xb8;
	[tilespmem:$0x1C400] =	vst v63  }
0xef: {  	s22 =	sadd.s32 s6, s19;
	s23 =	sadd.s32 s1, s19  }
0xf0: {  	[tilespmem:s31], [sflag:$0x4] =	stream.linear.gather [hbm4b:s22+s4], $0x80, $0x38;
	[tilespmem:$0x1C400] =	vst v63  }
.LBB2_5:
0xf1: {  	[tilespmem:s0], [sflag:$0x4] =	stream.linear.gather [hbm4b:s23+s4], $0x80, $0x38;
	[tilespmem:$0x1C400] =	vst v63  }
0xf2: {  	_ =	swait.ge [sflag:s11], $0x4000  }
0xf3: {  	[sflag:s11] =	ssyncset.done $0x0  }
0xf4: {  	[sflag:s11] =	ssyncadd.s32 $0xFFFFC000  }
0xf5: {  	[spmem:s2] =	stream.indirect.scatter.add.f32 [tilespmem:s3], [sflag:$0x7], $0x80, s25, s26, $0xb8;
	[tilespmem:$0x1C400] =	vst v63  }
0xf6: {  	_ =	swait.ge [sflag:s12], $0x80  }
0xf7: {  	[sflag:s12] =	ssyncset.done $0x0  }
0xf8: {  	[sflag:s12] =	ssyncadd.s32 $0xFFFFFF80  }
0xf9: {  	_ =	swait.ge [sflag:s12], $0x80  }
0xfa: {  	[sflag:s12] =	ssyncset.done $0x0  }
0xfb: {  	[sflag:s12] =	ssyncadd.s32 $0xFFFFFF80  }
0xfc: {  	_ =	swait.ge [sflag:s13], $0x4000  }
0xfd: {  	[sflag:s13] =	ssyncset.done $0x0  }
0xfe: {  	[sflag:s13] =	ssyncadd.s32 $0xFFFFC000  }
0xff: {  	[tilespmem:s3], [sflag:$0x5] =	stream.indirect.gather [hbm4b:s5+s26], $0x80, s29, s26, $0xb8;
	[tilespmem:$0x1C400] =	vst v63  }
0x100: {  	_ =	swait.ge [sflag:s14], $0x4000  }
0x101: {  	[sflag:s14] =	ssyncset.done $0x0  }
0x102: {  	[sflag:s14] =	ssyncadd.s32 $0xFFFFC000  }
0x103: {  	[spmem:s2] =	stream.indirect.scatter.add.f32 [tilespmem:s10], [sflag:$0x8], $0x80, s28, s26, $0xb8;
	[tilespmem:$0x1C400] =	vst v63  }
0x104: {  	_ =	swait.ge [sflag:s21], $0x80  }
0x105: {  	[sflag:s21] =	ssyncset.done $0x0  }
0x106: {  	[sflag:s21] =	ssyncadd.s32 $0xFFFFFF80  }
0x107: {  	_ =	swait.ge [sflag:s21], $0x80  }
0x108: {  	[sflag:s21] =	ssyncset.done $0x0  }
0x109: {  	[sflag:s21] =	ssyncadd.s32 $0xFFFFFF80  }
0x10a: {  	_ =	swait.ge [sflag:s16], $0x4000  }
0x10b: {  	[sflag:s16] =	ssyncset.done $0x0  }
0x10c: {  	[sflag:s16] =	ssyncadd.s32 $0xFFFFC000  }
0x10d: {  	[tilespmem:s10], [sflag:$0x6] =	stream.indirect.gather [hbm4b:s5+s26], $0x80, s31, s26, $0xb8;
	[tilespmem:$0x1C400] =	vst v63  }
0x10e: {  	_ =	swait.ge [sflag:s11], $0x4000  }
0x10f: {  	[sflag:s11] =	ssyncset.done $0x0  }
0x110: {  	[sflag:s11] =	ssyncadd.s32 $0xFFFFC000  }
0x111: {  	[spmem:s2] =	stream.indirect.scatter.add.f32 [tilespmem:s3], [sflag:$0x7], $0x80, s30, s26, $0xb8;
	[tilespmem:$0x1C400] =	vst v63  }
0x112: {  	_ =	swait.ge [sflag:s13], $0x4000  }
0x113: {  	[sflag:s13] =	ssyncset.done $0x0  }
0x114: {  	[sflag:s13] =	ssyncadd.s32 $0xFFFFC000  }
0x115: {  	_ =	swait.ge [sflag:s14], $0x4000  }
0x116: {  	[sflag:s14] =	ssyncset.done $0x0  }
0x117: {  	[sflag:s14] =	ssyncadd.s32 $0xFFFFC000  }
0x118: {  	[spmem:s2] =	stream.indirect.scatter.add.f32 [tilespmem:s10], [sflag:$0x8], $0x80, s0, s26, $0xb8;
	[tilespmem:$0x1C400] =	vst v63  }
0x119: {  	_ =	swait.ge [sflag:s16], $0x4000  }
0x11a: {  	[sflag:s16] =	ssyncset.done $0x0  }
0x11b: {  	s18 =	stileid.u32;
	[sflag:s16] =	ssyncadd.s32 $0xFFFFC000  }
0x11c: {  	s18 =	sshll.u32 s18, $0x6;
	[bflag:$0x0] =	sbarrier.arrive $0xFFFF  }
0x11d: {  	s19 =	sshrl.u32 s15, $0x3;
	s18 =	sor.u32 $0x1C09, s18;
	s20 =	rddreg [dreg:$0x11]  }
0x11e: {  	[hbm:s20], [sflag:s18] =	dma.local [spmem:s19], $0x2800  }
0x11f: {  	_ =	swait.ge [sflag:s7], $0x2800  }
0x120: {  	s17 =	sadd.s32 $0x1, s17;
	s23 =	rddreg [dreg:$0x12]  }
0x121: {  	p0 =	sne.s32 s17, s23  }
.Ltmp3:
0x122: {  	_ = 	snop;
	(pc) =	sbr.rel @p0 .LBB2_1-.Ltmp3, $3  }
0x123: {  	_ =	sdelay $0x1  }
0x124: {  	[sflag:s7] =	ssyncset.done $0x0  }
0x125: {  	[sflag:s7] =	ssyncadd.s32 $0xFFFFD800  }
0x126: {  	_ =	sfence.sel $0x180000  }
0x127: {  	[bflag:$0x0] =	sbarrier.arrive $0xFFFF  }
0x128: {  	_ =	strace $0x9000004A  }
0x129: {  	s0 =	stileid.u32;
	[bflag:$0x2] =	sbarrier.arrive $0xFFFF  }
0x12a: {  	p0 =	sne.s32 s0, $0x0;
	s0 =	rddreg [dreg:$0x3]  }
0x12b: {  	s0 =	sadd.s32 @!p0 $0x100000, s0  }
0x12c: {  	[sflag:s0] =	ssyncadd.tile.s32 @!p0 $0x1;
	_ =	shalt  }
.Lfunc_end2:
_tile_overlayer_lowered:
.L_overlay_start_2:
0x12d: {  	(tag) =	ssettag $0x2  }
0x12e: {  	s0 =	rddreg [dreg:$0x0];
	s2 =	stileid.u32  }
0x12f: {  	s1 =	rddreg [dreg:$0x1];
	p0 =	sne.s32 s2, $0x0  }
0x130: {  	s3 =	rddreg [dreg:$0x2];
	[bflag:$0x3] =	sbarrier.arrive $0xFFFF;
	s2 =	simm.s32 @!p0 $0x1C09  }
0x131: {  	[timem:s3], [sflag:s2] =	dma.local @!p0 [hbm:s0], s1  }
0x132: {  	s0 =	simm.s32 @!p0 $0x9  }
0x133: {  	_ =	swait.ge @!p0 [sflag:s0], s1  }
0x134: {  	s1 =	ssub.s32 @!p0 $0x0, s1;
	[sflag:s0] =	ssyncset.done @!p0 $0x0  }
0x135: {  	[sflag:s0] =	ssyncadd.s32 @!p0 s1  }
0x136: {  	[bflag:$0x3] =	sbarrier.arrive $0xFFFF  }
0x137: {  	_ =	shalt  }

// kernel: kernel.9.cloned.1.call-start
scs
__scs_entry_jumppad:
0x0: {  	(pc) =	sbr.rel $0x88, $3  }
0x1: {  	(tag) =	ssettag $0x0;
	lr =	simm.s32 $0x1  }
0x2: {  	[smem:$0x3F94] =	sst lr;
	_ =	strace $0xD0000000  }
0x3: {  	_ = 	snop  }
0x4: {  	_ = 	snop  }
0x5: {  	_ = 	snop  }
0x6: {  	_ = 	snop  }
0x7: {  	_ = 	snop  }
__scs_overlays_trampoline_lowered:
0x8: {  	[smem:$0x3FA3] =	sst s0  }
0x9: {  	[smem:$0x3FA4] =	sst s1  }
0xa: {  	[smem:$0x3FA5] =	sst s2  }
0xb: {  	[smem:$0x3FA6] =	sst s3  }
0xc: {  	[smem:$0x3FA7] =	sst s4  }
0xd: {  	[smem:$0x3FA8] =	sst s5  }
0xe: {  	[smem:$0x3FA9] =	sst s6  }
0xf: {  	[smem:$0x3FAA] =	sst s7  }
0x10: {  	[smem:$0x3FAB] =	sst s8  }
0x11: {  	[smem:$0x3FAC] =	sst s9;
	s0 =	simm.s32 @!p0 $0x0  }
0x12: {  	s1 =	sld [smem:$0x3F92];
	s0 =	simm.s32 @p0 $0x1  }
0x13: {  	[smem:$0x3FAD] =	sst s0;
	s0 =	simm.s32 @!p1 $0x0  }
0x14: {  	s2 =	sld [smem:$0x3F91];
	s0 =	simm.s32 @p1 $0x1  }
0x15: {  	[smem:$0x3FAE] =	sst s0;
	s0 =	simm.s32 @!p2 $0x0  }
0x16: {  	s3 =	sld [smem:$0x3FDB];
	s0 =	simm.s32 @p2 $0x1  }
0x17: {  	s4 =	simm.s32 $0x1BF5;
	[smem:$0x3FB0] =	sst s0  }
0x18: {  	s0 =	sld [smem:$0x3F93];
	_ =	swait.ge [sflag:s4], $0x0  }
0x19: {  	s7 =	sld [smem:$0x3F94]  }
0x1a: {  	s8 =	sadd.s32 $0xFFFFE003, lr  }
0x1b: {  	s9 =	sadd.s32 $0xFFFFFEF7, lr;
	s5 =	simm.s32 $0xFFFFFFFF;
	p2 =	slt.u32 s8, $0xFFFFF086  }
0x1c: {  	p1 =	slt.u32 s9, $0xF7A;
	s5 =	simm.s32 @!p2 $0x0  }
0x1d: {  	s5 =	simm.s32 @p1 $0x1;
	p0 =	seq.s32 s7, s2  }
0x1e: {  	s7 =	smul.u32 @!p0 $0xF7A, s2;
	p2 =	seq.s32 @!p0 s5, $0x0  }
0x1f: {  	s9 =	smul.u32 $0xF7A, s1;
	s8 =	simm.s32 @!p0 $0x1BF5;
	p2 =	por !p2, p0  }
0x20: {  	[sflag:s8] =	ssyncset.s32 @!p0 $0xFFFFF086;
	s6 =	sadd.s32 @!p0 s3, s7;
	s7 =	simm.s32 @!p0 $0x108  }
0x21: {  	s3 =	sadd.s32 s3, s9;
	s6 =	sadd.s32 @!p0 $0x88, s6;
	s7 =	simm.s32 @p2 $0x1082  }
0x22: {  	[simem:s7], [sflag:s8] =	dma.local @!p0 [hbm:s6], $0xF7A  }
0x23: {  	s9 =	sor.u32 $0xD0000000, s2;
	s6 =	simm.s32 $0x108;
	_ =	swait.ge @!p0 [sflag:s8], $0x0  }
0x24: {  	s3 =	sadd.s32 $0x88, s3;
	s6 =	simm.s32 @!p1 $0x1082;
	[sflag:s4] =	ssyncset.s32 $0xFFFFF086  }
0x25: {  	[simem:s6], [sflag:s4] =	dma.local [hbm:s3], $0xF7A  }
0x26: {  	[smem:$0x3F94] =	sst s1;
	(tag) =	ssettag s2;
	_ =	strace s9  }
0x27: {  	s1 =	sld [smem:$0x3FA4]  }
0x28: {  	s2 =	sld [smem:$0x3FA5]  }
0x29: {  	s4 =	sld [smem:$0x3FA7]  }
0x2a: {  	p0 =	seq.s32 s5, $0x0;
	s5 =	sld [smem:$0x3FA8]  }
0x2b: {  	s6 =	sld [smem:$0x3FA9]  }
0x2c: {  	s7 =	sld [smem:$0x3FAA]  }
0x2d: {  	s3 =	simm.s32 $0x108;
	s8 =	sld [smem:$0x3FAB]  }
0x2e: {  	s3 =	simm.s32 @!p0 $0x1082;
	s9 =	sld [smem:$0x3FAC]  }
0x2f: {  	lr =	sadd.s32 s0, s3;
	s0 =	sld [smem:$0x3FA3]  }
0x30: {  	s3 =	sld [smem:$0x3FA6]  }
0x31: {  	[smem:$0x3FAF] =	sst s10  }
0x32: {  	s10 =	sld [smem:$0x3FAD];
	_ =	sdelay $0x3  }
0x33: {  	p0 =	seq.s32 s10, $0x1;
	s10 =	sld [smem:$0x3FAF];
	_ =	sdelay $0x3  }
0x34: {  	[smem:$0x3FAF] =	sst s10  }
0x35: {  	s10 =	sld [smem:$0x3FAE];
	_ =	sdelay $0x3  }
0x36: {  	p1 =	seq.s32 s10, $0x1;
	s10 =	sld [smem:$0x3FAF];
	_ =	sdelay $0x3  }
0x37: {  	[smem:$0x3FAF] =	sst s10  }
0x38: {  	s10 =	sld [smem:$0x3FB0]  }
0x39: {  	_ = 	snop;
	(pc) =	sbr.ind lr, $3  }
0x3a: {  	_ = 	snop  }
0x3b: {  	_ = 	snop  }
0x3c: {  	p2 =	seq.s32 s10, $0x1;
	s10 =	sld [smem:$0x3FAF]  }
0x3d: {  	_ =	shalt  }
0x3e: {  	_ =	shalt  }
0x3f: {  	_ =	shalt  }
0x40: {  	_ =	shalt  }
0x41: {  	_ =	shalt  }
0x42: {  	_ =	shalt  }
0x43: {  	_ =	shalt  }
0x44: {  	_ =	shalt  }
0x45: {  	_ =	shalt  }
0x46: {  	_ =	shalt  }
0x47: {  	_ =	shalt  }
0x48: {  	_ =	shalt  }
0x49: {  	_ =	shalt  }
0x4a: {  	_ =	shalt  }
0x4b: {  	_ =	shalt  }
0x4c: {  	_ =	shalt  }
0x4d: {  	_ =	shalt  }
0x4e: {  	_ =	shalt  }
0x4f: {  	_ =	shalt  }
0x50: {  	_ =	shalt  }
0x51: {  	_ =	shalt  }
0x52: {  	_ =	shalt  }
0x53: {  	_ =	shalt  }
0x54: {  	_ =	shalt  }
0x55: {  	_ =	shalt  }
0x56: {  	_ =	shalt  }
0x57: {  	_ =	shalt  }
0x58: {  	_ =	shalt  }
0x59: {  	_ =	shalt  }
0x5a: {  	_ =	shalt  }
0x5b: {  	_ =	shalt  }
0x5c: {  	_ =	shalt  }
0x5d: {  	_ =	shalt  }
0x5e: {  	_ =	shalt  }
0x5f: {  	_ =	shalt  }
0x60: {  	_ =	shalt  }
0x61: {  	_ =	shalt  }
0x62: {  	_ =	shalt  }
0x63: {  	_ =	shalt  }
0x64: {  	_ =	shalt  }
0x65: {  	_ =	shalt  }
0x66: {  	_ =	shalt  }
0x67: {  	_ =	shalt  }
0x68: {  	_ =	shalt  }
0x69: {  	_ =	shalt  }
0x6a: {  	_ =	shalt  }
0x6b: {  	_ =	shalt  }
0x6c: {  	_ =	shalt  }
0x6d: {  	_ =	shalt  }
0x6e: {  	_ =	shalt  }
0x6f: {  	_ =	shalt  }
0x70: {  	_ =	shalt  }
0x71: {  	_ =	shalt  }
0x72: {  	_ =	shalt  }
0x73: {  	_ =	shalt  }
0x74: {  	_ =	shalt  }
0x75: {  	_ =	shalt  }
0x76: {  	_ =	shalt  }
0x77: {  	_ =	shalt  }
0x78: {  	_ =	shalt  }
0x79: {  	_ =	shalt  }
0x7a: {  	_ =	shalt  }
0x7b: {  	_ =	shalt  }
0x7c: {  	_ =	shalt  }
0x7d: {  	_ =	shalt  }
0x7e: {  	_ =	shalt  }
0x7f: {  	_ =	shalt  }
0x80: {  	_ =	shalt  }
0x81: {  	_ =	shalt  }
0x82: {  	_ =	shalt  }
0x83: {  	_ =	shalt  }
0x84: {  	_ =	shalt  }
0x85: {  	_ =	shalt  }
0x86: {  	_ =	shalt  }
0x87: {  	_ =	shalt  }
.Lfunc_end0:
.L_simem_size_0:
called_computation_lowered:
.L_overlay_start_0:
0x88: {  	s2 =	sld [smem:$0x3FD9]  }
0x89: {  	s3 =	sld [smem:$0x3FFE];
	_ =	sdelay $0x1  }
0x8a: {  	s1 =	srdreg.scid  }
0x8b: {  	s0 =	sand.u32 $0x1, s1  }
0x8c: {  	s14 =	sshll.u32 s0, $0xA;
	s2 =	sadd.s32 s3, s2  }
0x8d: {  	s2 =	sadd.s32 s2, s14  }
0x8e: {  	[smem:$0x3FBB] =	sst s2  }
0x8f: {  	_ = 	snop  }
0x90: {  	s2 =	sld [smem:$0x3FD0];
	_ =	sdelay $0x2  }
0x91: {  	s15 =	simm.s32 $0xA;
	s4 =	simm.s32 $0x10  }
0x92: {  	[smem:s4], [sflag:s15] =	dma.local [hbm:s2], $0x1  }
0x93: {  	_ =	swait.eq [sflag:s15], $0x1  }
0x94: {  	[sflag:s15] =	ssyncset.done $0x0  }
0x95: {  	[sflag:s15] =	ssyncadd.s32 $0xFFFFFFFF  }
0x96: {  	s16 =	sld [smem:$0x11];
	(tm) =	ssettm $0x1  }
0x97: {  	s17 =	sld [smem:$0x3FFB];
	_ =	sdelay $0x3  }
0x98: {  	_ =	strace s17  }
0x99: {  	s3 =	sld [smem:$0x3FFC];
	_ =	sdelay $0x3  }
0x9a: {  	_ =	strace s3  }
0x9b: {  	s3 =	sld [smem:$0x3FFD];
	_ =	sdelay $0x3  }
0x9c: {  	_ =	strace s3  }
0x9d: {  	_ =	strace $0x8FFFFFFF  }
0x9e: {  	s18 =	sld [smem:$0x3FDB];
	_ =	sdelay $0x1  }
0x9f: {  	s19 =	simm.s32 $_scs_section_size  }
0xa0: {  	s5 =	simm.s32 $_size__tile_overlayer_lowered;
	s6 =	simm.s32 $_tile_overlayer_lowered  }
0xa1: {  	s22 =	simm.s32 $0x1BFF;
	s21 =	sshll.u32 s6, $0x1;
	s3 =	sadd.s32 s19, s18  }
0xa2: {  	s7 =	simm.s32 $0x0;
	s20 =	sshll.u32 s5, $0x1;
	s5 =	sadd.s32 s21, s3  }
0xa3: {  	[timem:s7], [sflag:s22] =	dma.local [hbm:s5], s20  }
0xa4: {  	_ =	swait.ge [sflag:s22], s20  }
0xa5: {  	s4 =	ssub.s32 $0x0, s20;
	[sflag:s22] =	ssyncset.done $0x0  }
0xa6: {  	[sflag:s22] =	ssyncadd.s32 s4;
	_ =	sdelay $0x1  }
0xa7: {  	s23 =	simm.s32 $0x1B8B  }
0xa8: {  	_ =	swait.ge [sflag:s23], $0x1  }
0xa9: {  	[sflag:s23] =	ssyncset.done $0x0  }
0xaa: {  	s25 =	simm.s32 $0x1B8E;
	s24 =	sld [smem:$0x3FFE];
	[sflag:s23] =	ssyncadd.s32 $0xFFFFFFFF  }
0xab: {  	s26 =	simm.s32 $execute0_lowered;
	[smem:$0x3FD2] =	sst s25  }
0xac: {  	s5 =	sshll.u32 s26, $0x1;
	_ =	strace $0x80000046;
	[dreg:$0x1] =	wrdreg $0xFFFFFFFF  }
0xad: {  	s28 =	simm.s32 $_size_execute0_lowered;
	s3 =	sadd.s32 s3, s5;
	[dreg:$0x0] =	wrdreg $0x0  }
0xae: {  	s5 =	sshll.u32 s28, $0x1;
	[dreg:$0x2] =	wrdreg s3  }
0xaf: {  	[dreg:$0x3] =	wrdreg s5  }
0xb0: {  	[dreg:$0x4] =	wrdreg $0xC0  }
0xb1: {  	_ =	task [dreg:s7], $0x5FFFF  }
0xb2: {  	[dreg:$0x1] =	wrdreg $0xFFFFFFFF  }
0xb3: {  	[dreg:$0x0] =	wrdreg $0x60  }
0xb4: {  	[dreg:$0x2] =	wrdreg s24  }
0xb5: {  	[dreg:$0x3] =	wrdreg s16  }
0xb6: {  	[dreg:$0x4] =	wrdreg $0x87000  }
0xb7: {  	[dreg:$0x5] =	wrdreg $0x1C7000  }
0xb8: {  	[dreg:$0x6] =	wrdreg $0x9  }
0xb9: {  	_ =	task.clear_ibuf [dreg:s7], $0x7FFFF;
	_ =	strace $0x90000046  }
0xba: {  	s29 =	simm.s32 $0x9;
	_ =	strace $0x80000048  }
0xbb: {  	_ =	swait.ge [sflag:s29], $0x1  }
0xbc: {  	[sflag:s29] =	ssyncadd.s32 $0xFFFFFFFF  }
0xbd: {  	_ =	strace $0x90000048  }
0xbe: {  	_ =	sfence  }
0xbf: {  	s30 =	sld [smem:$0x0];
	_ =	sdelay $0x2  }
0xc0: {  	s31 =	sshll.u32 s1, $0xD;
	s1 =	sshrl.u32 s1, $0x2  }
0xc1: {  	s3 =	sand.u32 $0x4000, s31;
	s1 =	sadd.s32 s1, s30  }
0xc2: {  	s0 =	sor.u32 s3, s0;
	s1 =	sshll.u32 s1, $0x11  }
0xc3: {  	s0 =	sor.u32 s1, s0  }
0xc4: {  	s0 =	sadd.s32 $0x8F2B, s0  }
0xc5: {  	[sflag:s0] =	ssyncadd.remote.s32 $0x1  }
0xc6: {  	_ =	sfence.sel $0xFFFF  }
0xc7: {  	[dreg:$0x0] =	wrdreg $0xFFFFFFFF;
	(pc) =	sbr.abs _section_cstart, $3  }
0xc8: {  	[dreg:$0x1] =	wrdreg $0xFFFFFFFF  }
0xc9: {  	_ =	task.clear_ibuf [dreg:s7], $0x2FFFF;
	_ =	strace $0x9FFFFFFF  }
0xca: {  	(tm) =	ssettm $0x7FFFFFFF  }
0xcb: {  	_ =	shalt  }
tec
execute0_lowered:
.L_overlay_start_1:
0x0: {  	(tag) =	ssettag $0x1  }
0x1: {  	s1 =	rddreg [dreg:$0x0]  }
0x2: {  	s0 =	rddreg [dreg:$0x1]  }
0x3: {  	s3 =	rddreg [dreg:$0x2]  }
0x4: {  	s2 =	srdreg.scid;
	s15 =	stileid.u32  }
0x5: {  	s4 =	rddreg [dreg:$0x3];
	s8 =	smul.u32 $0x14000, s15  }
0x6: {  	s5 =	simm.s32 $0x0;
	s28 =	simm.s32 $0x4;
	s9 =	smul.u32 $0x500, s15  }
0x7: {  	s29 =	simm.s32 $0x200;
	s30 =	simm.s32 $0x80;
	s23 =	smul.u32 $0x50000, s15  }
0x8: {  	s31 =	simm.s32 $0x280;
	s2 =	sand.u32 $0x1, s2;
	s17 =	smul.u32 $0xA00, s15  }
0x9: {  	[smem:$0x7FF] =	sst s5;
	s6 =	sadd.s32 $0xC800, s1;
	s7 =	smul.u32 $0x140000, s2  }
0xa: {  	_ =	strace $0x80000047;
	s10 =	sshll.u32 s2, $0x7;
	s11 =	sshll.u32 s2, $0x4  }
0xb: {  	s12 =	ssub.s32 $0x2, s2;
	s2 =	smul.u32 $0x5000, s2;
	s10 =	sor.u32 s10, s9  }
0xc: {  	s11 =	sor.u32 s15, s11;
	s13 =	sshrl.u32 s12, $0x1;
	s16 =	sshrl.u32 s23, $0x2  }
0xd: {  	s8 =	sadd.s32 s8, s7;
	s7 =	sadd.s32 $0x2A00, s1;
	s10 =	sshrl.u32 s10, $0x3  }
0xe: {  	s14 =	smul.u32 $0x500, s11;
	p0 =	seq.s32 s11, $0x1F;
	s2 =	sadd.s32 s9, s2  }
0xf: {  	s9 =	simm.s32 $0x380;
	s8 =	sshrl.u32 s8, $0x3;
	[dreg:$0x11] =	wrdreg s2  }
0x10: {  	s2 =	simm.s32 $0x300;
	s8 =	sadd.s32 s8, s1;
	s18 =	sadd.s32 s7, s14  }
0x11: {  	s19 =	sadd.s32 s0, s14;
	s20 =	sor.u32 $0x10, s14;
	[dreg:$0x5] =	wrdreg s18  }
0x12: {  	s1 =	sadd.s32 s10, s1;
	[dreg:$0x6] =	wrdreg s19;
	s21 =	sadd.s32 s7, s20  }
0x13: {  	s22 =	sor.u32 $0x20, s14;
	s11 =	sadd.s32 s0, s20;
	[dreg:$0x7] =	wrdreg s21  }
0x14: {  	s10 =	ssub.s32 s12, s13;
	s24 =	sadd.s32 s7, s22;
	[dreg:$0x8] =	wrdreg s11  }
0x15: {  	s26 =	sor.u32 $0x30, s14;
	s25 =	sadd.s32 s0, s22;
	[dreg:$0x9] =	wrdreg s24  }
0x16: {  	s12 =	simm.s32 $0x4;
	s14 =	sadd.s32 s7, s26;
	[dreg:$0xa] =	wrdreg s25  }
0x17: {  	s13 =	simm.s32 $0x2;
	s12 =	simm.s32 @!p0 $0x13;
	[dreg:$0xb] =	wrdreg s14  }
0x18: {  	s20 =	sadd.s32 s16, s3;
	s1 =	sadd.s32 $0x34800, s1;
	[dreg:$0x10] =	wrdreg s12  }
0x19: {  	s16 =	simm.s32 $0x5;
	s11 =	sadd.s32 s0, s26;
	[dreg:$0x15] =	wrdreg s1  }
0x1a: {  	s18 =	sadd.s32 $0x4000, s20;
	s19 =	sadd.s32 $0x8000, s20;
	[dreg:$0xc] =	wrdreg s20  }
0x1b: {  	s21 =	sshrl.u32 s17, $0x2;
	s22 =	sadd.s32 $0xC000, s20;
	[dreg:$0xd] =	wrdreg s11  }
0x1c: {  	s24 =	sadd.s32 $0x35200, s8;
	s25 =	smax.u32 s10, $0x1;
	[dreg:$0xe] =	wrdreg s18  }
0x1d: {  	s26 =	sadd.s32 $0x10000, s20;
	s1 =	simm.s32 $0x100;
	[dreg:$0xf] =	wrdreg s19  }
0x1e: {  	s8 =	simm.s32 $0x180;
	s10 =	simm.s32 $0x400;
	[dreg:$0x12] =	wrdreg s22  }
0x1f: {  	s12 =	simm.s32 $0x1;
	s14 =	simm.s32 $0x4400;
	[dreg:$0x14] =	wrdreg s24  }
0x20: {  	s17 =	simm.s32 $0x8400;
	s23 =	sadd.s32 s21, s4;
	[dreg:$0x16] =	wrdreg s25  }
0x21: {  	[dreg:$0x17] =	wrdreg s26;
	s11 =	simm.s32 $0x9;
	s18 =	simm.s32 $0x3  }
0x22: {  	s21 =	simm.s32 $0x7;
	s24 =	simm.s32 $0x8;
	s19 =	simm.s32 $0x0  }
0x23: {  	v0 =	vimm.f32 $0.0e+00;
	v1 =	vimm.f32 $1.000000000e+00;
	s25 =	simm.s32 $0x20;
	[dreg:$0x13] =	wrdreg s23;
	s23 =	simm.s32 $0x6  }
.LBB2_1:
0x24: {  	[dreg:$0x18] =	wrdreg s19  }
0x25: {  	s15 =	rddreg [dreg:$0x5]  }
0x26: {  	[tilespmem:s5], [sflag:$0x1] =	stream.linear.gather [hbm4b:s15+s5], $0x80, $0x38;
	[tilespmem:$0x1C980] =	vst v63  }
0x27: {  	s26 =	rddreg [dreg:$0x6]  }
0x28: {  	[tilespmem:s29], [sflag:$0x1] =	stream.linear.gather [hbm4b:s26+s5], $0x80, $0x38;
	[tilespmem:$0x1C980] =	vst v63  }
0x29: {  	s19 =	rddreg [dreg:$0x7]  }
0x2a: {  	[tilespmem:s30], [sflag:$0x2] =	stream.linear.gather [hbm4b:s19+s5], $0x80, $0x38;
	[tilespmem:$0x1C980] =	vst v63  }
0x2b: {  	s22 =	rddreg [dreg:$0x8]  }
0x2c: {  	[tilespmem:s31], [sflag:$0x2] =	stream.linear.gather [hbm4b:s22+s5], $0x80, $0x38;
	[tilespmem:$0x1C980] =	vst v63  }
0x2d: {  	s26 =	rddreg [dreg:$0x9]  }
0x2e: {  	[tilespmem:s1], [sflag:$0x3] =	stream.linear.gather [hbm4b:s26+s5], $0x80, $0x38;
	[tilespmem:$0x1C980] =	vst v63  }
0x2f: {  	s19 =	rddreg [dreg:$0xa]  }
0x30: {  	[tilespmem:s2], [sflag:$0x3] =	stream.linear.gather [hbm4b:s19+s5], $0x80, $0x38;
	[tilespmem:$0x1C980] =	vst v63  }
0x31: {  	s22 =	rddreg [dreg:$0xb]  }
0x32: {  	[tilespmem:s8], [sflag:$0x4] =	stream.linear.gather [hbm4b:s22+s5], $0x80, $0x38;
	[tilespmem:$0x1C980] =	vst v63  }
0x33: {  	s26 =	rddreg [dreg:$0xd];
	s19 =	simm.s32 $0x0;
	s22 =	simm.s32 $0x200  }
0x34: {  	[tilespmem:s9], [sflag:$0x4] =	stream.linear.gather [hbm4b:s26+s5], $0x80, $0x38;
	[tilespmem:$0x1C980] =	vst v63  }
.LBB2_2:
0x35: {  	p0 =	sne.s32 s22, $0xFE00;
	[tilespmem:s19+$0x470] =	vst v0  }
0x36: {  	[tilespmem:s19+$0x400] =	vst v0  }
0x37: {  	[tilespmem:s19+$0x410] =	vst v0  }
.Ltmp0:
0x38: {  	[tilespmem:s19+$0x420] =	vst v0;
	(pc) =	sbr.rel @p0 .LBB2_2-.Ltmp0, $4  }
0x39: {  	[tilespmem:s19+$0x430] =	vst v0  }
0x3a: {  	[tilespmem:s19+$0x440] =	vst v0  }
0x3b: {  	[tilespmem:s19+$0x450] =	vst v0  }
0x3c: {  	[tilespmem:s19+$0x460] =	vst v0;
	s19 =	sshra.s32 s22, $0x2;
	s22 =	sadd.s32 $0x200, s22  }
0x3d: {  	[tilespmem:s19+$0x470] =	vst v0  }
0x3e: {  	[tilespmem:s19+$0x400] =	vst v0  }
0x3f: {  	[tilespmem:s19+$0x410] =	vst v0  }
0x40: {  	[tilespmem:s19+$0x420] =	vst v0  }
0x41: {  	[tilespmem:s19+$0x430] =	vst v0  }
0x42: {  	[tilespmem:s19+$0x440] =	vst v0  }
0x43: {  	[tilespmem:s19+$0x450] =	vst v0  }
0x44: {  	[tilespmem:s19+$0x460] =	vst v0  }
0x45: {  	[spmem:s20] =	stream.linear.scatter [tilespmem:s10], [sflag:$0x9], $0x4000, $0x38;
	[tilespmem:$0x1C980] =	vst v63  }
0x46: {  	_ =	swait.ge [sflag:s11], $0x4000  }
0x47: {  	[sflag:s11] =	ssyncset.done $0x0  }
0x48: {  	s15 =	rddreg [dreg:$0xe];
	[sflag:s11] =	ssyncadd.s32 $0xFFFFC000  }
0x49: {  	[spmem:s15] =	stream.linear.scatter [tilespmem:s10], [sflag:$0x9], $0x4000, $0x38;
	[tilespmem:$0x1C980] =	vst v63  }
0x4a: {  	_ =	swait.ge [sflag:s11], $0x4000  }
0x4b: {  	[sflag:s11] =	ssyncset.done $0x0  }
0x4c: {  	s20 =	rddreg [dreg:$0xf];
	[sflag:s11] =	ssyncadd.s32 $0xFFFFC000  }
0x4d: {  	[spmem:s20] =	stream.linear.scatter [tilespmem:s10], [sflag:$0x9], $0x4000, $0x38;
	[tilespmem:$0x1C980] =	vst v63  }
0x4e: {  	_ =	swait.ge [sflag:s11], $0x4000  }
0x4f: {  	[sflag:s11] =	ssyncset.done $0x0  }
0x50: {  	s22 =	rddreg [dreg:$0x12];
	[sflag:s11] =	ssyncadd.s32 $0xFFFFC000  }
0x51: {  	[spmem:s22] =	stream.linear.scatter [tilespmem:s10], [sflag:$0x9], $0x4000, $0x38;
	[tilespmem:$0x1C980] =	vst v63  }
0x52: {  	_ =	swait.ge [sflag:s11], $0x4000  }
0x53: {  	[sflag:s11] =	ssyncset.done $0x0  }
0x54: {  	s26 =	rddreg [dreg:$0x17];
	[sflag:s11] =	ssyncadd.s32 $0xFFFFC000  }
0x55: {  	[spmem:s26] =	stream.linear.scatter [tilespmem:s10], [sflag:$0x9], $0x4000, $0x38;
	[tilespmem:$0x1C980] =	vst v63  }
0x56: {  	_ =	swait.ge [sflag:s11], $0x4000  }
0x57: {  	[sflag:s11] =	ssyncset.done $0x0  }
0x58: {  	[sflag:s11] =	ssyncadd.s32 $0xFFFFC000  }
0x59: {  	[tilespmem:$0x8480] =	vst v0  }
0x5a: {  	[tilespmem:$0x8490] =	vst v0  }
0x5b: {  	[tilespmem:$0x84A0] =	vst v0  }
0x5c: {  	[tilespmem:$0x84B0] =	vst v0  }
0x5d: {  	[tilespmem:$0x84C0] =	vst v0  }
0x5e: {  	[tilespmem:$0x84D0] =	vst v0  }
0x5f: {  	[tilespmem:$0x84E0] =	vst v0  }
0x60: {  	[tilespmem:$0x84F0] =	vst v0  }
0x61: {  	[tilespmem:$0x8500] =	vst v0  }
0x62: {  	[tilespmem:$0x8510] =	vst v0  }
0x63: {  	[tilespmem:$0x8520] =	vst v0  }
0x64: {  	[tilespmem:$0x8530] =	vst v0  }
0x65: {  	[tilespmem:$0x8540] =	vst v0  }
0x66: {  	[tilespmem:$0x8550] =	vst v0  }
0x67: {  	[tilespmem:$0x8560] =	vst v0  }
0x68: {  	[tilespmem:$0x8570] =	vst v0  }
0x69: {  	[tilespmem:$0x8580] =	vst v0  }
0x6a: {  	[tilespmem:$0x8590] =	vst v0  }
0x6b: {  	[tilespmem:$0x85A0] =	vst v0  }
0x6c: {  	[tilespmem:$0x85B0] =	vst v0  }
0x6d: {  	[tilespmem:$0x85C0] =	vst v0  }
0x6e: {  	[tilespmem:$0x85D0] =	vst v0  }
0x6f: {  	[tilespmem:$0x85E0] =	vst v0  }
0x70: {  	[tilespmem:$0x85F0] =	vst v0  }
0x71: {  	[tilespmem:$0x8600] =	vst v0  }
0x72: {  	[tilespmem:$0x8610] =	vst v0  }
0x73: {  	[tilespmem:$0x8620] =	vst v0  }
0x74: {  	[tilespmem:$0x8630] =	vst v0  }
0x75: {  	[tilespmem:$0x8640] =	vst v0  }
0x76: {  	[tilespmem:$0x8650] =	vst v0  }
0x77: {  	[tilespmem:$0x8660] =	vst v0  }
0x78: {  	[tilespmem:$0x8670] =	vst v0  }
0x79: {  	[tilespmem:$0x8680] =	vst v0  }
0x7a: {  	[tilespmem:$0x8690] =	vst v0  }
0x7b: {  	[tilespmem:$0x86A0] =	vst v0  }
0x7c: {  	[tilespmem:$0x86B0] =	vst v0  }
0x7d: {  	[tilespmem:$0x86C0] =	vst v0  }
0x7e: {  	[tilespmem:$0x86D0] =	vst v0  }
0x7f: {  	[tilespmem:$0x86E0] =	vst v0  }
0x80: {  	[tilespmem:$0x86F0] =	vst v0  }
0x81: {  	[tilespmem:$0x8400] =	vst v1  }
0x82: {  	[tilespmem:$0x8410] =	vst v1  }
0x83: {  	[tilespmem:$0x8420] =	vst v1  }
0x84: {  	[tilespmem:$0x8430] =	vst v1  }
0x85: {  	[tilespmem:$0x8440] =	vst v1  }
0x86: {  	[tilespmem:$0x8450] =	vst v1  }
0x87: {  	[tilespmem:$0x8460] =	vst v1  }
0x88: {  	s20 =	simm.s32 $0x8480;
	s15 =	rddreg [dreg:$0x13];
	[tilespmem:$0x8470] =	vst v1  }
0x89: {  	[spmem:s15] =	stream.linear.scatter [tilespmem:s20], [sflag:$0x9], $0x280, $0x38;
	[tilespmem:$0x1C980] =	vst v63  }
0x8a: {  	_ =	swait.ge [sflag:s11], $0x280  }
0x8b: {  	[sflag:s11] =	ssyncset.done $0x0  }
0x8c: {  	[sflag:s11] =	ssyncadd.s32 $0xFFFFFD80  }
0x8d: {  	_ =	swait.ge [sflag:s12], $0x80  }
0x8e: {  	[sflag:s12] =	ssyncset.done $0x0  }
0x8f: {  	[sflag:s12] =	ssyncadd.s32 $0xFFFFFF80  }
0x90: {  	_ =	swait.ge [sflag:s12], $0x80  }
0x91: {  	[sflag:s12] =	ssyncset.done $0x0  }
0x92: {  	[sflag:s12] =	ssyncadd.s32 $0xFFFFFF80  }
0x93: {  	[tilespmem:s10], [sflag:$0x5] =	stream.indirect.gather [hbm4b:s6+s30], $0x80, s5, s30, $0xb8;
	[tilespmem:$0x1C980] =	vst v63  }
0x94: {  	_ =	swait.ge [sflag:s13], $0x80  }
0x95: {  	[sflag:s13] =	ssyncset.done $0x0  }
0x96: {  	[sflag:s13] =	ssyncadd.s32 $0xFFFFFF80  }
0x97: {  	_ =	swait.ge [sflag:s13], $0x80  }
0x98: {  	[sflag:s13] =	ssyncset.done $0x0  }
0x99: {  	[sflag:s13] =	ssyncadd.s32 $0xFFFFFF80  }
0x9a: {  	[tilespmem:s14], [sflag:$0x6] =	stream.indirect.gather [hbm4b:s6+s30], $0x80, s30, s30, $0xb8;
	[tilespmem:$0x1C980] =	vst v63  }
0x9b: {  	[bflag:$0x0] =	sbarrier.arrive $0xFFFF  }
0x9c: {  	_ =	swait.ge [sflag:s16], $0x4000  }
0x9d: {  	[sflag:s16] =	ssyncset.done $0x0  }
0x9e: {  	[sflag:s16] =	ssyncadd.s32 $0xFFFFC000  }
0x9f: {  	[spmem:s3] =	stream.indirect.scatter.add.f32 [tilespmem:s10], [sflag:$0x7], $0x80, s29, s30, $0xb8;
	[tilespmem:$0x1C980] =	vst v63  }
0xa0: {  	_ = 	snop  }
0xa1: {  	[spmem:s4] =	stream.indirect.scatter.add.f32 [tilespmem:s17], [sflag:$0x9], $0x1, s29, s30, $0xb8;
	[tilespmem:$0x1C980] =	vst v63  }
0xa2: {  	_ =	swait.ge [sflag:s11], $0x80  }
0xa3: {  	[sflag:s11] =	ssyncset.done $0x0  }
0xa4: {  	[sflag:s11] =	ssyncadd.s32 $0xFFFFFF80  }
0xa5: {  	_ =	swait.ge [sflag:s18], $0x80  }
0xa6: {  	[sflag:s18] =	ssyncset.done $0x0  }
0xa7: {  	[sflag:s18] =	ssyncadd.s32 $0xFFFFFF80  }
0xa8: {  	_ =	swait.ge [sflag:s18], $0x80  }
0xa9: {  	[sflag:s18] =	ssyncset.done $0x0  }
0xaa: {  	[sflag:s18] =	ssyncadd.s32 $0xFFFFFF80  }
0xab: {  	_ =	swait.ge [sflag:s21], $0x4000  }
0xac: {  	s20 =	rddreg [dreg:$0x11]  }
0xad: {  	[sflag:s21] =	ssyncset.done $0x0;
	s26 =	sadd.s32 $0x40, s20  }
0xae: {  	[sflag:s21] =	ssyncadd.s32 $0xFFFFC000;
	s15 =	sand.u32 $0x1FFFFFC0, s26  }
0xaf: {  	[tilespmem:s10], [sflag:$0x5] =	stream.indirect.gather [hbm4b:s6+s30], $0x80, s1, s30, $0xb8;
	[tilespmem:$0x1C980] =	vst v63  }
0xb0: {  	s22 =	sadd.s32 s7, s15  }
0xb1: {  	[tilespmem:s5], [sflag:$0x1] =	stream.linear.gather [hbm4b:s22+s5], $0x80, $0x38;
	[tilespmem:$0x1C980] =	vst v63  }
0xb2: {  	s15 =	sadd.s32 s0, s15  }
0xb3: {  	[tilespmem:s29], [sflag:$0x1] =	stream.linear.gather [hbm4b:s15+s5], $0x80, $0x38;
	[tilespmem:$0x1C980] =	vst v63  }
0xb4: {  	_ =	swait.ge [sflag:s23], $0x4000  }
0xb5: {  	[sflag:s23] =	ssyncset.done $0x0  }
0xb6: {  	[sflag:s23] =	ssyncadd.s32 $0xFFFFC000  }
0xb7: {  	[spmem:s3] =	stream.indirect.scatter.add.f32 [tilespmem:s14], [sflag:$0x8], $0x80, s31, s30, $0xb8;
	[tilespmem:$0x1C980] =	vst v63  }
0xb8: {  	_ = 	snop  }
0xb9: {  	[spmem:s4] =	stream.indirect.scatter.add.f32 [tilespmem:s17], [sflag:$0x9], $0x1, s31, s30, $0xb8;
	[tilespmem:$0x1C980] =	vst v63  }
0xba: {  	_ =	swait.ge [sflag:s11], $0x80  }
0xbb: {  	[sflag:s11] =	ssyncset.done $0x0  }
0xbc: {  	[sflag:s11] =	ssyncadd.s32 $0xFFFFFF80  }
0xbd: {  	_ =	swait.ge [sflag:s28], $0x80  }
0xbe: {  	[sflag:s28] =	ssyncset.done $0x0  }
0xbf: {  	[sflag:s28] =	ssyncadd.s32 $0xFFFFFF80  }
0xc0: {  	_ =	swait.ge [sflag:s28], $0x80  }
0xc1: {  	[sflag:s28] =	ssyncset.done $0x0  }
0xc2: {  	[sflag:s28] =	ssyncadd.s32 $0xFFFFFF80  }
0xc3: {  	_ =	swait.ge [sflag:s24], $0x4000  }
0xc4: {  	s19 =	sadd.s32 $0x50, s20;
	[sflag:s24] =	ssyncset.done $0x0  }
0xc5: {  	s15 =	sand.u32 $0x1FFFFFD0, s19;
	[sflag:s24] =	ssyncadd.s32 $0xFFFFC000  }
0xc6: {  	[tilespmem:s14], [sflag:$0x6] =	stream.indirect.gather [hbm4b:s6+s30], $0x80, s8, s30, $0xb8;
	[tilespmem:$0x1C980] =	vst v63  }
0xc7: {  	s22 =	sadd.s32 s7, s15  }
0xc8: {  	[tilespmem:s30], [sflag:$0x2] =	stream.linear.gather [hbm4b:s22+s5], $0x80, $0x38;
	[tilespmem:$0x1C980] =	vst v63  }
0xc9: {  	s15 =	sadd.s32 s0, s15  }
0xca: {  	[tilespmem:s31], [sflag:$0x2] =	stream.linear.gather [hbm4b:s15+s5], $0x80, $0x38;
	[tilespmem:$0x1C980] =	vst v63  }
0xcb: {  	_ =	swait.ge [sflag:s16], $0x4000  }
0xcc: {  	[sflag:s16] =	ssyncset.done $0x0  }
0xcd: {  	[sflag:s16] =	ssyncadd.s32 $0xFFFFC000  }
0xce: {  	[spmem:s3] =	stream.indirect.scatter.add.f32 [tilespmem:s10], [sflag:$0x7], $0x80, s2, s30, $0xb8;
	[tilespmem:$0x1C980] =	vst v63  }
0xcf: {  	_ = 	snop  }
0xd0: {  	[spmem:s4] =	stream.indirect.scatter.add.f32 [tilespmem:s17], [sflag:$0x9], $0x1, s2, s30, $0xb8;
	[tilespmem:$0x1C980] =	vst v63  }
0xd1: {  	_ =	swait.ge [sflag:s11], $0x80  }
0xd2: {  	[sflag:s11] =	ssyncset.done $0x0  }
0xd3: {  	[sflag:s11] =	ssyncadd.s32 $0xFFFFFF80  }
0xd4: {  	_ =	swait.ge [sflag:s12], $0x80  }
0xd5: {  	[sflag:s12] =	ssyncset.done $0x0  }
0xd6: {  	[sflag:s12] =	ssyncadd.s32 $0xFFFFFF80  }
0xd7: {  	_ =	swait.ge [sflag:s12], $0x80  }
0xd8: {  	[sflag:s12] =	ssyncset.done $0x0  }
0xd9: {  	[sflag:s12] =	ssyncadd.s32 $0xFFFFFF80  }
0xda: {  	_ =	swait.ge [sflag:s21], $0x4000  }
0xdb: {  	s19 =	sadd.s32 $0x60, s20;
	[sflag:s21] =	ssyncset.done $0x0  }
0xdc: {  	s15 =	sand.u32 $0x1FFFFFE0, s19;
	[sflag:s21] =	ssyncadd.s32 $0xFFFFC000  }
0xdd: {  	[tilespmem:s10], [sflag:$0x5] =	stream.indirect.gather [hbm4b:s6+s30], $0x80, s5, s30, $0xb8;
	[tilespmem:$0x1C980] =	vst v63  }
0xde: {  	s22 =	sadd.s32 s7, s15  }
0xdf: {  	[tilespmem:s1], [sflag:$0x3] =	stream.linear.gather [hbm4b:s22+s5], $0x80, $0x38;
	[tilespmem:$0x1C980] =	vst v63  }
0xe0: {  	s15 =	sadd.s32 s0, s15  }
0xe1: {  	[tilespmem:s2], [sflag:$0x3] =	stream.linear.gather [hbm4b:s15+s5], $0x80, $0x38;
	[tilespmem:$0x1C980] =	vst v63  }
0xe2: {  	_ =	swait.ge [sflag:s23], $0x4000  }
0xe3: {  	[sflag:s23] =	ssyncset.done $0x0  }
0xe4: {  	[sflag:s23] =	ssyncadd.s32 $0xFFFFC000  }
0xe5: {  	[spmem:s3] =	stream.indirect.scatter.add.f32 [tilespmem:s14], [sflag:$0x8], $0x80, s9, s30, $0xb8;
	[tilespmem:$0x1C980] =	vst v63  }
0xe6: {  	_ = 	snop  }
0xe7: {  	[spmem:s4] =	stream.indirect.scatter.add.f32 [tilespmem:s17], [sflag:$0x9], $0x1, s9, s30, $0xb8;
	[tilespmem:$0x1C980] =	vst v63  }
0xe8: {  	_ =	swait.ge [sflag:s11], $0x80  }
0xe9: {  	[sflag:s11] =	ssyncset.done $0x0  }
0xea: {  	[sflag:s11] =	ssyncadd.s32 $0xFFFFFF80  }
0xeb: {  	_ =	swait.ge [sflag:s13], $0x80  }
0xec: {  	[sflag:s13] =	ssyncset.done $0x0  }
0xed: {  	[sflag:s13] =	ssyncadd.s32 $0xFFFFFF80  }
0xee: {  	_ =	swait.ge [sflag:s13], $0x80  }
0xef: {  	[sflag:s13] =	ssyncset.done $0x0  }
0xf0: {  	[sflag:s13] =	ssyncadd.s32 $0xFFFFFF80  }
0xf1: {  	_ =	swait.ge [sflag:s24], $0x4000  }
0xf2: {  	s22 =	rddreg [dreg:$0x10]  }
0xf3: {  	p0 =	sne.s32 s22, $0x1  }
.Ltmp1:
0xf4: {  	s19 =	sadd.s32 $0x70, s20;
	[sflag:s24] =	ssyncset.done $0x0;
	(pc) =	sbr.rel @!p0 .LBB2_5-.Ltmp1, $4  }
0xf5: {  	s15 =	sand.u32 $0x1FFFFFF0, s19;
	[sflag:s24] =	ssyncadd.s32 $0xFFFFC000  }
0xf6: {  	[tilespmem:s14], [sflag:$0x6] =	stream.indirect.gather [hbm4b:s6+s30], $0x80, s30, s30, $0xb8;
	[tilespmem:$0x1C980] =	vst v63  }
0xf7: {  	s20 =	sadd.s32 s7, s15;
	s15 =	sadd.s32 s0, s15;
	s22 =	sadd.s32 $0xFFFFFFFF, s22  }
0xf8: {  	[tilespmem:s8], [sflag:$0x4] =	stream.linear.gather [hbm4b:s20+s5], $0x80, $0x38;
	[tilespmem:$0x1C980] =	vst v63  }
.LBB2_4:
0xf9: {  	p0 =	sne.s32 s22, $0x1;
	s22 =	sadd.s32 $0xFFFFFFFF, s22;
	s19 =	smov.u32 s26  }
0xfa: {  	[tilespmem:s9], [sflag:$0x4] =	stream.linear.gather [hbm4b:s15+s5], $0x80, $0x38;
	[tilespmem:$0x1C980] =	vst v63  }
0xfb: {  	_ =	swait.ge [sflag:s16], $0x4000  }
0xfc: {  	[sflag:s16] =	ssyncset.done $0x0  }
0xfd: {  	[sflag:s16] =	ssyncadd.s32 $0xFFFFC000  }
0xfe: {  	[spmem:s3] =	stream.indirect.scatter.add.f32 [tilespmem:s10], [sflag:$0x7], $0x80, s29, s30, $0xb8;
	[tilespmem:$0x1C980] =	vst v63  }
0xff: {  	_ = 	snop  }
0x100: {  	[spmem:s4] =	stream.indirect.scatter.add.f32 [tilespmem:s17], [sflag:$0x9], $0x1, s29, s30, $0xb8;
	[tilespmem:$0x1C980] =	vst v63  }
0x101: {  	_ =	swait.ge [sflag:s11], $0x80  }
0x102: {  	[sflag:s11] =	ssyncset.done $0x0  }
0x103: {  	[sflag:s11] =	ssyncadd.s32 $0xFFFFFF80  }
0x104: {  	_ =	swait.ge [sflag:s18], $0x80  }
0x105: {  	[sflag:s18] =	ssyncset.done $0x0  }
0x106: {  	[sflag:s18] =	ssyncadd.s32 $0xFFFFFF80  }
0x107: {  	_ =	swait.ge [sflag:s18], $0x80  }
0x108: {  	[sflag:s18] =	ssyncset.done $0x0  }
0x109: {  	[sflag:s18] =	ssyncadd.s32 $0xFFFFFF80  }
0x10a: {  	_ =	swait.ge [sflag:s21], $0x4000  }
0x10b: {  	s26 =	sadd.s32 $0x40, s26;
	[sflag:s21] =	ssyncset.done $0x0  }
0x10c: {  	s15 =	sand.u32 $0x1FFFFFC0, s26;
	[sflag:s21] =	ssyncadd.s32 $0xFFFFC000  }
0x10d: {  	[tilespmem:s10], [sflag:$0x5] =	stream.indirect.gather [hbm4b:s6+s30], $0x80, s1, s30, $0xb8;
	[tilespmem:$0x1C980] =	vst v63  }
0x10e: {  	s20 =	sadd.s32 s7, s15;
	s15 =	sadd.s32 s0, s15  }
0x10f: {  	[tilespmem:s5], [sflag:$0x1] =	stream.linear.gather [hbm4b:s20+s5], $0x80, $0x38;
	[tilespmem:$0x1C980] =	vst v63  }
0x110: {  	_ = 	snop  }
0x111: {  	[tilespmem:s29], [sflag:$0x1] =	stream.linear.gather [hbm4b:s15+s5], $0x80, $0x38;
	[tilespmem:$0x1C980] =	vst v63  }
0x112: {  	_ =	swait.ge [sflag:s23], $0x4000  }
0x113: {  	[sflag:s23] =	ssyncset.done $0x0  }
0x114: {  	[sflag:s23] =	ssyncadd.s32 $0xFFFFC000  }
0x115: {  	[spmem:s3] =	stream.indirect.scatter.add.f32 [tilespmem:s14], [sflag:$0x8], $0x80, s31, s30, $0xb8;
	[tilespmem:$0x1C980] =	vst v63  }
0x116: {  	_ = 	snop  }
0x117: {  	[spmem:s4] =	stream.indirect.scatter.add.f32 [tilespmem:s17], [sflag:$0x9], $0x1, s31, s30, $0xb8;
	[tilespmem:$0x1C980] =	vst v63  }
0x118: {  	_ =	swait.ge [sflag:s11], $0x80  }
0x119: {  	[sflag:s11] =	ssyncset.done $0x0  }
0x11a: {  	[sflag:s11] =	ssyncadd.s32 $0xFFFFFF80  }
0x11b: {  	_ =	swait.ge [sflag:s28], $0x80  }
0x11c: {  	[sflag:s28] =	ssyncset.done $0x0  }
0x11d: {  	[sflag:s28] =	ssyncadd.s32 $0xFFFFFF80  }
0x11e: {  	_ =	swait.ge [sflag:s28], $0x80  }
0x11f: {  	[sflag:s28] =	ssyncset.done $0x0  }
0x120: {  	[sflag:s28] =	ssyncadd.s32 $0xFFFFFF80  }
0x121: {  	_ =	swait.ge [sflag:s24], $0x4000  }
0x122: {  	s15 =	sadd.s32 $0x50, s19;
	[sflag:s24] =	ssyncset.done $0x0  }
0x123: {  	s15 =	sand.u32 $0x1FFFFFD0, s15;
	[sflag:s24] =	ssyncadd.s32 $0xFFFFC000  }
0x124: {  	[tilespmem:s14], [sflag:$0x6] =	stream.indirect.gather [hbm4b:s6+s30], $0x80, s8, s30, $0xb8;
	[tilespmem:$0x1C980] =	vst v63  }
0x125: {  	s20 =	sadd.s32 s7, s15;
	s15 =	sadd.s32 s0, s15  }
0x126: {  	[tilespmem:s30], [sflag:$0x2] =	stream.linear.gather [hbm4b:s20+s5], $0x80, $0x38;
	[tilespmem:$0x1C980] =	vst v63  }
0x127: {  	_ = 	snop  }
0x128: {  	[tilespmem:s31], [sflag:$0x2] =	stream.linear.gather [hbm4b:s15+s5], $0x80, $0x38;
	[tilespmem:$0x1C980] =	vst v63  }
0x129: {  	_ =	swait.ge [sflag:s16], $0x4000  }
0x12a: {  	[sflag:s16] =	ssyncset.done $0x0  }
0x12b: {  	[sflag:s16] =	ssyncadd.s32 $0xFFFFC000  }
0x12c: {  	[spmem:s3] =	stream.indirect.scatter.add.f32 [tilespmem:s10], [sflag:$0x7], $0x80, s2, s30, $0xb8;
	[tilespmem:$0x1C980] =	vst v63  }
0x12d: {  	_ = 	snop  }
0x12e: {  	[spmem:s4] =	stream.indirect.scatter.add.f32 [tilespmem:s17], [sflag:$0x9], $0x1, s2, s30, $0xb8;
	[tilespmem:$0x1C980] =	vst v63  }
0x12f: {  	_ =	swait.ge [sflag:s11], $0x80  }
0x130: {  	[sflag:s11] =	ssyncset.done $0x0  }
0x131: {  	[sflag:s11] =	ssyncadd.s32 $0xFFFFFF80  }
0x132: {  	_ =	swait.ge [sflag:s12], $0x80  }
0x133: {  	[sflag:s12] =	ssyncset.done $0x0  }
0x134: {  	[sflag:s12] =	ssyncadd.s32 $0xFFFFFF80  }
0x135: {  	_ =	swait.ge [sflag:s12], $0x80  }
0x136: {  	[sflag:s12] =	ssyncset.done $0x0  }
0x137: {  	[sflag:s12] =	ssyncadd.s32 $0xFFFFFF80  }
0x138: {  	_ =	swait.ge [sflag:s21], $0x4000  }
0x139: {  	s15 =	sadd.s32 $0x60, s19;
	[sflag:s21] =	ssyncset.done $0x0  }
0x13a: {  	s15 =	sand.u32 $0x1FFFFFE0, s15;
	[sflag:s21] =	ssyncadd.s32 $0xFFFFC000  }
0x13b: {  	[tilespmem:s10], [sflag:$0x5] =	stream.indirect.gather [hbm4b:s6+s30], $0x80, s5, s30, $0xb8;
	[tilespmem:$0x1C980] =	vst v63  }
0x13c: {  	s20 =	sadd.s32 s7, s15;
	s15 =	sadd.s32 s0, s15  }
0x13d: {  	[tilespmem:s1], [sflag:$0x3] =	stream.linear.gather [hbm4b:s20+s5], $0x80, $0x38;
	[tilespmem:$0x1C980] =	vst v63  }
0x13e: {  	_ = 	snop  }
0x13f: {  	[tilespmem:s2], [sflag:$0x3] =	stream.linear.gather [hbm4b:s15+s5], $0x80, $0x38;
	[tilespmem:$0x1C980] =	vst v63  }
0x140: {  	_ =	swait.ge [sflag:s23], $0x4000  }
0x141: {  	[sflag:s23] =	ssyncset.done $0x0  }
0x142: {  	[sflag:s23] =	ssyncadd.s32 $0xFFFFC000  }
0x143: {  	[spmem:s3] =	stream.indirect.scatter.add.f32 [tilespmem:s14], [sflag:$0x8], $0x80, s9, s30, $0xb8;
	[tilespmem:$0x1C980] =	vst v63  }
0x144: {  	_ = 	snop  }
0x145: {  	[spmem:s4] =	stream.indirect.scatter.add.f32 [tilespmem:s17], [sflag:$0x9], $0x1, s9, s30, $0xb8;
	[tilespmem:$0x1C980] =	vst v63  }
0x146: {  	_ =	swait.ge [sflag:s11], $0x80  }
0x147: {  	[sflag:s11] =	ssyncset.done $0x0  }
0x148: {  	[sflag:s11] =	ssyncadd.s32 $0xFFFFFF80  }
0x149: {  	_ =	swait.ge [sflag:s13], $0x80  }
0x14a: {  	[sflag:s13] =	ssyncset.done $0x0  }
0x14b: {  	[sflag:s13] =	ssyncadd.s32 $0xFFFFFF80  }
0x14c: {  	_ =	swait.ge [sflag:s13], $0x80  }
0x14d: {  	[sflag:s13] =	ssyncset.done $0x0  }
0x14e: {  	[sflag:s13] =	ssyncadd.s32 $0xFFFFFF80  }
0x14f: {  	_ =	swait.ge [sflag:s24], $0x4000  }
.Ltmp2:
0x150: {  	s15 =	sadd.s32 $0x70, s19;
	[sflag:s24] =	ssyncset.done $0x0;
	(pc) =	sbr.rel @p0 .LBB2_4-.Ltmp2, $4  }
0x151: {  	s15 =	sand.u32 $0x1FFFFFF0, s15;
	[sflag:s24] =	ssyncadd.s32 $0xFFFFC000  }
0x152: {  	[tilespmem:s14], [sflag:$0x6] =	stream.indirect.gather [hbm4b:s6+s30], $0x80, s30, s30, $0xb8;
	[tilespmem:$0x1C980] =	vst v63  }
0x153: {  	s19 =	sadd.s32 s7, s15;
	s15 =	sadd.s32 s0, s15  }
0x154: {  	[tilespmem:s8], [sflag:$0x4] =	stream.linear.gather [hbm4b:s19+s5], $0x80, $0x38;
	[tilespmem:$0x1C980] =	vst v63  }
.LBB2_5:
0x155: {  	[tilespmem:s9], [sflag:$0x4] =	stream.linear.gather [hbm4b:s15+s5], $0x80, $0x38;
	[tilespmem:$0x1C980] =	vst v63  }
0x156: {  	_ =	swait.ge [sflag:s16], $0x4000  }
0x157: {  	[sflag:s16] =	ssyncset.done $0x0  }
0x158: {  	[sflag:s16] =	ssyncadd.s32 $0xFFFFC000  }
0x159: {  	[spmem:s3] =	stream.indirect.scatter.add.f32 [tilespmem:s10], [sflag:$0x7], $0x80, s29, s30, $0xb8;
	[tilespmem:$0x1C980] =	vst v63  }
0x15a: {  	_ = 	snop  }
0x15b: {  	[spmem:s4] =	stream.indirect.scatter.add.f32 [tilespmem:s17], [sflag:$0x9], $0x1, s29, s30, $0xb8;
	[tilespmem:$0x1C980] =	vst v63  }
0x15c: {  	_ =	swait.ge [sflag:s11], $0x80  }
0x15d: {  	[sflag:s11] =	ssyncset.done $0x0  }
0x15e: {  	[sflag:s11] =	ssyncadd.s32 $0xFFFFFF80  }
0x15f: {  	_ =	swait.ge [sflag:s18], $0x80  }
0x160: {  	[sflag:s18] =	ssyncset.done $0x0  }
0x161: {  	[sflag:s18] =	ssyncadd.s32 $0xFFFFFF80  }
0x162: {  	_ =	swait.ge [sflag:s18], $0x80  }
0x163: {  	[sflag:s18] =	ssyncset.done $0x0  }
0x164: {  	[sflag:s18] =	ssyncadd.s32 $0xFFFFFF80  }
0x165: {  	_ =	swait.ge [sflag:s21], $0x4000  }
0x166: {  	[sflag:s21] =	ssyncset.done $0x0  }
0x167: {  	[sflag:s21] =	ssyncadd.s32 $0xFFFFC000  }
0x168: {  	[tilespmem:s10], [sflag:$0x5] =	stream.indirect.gather [hbm4b:s6+s30], $0x80, s1, s30, $0xb8;
	[tilespmem:$0x1C980] =	vst v63  }
0x169: {  	_ =	swait.ge [sflag:s23], $0x4000  }
0x16a: {  	[sflag:s23] =	ssyncset.done $0x0  }
0x16b: {  	[sflag:s23] =	ssyncadd.s32 $0xFFFFC000  }
0x16c: {  	[spmem:s3] =	stream.indirect.scatter.add.f32 [tilespmem:s14], [sflag:$0x8], $0x80, s31, s30, $0xb8;
	[tilespmem:$0x1C980] =	vst v63  }
0x16d: {  	_ = 	snop  }
0x16e: {  	[spmem:s4] =	stream.indirect.scatter.add.f32 [tilespmem:s17], [sflag:$0x9], $0x1, s31, s30, $0xb8;
	[tilespmem:$0x1C980] =	vst v63  }
0x16f: {  	_ =	swait.ge [sflag:s11], $0x80  }
0x170: {  	[sflag:s11] =	ssyncset.done $0x0  }
0x171: {  	[sflag:s11] =	ssyncadd.s32 $0xFFFFFF80  }
0x172: {  	_ =	swait.ge [sflag:s28], $0x80  }
0x173: {  	[sflag:s28] =	ssyncset.done $0x0  }
0x174: {  	[sflag:s28] =	ssyncadd.s32 $0xFFFFFF80  }
0x175: {  	_ =	swait.ge [sflag:s28], $0x80  }
0x176: {  	[sflag:s28] =	ssyncset.done $0x0  }
0x177: {  	[sflag:s28] =	ssyncadd.s32 $0xFFFFFF80  }
0x178: {  	_ =	swait.ge [sflag:s24], $0x4000  }
0x179: {  	[sflag:s24] =	ssyncset.done $0x0  }
0x17a: {  	[sflag:s24] =	ssyncadd.s32 $0xFFFFC000  }
0x17b: {  	[tilespmem:s14], [sflag:$0x6] =	stream.indirect.gather [hbm4b:s6+s30], $0x80, s8, s30, $0xb8;
	[tilespmem:$0x1C980] =	vst v63  }
0x17c: {  	_ =	swait.ge [sflag:s16], $0x4000  }
0x17d: {  	[sflag:s16] =	ssyncset.done $0x0  }
0x17e: {  	[sflag:s16] =	ssyncadd.s32 $0xFFFFC000  }
0x17f: {  	[spmem:s3] =	stream.indirect.scatter.add.f32 [tilespmem:s10], [sflag:$0x7], $0x80, s2, s30, $0xb8;
	[tilespmem:$0x1C980] =	vst v63  }
0x180: {  	_ = 	snop  }
0x181: {  	[spmem:s4] =	stream.indirect.scatter.add.f32 [tilespmem:s17], [sflag:$0x9], $0x1, s2, s30, $0xb8;
	[tilespmem:$0x1C980] =	vst v63  }
0x182: {  	_ =	swait.ge [sflag:s11], $0x80  }
0x183: {  	[sflag:s11] =	ssyncset.done $0x0  }
0x184: {  	[sflag:s11] =	ssyncadd.s32 $0xFFFFFF80  }
0x185: {  	_ =	swait.ge [sflag:s21], $0x4000  }
0x186: {  	[sflag:s21] =	ssyncset.done $0x0  }
0x187: {  	[sflag:s21] =	ssyncadd.s32 $0xFFFFC000  }
0x188: {  	_ =	swait.ge [sflag:s23], $0x4000  }
0x189: {  	[sflag:s23] =	ssyncset.done $0x0  }
0x18a: {  	[sflag:s23] =	ssyncadd.s32 $0xFFFFC000  }
0x18b: {  	[spmem:s3] =	stream.indirect.scatter.add.f32 [tilespmem:s14], [sflag:$0x8], $0x80, s9, s30, $0xb8;
	[tilespmem:$0x1C980] =	vst v63  }
0x18c: {  	_ = 	snop  }
0x18d: {  	[spmem:s4] =	stream.indirect.scatter.add.f32 [tilespmem:s17], [sflag:$0x9], $0x1, s9, s30, $0xb8;
	[tilespmem:$0x1C980] =	vst v63  }
0x18e: {  	_ =	swait.ge [sflag:s11], $0x80  }
0x18f: {  	[sflag:s11] =	ssyncset.done $0x0  }
0x190: {  	[sflag:s11] =	ssyncadd.s32 $0xFFFFFF80  }
0x191: {  	_ =	swait.ge [sflag:s24], $0x4000  }
0x192: {  	[sflag:s24] =	ssyncset.done $0x0  }
0x193: {  	[sflag:s24] =	ssyncadd.s32 $0xFFFFC000  }
0x194: {  	s22 =	stileid.u32;
	[bflag:$0x0] =	sbarrier.arrive $0xFFFF  }
0x195: {  	s15 =	sshll.u32 s22, $0x6;
	s20 =	rddreg [dreg:$0xc]  }
0x196: {  	s15 =	sor.u32 $0x1C09, s15;
	s22 =	rddreg [dreg:$0x14];
	s19 =	sshrl.u32 s20, $0x3  }
0x197: {  	[hbm:s22], [sflag:s15] =	dma.local [spmem:s19], $0x2800  }
0x198: {  	_ =	swait.ge [sflag:s11], $0x2800  }
0x199: {  	s26 =	rddreg [dreg:$0x13]  }
0x19a: {  	[sflag:s11] =	ssyncset.done $0x0;
	s22 =	rddreg [dreg:$0x15]  }
0x19b: {  	[sflag:s11] =	ssyncadd.s32 $0xFFFFD800;
	s19 =	sshrl.u32 s26, $0x3;
	s26 =	simm.s32 $0x10  }
0x19c: {  	[hbm:s22@s25], [sflag:s15] =	dma.strided [spmem:s19@s26], $0x50, s12, $0x10   }
0x19d: {  	_ =	swait.ge [sflag:s11], $0x50  }
0x19e: {  	s22 =	rddreg [dreg:$0x18]  }
0x19f: {  	s26 =	rddreg [dreg:$0x16];
	s19 =	sadd.s32 $0x1, s22  }
0x1a0: {  	p0 =	sne.s32 s19, s26  }
.Ltmp3:
0x1a1: {  	_ = 	snop;
	(pc) =	sbr.rel @p0 .LBB2_1-.Ltmp3, $3  }
0x1a2: {  	_ =	sdelay $0x1  }
0x1a3: {  	[sflag:s11] =	ssyncset.done $0x0  }
0x1a4: {  	[sflag:s11] =	ssyncadd.s32 $0xFFFFFFB0  }
0x1a5: {  	_ =	sfence.sel $0x180000  }
0x1a6: {  	[bflag:$0x0] =	sbarrier.arrive $0xFFFF  }
0x1a7: {  	_ =	strace $0x90000047  }
0x1a8: {  	s0 =	stileid.u32;
	[bflag:$0x2] =	sbarrier.arrive $0xFFFF  }
0x1a9: {  	p0 =	sne.s32 s0, $0x0;
	s0 =	rddreg [dreg:$0x4]  }
0x1aa: {  	s0 =	sadd.s32 @!p0 $0x100000, s0  }
0x1ab: {  	[sflag:s0] =	ssyncadd.tile.s32 @!p0 $0x1;
	_ =	shalt  }
.Lfunc_end2:
_tile_overlayer_lowered:
.L_overlay_start_2:
0x1ac: {  	(tag) =	ssettag $0x2  }
0x1ad: {  	s0 =	rddreg [dreg:$0x0];
	s2 =	stileid.u32  }
0x1ae: {  	s1 =	rddreg [dreg:$0x1];
	p0 =	sne.s32 s2, $0x0  }
0x1af: {  	s3 =	rddreg [dreg:$0x2];
	[bflag:$0x3] =	sbarrier.arrive $0xFFFF;
	s2 =	simm.s32 @!p0 $0x1C09  }
0x1b0: {  	[timem:s3], [sflag:s2] =	dma.local @!p0 [hbm:s0], s1  }
0x1b1: {  	s0 =	simm.s32 @!p0 $0x9  }
0x1b2: {  	_ =	swait.ge @!p0 [sflag:s0], s1  }
0x1b3: {  	s1 =	ssub.s32 @!p0 $0x0, s1;
	[sflag:s0] =	ssyncset.done @!p0 $0x0  }
0x1b4: {  	[sflag:s0] =	ssyncadd.s32 @!p0 s1  }
0x1b5: {  	[bflag:$0x3] =	sbarrier.arrive $0xFFFF  }
0x1b6: {  	_ =	shalt  }

</sc_bundles>
